<compile_context>
chip_gen: v7x
topology: tpu7x:2x2x1
jax: 0.10.2.dev20260603
libtpu: 0.0.44.dev20260713+nightly
codegen_flags: <defaults>
</compile_context>

<pallas_src>
import functools

import jax
import jax.numpy as jnp
import numpy as np
from jax import lax
from jax.experimental import pallas as pl
from jax.experimental.pallas import tpu as pltpu
from jax.experimental.pallas import tpu_sc as plsc

P = 128
B = 128
H = 256
PB = P * B
ALPHA = 0.5
UNIF_CONST = (1.0 - ALPHA) / P

SPLIT_A = 80
SPLIT_B = P - SPLIT_A
UNROLL = 8

_TINY = np.float32(1.1754943508222875e-38)
_ONE_MINUS_TINY = np.float32(1.0)


def _threefry2x32_zero(cnt):
    k0 = jnp.uint32(0)
    k1 = jnp.uint32(42)
    ks = [k0, k1, k0 ^ k1 ^ jnp.uint32(0x1BD11BDA)]
    rot_groups = ((13, 15, 26, 6), (17, 29, 16, 24))

    x1 = cnt + ks[1]
    x0 = x1
    first = True
    for i in range(5):
        for r in rot_groups[i % 2]:
            if first:
                first = False
            else:
                x0 = x0 + x1
            x1 = (x1 << jnp.uint32(r)) | (x1 >> jnp.uint32(32 - r))
            x1 = x1 ^ x0
        x0 = x0 + ks[(i + 1) % 3]
        x1 = x1 + ks[(i + 2) % 3] + jnp.uint32(i + 1)
    return x0, x1


def _sample_half_rows(prob_pb, s_base, n_rows, idx_ref, pre_store):
    l_pb = jnp.log(ALPHA * jnp.exp(prob_pb) + UNIF_CONST)
    d = prob_pb - l_pb

    j_i = lax.broadcasted_iota(jnp.uint32, (P, B), 0)
    b_i = lax.broadcasted_iota(jnp.uint32, (P, B), 1)
    cnt0 = b_i * jnp.uint32(P) + j_i
    jcol = lax.broadcasted_iota(jnp.int32, (P, B), 0)
    bline = lax.broadcasted_iota(jnp.int32, (1, B), 1)

    def one_row(s_local):
        s = s_local + s_base
        cnt = cnt0 + (s * (B * P)).astype(jnp.uint32)
        o0, o1 = _threefry2x32_zero(cnt)
        bits = o0 ^ o1

        float_bits = (bits >> jnp.uint32(9)) | jnp.uint32(0x3F800000)
        floats = lax.bitcast_convert_type(float_bits, jnp.float32)
        floats = floats - jnp.float32(1.0)
        u = jnp.maximum(_TINY, floats * _ONE_MINUS_TINY + _TINY)
        g = -jnp.log(-jnp.log(u))

        vals = g + l_pb
        m = jnp.max(vals, axis=0, keepdims=True)
        cand = jnp.where(vals == m, jcol, jnp.int32(P))
        idx_row = jnp.min(cand, axis=0, keepdims=True)

        idx_ref[pl.ds(s_local, 1), :] = bline + idx_row * B

        mask = idx_row == jcol
        pre_store(
            s_local,
            jnp.sum(jnp.where(mask, d, jnp.float32(0.0)), axis=0, keepdims=True),
        )

    def step(k, _):
        for r in range(UNROLL):
            one_row(UNROLL * k + r)
        return 0

    lax.fori_loop(0, n_rows // UNROLL, step, 0)


def _sample_a_body(prob_pb_ref, idx_ref, pre_ref):
    prob_pb = prob_pb_ref[...]

    def pre_store(s_local, row):
        pre_ref[pl.ds(s_local, 1), :] = row

    _sample_half_rows(prob_pb, 0, SPLIT_A, idx_ref, pre_store)


def _sample_b_body(prob_pb_ref, idx_ref, pre_ref):
    prob_pb = prob_pb_ref[...]

    def pre_store(s_local, row):
        pre_ref[pl.ds(s_local, 1), :] = row

    _sample_half_rows(prob_pb, SPLIT_A, SPLIT_B, idx_ref, pre_store)


def _norm_body(pre_a_ref, pre_b_ref, out_ref):
    pre = jnp.concatenate([pre_a_ref[...], pre_b_ref[...]], axis=0)
    m2 = jnp.max(pre, axis=0, keepdims=True)
    lse = m2 + jnp.log(jnp.sum(jnp.exp(pre - m2), axis=0, keepdims=True))
    out_ref[...] = pre - lse


_sample_call_a = pl.pallas_call(
    _sample_a_body,
    out_shape=[
        jax.ShapeDtypeStruct((SPLIT_A, B), jnp.int32),
        jax.ShapeDtypeStruct((SPLIT_A, B), jnp.float32),
    ],
)

_sample_call_b = pl.pallas_call(
    _sample_b_body,
    out_shape=[
        jax.ShapeDtypeStruct((SPLIT_B, B), jnp.int32),
        jax.ShapeDtypeStruct((SPLIT_B, B), jnp.float32),
    ],
)

_norm_call = pl.pallas_call(
    _norm_body,
    out_shape=jax.ShapeDtypeStruct((P, B), jnp.float32),
)

NC = 2
NS = 16
NW = NC * NS
CH = 64


@functools.lru_cache(maxsize=None)
def _make_gather(n_sample_rows, out_base):
    mesh = plsc.VectorSubcoreMesh(
        core_axis_name="c", subcore_axis_name="s", num_cores=NC, num_subcores=NS
    )
    rows_w = n_sample_rows * B // NW
    assert n_sample_rows * B % NW == 0 and rows_w % CH == 0, n_sample_rows
    nchunk = rows_w // CH

    @functools.partial(
        pl.kernel,
        mesh=mesh,
        out_type=(),
        scratch_types=[
            pltpu.VMEM((nchunk, CH), jnp.int32),
            pltpu.VMEM((nchunk, CH, H), jnp.float32),
            [pltpu.SemaphoreType.DMA] * nchunk,
            [pltpu.SemaphoreType.DMA] * nchunk,
        ],
    )
    def gather_part(idx_hbm, parts_hbm, out_hbm, idx_v, buf_v, gsems, wsems):
        wid = lax.axis_index("s") * NC + lax.axis_index("c")
        for c in range(nchunk):
            pltpu.sync_copy(
                idx_hbm.at[pl.ds(wid * rows_w + c * CH, CH)], idx_v.at[c]
            )
        gathers = [None] * nchunk
        scatters = [None] * nchunk

        def fire(c):
            gathers[c] = pltpu.async_copy(
                parts_hbm.at[idx_v.at[c]], buf_v.at[c], gsems[c]
            )

        fire(0)
        if nchunk > 1:
            fire(1)
        for c in range(nchunk):
            gathers[c].wait()
            if c >= 2:
                scatters[c - 2].wait()
            scatters[c] = pltpu.async_copy(
                buf_v.at[c],
                out_hbm.at[pl.ds(out_base + wid * rows_w + c * CH, CH)],
                wsems[c],
            )
            if c + 2 < nchunk:
                fire(c + 2)
        if nchunk > 1:
            scatters[nchunk - 2].wait()
        scatters[nchunk - 1].wait()

    return gather_part


def kernel(particles, prob):
    prob_pb = prob.reshape(P, B)
    idx_a, pre_a = _sample_call_a(prob_pb)
    out_ref = jax.new_ref(lax.empty((PB, H), jnp.float32))
    _make_gather(SPLIT_A, 0)(idx_a.reshape(-1), particles, out_ref)
    idx_b, pre_b = _sample_call_b(prob_pb)
    _make_gather(SPLIT_B, SPLIT_A * B)(idx_b.reshape(-1), particles, out_ref)
    prob_new = _norm_call(pre_a, pre_b)
    particles_new = jax.freeze(out_ref)
    return particles_new, prob_new.reshape(P, B, 1)

# --- scband reference (transcript-rebuilt; emitter-appended) ---
"""Pipeline reference for scband-pfrnnbase-cell-14199161880707 (READ-ONLY COPY).

The authoritative reference and input builder live on the scoring server;
editing this copy changes nothing except your own understanding.
"""

import jax, jax.numpy as jnp
import numpy as np

NUM_PARTICLES = 128
RESAMP_ALPHA = 0.5


def setup_inputs(seed: int = 0) -> dict:
    key = jax.random.key(seed)
    k1, k2 = jax.random.split(key)
    P, B, H = 128, 128, 256
    particles = jax.random.normal(k1, (P * B, H), dtype=jnp.float32)
    prob = jax.random.normal(k2, (P * B, 1), dtype=jnp.float32) * 0.1
    # normalize log-weights over the particle dimension so logsumexp_p prob = 0
    prob = prob.reshape(P, B, 1)
    prob = prob - jax.nn.logsumexp(prob, axis=0, keepdims=True)
    prob = prob.reshape(P * B, 1)
    return {"particles": particles, "prob": prob}


def reference(particles, prob):
    # Faithful translation of PFRNNBaseCell.resampling (soft-resampling)
    P = NUM_PARTICLES
    alpha = RESAMP_ALPHA
    resamp_prob = alpha * jnp.exp(prob) + (1.0 - alpha) / P  # [P*B, 1]
    resamp_prob = resamp_prob.reshape(P, -1)  # [P, B]
    B = resamp_prob.shape[1]
    # torch.multinomial over [B, P] rows with replacement -> categorical sampling
    logits = jnp.log(jax.lax.stop_gradient(resamp_prob).T)  # [B, P]
    skey = jax.random.key(42)
    indices = jax.random.categorical(skey, logits, shape=(P, B))  # [P, B] (already transposed layout)
    offset = jnp.arange(B, dtype=indices.dtype)[None, :]  # [1, B]
    indices = offset + indices * B  # flatten into [P*B] index space
    flat_idx = indices.reshape(-1)
    particles_new = jnp.take(particles, flat_idx, axis=0)  # gather [P*B, H]
    prob_new = jnp.exp(jnp.take(prob.reshape(-1, 1), flat_idx, axis=0))  # [P*B, 1]
    prob_new = prob_new / (alpha * prob_new + (1.0 - alpha) / P)
    prob_new = jnp.log(prob_new).reshape(P, -1, 1)
    prob_new = prob_new - jax.nn.logsumexp(prob_new, axis=0, keepdims=True)
    return (particles_new, prob_new)

if __name__ == "__main__":
    import jax
    _d = setup_inputs()
    print(jax.jit(kernel)(*tuple(_d.values())))

</pallas_src>

<mosaic_0001>
#map = affine_map<(d0, d1) -> (0)>
#map1 = affine_map<(d0, d1) -> (0, 0)>
module attributes {stable_mosaic.version = 14 : i64} {
  func.func @new_body(%arg0: i32, %arg1: i32, %arg2: memref<6144xi32, #tpu.memory_space<hbm>>, %arg3: memref<16384x256xf32, #tpu.memory_space<hbm>>, %arg4: memref<16384x256xf32, #tpu.memory_space<hbm>>, %arg5: memref<16384x256xf32, #tpu.memory_space<hbm>>, %arg6: memref<3x64xi32, #tpu.memory_space<vmem>>, %arg7: memref<3x64x256xf32, #tpu.memory_space<vmem>>, %arg8: memref<!tpu.dma_semaphore, #tpu.memory_space<semaphore_mem>>, %arg9: memref<!tpu.dma_semaphore, #tpu.memory_space<semaphore_mem>>, %arg10: memref<!tpu.dma_semaphore, #tpu.memory_space<semaphore_mem>>, %arg11: memref<!tpu.dma_semaphore, #tpu.memory_space<semaphore_mem>>, %arg12: memref<!tpu.dma_semaphore, #tpu.memory_space<semaphore_mem>>, %arg13: memref<!tpu.dma_semaphore, #tpu.memory_space<semaphore_mem>>) attributes {dimension_semantics = [#tpu.dimension_semantics<core_parallel>, #tpu.dimension_semantics<subcore_parallel>], iteration_bounds = array<i64: 2, 16>, scalar_prefetch = 0 : i64, scratch_operands = 8 : i64, tpu.core_type = #tpu.core_type<sc_vector_subcore>, window_params = [{transform_indices = #map}, {transform_indices = #map1}, {transform_indices = #map1}, {transform_indices = #map1}]} {
    %mul3A = arith.constant 2 : i32
    %mul3A_0 = arith.muli %arg1, %mul3A : i32
    %add3A = arith.addi %mul3A_0, %arg0 : i32
    %mul3A_1 = arith.constant 192 : i32
    %mul3A_2 = arith.muli %add3A, %mul3A_1 : i32
    %add3A_3 = arith.constant 0 : i32
    %add3A_4 = arith.addi %mul3A_2, %add3A_3 : i32
    %run_scoped3A = arith.constant 0 : i32
    "tpu.region"() ({
      %run_scoped3A_181 = tpu.sem_alloc : memref<!tpu.dma_semaphore, #tpu.memory_space<semaphore_mem>>
      %dma_start3A_182 = arith.constant 0 : i32
      %dma_start3A_183 = tpu.memref_slice %arg6[%run_scoped3A, %dma_start3A_182] : memref<3x64xi32, #tpu.memory_space<vmem>> -> memref<1x64xi32, #tpu.memory_space<vmem>>
      %dma_start3A_184 = tpu.memref_squeeze %dma_start3A_183 : memref<1x64xi32, #tpu.memory_space<vmem>> -> memref<64xi32, #tpu.memory_space<vmem>>
      %dma_start3A_185 = tpu.memref_slice %arg2[%add3A_4] : memref<6144xi32, #tpu.memory_space<hbm>> -> memref<64xi32, #tpu.memory_space<hbm>>
      %dma_start3A_186 = arith.constant 0 : i32
      %dma_start3A_187 = tpu.memref_slice %arg6[%run_scoped3A, %dma_start3A_186] : memref<3x64xi32, #tpu.memory_space<vmem>> -> memref<1x64xi32, #tpu.memory_space<vmem>>
      %dma_start3A_188 = tpu.memref_squeeze %dma_start3A_187 : memref<1x64xi32, #tpu.memory_space<vmem>> -> memref<64xi32, #tpu.memory_space<vmem>>
      %dma_start3A_189 = tpu.memref_slice %arg2[%add3A_4] : memref<6144xi32, #tpu.memory_space<hbm>> -> memref<64xi32, #tpu.memory_space<hbm>>
      tpu.enqueue_dma source(%dma_start3A_189 : memref<64xi32, #tpu.memory_space<hbm>>) target(%dma_start3A_188 : memref<64xi32, #tpu.memory_space<vmem>>) target_semaphore(%run_scoped3A_181 : memref<!tpu.dma_semaphore, #tpu.memory_space<semaphore_mem>>)
      %dma_wait3A_190 = arith.constant 0 : i32
      %dma_wait3A_191 = tpu.memref_slice %arg6[%run_scoped3A, %dma_wait3A_190] : memref<3x64xi32, #tpu.memory_space<vmem>> -> memref<1x64xi32, #tpu.memory_space<vmem>>
      %dma_wait3A_192 = tpu.memref_squeeze %dma_wait3A_191 : memref<1x64xi32, #tpu.memory_space<vmem>> -> memref<64xi32, #tpu.memory_space<vmem>>
      %dma_wait3A_193 = tpu.memref_slice %arg2[%add3A_4] : memref<6144xi32, #tpu.memory_space<hbm>> -> memref<64xi32, #tpu.memory_space<hbm>>
      %dma_wait3A_194 = arith.constant 0 : i32
      %dma_wait3A_195 = tpu.memref_slice %arg6[%run_scoped3A, %dma_wait3A_194] : memref<3x64xi32, #tpu.memory_space<vmem>> -> memref<1x64xi32, #tpu.memory_space<vmem>>
      %dma_wait3A_196 = tpu.memref_squeeze %dma_wait3A_195 : memref<1x64xi32, #tpu.memory_space<vmem>> -> memref<64xi32, #tpu.memory_space<vmem>>
      %dma_wait3A_197 = tpu.memref_slice %arg2[%add3A_4] : memref<6144xi32, #tpu.memory_space<hbm>> -> memref<64xi32, #tpu.memory_space<hbm>>
      tpu.wait_dma2 semaphore(%run_scoped3A_181 : memref<!tpu.dma_semaphore, #tpu.memory_space<semaphore_mem>>) src(%dma_wait3A_197 : memref<64xi32, #tpu.memory_space<hbm>>) dst(%dma_wait3A_196 : memref<64xi32, #tpu.memory_space<vmem>>)
      tpu.yield
    }) : () -> ()
    %mul3A_5 = arith.constant 192 : i32
    %mul3A_6 = arith.muli %add3A, %mul3A_5 : i32
    %add3A_7 = arith.constant 64 : i32
    %add3A_8 = arith.addi %mul3A_6, %add3A_7 : i32
    %run_scoped3A_9 = arith.constant 1 : i32
    "tpu.region"() ({
      %run_scoped3A_181 = tpu.sem_alloc : memref<!tpu.dma_semaphore, #tpu.memory_space<semaphore_mem>>
      %dma_start3A_182 = arith.constant 0 : i32
      %dma_start3A_183 = tpu.memref_slice %arg6[%run_scoped3A_9, %dma_start3A_182] : memref<3x64xi32, #tpu.memory_space<vmem>> -> memref<1x64xi32, #tpu.memory_space<vmem>>
      %dma_start3A_184 = tpu.memref_squeeze %dma_start3A_183 : memref<1x64xi32, #tpu.memory_space<vmem>> -> memref<64xi32, #tpu.memory_space<vmem>>
      %dma_start3A_185 = tpu.memref_slice %arg2[%add3A_8] : memref<6144xi32, #tpu.memory_space<hbm>> -> memref<64xi32, #tpu.memory_space<hbm>>
      %dma_start3A_186 = arith.constant 0 : i32
      %dma_start3A_187 = tpu.memref_slice %arg6[%run_scoped3A_9, %dma_start3A_186] : memref<3x64xi32, #tpu.memory_space<vmem>> -> memref<1x64xi32, #tpu.memory_space<vmem>>
      %dma_start3A_188 = tpu.memref_squeeze %dma_start3A_187 : memref<1x64xi32, #tpu.memory_space<vmem>> -> memref<64xi32, #tpu.memory_space<vmem>>
      %dma_start3A_189 = tpu.memref_slice %arg2[%add3A_8] : memref<6144xi32, #tpu.memory_space<hbm>> -> memref<64xi32, #tpu.memory_space<hbm>>
      tpu.enqueue_dma source(%dma_start3A_189 : memref<64xi32, #tpu.memory_space<hbm>>) target(%dma_start3A_188 : memref<64xi32, #tpu.memory_space<vmem>>) target_semaphore(%run_scoped3A_181 : memref<!tpu.dma_semaphore, #tpu.memory_space<semaphore_mem>>)
      %dma_wait3A_190 = arith.constant 0 : i32
      %dma_wait3A_191 = tpu.memref_slice %arg6[%run_scoped3A_9, %dma_wait3A_190] : memref<3x64xi32, #tpu.memory_space<vmem>> -> memref<1x64xi32, #tpu.memory_space<vmem>>
      %dma_wait3A_192 = tpu.memref_squeeze %dma_wait3A_191 : memref<1x64xi32, #tpu.memory_space<vmem>> -> memref<64xi32, #tpu.memory_space<vmem>>
      %dma_wait3A_193 = tpu.memref_slice %arg2[%add3A_8] : memref<6144xi32, #tpu.memory_space<hbm>> -> memref<64xi32, #tpu.memory_space<hbm>>
      %dma_wait3A_194 = arith.constant 0 : i32
      %dma_wait3A_195 = tpu.memref_slice %arg6[%run_scoped3A_9, %dma_wait3A_194] : memref<3x64xi32, #tpu.memory_space<vmem>> -> memref<1x64xi32, #tpu.memory_space<vmem>>
      %dma_wait3A_196 = tpu.memref_squeeze %dma_wait3A_195 : memref<1x64xi32, #tpu.memory_space<vmem>> -> memref<64xi32, #tpu.memory_space<vmem>>
      %dma_wait3A_197 = tpu.memref_slice %arg2[%add3A_8] : memref<6144xi32, #tpu.memory_space<hbm>> -> memref<64xi32, #tpu.memory_space<hbm>>
      tpu.wait_dma2 semaphore(%run_scoped3A_181 : memref<!tpu.dma_semaphore, #tpu.memory_space<semaphore_mem>>) src(%dma_wait3A_197 : memref<64xi32, #tpu.memory_space<hbm>>) dst(%dma_wait3A_196 : memref<64xi32, #tpu.memory_space<vmem>>)
      tpu.yield
    }) : () -> ()
    %mul3A_10 = arith.constant 192 : i32
    %mul3A_11 = arith.muli %add3A, %mul3A_10 : i32
    %add3A_12 = arith.constant 128 : i32
    %add3A_13 = arith.addi %mul3A_11, %add3A_12 : i32
    %run_scoped3A_14 = arith.constant 2 : i32
    "tpu.region"() ({
      %run_scoped3A_181 = tpu.sem_alloc : memref<!tpu.dma_semaphore, #tpu.memory_space<semaphore_mem>>
      %dma_start3A_182 = arith.constant 0 : i32
      %dma_start3A_183 = tpu.memref_slice %arg6[%run_scoped3A_14, %dma_start3A_182] : memref<3x64xi32, #tpu.memory_space<vmem>> -> memref<1x64xi32, #tpu.memory_space<vmem>>
      %dma_start3A_184 = tpu.memref_squeeze %dma_start3A_183 : memref<1x64xi32, #tpu.memory_space<vmem>> -> memref<64xi32, #tpu.memory_space<vmem>>
      %dma_start3A_185 = tpu.memref_slice %arg2[%add3A_13] : memref<6144xi32, #tpu.memory_space<hbm>> -> memref<64xi32, #tpu.memory_space<hbm>>
      %dma_start3A_186 = arith.constant 0 : i32
      %dma_start3A_187 = tpu.memref_slice %arg6[%run_scoped3A_14, %dma_start3A_186] : memref<3x64xi32, #tpu.memory_space<vmem>> -> memref<1x64xi32, #tpu.memory_space<vmem>>
      %dma_start3A_188 = tpu.memref_squeeze %dma_start3A_187 : memref<1x64xi32, #tpu.memory_space<vmem>> -> memref<64xi32, #tpu.memory_space<vmem>>
      %dma_start3A_189 = tpu.memref_slice %arg2[%add3A_13] : memref<6144xi32, #tpu.memory_space<hbm>> -> memref<64xi32, #tpu.memory_space<hbm>>
      tpu.enqueue_dma source(%dma_start3A_189 : memref<64xi32, #tpu.memory_space<hbm>>) target(%dma_start3A_188 : memref<64xi32, #tpu.memory_space<vmem>>) target_semaphore(%run_scoped3A_181 : memref<!tpu.dma_semaphore, #tpu.memory_space<semaphore_mem>>)
      %dma_wait3A_190 = arith.constant 0 : i32
      %dma_wait3A_191 = tpu.memref_slice %arg6[%run_scoped3A_14, %dma_wait3A_190] : memref<3x64xi32, #tpu.memory_space<vmem>> -> memref<1x64xi32, #tpu.memory_space<vmem>>
      %dma_wait3A_192 = tpu.memref_squeeze %dma_wait3A_191 : memref<1x64xi32, #tpu.memory_space<vmem>> -> memref<64xi32, #tpu.memory_space<vmem>>
      %dma_wait3A_193 = tpu.memref_slice %arg2[%add3A_13] : memref<6144xi32, #tpu.memory_space<hbm>> -> memref<64xi32, #tpu.memory_space<hbm>>
      %dma_wait3A_194 = arith.constant 0 : i32
      %dma_wait3A_195 = tpu.memref_slice %arg6[%run_scoped3A_14, %dma_wait3A_194] : memref<3x64xi32, #tpu.memory_space<vmem>> -> memref<1x64xi32, #tpu.memory_space<vmem>>
      %dma_wait3A_196 = tpu.memref_squeeze %dma_wait3A_195 : memref<1x64xi32, #tpu.memory_space<vmem>> -> memref<64xi32, #tpu.memory_space<vmem>>
      %dma_wait3A_197 = tpu.memref_slice %arg2[%add3A_13] : memref<6144xi32, #tpu.memory_space<hbm>> -> memref<64xi32, #tpu.memory_space<hbm>>
      tpu.wait_dma2 semaphore(%run_scoped3A_181 : memref<!tpu.dma_semaphore, #tpu.memory_space<semaphore_mem>>) src(%dma_wait3A_197 : memref<64xi32, #tpu.memory_space<hbm>>) dst(%dma_wait3A_196 : memref<64xi32, #tpu.memory_space<vmem>>)
      tpu.yield
    }) : () -> ()
    %dma_start3A = arith.constant 0 : i32
    %dma_start3A_15 = arith.constant 0 : i32
    %dma_start3A_16 = arith.constant 0 : i32
    %dma_start3A_17 = arith.constant 0 : i32
    %dma_start3A_18 = tpu.memref_slice %arg7[%dma_start3A_15, %dma_start3A_16, %dma_start3A_17] : memref<3x64x256xf32, #tpu.memory_space<vmem>> -> memref<1x64x256xf32, #tpu.memory_space<vmem>>
    %dma_start3A_19 = tpu.memref_squeeze %dma_start3A_18 : memref<1x64x256xf32, #tpu.memory_space<vmem>> -> memref<64x256xf32, #tpu.memory_space<vmem>>
    %dma_start3A_20 = arith.constant 0 : i32
    %dma_start3A_21 = tpu.memref_slice %arg6[%dma_start3A, %dma_start3A_20] : memref<3x64xi32, #tpu.memory_space<vmem>> -> memref<1x64xi32, #tpu.memory_space<vmem>>
    %dma_start3A_22 = tpu.memref_squeeze %dma_start3A_21 : memref<1x64xi32, #tpu.memory_space<vmem>> -> memref<64xi32, #tpu.memory_space<vmem>>
    %dma_start3A_23 = arith.constant 0 : i32
    %dma_start3A_24 = arith.constant 0 : i32
    %dma_start3A_25 = tpu.memref_slice %arg3[%dma_start3A_23, %dma_start3A_24] : memref<16384x256xf32, #tpu.memory_space<hbm>> -> memref<16384x256xf32, #tpu.memory_space<hbm>>
    tpu.enqueue_indirect_dma source(%dma_start3A_25 : memref<16384x256xf32, #tpu.memory_space<hbm>>) target(%dma_start3A_19 : memref<64x256xf32, #tpu.memory_space<vmem>>) offsets(%dma_start3A_22 : memref<64xi32, #tpu.memory_space<vmem>>) semaphore(%arg8 : memref<!tpu.dma_semaphore, #tpu.memory_space<semaphore_mem>>)
    %dma_start3A_26 = arith.constant 1 : i32
    %dma_start3A_27 = arith.constant 1 : i32
    %dma_start3A_28 = arith.constant 0 : i32
    %dma_start3A_29 = arith.constant 0 : i32
    %dma_start3A_30 = tpu.memref_slice %arg7[%dma_start3A_27, %dma_start3A_28, %dma_start3A_29] : memref<3x64x256xf32, #tpu.memory_space<vmem>> -> memref<1x64x256xf32, #tpu.memory_space<vmem>>
    %dma_start3A_31 = tpu.memref_squeeze %dma_start3A_30 : memref<1x64x256xf32, #tpu.memory_space<vmem>> -> memref<64x256xf32, #tpu.memory_space<vmem>>
    %dma_start3A_32 = arith.constant 0 : i32
    %dma_start3A_33 = tpu.memref_slice %arg6[%dma_start3A_26, %dma_start3A_32] : memref<3x64xi32, #tpu.memory_space<vmem>> -> memref<1x64xi32, #tpu.memory_space<vmem>>
    %dma_start3A_34 = tpu.memref_squeeze %dma_start3A_33 : memref<1x64xi32, #tpu.memory_space<vmem>> -> memref<64xi32, #tpu.memory_space<vmem>>
    %dma_start3A_35 = arith.constant 0 : i32
    %dma_start3A_36 = arith.constant 0 : i32
    %dma_start3A_37 = tpu.memref_slice %arg3[%dma_start3A_35, %dma_start3A_36] : memref<16384x256xf32, #tpu.memory_space<hbm>> -> memref<16384x256xf32, #tpu.memory_space<hbm>>
    tpu.enqueue_indirect_dma source(%dma_start3A_37 : memref<16384x256xf32, #tpu.memory_space<hbm>>) target(%dma_start3A_31 : memref<64x256xf32, #tpu.memory_space<vmem>>) offsets(%dma_start3A_34 : memref<64xi32, #tpu.memory_space<vmem>>) semaphore(%arg9 : memref<!tpu.dma_semaphore, #tpu.memory_space<semaphore_mem>>)
    %dma_wait3A = arith.constant 0 : i32
    %dma_wait3A_38 = arith.constant 0 : i32
    %dma_wait3A_39 = arith.constant 0 : i32
    %dma_wait3A_40 = arith.constant 0 : i32
    %dma_wait3A_41 = tpu.memref_slice %arg7[%dma_wait3A_38, %dma_wait3A_39, %dma_wait3A_40] : memref<3x64x256xf32, #tpu.memory_space<vmem>> -> memref<1x64x256xf32, #tpu.memory_space<vmem>>
    %dma_wait3A_42 = tpu.memref_squeeze %dma_wait3A_41 : memref<1x64x256xf32, #tpu.memory_space<vmem>> -> memref<64x256xf32, #tpu.memory_space<vmem>>
    %dma_wait3A_43 = arith.constant 0 : i32
    %dma_wait3A_44 = tpu.memref_slice %arg6[%dma_wait3A, %dma_wait3A_43] : memref<3x64xi32, #tpu.memory_space<vmem>> -> memref<1x64xi32, #tpu.memory_space<vmem>>
    %dma_wait3A_45 = tpu.memref_squeeze %dma_wait3A_44 : memref<1x64xi32, #tpu.memory_space<vmem>> -> memref<64xi32, #tpu.memory_space<vmem>>
    %dma_wait3A_46 = arith.constant 0 : i32
    %dma_wait3A_47 = arith.constant 0 : i32
    %dma_wait3A_48 = tpu.memref_slice %arg3[%dma_wait3A_46, %dma_wait3A_47] : memref<16384x256xf32, #tpu.memory_space<hbm>> -> memref<16384x256xf32, #tpu.memory_space<hbm>>
    tpu.wait_indirect_dma semaphore(%arg8 : memref<!tpu.dma_semaphore, #tpu.memory_space<semaphore_mem>>) src(%dma_wait3A_48 : memref<16384x256xf32, #tpu.memory_space<hbm>>) dst(%dma_wait3A_42 : memref<64x256xf32, #tpu.memory_space<vmem>>)
    %mul3A_49 = arith.constant 192 : i32
    %mul3A_50 = arith.muli %add3A, %mul3A_49 : i32
    %add3A_51 = arith.constant 10240 : i32
    %add3A_52 = arith.addi %add3A_51, %mul3A_50 : i32
    %add3A_53 = arith.constant 0 : i32
    %add3A_54 = arith.addi %add3A_52, %add3A_53 : i32
    %dma_start3A_55 = arith.constant 0 : i32
    %dma_start3A_56 = arith.constant 0 : i32
    %dma_start3A_57 = arith.constant 0 : i32
    %dma_start3A_58 = tpu.memref_slice %arg7[%dma_start3A_55, %dma_start3A_56, %dma_start3A_57] : memref<3x64x256xf32, #tpu.memory_space<vmem>> -> memref<1x64x256xf32, #tpu.memory_space<vmem>>
    %dma_start3A_59 = tpu.memref_squeeze %dma_start3A_58 : memref<1x64x256xf32, #tpu.memory_space<vmem>> -> memref<64x256xf32, #tpu.memory_space<vmem>>
    %dma_start3A_60 = arith.constant 0 : i32
    %dma_start3A_61 = tpu.memref_slice %arg4[%add3A_54, %dma_start3A_60] : memref<16384x256xf32, #tpu.memory_space<hbm>> -> memref<64x256xf32, #tpu.memory_space<hbm>>
    %dma_start3A_62 = arith.constant 0 : i32
    %dma_start3A_63 = tpu.memref_slice %arg4[%add3A_54, %dma_start3A_62] : memref<16384x256xf32, #tpu.memory_space<hbm>> -> memref<64x256xf32, #tpu.memory_space<hbm>>
    %dma_start3A_64 = arith.constant 0 : i32
    %dma_start3A_65 = arith.constant 0 : i32
    %dma_start3A_66 = tpu.memref_slice %arg7[%dma_start3A_55, %dma_start3A_64, %dma_start3A_65] : memref<3x64x256xf32, #tpu.memory_space<vmem>> -> memref<1x64x256xf32, #tpu.memory_space<vmem>>
    %dma_start3A_67 = tpu.memref_squeeze %dma_start3A_66 : memref<1x64x256xf32, #tpu.memory_space<vmem>> -> memref<64x256xf32, #tpu.memory_space<vmem>>
    tpu.enqueue_dma source(%dma_start3A_67 : memref<64x256xf32, #tpu.memory_space<vmem>>) target(%dma_start3A_63 : memref<64x256xf32, #tpu.memory_space<hbm>>) target_semaphore(%arg11 : memref<!tpu.dma_semaphore, #tpu.memory_space<semaphore_mem>>)
    %dma_start3A_68 = arith.constant 2 : i32
    %dma_start3A_69 = arith.constant 2 : i32
    %dma_start3A_70 = arith.constant 0 : i32
    %dma_start3A_71 = arith.constant 0 : i32
    %dma_start3A_72 = tpu.memref_slice %arg7[%dma_start3A_69, %dma_start3A_70, %dma_start3A_71] : memref<3x64x256xf32, #tpu.memory_space<vmem>> -> memref<1x64x256xf32, #tpu.memory_space<vmem>>
    %dma_start3A_73 = tpu.memref_squeeze %dma_start3A_72 : memref<1x64x256xf32, #tpu.memory_space<vmem>> -> memref<64x256xf32, #tpu.memory_space<vmem>>
    %dma_start3A_74 = arith.constant 0 : i32
    %dma_start3A_75 = tpu.memref_slice %arg6[%dma_start3A_68, %dma_start3A_74] : memref<3x64xi32, #tpu.memory_space<vmem>> -> memref<1x64xi32, #tpu.memory_space<vmem>>
    %dma_start3A_76 = tpu.memref_squeeze %dma_start3A_75 : memref<1x64xi32, #tpu.memory_space<vmem>> -> memref<64xi32, #tpu.memory_space<vmem>>
    %dma_start3A_77 = arith.constant 0 : i32
    %dma_start3A_78 = arith.constant 0 : i32
    %dma_start3A_79 = tpu.memref_slice %arg3[%dma_start3A_77, %dma_start3A_78] : memref<16384x256xf32, #tpu.memory_space<hbm>> -> memref<16384x256xf32, #tpu.memory_space<hbm>>
    tpu.enqueue_indirect_dma source(%dma_start3A_79 : memref<16384x256xf32, #tpu.memory_space<hbm>>) target(%dma_start3A_73 : memref<64x256xf32, #tpu.memory_space<vmem>>) offsets(%dma_start3A_76 : memref<64xi32, #tpu.memory_space<vmem>>) semaphore(%arg10 : memref<!tpu.dma_semaphore, #tpu.memory_space<semaphore_mem>>)
    %dma_wait3A_80 = arith.constant 1 : i32
    %dma_wait3A_81 = arith.constant 1 : i32
    %dma_wait3A_82 = arith.constant 0 : i32
    %dma_wait3A_83 = arith.constant 0 : i32
    %dma_wait3A_84 = tpu.memref_slice %arg7[%dma_wait3A_81, %dma_wait3A_82, %dma_wait3A_83] : memref<3x64x256xf32, #tpu.memory_space<vmem>> -> memref<1x64x256xf32, #tpu.memory_space<vmem>>
    %dma_wait3A_85 = tpu.memref_squeeze %dma_wait3A_84 : memref<1x64x256xf32, #tpu.memory_space<vmem>> -> memref<64x256xf32, #tpu.memory_space<vmem>>
    %dma_wait3A_86 = arith.constant 0 : i32
    %dma_wait3A_87 = tpu.memref_slice %arg6[%dma_wait3A_80, %dma_wait3A_86] : memref<3x64xi32, #tpu.memory_space<vmem>> -> memref<1x64xi32, #tpu.memory_space<vmem>>
    %dma_wait3A_88 = tpu.memref_squeeze %dma_wait3A_87 : memref<1x64xi32, #tpu.memory_space<vmem>> -> memref<64xi32, #tpu.memory_space<vmem>>
    %dma_wait3A_89 = arith.constant 0 : i32
    %dma_wait3A_90 = arith.constant 0 : i32
    %dma_wait3A_91 = tpu.memref_slice %arg3[%dma_wait3A_89, %dma_wait3A_90] : memref<16384x256xf32, #tpu.memory_space<hbm>> -> memref<16384x256xf32, #tpu.memory_space<hbm>>
    tpu.wait_indirect_dma semaphore(%arg9 : memref<!tpu.dma_semaphore, #tpu.memory_space<semaphore_mem>>) src(%dma_wait3A_91 : memref<16384x256xf32, #tpu.memory_space<hbm>>) dst(%dma_wait3A_85 : memref<64x256xf32, #tpu.memory_space<vmem>>)
    %mul3A_92 = arith.constant 192 : i32
    %mul3A_93 = arith.muli %add3A, %mul3A_92 : i32
    %add3A_94 = arith.constant 10240 : i32
    %add3A_95 = arith.addi %add3A_94, %mul3A_93 : i32
    %add3A_96 = arith.constant 64 : i32
    %add3A_97 = arith.addi %add3A_95, %add3A_96 : i32
    %dma_start3A_98 = arith.constant 1 : i32
    %dma_start3A_99 = arith.constant 0 : i32
    %dma_start3A_100 = arith.constant 0 : i32
    %dma_start3A_101 = tpu.memref_slice %arg7[%dma_start3A_98, %dma_start3A_99, %dma_start3A_100] : memref<3x64x256xf32, #tpu.memory_space<vmem>> -> memref<1x64x256xf32, #tpu.memory_space<vmem>>
    %dma_start3A_102 = tpu.memref_squeeze %dma_start3A_101 : memref<1x64x256xf32, #tpu.memory_space<vmem>> -> memref<64x256xf32, #tpu.memory_space<vmem>>
    %dma_start3A_103 = arith.constant 0 : i32
    %dma_start3A_104 = tpu.memref_slice %arg4[%add3A_97, %dma_start3A_103] : memref<16384x256xf32, #tpu.memory_space<hbm>> -> memref<64x256xf32, #tpu.memory_space<hbm>>
    %dma_start3A_105 = arith.constant 0 : i32
    %dma_start3A_106 = tpu.memref_slice %arg4[%add3A_97, %dma_start3A_105] : memref<16384x256xf32, #tpu.memory_space<hbm>> -> memref<64x256xf32, #tpu.memory_space<hbm>>
    %dma_start3A_107 = arith.constant 0 : i32
    %dma_start3A_108 = arith.constant 0 : i32
    %dma_start3A_109 = tpu.memref_slice %arg7[%dma_start3A_98, %dma_start3A_107, %dma_start3A_108] : memref<3x64x256xf32, #tpu.memory_space<vmem>> -> memref<1x64x256xf32, #tpu.memory_space<vmem>>
    %dma_start3A_110 = tpu.memref_squeeze %dma_start3A_109 : memref<1x64x256xf32, #tpu.memory_space<vmem>> -> memref<64x256xf32, #tpu.memory_space<vmem>>
    tpu.enqueue_dma source(%dma_start3A_110 : memref<64x256xf32, #tpu.memory_space<vmem>>) target(%dma_start3A_106 : memref<64x256xf32, #tpu.memory_space<hbm>>) target_semaphore(%arg12 : memref<!tpu.dma_semaphore, #tpu.memory_space<semaphore_mem>>)
    %dma_wait3A_111 = arith.constant 2 : i32
    %dma_wait3A_112 = arith.constant 2 : i32
    %dma_wait3A_113 = arith.constant 0 : i32
    %dma_wait3A_114 = arith.constant 0 : i32
    %dma_wait3A_115 = tpu.memref_slice %arg7[%dma_wait3A_112, %dma_wait3A_113, %dma_wait3A_114] : memref<3x64x256xf32, #tpu.memory_space<vmem>> -> memref<1x64x256xf32, #tpu.memory_space<vmem>>
    %dma_wait3A_116 = tpu.memref_squeeze %dma_wait3A_115 : memref<1x64x256xf32, #tpu.memory_space<vmem>> -> memref<64x256xf32, #tpu.memory_space<vmem>>
    %dma_wait3A_117 = arith.constant 0 : i32
    %dma_wait3A_118 = tpu.memref_slice %arg6[%dma_wait3A_111, %dma_wait3A_117] : memref<3x64xi32, #tpu.memory_space<vmem>> -> memref<1x64xi32, #tpu.memory_space<vmem>>
    %dma_wait3A_119 = tpu.memref_squeeze %dma_wait3A_118 : memref<1x64xi32, #tpu.memory_space<vmem>> -> memref<64xi32, #tpu.memory_space<vmem>>
    %dma_wait3A_120 = arith.constant 0 : i32
    %dma_wait3A_121 = arith.constant 0 : i32
    %dma_wait3A_122 = tpu.memref_slice %arg3[%dma_wait3A_120, %dma_wait3A_121] : memref<16384x256xf32, #tpu.memory_space<hbm>> -> memref<16384x256xf32, #tpu.memory_space<hbm>>
    tpu.wait_indirect_dma semaphore(%arg10 : memref<!tpu.dma_semaphore, #tpu.memory_space<semaphore_mem>>) src(%dma_wait3A_122 : memref<16384x256xf32, #tpu.memory_space<hbm>>) dst(%dma_wait3A_116 : memref<64x256xf32, #tpu.memory_space<vmem>>)
    %dma_wait3A_123 = arith.constant 0 : i32
    %dma_wait3A_124 = arith.constant 0 : i32
    %dma_wait3A_125 = arith.constant 0 : i32
    %dma_wait3A_126 = tpu.memref_slice %arg7[%dma_wait3A_123, %dma_wait3A_124, %dma_wait3A_125] : memref<3x64x256xf32, #tpu.memory_space<vmem>> -> memref<1x64x256xf32, #tpu.memory_space<vmem>>
    %dma_wait3A_127 = tpu.memref_squeeze %dma_wait3A_126 : memref<1x64x256xf32, #tpu.memory_space<vmem>> -> memref<64x256xf32, #tpu.memory_space<vmem>>
    %dma_wait3A_128 = arith.constant 0 : i32
    %dma_wait3A_129 = tpu.memref_slice %arg4[%add3A_54, %dma_wait3A_128] : memref<16384x256xf32, #tpu.memory_space<hbm>> -> memref<64x256xf32, #tpu.memory_space<hbm>>
    %dma_wait3A_130 = arith.constant 0 : i32
    %dma_wait3A_131 = tpu.memref_slice %arg4[%add3A_54, %dma_wait3A_130] : memref<16384x256xf32, #tpu.memory_space<hbm>> -> memref<64x256xf32, #tpu.memory_space<hbm>>
    %dma_wait3A_132 = arith.constant 0 : i32
    %dma_wait3A_133 = arith.constant 0 : i32
    %dma_wait3A_134 = tpu.memref_slice %arg7[%dma_wait3A_123, %dma_wait3A_132, %dma_wait3A_133] : memref<3x64x256xf32, #tpu.memory_space<vmem>> -> memref<1x64x256xf32, #tpu.memory_space<vmem>>
    %dma_wait3A_135 = tpu.memref_squeeze %dma_wait3A_134 : memref<1x64x256xf32, #tpu.memory_space<vmem>> -> memref<64x256xf32, #tpu.memory_space<vmem>>
    tpu.wait_dma2 semaphore(%arg11 : memref<!tpu.dma_semaphore, #tpu.memory_space<semaphore_mem>>) src(%dma_wait3A_135 : memref<64x256xf32, #tpu.memory_space<vmem>>) dst(%dma_wait3A_131 : memref<64x256xf32, #tpu.memory_space<hbm>>)
    %mul3A_136 = arith.constant 192 : i32
    %mul3A_137 = arith.muli %add3A, %mul3A_136 : i32
    %add3A_138 = arith.constant 10240 : i32
    %add3A_139 = arith.addi %add3A_138, %mul3A_137 : i32
    %add3A_140 = arith.constant 128 : i32
    %add3A_141 = arith.addi %add3A_139, %add3A_140 : i32
    %dma_start3A_142 = arith.constant 2 : i32
    %dma_start3A_143 = arith.constant 0 : i32
    %dma_start3A_144 = arith.constant 0 : i32
    %dma_start3A_145 = tpu.memref_slice %arg7[%dma_start3A_142, %dma_start3A_143, %dma_start3A_144] : memref<3x64x256xf32, #tpu.memory_space<vmem>> -> memref<1x64x256xf32, #tpu.memory_space<vmem>>
    %dma_start3A_146 = tpu.memref_squeeze %dma_start3A_145 : memref<1x64x256xf32, #tpu.memory_space<vmem>> -> memref<64x256xf32, #tpu.memory_space<vmem>>
    %dma_start3A_147 = arith.constant 0 : i32
    %dma_start3A_148 = tpu.memref_slice %arg4[%add3A_141, %dma_start3A_147] : memref<16384x256xf32, #tpu.memory_space<hbm>> -> memref<64x256xf32, #tpu.memory_space<hbm>>
    %dma_start3A_149 = arith.constant 0 : i32
    %dma_start3A_150 = tpu.memref_slice %arg4[%add3A_141, %dma_start3A_149] : memref<16384x256xf32, #tpu.memory_space<hbm>> -> memref<64x256xf32, #tpu.memory_space<hbm>>
    %dma_start3A_151 = arith.constant 0 : i32
    %dma_start3A_152 = arith.constant 0 : i32
    %dma_start3A_153 = tpu.memref_slice %arg7[%dma_start3A_142, %dma_start3A_151, %dma_start3A_152] : memref<3x64x256xf32, #tpu.memory_space<vmem>> -> memref<1x64x256xf32, #tpu.memory_space<vmem>>
    %dma_start3A_154 = tpu.memref_squeeze %dma_start3A_153 : memref<1x64x256xf32, #tpu.memory_space<vmem>> -> memref<64x256xf32, #tpu.memory_space<vmem>>
    tpu.enqueue_dma source(%dma_start3A_154 : memref<64x256xf32, #tpu.memory_space<vmem>>) target(%dma_start3A_150 : memref<64x256xf32, #tpu.memory_space<hbm>>) target_semaphore(%arg13 : memref<!tpu.dma_semaphore, #tpu.memory_space<semaphore_mem>>)
    %dma_wait3A_155 = arith.constant 1 : i32
    %dma_wait3A_156 = arith.constant 0 : i32
    %dma_wait3A_157 = arith.constant 0 : i32
    %dma_wait3A_158 = tpu.memref_slice %arg7[%dma_wait3A_155, %dma_wait3A_156, %dma_wait3A_157] : memref<3x64x256xf32, #tpu.memory_space<vmem>> -> memref<1x64x256xf32, #tpu.memory_space<vmem>>
    %dma_wait3A_159 = tpu.memref_squeeze %dma_wait3A_158 : memref<1x64x256xf32, #tpu.memory_space<vmem>> -> memref<64x256xf32, #tpu.memory_space<vmem>>
    %dma_wait3A_160 = arith.constant 0 : i32
    %dma_wait3A_161 = tpu.memref_slice %arg4[%add3A_97, %dma_wait3A_160] : memref<16384x256xf32, #tpu.memory_space<hbm>> -> memref<64x256xf32, #tpu.memory_space<hbm>>
    %dma_wait3A_162 = arith.constant 0 : i32
    %dma_wait3A_163 = tpu.memref_slice %arg4[%add3A_97, %dma_wait3A_162] : memref<16384x256xf32, #tpu.memory_space<hbm>> -> memref<64x256xf32, #tpu.memory_space<hbm>>
    %dma_wait3A_164 = arith.constant 0 : i32
    %dma_wait3A_165 = arith.constant 0 : i32
    %dma_wait3A_166 = tpu.memref_slice %arg7[%dma_wait3A_155, %dma_wait3A_164, %dma_wait3A_165] : memref<3x64x256xf32, #tpu.memory_space<vmem>> -> memref<1x64x256xf32, #tpu.memory_space<vmem>>
    %dma_wait3A_167 = tpu.memref_squeeze %dma_wait3A_166 : memref<1x64x256xf32, #tpu.memory_space<vmem>> -> memref<64x256xf32, #tpu.memory_space<vmem>>
    tpu.wait_dma2 semaphore(%arg12 : memref<!tpu.dma_semaphore, #tpu.memory_space<semaphore_mem>>) src(%dma_wait3A_167 : memref<64x256xf32, #tpu.memory_space<vmem>>) dst(%dma_wait3A_163 : memref<64x256xf32, #tpu.memory_space<hbm>>)
    %dma_wait3A_168 = arith.constant 2 : i32
    %dma_wait3A_169 = arith.constant 0 : i32
    %dma_wait3A_170 = arith.constant 0 : i32
    %dma_wait3A_171 = tpu.memref_slice %arg7[%dma_wait3A_168, %dma_wait3A_169, %dma_wait3A_170] : memref<3x64x256xf32, #tpu.memory_space<vmem>> -> memref<1x64x256xf32, #tpu.memory_space<vmem>>
    %dma_wait3A_172 = tpu.memref_squeeze %dma_wait3A_171 : memref<1x64x256xf32, #tpu.memory_space<vmem>> -> memref<64x256xf32, #tpu.memory_space<vmem>>
    %dma_wait3A_173 = arith.constant 0 : i32
    %dma_wait3A_174 = tpu.memref_slice %arg4[%add3A_141, %dma_wait3A_173] : memref<16384x256xf32, #tpu.memory_space<hbm>> -> memref<64x256xf32, #tpu.memory_space<hbm>>
    %dma_wait3A_175 = arith.constant 0 : i32
    %dma_wait3A_176 = tpu.memref_slice %arg4[%add3A_141, %dma_wait3A_175] : memref<16384x256xf32, #tpu.memory_space<hbm>> -> memref<64x256xf32, #tpu.memory_space<hbm>>
    %dma_wait3A_177 = arith.constant 0 : i32
    %dma_wait3A_178 = arith.constant 0 : i32
    %dma_wait3A_179 = tpu.memref_slice %arg7[%dma_wait3A_168, %dma_wait3A_177, %dma_wait3A_178] : memref<3x64x256xf32, #tpu.memory_space<vmem>> -> memref<1x64x256xf32, #tpu.memory_space<vmem>>
    %dma_wait3A_180 = tpu.memref_squeeze %dma_wait3A_179 : memref<1x64x256xf32, #tpu.memory_space<vmem>> -> memref<64x256xf32, #tpu.memory_space<vmem>>
    tpu.wait_dma2 semaphore(%arg13 : memref<!tpu.dma_semaphore, #tpu.memory_space<semaphore_mem>>) src(%dma_wait3A_180 : memref<64x256xf32, #tpu.memory_space<vmem>>) dst(%dma_wait3A_176 : memref<64x256xf32, #tpu.memory_space<hbm>>)
    return
  }
}

#map = affine_map<(d0, d1) -> (0)>
#map1 = affine_map<(d0, d1) -> (0, 0)>
module attributes {stable_mosaic.version = 14 : i64} {
  func.func @new_body(%arg0: i32, %arg1: i32, %arg2: memref<10240xi32, #tpu.memory_space<hbm>>, %arg3: memref<16384x256xf32, #tpu.memory_space<hbm>>, %arg4: memref<16384x256xf32, #tpu.memory_space<hbm>>, %arg5: memref<16384x256xf32, #tpu.memory_space<hbm>>, %arg6: memref<5x64xi32, #tpu.memory_space<vmem>>, %arg7: memref<5x64x256xf32, #tpu.memory_space<vmem>>, %arg8: memref<!tpu.dma_semaphore, #tpu.memory_space<semaphore_mem>>, %arg9: memref<!tpu.dma_semaphore, #tpu.memory_space<semaphore_mem>>, %arg10: memref<!tpu.dma_semaphore, #tpu.memory_space<semaphore_mem>>, %arg11: memref<!tpu.dma_semaphore, #tpu.memory_space<semaphore_mem>>, %arg12: memref<!tpu.dma_semaphore, #tpu.memory_space<semaphore_mem>>, %arg13: memref<!tpu.dma_semaphore, #tpu.memory_space<semaphore_mem>>, %arg14: memref<!tpu.dma_semaphore, #tpu.memory_space<semaphore_mem>>, %arg15: memref<!tpu.dma_semaphore, #tpu.memory_space<semaphore_mem>>, %arg16: memref<!tpu.dma_semaphore, #tpu.memory_space<semaphore_mem>>, %arg17: memref<!tpu.dma_semaphore, #tpu.memory_space<semaphore_mem>>) attributes {dimension_semantics = [#tpu.dimension_semantics<core_parallel>, #tpu.dimension_semantics<subcore_parallel>], iteration_bounds = array<i64: 2, 16>, scalar_prefetch = 0 : i64, scratch_operands = 12 : i64, tpu.core_type = #tpu.core_type<sc_vector_subcore>, window_params = [{transform_indices = #map}, {transform_indices = #map1}, {transform_indices = #map1}, {transform_indices = #map1}]} {
    %mul3A = arith.constant 2 : i32
    %mul3A_0 = arith.muli %arg1, %mul3A : i32
    %add3A = arith.addi %mul3A_0, %arg0 : i32
    %mul3A_1 = arith.constant 320 : i32
    %mul3A_2 = arith.muli %add3A, %mul3A_1 : i32
    %add3A_3 = arith.constant 0 : i32
    %add3A_4 = arith.addi %mul3A_2, %add3A_3 : i32
    %run_scoped3A = arith.constant 0 : i32
    "tpu.region"() ({
      %run_scoped3A_303 = tpu.sem_alloc : memref<!tpu.dma_semaphore, #tpu.memory_space<semaphore_mem>>
      %dma_start3A_304 = arith.constant 0 : i32
      %dma_start3A_305 = tpu.memref_slice %arg6[%run_scoped3A, %dma_start3A_304] : memref<5x64xi32, #tpu.memory_space<vmem>> -> memref<1x64xi32, #tpu.memory_space<vmem>>
      %dma_start3A_306 = tpu.memref_squeeze %dma_start3A_305 : memref<1x64xi32, #tpu.memory_space<vmem>> -> memref<64xi32, #tpu.memory_space<vmem>>
      %dma_start3A_307 = tpu.memref_slice %arg2[%add3A_4] : memref<10240xi32, #tpu.memory_space<hbm>> -> memref<64xi32, #tpu.memory_space<hbm>>
      %dma_start3A_308 = arith.constant 0 : i32
      %dma_start3A_309 = tpu.memref_slice %arg6[%run_scoped3A, %dma_start3A_308] : memref<5x64xi32, #tpu.memory_space<vmem>> -> memref<1x64xi32, #tpu.memory_space<vmem>>
      %dma_start3A_310 = tpu.memref_squeeze %dma_start3A_309 : memref<1x64xi32, #tpu.memory_space<vmem>> -> memref<64xi32, #tpu.memory_space<vmem>>
      %dma_start3A_311 = tpu.memref_slice %arg2[%add3A_4] : memref<10240xi32, #tpu.memory_space<hbm>> -> memref<64xi32, #tpu.memory_space<hbm>>
      tpu.enqueue_dma source(%dma_start3A_311 : memref<64xi32, #tpu.memory_space<hbm>>) target(%dma_start3A_310 : memref<64xi32, #tpu.memory_space<vmem>>) target_semaphore(%run_scoped3A_303 : memref<!tpu.dma_semaphore, #tpu.memory_space<semaphore_mem>>)
      %dma_wait3A_312 = arith.constant 0 : i32
      %dma_wait3A_313 = tpu.memref_slice %arg6[%run_scoped3A, %dma_wait3A_312] : memref<5x64xi32, #tpu.memory_space<vmem>> -> memref<1x64xi32, #tpu.memory_space<vmem>>
      %dma_wait3A_314 = tpu.memref_squeeze %dma_wait3A_313 : memref<1x64xi32, #tpu.memory_space<vmem>> -> memref<64xi32, #tpu.memory_space<vmem>>
      %dma_wait3A_315 = tpu.memref_slice %arg2[%add3A_4] : memref<10240xi32, #tpu.memory_space<hbm>> -> memref<64xi32, #tpu.memory_space<hbm>>
      %dma_wait3A_316 = arith.constant 0 : i32
      %dma_wait3A_317 = tpu.memref_slice %arg6[%run_scoped3A, %dma_wait3A_316] : memref<5x64xi32, #tpu.memory_space<vmem>> -> memref<1x64xi32, #tpu.memory_space<vmem>>
      %dma_wait3A_318 = tpu.memref_squeeze %dma_wait3A_317 : memref<1x64xi32, #tpu.memory_space<vmem>> -> memref<64xi32, #tpu.memory_space<vmem>>
      %dma_wait3A_319 = tpu.memref_slice %arg2[%add3A_4] : memref<10240xi32, #tpu.memory_space<hbm>> -> memref<64xi32, #tpu.memory_space<hbm>>
      tpu.wait_dma2 semaphore(%run_scoped3A_303 : memref<!tpu.dma_semaphore, #tpu.memory_space<semaphore_mem>>) src(%dma_wait3A_319 : memref<64xi32, #tpu.memory_space<hbm>>) dst(%dma_wait3A_318 : memref<64xi32, #tpu.memory_space<vmem>>)
      tpu.yield
    }) : () -> ()
    %mul3A_5 = arith.constant 320 : i32
    %mul3A_6 = arith.muli %add3A, %mul3A_5 : i32
    %add3A_7 = arith.constant 64 : i32
    %add3A_8 = arith.addi %mul3A_6, %add3A_7 : i32
    %run_scoped3A_9 = arith.constant 1 : i32
    "tpu.region"() ({
      %run_scoped3A_303 = tpu.sem_alloc : memref<!tpu.dma_semaphore, #tpu.memory_space<semaphore_mem>>
      %dma_start3A_304 = arith.constant 0 : i32
      %dma_start3A_305 = tpu.memref_slice %arg6[%run_scoped3A_9, %dma_start3A_304] : memref<5x64xi32, #tpu.memory_space<vmem>> -> memref<1x64xi32, #tpu.memory_space<vmem>>
      %dma_start3A_306 = tpu.memref_squeeze %dma_start3A_305 : memref<1x64xi32, #tpu.memory_space<vmem>> -> memref<64xi32, #tpu.memory_space<vmem>>
      %dma_start3A_307 = tpu.memref_slice %arg2[%add3A_8] : memref<10240xi32, #tpu.memory_space<hbm>> -> memref<64xi32, #tpu.memory_space<hbm>>
      %dma_start3A_308 = arith.constant 0 : i32
      %dma_start3A_309 = tpu.memref_slice %arg6[%run_scoped3A_9, %dma_start3A_308] : memref<5x64xi32, #tpu.memory_space<vmem>> -> memref<1x64xi32, #tpu.memory_space<vmem>>
      %dma_start3A_310 = tpu.memref_squeeze %dma_start3A_309 : memref<1x64xi32, #tpu.memory_space<vmem>> -> memref<64xi32, #tpu.memory_space<vmem>>
      %dma_start3A_311 = tpu.memref_slice %arg2[%add3A_8] : memref<10240xi32, #tpu.memory_space<hbm>> -> memref<64xi32, #tpu.memory_space<hbm>>
      tpu.enqueue_dma source(%dma_start3A_311 : memref<64xi32, #tpu.memory_space<hbm>>) target(%dma_start3A_310 : memref<64xi32, #tpu.memory_space<vmem>>) target_semaphore(%run_scoped3A_303 : memref<!tpu.dma_semaphore, #tpu.memory_space<semaphore_mem>>)
      %dma_wait3A_312 = arith.constant 0 : i32
      %dma_wait3A_313 = tpu.memref_slice %arg6[%run_scoped3A_9, %dma_wait3A_312] : memref<5x64xi32, #tpu.memory_space<vmem>> -> memref<1x64xi32, #tpu.memory_space<vmem>>
      %dma_wait3A_314 = tpu.memref_squeeze %dma_wait3A_313 : memref<1x64xi32, #tpu.memory_space<vmem>> -> memref<64xi32, #tpu.memory_space<vmem>>
      %dma_wait3A_315 = tpu.memref_slice %arg2[%add3A_8] : memref<10240xi32, #tpu.memory_space<hbm>> -> memref<64xi32, #tpu.memory_space<hbm>>
      %dma_wait3A_316 = arith.constant 0 : i32
      %dma_wait3A_317 = tpu.memref_slice %arg6[%run_scoped3A_9, %dma_wait3A_316] : memref<5x64xi32, #tpu.memory_space<vmem>> -> memref<1x64xi32, #tpu.memory_space<vmem>>
      %dma_wait3A_318 = tpu.memref_squeeze %dma_wait3A_317 : memref<1x64xi32, #tpu.memory_space<vmem>> -> memref<64xi32, #tpu.memory_space<vmem>>
      %dma_wait3A_319 = tpu.memref_slice %arg2[%add3A_8] : memref<10240xi32, #tpu.memory_space<hbm>> -> memref<64xi32, #tpu.memory_space<hbm>>
      tpu.wait_dma2 semaphore(%run_scoped3A_303 : memref<!tpu.dma_semaphore, #tpu.memory_space<semaphore_mem>>) src(%dma_wait3A_319 : memref<64xi32, #tpu.memory_space<hbm>>) dst(%dma_wait3A_318 : memref<64xi32, #tpu.memory_space<vmem>>)
      tpu.yield
    }) : () -> ()
    %mul3A_10 = arith.constant 320 : i32
    %mul3A_11 = arith.muli %add3A, %mul3A_10 : i32
    %add3A_12 = arith.constant 128 : i32
    %add3A_13 = arith.addi %mul3A_11, %add3A_12 : i32
    %run_scoped3A_14 = arith.constant 2 : i32
    "tpu.region"() ({
      %run_scoped3A_303 = tpu.sem_alloc : memref<!tpu.dma_semaphore, #tpu.memory_space<semaphore_mem>>
      %dma_start3A_304 = arith.constant 0 : i32
      %dma_start3A_305 = tpu.memref_slice %arg6[%run_scoped3A_14, %dma_start3A_304] : memref<5x64xi32, #tpu.memory_space<vmem>> -> memref<1x64xi32, #tpu.memory_space<vmem>>
      %dma_start3A_306 = tpu.memref_squeeze %dma_start3A_305 : memref<1x64xi32, #tpu.memory_space<vmem>> -> memref<64xi32, #tpu.memory_space<vmem>>
      %dma_start3A_307 = tpu.memref_slice %arg2[%add3A_13] : memref<10240xi32, #tpu.memory_space<hbm>> -> memref<64xi32, #tpu.memory_space<hbm>>
      %dma_start3A_308 = arith.constant 0 : i32
      %dma_start3A_309 = tpu.memref_slice %arg6[%run_scoped3A_14, %dma_start3A_308] : memref<5x64xi32, #tpu.memory_space<vmem>> -> memref<1x64xi32, #tpu.memory_space<vmem>>
      %dma_start3A_310 = tpu.memref_squeeze %dma_start3A_309 : memref<1x64xi32, #tpu.memory_space<vmem>> -> memref<64xi32, #tpu.memory_space<vmem>>
      %dma_start3A_311 = tpu.memref_slice %arg2[%add3A_13] : memref<10240xi32, #tpu.memory_space<hbm>> -> memref<64xi32, #tpu.memory_space<hbm>>
      tpu.enqueue_dma source(%dma_start3A_311 : memref<64xi32, #tpu.memory_space<hbm>>) target(%dma_start3A_310 : memref<64xi32, #tpu.memory_space<vmem>>) target_semaphore(%run_scoped3A_303 : memref<!tpu.dma_semaphore, #tpu.memory_space<semaphore_mem>>)
      %dma_wait3A_312 = arith.constant 0 : i32
      %dma_wait3A_313 = tpu.memref_slice %arg6[%run_scoped3A_14, %dma_wait3A_312] : memref<5x64xi32, #tpu.memory_space<vmem>> -> memref<1x64xi32, #tpu.memory_space<vmem>>
      %dma_wait3A_314 = tpu.memref_squeeze %dma_wait3A_313 : memref<1x64xi32, #tpu.memory_space<vmem>> -> memref<64xi32, #tpu.memory_space<vmem>>
      %dma_wait3A_315 = tpu.memref_slice %arg2[%add3A_13] : memref<10240xi32, #tpu.memory_space<hbm>> -> memref<64xi32, #tpu.memory_space<hbm>>
      %dma_wait3A_316 = arith.constant 0 : i32
      %dma_wait3A_317 = tpu.memref_slice %arg6[%run_scoped3A_14, %dma_wait3A_316] : memref<5x64xi32, #tpu.memory_space<vmem>> -> memref<1x64xi32, #tpu.memory_space<vmem>>
      %dma_wait3A_318 = tpu.memref_squeeze %dma_wait3A_317 : memref<1x64xi32, #tpu.memory_space<vmem>> -> memref<64xi32, #tpu.memory_space<vmem>>
      %dma_wait3A_319 = tpu.memref_slice %arg2[%add3A_13] : memref<10240xi32, #tpu.memory_space<hbm>> -> memref<64xi32, #tpu.memory_space<hbm>>
      tpu.wait_dma2 semaphore(%run_scoped3A_303 : memref<!tpu.dma_semaphore, #tpu.memory_space<semaphore_mem>>) src(%dma_wait3A_319 : memref<64xi32, #tpu.memory_space<hbm>>) dst(%dma_wait3A_318 : memref<64xi32, #tpu.memory_space<vmem>>)
      tpu.yield
    }) : () -> ()
    %mul3A_15 = arith.constant 320 : i32
    %mul3A_16 = arith.muli %add3A, %mul3A_15 : i32
    %add3A_17 = arith.constant 192 : i32
    %add3A_18 = arith.addi %mul3A_16, %add3A_17 : i32
    %run_scoped3A_19 = arith.constant 3 : i32
    "tpu.region"() ({
      %run_scoped3A_303 = tpu.sem_alloc : memref<!tpu.dma_semaphore, #tpu.memory_space<semaphore_mem>>
      %dma_start3A_304 = arith.constant 0 : i32
      %dma_start3A_305 = tpu.memref_slice %arg6[%run_scoped3A_19, %dma_start3A_304] : memref<5x64xi32, #tpu.memory_space<vmem>> -> memref<1x64xi32, #tpu.memory_space<vmem>>
      %dma_start3A_306 = tpu.memref_squeeze %dma_start3A_305 : memref<1x64xi32, #tpu.memory_space<vmem>> -> memref<64xi32, #tpu.memory_space<vmem>>
      %dma_start3A_307 = tpu.memref_slice %arg2[%add3A_18] : memref<10240xi32, #tpu.memory_space<hbm>> -> memref<64xi32, #tpu.memory_space<hbm>>
      %dma_start3A_308 = arith.constant 0 : i32
      %dma_start3A_309 = tpu.memref_slice %arg6[%run_scoped3A_19, %dma_start3A_308] : memref<5x64xi32, #tpu.memory_space<vmem>> -> memref<1x64xi32, #tpu.memory_space<vmem>>
      %dma_start3A_310 = tpu.memref_squeeze %dma_start3A_309 : memref<1x64xi32, #tpu.memory_space<vmem>> -> memref<64xi32, #tpu.memory_space<vmem>>
      %dma_start3A_311 = tpu.memref_slice %arg2[%add3A_18] : memref<10240xi32, #tpu.memory_space<hbm>> -> memref<64xi32, #tpu.memory_space<hbm>>
      tpu.enqueue_dma source(%dma_start3A_311 : memref<64xi32, #tpu.memory_space<hbm>>) target(%dma_start3A_310 : memref<64xi32, #tpu.memory_space<vmem>>) target_semaphore(%run_scoped3A_303 : memref<!tpu.dma_semaphore, #tpu.memory_space<semaphore_mem>>)
      %dma_wait3A_312 = arith.constant 0 : i32
      %dma_wait3A_313 = tpu.memref_slice %arg6[%run_scoped3A_19, %dma_wait3A_312] : memref<5x64xi32, #tpu.memory_space<vmem>> -> memref<1x64xi32, #tpu.memory_space<vmem>>
      %dma_wait3A_314 = tpu.memref_squeeze %dma_wait3A_313 : memref<1x64xi32, #tpu.memory_space<vmem>> -> memref<64xi32, #tpu.memory_space<vmem>>
      %dma_wait3A_315 = tpu.memref_slice %arg2[%add3A_18] : memref<10240xi32, #tpu.memory_space<hbm>> -> memref<64xi32, #tpu.memory_space<hbm>>
      %dma_wait3A_316 = arith.constant 0 : i32
      %dma_wait3A_317 = tpu.memref_slice %arg6[%run_scoped3A_19, %dma_wait3A_316] : memref<5x64xi32, #tpu.memory_space<vmem>> -> memref<1x64xi32, #tpu.memory_space<vmem>>
      %dma_wait3A_318 = tpu.memref_squeeze %dma_wait3A_317 : memref<1x64xi32, #tpu.memory_space<vmem>> -> memref<64xi32, #tpu.memory_space<vmem>>
      %dma_wait3A_319 = tpu.memref_slice %arg2[%add3A_18] : memref<10240xi32, #tpu.memory_space<hbm>> -> memref<64xi32, #tpu.memory_space<hbm>>
      tpu.wait_dma2 semaphore(%run_scoped3A_303 : memref<!tpu.dma_semaphore, #tpu.memory_space<semaphore_mem>>) src(%dma_wait3A_319 : memref<64xi32, #tpu.memory_space<hbm>>) dst(%dma_wait3A_318 : memref<64xi32, #tpu.memory_space<vmem>>)
      tpu.yield
    }) : () -> ()
    %mul3A_20 = arith.constant 320 : i32
    %mul3A_21 = arith.muli %add3A, %mul3A_20 : i32
    %add3A_22 = arith.constant 256 : i32
    %add3A_23 = arith.addi %mul3A_21, %add3A_22 : i32
    %run_scoped3A_24 = arith.constant 4 : i32
    "tpu.region"() ({
      %run_scoped3A_303 = tpu.sem_alloc : memref<!tpu.dma_semaphore, #tpu.memory_space<semaphore_mem>>
      %dma_start3A_304 = arith.constant 0 : i32
      %dma_start3A_305 = tpu.memref_slice %arg6[%run_scoped3A_24, %dma_start3A_304] : memref<5x64xi32, #tpu.memory_space<vmem>> -> memref<1x64xi32, #tpu.memory_space<vmem>>
      %dma_start3A_306 = tpu.memref_squeeze %dma_start3A_305 : memref<1x64xi32, #tpu.memory_space<vmem>> -> memref<64xi32, #tpu.memory_space<vmem>>
      %dma_start3A_307 = tpu.memref_slice %arg2[%add3A_23] : memref<10240xi32, #tpu.memory_space<hbm>> -> memref<64xi32, #tpu.memory_space<hbm>>
      %dma_start3A_308 = arith.constant 0 : i32
      %dma_start3A_309 = tpu.memref_slice %arg6[%run_scoped3A_24, %dma_start3A_308] : memref<5x64xi32, #tpu.memory_space<vmem>> -> memref<1x64xi32, #tpu.memory_space<vmem>>
      %dma_start3A_310 = tpu.memref_squeeze %dma_start3A_309 : memref<1x64xi32, #tpu.memory_space<vmem>> -> memref<64xi32, #tpu.memory_space<vmem>>
      %dma_start3A_311 = tpu.memref_slice %arg2[%add3A_23] : memref<10240xi32, #tpu.memory_space<hbm>> -> memref<64xi32, #tpu.memory_space<hbm>>
      tpu.enqueue_dma source(%dma_start3A_311 : memref<64xi32, #tpu.memory_space<hbm>>) target(%dma_start3A_310 : memref<64xi32, #tpu.memory_space<vmem>>) target_semaphore(%run_scoped3A_303 : memref<!tpu.dma_semaphore, #tpu.memory_space<semaphore_mem>>)
      %dma_wait3A_312 = arith.constant 0 : i32
      %dma_wait3A_313 = tpu.memref_slice %arg6[%run_scoped3A_24, %dma_wait3A_312] : memref<5x64xi32, #tpu.memory_space<vmem>> -> memref<1x64xi32, #tpu.memory_space<vmem>>
      %dma_wait3A_314 = tpu.memref_squeeze %dma_wait3A_313 : memref<1x64xi32, #tpu.memory_space<vmem>> -> memref<64xi32, #tpu.memory_space<vmem>>
      %dma_wait3A_315 = tpu.memref_slice %arg2[%add3A_23] : memref<10240xi32, #tpu.memory_space<hbm>> -> memref<64xi32, #tpu.memory_space<hbm>>
      %dma_wait3A_316 = arith.constant 0 : i32
      %dma_wait3A_317 = tpu.memref_slice %arg6[%run_scoped3A_24, %dma_wait3A_316] : memref<5x64xi32, #tpu.memory_space<vmem>> -> memref<1x64xi32, #tpu.memory_space<vmem>>
      %dma_wait3A_318 = tpu.memref_squeeze %dma_wait3A_317 : memref<1x64xi32, #tpu.memory_space<vmem>> -> memref<64xi32, #tpu.memory_space<vmem>>
      %dma_wait3A_319 = tpu.memref_slice %arg2[%add3A_23] : memref<10240xi32, #tpu.memory_space<hbm>> -> memref<64xi32, #tpu.memory_space<hbm>>
      tpu.wait_dma2 semaphore(%run_scoped3A_303 : memref<!tpu.dma_semaphore, #tpu.memory_space<semaphore_mem>>) src(%dma_wait3A_319 : memref<64xi32, #tpu.memory_space<hbm>>) dst(%dma_wait3A_318 : memref<64xi32, #tpu.memory_space<vmem>>)
      tpu.yield
    }) : () -> ()
    %dma_start3A = arith.constant 0 : i32
    %dma_start3A_25 = arith.constant 0 : i32
    %dma_start3A_26 = arith.constant 0 : i32
    %dma_start3A_27 = arith.constant 0 : i32
    %dma_start3A_28 = tpu.memref_slice %arg7[%dma_start3A_25, %dma_start3A_26, %dma_start3A_27] : memref<5x64x256xf32, #tpu.memory_space<vmem>> -> memref<1x64x256xf32, #tpu.memory_space<vmem>>
    %dma_start3A_29 = tpu.memref_squeeze %dma_start3A_28 : memref<1x64x256xf32, #tpu.memory_space<vmem>> -> memref<64x256xf32, #tpu.memory_space<vmem>>
    %dma_start3A_30 = arith.constant 0 : i32
    %dma_start3A_31 = tpu.memref_slice %arg6[%dma_start3A, %dma_start3A_30] : memref<5x64xi32, #tpu.memory_space<vmem>> -> memref<1x64xi32, #tpu.memory_space<vmem>>
    %dma_start3A_32 = tpu.memref_squeeze %dma_start3A_31 : memref<1x64xi32, #tpu.memory_space<vmem>> -> memref<64xi32, #tpu.memory_space<vmem>>
    %dma_start3A_33 = arith.constant 0 : i32
    %dma_start3A_34 = arith.constant 0 : i32
    %dma_start3A_35 = tpu.memref_slice %arg3[%dma_start3A_33, %dma_start3A_34] : memref<16384x256xf32, #tpu.memory_space<hbm>> -> memref<16384x256xf32, #tpu.memory_space<hbm>>
    tpu.enqueue_indirect_dma source(%dma_start3A_35 : memref<16384x256xf32, #tpu.memory_space<hbm>>) target(%dma_start3A_29 : memref<64x256xf32, #tpu.memory_space<vmem>>) offsets(%dma_start3A_32 : memref<64xi32, #tpu.memory_space<vmem>>) semaphore(%arg8 : memref<!tpu.dma_semaphore, #tpu.memory_space<semaphore_mem>>)
    %dma_start3A_36 = arith.constant 1 : i32
    %dma_start3A_37 = arith.constant 1 : i32
    %dma_start3A_38 = arith.constant 0 : i32
    %dma_start3A_39 = arith.constant 0 : i32
    %dma_start3A_40 = tpu.memref_slice %arg7[%dma_start3A_37, %dma_start3A_38, %dma_start3A_39] : memref<5x64x256xf32, #tpu.memory_space<vmem>> -> memref<1x64x256xf32, #tpu.memory_space<vmem>>
    %dma_start3A_41 = tpu.memref_squeeze %dma_start3A_40 : memref<1x64x256xf32, #tpu.memory_space<vmem>> -> memref<64x256xf32, #tpu.memory_space<vmem>>
    %dma_start3A_42 = arith.constant 0 : i32
    %dma_start3A_43 = tpu.memref_slice %arg6[%dma_start3A_36, %dma_start3A_42] : memref<5x64xi32, #tpu.memory_space<vmem>> -> memref<1x64xi32, #tpu.memory_space<vmem>>
    %dma_start3A_44 = tpu.memref_squeeze %dma_start3A_43 : memref<1x64xi32, #tpu.memory_space<vmem>> -> memref<64xi32, #tpu.memory_space<vmem>>
    %dma_start3A_45 = arith.constant 0 : i32
    %dma_start3A_46 = arith.constant 0 : i32
    %dma_start3A_47 = tpu.memref_slice %arg3[%dma_start3A_45, %dma_start3A_46] : memref<16384x256xf32, #tpu.memory_space<hbm>> -> memref<16384x256xf32, #tpu.memory_space<hbm>>
    tpu.enqueue_indirect_dma source(%dma_start3A_47 : memref<16384x256xf32, #tpu.memory_space<hbm>>) target(%dma_start3A_41 : memref<64x256xf32, #tpu.memory_space<vmem>>) offsets(%dma_start3A_44 : memref<64xi32, #tpu.memory_space<vmem>>) semaphore(%arg9 : memref<!tpu.dma_semaphore, #tpu.memory_space<semaphore_mem>>)
    %dma_wait3A = arith.constant 0 : i32
    %dma_wait3A_48 = arith.constant 0 : i32
    %dma_wait3A_49 = arith.constant 0 : i32
    %dma_wait3A_50 = arith.constant 0 : i32
    %dma_wait3A_51 = tpu.memref_slice %arg7[%dma_wait3A_48, %dma_wait3A_49, %dma_wait3A_50] : memref<5x64x256xf32, #tpu.memory_space<vmem>> -> memref<1x64x256xf32, #tpu.memory_space<vmem>>
    %dma_wait3A_52 = tpu.memref_squeeze %dma_wait3A_51 : memref<1x64x256xf32, #tpu.memory_space<vmem>> -> memref<64x256xf32, #tpu.memory_space<vmem>>
    %dma_wait3A_53 = arith.constant 0 : i32
    %dma_wait3A_54 = tpu.memref_slice %arg6[%dma_wait3A, %dma_wait3A_53] : memref<5x64xi32, #tpu.memory_space<vmem>> -> memref<1x64xi32, #tpu.memory_space<vmem>>
    %dma_wait3A_55 = tpu.memref_squeeze %dma_wait3A_54 : memref<1x64xi32, #tpu.memory_space<vmem>> -> memref<64xi32, #tpu.memory_space<vmem>>
    %dma_wait3A_56 = arith.constant 0 : i32
    %dma_wait3A_57 = arith.constant 0 : i32
    %dma_wait3A_58 = tpu.memref_slice %arg3[%dma_wait3A_56, %dma_wait3A_57] : memref<16384x256xf32, #tpu.memory_space<hbm>> -> memref<16384x256xf32, #tpu.memory_space<hbm>>
    tpu.wait_indirect_dma semaphore(%arg8 : memref<!tpu.dma_semaphore, #tpu.memory_space<semaphore_mem>>) src(%dma_wait3A_58 : memref<16384x256xf32, #tpu.memory_space<hbm>>) dst(%dma_wait3A_52 : memref<64x256xf32, #tpu.memory_space<vmem>>)
    %mul3A_59 = arith.constant 320 : i32
    %mul3A_60 = arith.muli %add3A, %mul3A_59 : i32
    %add3A_61 = arith.constant 0 : i32
    %add3A_62 = arith.addi %add3A_61, %mul3A_60 : i32
    %add3A_63 = arith.constant 0 : i32
    %add3A_64 = arith.addi %add3A_62, %add3A_63 : i32
    %dma_start3A_65 = arith.constant 0 : i32
    %dma_start3A_66 = arith.constant 0 : i32
    %dma_start3A_67 = arith.constant 0 : i32
    %dma_start3A_68 = tpu.memref_slice %arg7[%dma_start3A_65, %dma_start3A_66, %dma_start3A_67] : memref<5x64x256xf32, #tpu.memory_space<vmem>> -> memref<1x64x256xf32, #tpu.memory_space<vmem>>
    %dma_start3A_69 = tpu.memref_squeeze %dma_start3A_68 : memref<1x64x256xf32, #tpu.memory_space<vmem>> -> memref<64x256xf32, #tpu.memory_space<vmem>>
    %dma_start3A_70 = arith.constant 0 : i32
    %dma_start3A_71 = tpu.memref_slice %arg4[%add3A_64, %dma_start3A_70] : memref<16384x256xf32, #tpu.memory_space<hbm>> -> memref<64x256xf32, #tpu.memory_space<hbm>>
    %dma_start3A_72 = arith.constant 0 : i32
    %dma_start3A_73 = tpu.memref_slice %arg4[%add3A_64, %dma_start3A_72] : memref<16384x256xf32, #tpu.memory_space<hbm>> -> memref<64x256xf32, #tpu.memory_space<hbm>>
    %dma_start3A_74 = arith.constant 0 : i32
    %dma_start3A_75 = arith.constant 0 : i32
    %dma_start3A_76 = tpu.memref_slice %arg7[%dma_start3A_65, %dma_start3A_74, %dma_start3A_75] : memref<5x64x256xf32, #tpu.memory_space<vmem>> -> memref<1x64x256xf32, #tpu.memory_space<vmem>>
    %dma_start3A_77 = tpu.memref_squeeze %dma_start3A_76 : memref<1x64x256xf32, #tpu.memory_space<vmem>> -> memref<64x256xf32, #tpu.memory_space<vmem>>
    tpu.enqueue_dma source(%dma_start3A_77 : memref<64x256xf32, #tpu.memory_space<vmem>>) target(%dma_start3A_73 : memref<64x256xf32, #tpu.memory_space<hbm>>) target_semaphore(%arg13 : memref<!tpu.dma_semaphore, #tpu.memory_space<semaphore_mem>>)
    %dma_start3A_78 = arith.constant 2 : i32
    %dma_start3A_79 = arith.constant 2 : i32
    %dma_start3A_80 = arith.constant 0 : i32
    %dma_start3A_81 = arith.constant 0 : i32
    %dma_start3A_82 = tpu.memref_slice %arg7[%dma_start3A_79, %dma_start3A_80, %dma_start3A_81] : memref<5x64x256xf32, #tpu.memory_space<vmem>> -> memref<1x64x256xf32, #tpu.memory_space<vmem>>
    %dma_start3A_83 = tpu.memref_squeeze %dma_start3A_82 : memref<1x64x256xf32, #tpu.memory_space<vmem>> -> memref<64x256xf32, #tpu.memory_space<vmem>>
    %dma_start3A_84 = arith.constant 0 : i32
    %dma_start3A_85 = tpu.memref_slice %arg6[%dma_start3A_78, %dma_start3A_84] : memref<5x64xi32, #tpu.memory_space<vmem>> -> memref<1x64xi32, #tpu.memory_space<vmem>>
    %dma_start3A_86 = tpu.memref_squeeze %dma_start3A_85 : memref<1x64xi32, #tpu.memory_space<vmem>> -> memref<64xi32, #tpu.memory_space<vmem>>
    %dma_start3A_87 = arith.constant 0 : i32
    %dma_start3A_88 = arith.constant 0 : i32
    %dma_start3A_89 = tpu.memref_slice %arg3[%dma_start3A_87, %dma_start3A_88] : memref<16384x256xf32, #tpu.memory_space<hbm>> -> memref<16384x256xf32, #tpu.memory_space<hbm>>
    tpu.enqueue_indirect_dma source(%dma_start3A_89 : memref<16384x256xf32, #tpu.memory_space<hbm>>) target(%dma_start3A_83 : memref<64x256xf32, #tpu.memory_space<vmem>>) offsets(%dma_start3A_86 : memref<64xi32, #tpu.memory_space<vmem>>) semaphore(%arg10 : memref<!tpu.dma_semaphore, #tpu.memory_space<semaphore_mem>>)
    %dma_wait3A_90 = arith.constant 1 : i32
    %dma_wait3A_91 = arith.constant 1 : i32
    %dma_wait3A_92 = arith.constant 0 : i32
    %dma_wait3A_93 = arith.constant 0 : i32
    %dma_wait3A_94 = tpu.memref_slice %arg7[%dma_wait3A_91, %dma_wait3A_92, %dma_wait3A_93] : memref<5x64x256xf32, #tpu.memory_space<vmem>> -> memref<1x64x256xf32, #tpu.memory_space<vmem>>
    %dma_wait3A_95 = tpu.memref_squeeze %dma_wait3A_94 : memref<1x64x256xf32, #tpu.memory_space<vmem>> -> memref<64x256xf32, #tpu.memory_space<vmem>>
    %dma_wait3A_96 = arith.constant 0 : i32
    %dma_wait3A_97 = tpu.memref_slice %arg6[%dma_wait3A_90, %dma_wait3A_96] : memref<5x64xi32, #tpu.memory_space<vmem>> -> memref<1x64xi32, #tpu.memory_space<vmem>>
    %dma_wait3A_98 = tpu.memref_squeeze %dma_wait3A_97 : memref<1x64xi32, #tpu.memory_space<vmem>> -> memref<64xi32, #tpu.memory_space<vmem>>
    %dma_wait3A_99 = arith.constant 0 : i32
    %dma_wait3A_100 = arith.constant 0 : i32
    %dma_wait3A_101 = tpu.memref_slice %arg3[%dma_wait3A_99, %dma_wait3A_100] : memref<16384x256xf32, #tpu.memory_space<hbm>> -> memref<16384x256xf32, #tpu.memory_space<hbm>>
    tpu.wait_indirect_dma semaphore(%arg9 : memref<!tpu.dma_semaphore, #tpu.memory_space<semaphore_mem>>) src(%dma_wait3A_101 : memref<16384x256xf32, #tpu.memory_space<hbm>>) dst(%dma_wait3A_95 : memref<64x256xf32, #tpu.memory_space<vmem>>)
    %mul3A_102 = arith.constant 320 : i32
    %mul3A_103 = arith.muli %add3A, %mul3A_102 : i32
    %add3A_104 = arith.constant 0 : i32
    %add3A_105 = arith.addi %add3A_104, %mul3A_103 : i32
    %add3A_106 = arith.constant 64 : i32
    %add3A_107 = arith.addi %add3A_105, %add3A_106 : i32
    %dma_start3A_108 = arith.constant 1 : i32
    %dma_start3A_109 = arith.constant 0 : i32
    %dma_start3A_110 = arith.constant 0 : i32
    %dma_start3A_111 = tpu.memref_slice %arg7[%dma_start3A_108, %dma_start3A_109, %dma_start3A_110] : memref<5x64x256xf32, #tpu.memory_space<vmem>> -> memref<1x64x256xf32, #tpu.memory_space<vmem>>
    %dma_start3A_112 = tpu.memref_squeeze %dma_start3A_111 : memref<1x64x256xf32, #tpu.memory_space<vmem>> -> memref<64x256xf32, #tpu.memory_space<vmem>>
    %dma_start3A_113 = arith.constant 0 : i32
    %dma_start3A_114 = tpu.memref_slice %arg4[%add3A_107, %dma_start3A_113] : memref<16384x256xf32, #tpu.memory_space<hbm>> -> memref<64x256xf32, #tpu.memory_space<hbm>>
    %dma_start3A_115 = arith.constant 0 : i32
    %dma_start3A_116 = tpu.memref_slice %arg4[%add3A_107, %dma_start3A_115] : memref<16384x256xf32, #tpu.memory_space<hbm>> -> memref<64x256xf32, #tpu.memory_space<hbm>>
    %dma_start3A_117 = arith.constant 0 : i32
    %dma_start3A_118 = arith.constant 0 : i32
    %dma_start3A_119 = tpu.memref_slice %arg7[%dma_start3A_108, %dma_start3A_117, %dma_start3A_118] : memref<5x64x256xf32, #tpu.memory_space<vmem>> -> memref<1x64x256xf32, #tpu.memory_space<vmem>>
    %dma_start3A_120 = tpu.memref_squeeze %dma_start3A_119 : memref<1x64x256xf32, #tpu.memory_space<vmem>> -> memref<64x256xf32, #tpu.memory_space<vmem>>
    tpu.enqueue_dma source(%dma_start3A_120 : memref<64x256xf32, #tpu.memory_space<vmem>>) target(%dma_start3A_116 : memref<64x256xf32, #tpu.memory_space<hbm>>) target_semaphore(%arg14 : memref<!tpu.dma_semaphore, #tpu.memory_space<semaphore_mem>>)
    %dma_start3A_121 = arith.constant 3 : i32
    %dma_start3A_122 = arith.constant 3 : i32
    %dma_start3A_123 = arith.constant 0 : i32
    %dma_start3A_124 = arith.constant 0 : i32
    %dma_start3A_125 = tpu.memref_slice %arg7[%dma_start3A_122, %dma_start3A_123, %dma_start3A_124] : memref<5x64x256xf32, #tpu.memory_space<vmem>> -> memref<1x64x256xf32, #tpu.memory_space<vmem>>
    %dma_start3A_126 = tpu.memref_squeeze %dma_start3A_125 : memref<1x64x256xf32, #tpu.memory_space<vmem>> -> memref<64x256xf32, #tpu.memory_space<vmem>>
    %dma_start3A_127 = arith.constant 0 : i32
    %dma_start3A_128 = tpu.memref_slice %arg6[%dma_start3A_121, %dma_start3A_127] : memref<5x64xi32, #tpu.memory_space<vmem>> -> memref<1x64xi32, #tpu.memory_space<vmem>>
    %dma_start3A_129 = tpu.memref_squeeze %dma_start3A_128 : memref<1x64xi32, #tpu.memory_space<vmem>> -> memref<64xi32, #tpu.memory_space<vmem>>
    %dma_start3A_130 = arith.constant 0 : i32
    %dma_start3A_131 = arith.constant 0 : i32
    %dma_start3A_132 = tpu.memref_slice %arg3[%dma_start3A_130, %dma_start3A_131] : memref<16384x256xf32, #tpu.memory_space<hbm>> -> memref<16384x256xf32, #tpu.memory_space<hbm>>
    tpu.enqueue_indirect_dma source(%dma_start3A_132 : memref<16384x256xf32, #tpu.memory_space<hbm>>) target(%dma_start3A_126 : memref<64x256xf32, #tpu.memory_space<vmem>>) offsets(%dma_start3A_129 : memref<64xi32, #tpu.memory_space<vmem>>) semaphore(%arg11 : memref<!tpu.dma_semaphore, #tpu.memory_space<semaphore_mem>>)
    %dma_wait3A_133 = arith.constant 2 : i32
    %dma_wait3A_134 = arith.constant 2 : i32
    %dma_wait3A_135 = arith.constant 0 : i32
    %dma_wait3A_136 = arith.constant 0 : i32
    %dma_wait3A_137 = tpu.memref_slice %arg7[%dma_wait3A_134, %dma_wait3A_135, %dma_wait3A_136] : memref<5x64x256xf32, #tpu.memory_space<vmem>> -> memref<1x64x256xf32, #tpu.memory_space<vmem>>
    %dma_wait3A_138 = tpu.memref_squeeze %dma_wait3A_137 : memref<1x64x256xf32, #tpu.memory_space<vmem>> -> memref<64x256xf32, #tpu.memory_space<vmem>>
    %dma_wait3A_139 = arith.constant 0 : i32
    %dma_wait3A_140 = tpu.memref_slice %arg6[%dma_wait3A_133, %dma_wait3A_139] : memref<5x64xi32, #tpu.memory_space<vmem>> -> memref<1x64xi32, #tpu.memory_space<vmem>>
    %dma_wait3A_141 = tpu.memref_squeeze %dma_wait3A_140 : memref<1x64xi32, #tpu.memory_space<vmem>> -> memref<64xi32, #tpu.memory_space<vmem>>
    %dma_wait3A_142 = arith.constant 0 : i32
    %dma_wait3A_143 = arith.constant 0 : i32
    %dma_wait3A_144 = tpu.memref_slice %arg3[%dma_wait3A_142, %dma_wait3A_143] : memref<16384x256xf32, #tpu.memory_space<hbm>> -> memref<16384x256xf32, #tpu.memory_space<hbm>>
    tpu.wait_indirect_dma semaphore(%arg10 : memref<!tpu.dma_semaphore, #tpu.memory_space<semaphore_mem>>) src(%dma_wait3A_144 : memref<16384x256xf32, #tpu.memory_space<hbm>>) dst(%dma_wait3A_138 : memref<64x256xf32, #tpu.memory_space<vmem>>)
    %dma_wait3A_145 = arith.constant 0 : i32
    %dma_wait3A_146 = arith.constant 0 : i32
    %dma_wait3A_147 = arith.constant 0 : i32
    %dma_wait3A_148 = tpu.memref_slice %arg7[%dma_wait3A_145, %dma_wait3A_146, %dma_wait3A_147] : memref<5x64x256xf32, #tpu.memory_space<vmem>> -> memref<1x64x256xf32, #tpu.memory_space<vmem>>
    %dma_wait3A_149 = tpu.memref_squeeze %dma_wait3A_148 : memref<1x64x256xf32, #tpu.memory_space<vmem>> -> memref<64x256xf32, #tpu.memory_space<vmem>>
    %dma_wait3A_150 = arith.constant 0 : i32
    %dma_wait3A_151 = tpu.memref_slice %arg4[%add3A_64, %dma_wait3A_150] : memref<16384x256xf32, #tpu.memory_space<hbm>> -> memref<64x256xf32, #tpu.memory_space<hbm>>
    %dma_wait3A_152 = arith.constant 0 : i32
    %dma_wait3A_153 = tpu.memref_slice %arg4[%add3A_64, %dma_wait3A_152] : memref<16384x256xf32, #tpu.memory_space<hbm>> -> memref<64x256xf32, #tpu.memory_space<hbm>>
    %dma_wait3A_154 = arith.constant 0 : i32
    %dma_wait3A_155 = arith.constant 0 : i32
    %dma_wait3A_156 = tpu.memref_slice %arg7[%dma_wait3A_145, %dma_wait3A_154, %dma_wait3A_155] : memref<5x64x256xf32, #tpu.memory_space<vmem>> -> memref<1x64x256xf32, #tpu.memory_space<vmem>>
    %dma_wait3A_157 = tpu.memref_squeeze %dma_wait3A_156 : memref<1x64x256xf32, #tpu.memory_space<vmem>> -> memref<64x256xf32, #tpu.memory_space<vmem>>
    tpu.wait_dma2 semaphore(%arg13 : memref<!tpu.dma_semaphore, #tpu.memory_space<semaphore_mem>>) src(%dma_wait3A_157 : memref<64x256xf32, #tpu.memory_space<vmem>>) dst(%dma_wait3A_153 : memref<64x256xf32, #tpu.memory_space<hbm>>)
    %mul3A_158 = arith.constant 320 : i32
    %mul3A_159 = arith.muli %add3A, %mul3A_158 : i32
    %add3A_160 = arith.constant 0 : i32
    %add3A_161 = arith.addi %add3A_160, %mul3A_159 : i32
    %add3A_162 = arith.constant 128 : i32
    %add3A_163 = arith.addi %add3A_161, %add3A_162 : i32
    %dma_start3A_164 = arith.constant 2 : i32
    %dma_start3A_165 = arith.constant 0 : i32
    %dma_start3A_166 = arith.constant 0 : i32
    %dma_start3A_167 = tpu.memref_slice %arg7[%dma_start3A_164, %dma_start3A_165, %dma_start3A_166] : memref<5x64x256xf32, #tpu.memory_space<vmem>> -> memref<1x64x256xf32, #tpu.memory_space<vmem>>
    %dma_start3A_168 = tpu.memref_squeeze %dma_start3A_167 : memref<1x64x256xf32, #tpu.memory_space<vmem>> -> memref<64x256xf32, #tpu.memory_space<vmem>>
    %dma_start3A_169 = arith.constant 0 : i32
    %dma_start3A_170 = tpu.memref_slice %arg4[%add3A_163, %dma_start3A_169] : memref<16384x256xf32, #tpu.memory_space<hbm>> -> memref<64x256xf32, #tpu.memory_space<hbm>>
    %dma_start3A_171 = arith.constant 0 : i32
    %dma_start3A_172 = tpu.memref_slice %arg4[%add3A_163, %dma_start3A_171] : memref<16384x256xf32, #tpu.memory_space<hbm>> -> memref<64x256xf32, #tpu.memory_space<hbm>>
    %dma_start3A_173 = arith.constant 0 : i32
    %dma_start3A_174 = arith.constant 0 : i32
    %dma_start3A_175 = tpu.memref_slice %arg7[%dma_start3A_164, %dma_start3A_173, %dma_start3A_174] : memref<5x64x256xf32, #tpu.memory_space<vmem>> -> memref<1x64x256xf32, #tpu.memory_space<vmem>>
    %dma_start3A_176 = tpu.memref_squeeze %dma_start3A_175 : memref<1x64x256xf32, #tpu.memory_space<vmem>> -> memref<64x256xf32, #tpu.memory_space<vmem>>
    tpu.enqueue_dma source(%dma_start3A_176 : memref<64x256xf32, #tpu.memory_space<vmem>>) target(%dma_start3A_172 : memref<64x256xf32, #tpu.memory_space<hbm>>) target_semaphore(%arg15 : memref<!tpu.dma_semaphore, #tpu.memory_space<semaphore_mem>>)
    %dma_start3A_177 = arith.constant 4 : i32
    %dma_start3A_178 = arith.constant 4 : i32
    %dma_start3A_179 = arith.constant 0 : i32
    %dma_start3A_180 = arith.constant 0 : i32
    %dma_start3A_181 = tpu.memref_slice %arg7[%dma_start3A_178, %dma_start3A_179, %dma_start3A_180] : memref<5x64x256xf32, #tpu.memory_space<vmem>> -> memref<1x64x256xf32, #tpu.memory_space<vmem>>
    %dma_start3A_182 = tpu.memref_squeeze %dma_start3A_181 : memref<1x64x256xf32, #tpu.memory_space<vmem>> -> memref<64x256xf32, #tpu.memory_space<vmem>>
    %dma_start3A_183 = arith.constant 0 : i32
    %dma_start3A_184 = tpu.memref_slice %arg6[%dma_start3A_177, %dma_start3A_183] : memref<5x64xi32, #tpu.memory_space<vmem>> -> memref<1x64xi32, #tpu.memory_space<vmem>>
    %dma_start3A_185 = tpu.memref_squeeze %dma_start3A_184 : memref<1x64xi32, #tpu.memory_space<vmem>> -> memref<64xi32, #tpu.memory_space<vmem>>
    %dma_start3A_186 = arith.constant 0 : i32
    %dma_start3A_187 = arith.constant 0 : i32
    %dma_start3A_188 = tpu.memref_slice %arg3[%dma_start3A_186, %dma_start3A_187] : memref<16384x256xf32, #tpu.memory_space<hbm>> -> memref<16384x256xf32, #tpu.memory_space<hbm>>
    tpu.enqueue_indirect_dma source(%dma_start3A_188 : memref<16384x256xf32, #tpu.memory_space<hbm>>) target(%dma_start3A_182 : memref<64x256xf32, #tpu.memory_space<vmem>>) offsets(%dma_start3A_185 : memref<64xi32, #tpu.memory_space<vmem>>) semaphore(%arg12 : memref<!tpu.dma_semaphore, #tpu.memory_space<semaphore_mem>>)
    %dma_wait3A_189 = arith.constant 3 : i32
    %dma_wait3A_190 = arith.constant 3 : i32
    %dma_wait3A_191 = arith.constant 0 : i32
    %dma_wait3A_192 = arith.constant 0 : i32
    %dma_wait3A_193 = tpu.memref_slice %arg7[%dma_wait3A_190, %dma_wait3A_191, %dma_wait3A_192] : memref<5x64x256xf32, #tpu.memory_space<vmem>> -> memref<1x64x256xf32, #tpu.memory_space<vmem>>
    %dma_wait3A_194 = tpu.memref_squeeze %dma_wait3A_193 : memref<1x64x256xf32, #tpu.memory_space<vmem>> -> memref<64x256xf32, #tpu.memory_space<vmem>>
    %dma_wait3A_195 = arith.constant 0 : i32
    %dma_wait3A_196 = tpu.memref_slice %arg6[%dma_wait3A_189, %dma_wait3A_195] : memref<5x64xi32, #tpu.memory_space<vmem>> -> memref<1x64xi32, #tpu.memory_space<vmem>>
    %dma_wait3A_197 = tpu.memref_squeeze %dma_wait3A_196 : memref<1x64xi32, #tpu.memory_space<vmem>> -> memref<64xi32, #tpu.memory_space<vmem>>
    %dma_wait3A_198 = arith.constant 0 : i32
    %dma_wait3A_199 = arith.constant 0 : i32
    %dma_wait3A_200 = tpu.memref_slice %arg3[%dma_wait3A_198, %dma_wait3A_199] : memref<16384x256xf32, #tpu.memory_space<hbm>> -> memref<16384x256xf32, #tpu.memory_space<hbm>>
    tpu.wait_indirect_dma semaphore(%arg11 : memref<!tpu.dma_semaphore, #tpu.memory_space<semaphore_mem>>) src(%dma_wait3A_200 : memref<16384x256xf32, #tpu.memory_space<hbm>>) dst(%dma_wait3A_194 : memref<64x256xf32, #tpu.memory_space<vmem>>)
    %dma_wait3A_201 = arith.constant 1 : i32
    %dma_wait3A_202 = arith.constant 0 : i32
    %dma_wait3A_203 = arith.constant 0 : i32
    %dma_wait3A_204 = tpu.memref_slice %arg7[%dma_wait3A_201, %dma_wait3A_202, %dma_wait3A_203] : memref<5x64x256xf32, #tpu.memory_space<vmem>> -> memref<1x64x256xf32, #tpu.memory_space<vmem>>
    %dma_wait3A_205 = tpu.memref_squeeze %dma_wait3A_204 : memref<1x64x256xf32, #tpu.memory_space<vmem>> -> memref<64x256xf32, #tpu.memory_space<vmem>>
    %dma_wait3A_206 = arith.constant 0 : i32
    %dma_wait3A_207 = tpu.memref_slice %arg4[%add3A_107, %dma_wait3A_206] : memref<16384x256xf32, #tpu.memory_space<hbm>> -> memref<64x256xf32, #tpu.memory_space<hbm>>
    %dma_wait3A_208 = arith.constant 0 : i32
    %dma_wait3A_209 = tpu.memref_slice %arg4[%add3A_107, %dma_wait3A_208] : memref<16384x256xf32, #tpu.memory_space<hbm>> -> memref<64x256xf32, #tpu.memory_space<hbm>>
    %dma_wait3A_210 = arith.constant 0 : i32
    %dma_wait3A_211 = arith.constant 0 : i32
    %dma_wait3A_212 = tpu.memref_slice %arg7[%dma_wait3A_201, %dma_wait3A_210, %dma_wait3A_211] : memref<5x64x256xf32, #tpu.memory_space<vmem>> -> memref<1x64x256xf32, #tpu.memory_space<vmem>>
    %dma_wait3A_213 = tpu.memref_squeeze %dma_wait3A_212 : memref<1x64x256xf32, #tpu.memory_space<vmem>> -> memref<64x256xf32, #tpu.memory_space<vmem>>
    tpu.wait_dma2 semaphore(%arg14 : memref<!tpu.dma_semaphore, #tpu.memory_space<semaphore_mem>>) src(%dma_wait3A_213 : memref<64x256xf32, #tpu.memory_space<vmem>>) dst(%dma_wait3A_209 : memref<64x256xf32, #tpu.memory_space<hbm>>)
    %mul3A_214 = arith.constant 320 : i32
    %mul3A_215 = arith.muli %add3A, %mul3A_214 : i32
    %add3A_216 = arith.constant 0 : i32
    %add3A_217 = arith.addi %add3A_216, %mul3A_215 : i32
    %add3A_218 = arith.constant 192 : i32
    %add3A_219 = arith.addi %add3A_217, %add3A_218 : i32
    %dma_start3A_220 = arith.constant 3 : i32
    %dma_start3A_221 = arith.constant 0 : i32
    %dma_start3A_222 = arith.constant 0 : i32
    %dma_start3A_223 = tpu.memref_slice %arg7[%dma_start3A_220, %dma_start3A_221, %dma_start3A_222] : memref<5x64x256xf32, #tpu.memory_space<vmem>> -> memref<1x64x256xf32, #tpu.memory_space<vmem>>
    %dma_start3A_224 = tpu.memref_squeeze %dma_start3A_223 : memref<1x64x256xf32, #tpu.memory_space<vmem>> -> memref<64x256xf32, #tpu.memory_space<vmem>>
    %dma_start3A_225 = arith.constant 0 : i32
    %dma_start3A_226 = tpu.memref_slice %arg4[%add3A_219, %dma_start3A_225] : memref<16384x256xf32, #tpu.memory_space<hbm>> -> memref<64x256xf32, #tpu.memory_space<hbm>>
    %dma_start3A_227 = arith.constant 0 : i32
    %dma_start3A_228 = tpu.memref_slice %arg4[%add3A_219, %dma_start3A_227] : memref<16384x256xf32, #tpu.memory_space<hbm>> -> memref<64x256xf32, #tpu.memory_space<hbm>>
    %dma_start3A_229 = arith.constant 0 : i32
    %dma_start3A_230 = arith.constant 0 : i32
    %dma_start3A_231 = tpu.memref_slice %arg7[%dma_start3A_220, %dma_start3A_229, %dma_start3A_230] : memref<5x64x256xf32, #tpu.memory_space<vmem>> -> memref<1x64x256xf32, #tpu.memory_space<vmem>>
    %dma_start3A_232 = tpu.memref_squeeze %dma_start3A_231 : memref<1x64x256xf32, #tpu.memory_space<vmem>> -> memref<64x256xf32, #tpu.memory_space<vmem>>
    tpu.enqueue_dma source(%dma_start3A_232 : memref<64x256xf32, #tpu.memory_space<vmem>>) target(%dma_start3A_228 : memref<64x256xf32, #tpu.memory_space<hbm>>) target_semaphore(%arg16 : memref<!tpu.dma_semaphore, #tpu.memory_space<semaphore_mem>>)
    %dma_wait3A_233 = arith.constant 4 : i32
    %dma_wait3A_234 = arith.constant 4 : i32
    %dma_wait3A_235 = arith.constant 0 : i32
    %dma_wait3A_236 = arith.constant 0 : i32
    %dma_wait3A_237 = tpu.memref_slice %arg7[%dma_wait3A_234, %dma_wait3A_235, %dma_wait3A_236] : memref<5x64x256xf32, #tpu.memory_space<vmem>> -> memref<1x64x256xf32, #tpu.memory_space<vmem>>
    %dma_wait3A_238 = tpu.memref_squeeze %dma_wait3A_237 : memref<1x64x256xf32, #tpu.memory_space<vmem>> -> memref<64x256xf32, #tpu.memory_space<vmem>>
    %dma_wait3A_239 = arith.constant 0 : i32
    %dma_wait3A_240 = tpu.memref_slice %arg6[%dma_wait3A_233, %dma_wait3A_239] : memref<5x64xi32, #tpu.memory_space<vmem>> -> memref<1x64xi32, #tpu.memory_space<vmem>>
    %dma_wait3A_241 = tpu.memref_squeeze %dma_wait3A_240 : memref<1x64xi32, #tpu.memory_space<vmem>> -> memref<64xi32, #tpu.memory_space<vmem>>
    %dma_wait3A_242 = arith.constant 0 : i32
    %dma_wait3A_243 = arith.constant 0 : i32
    %dma_wait3A_244 = tpu.memref_slice %arg3[%dma_wait3A_242, %dma_wait3A_243] : memref<16384x256xf32, #tpu.memory_space<hbm>> -> memref<16384x256xf32, #tpu.memory_space<hbm>>
    tpu.wait_indirect_dma semaphore(%arg12 : memref<!tpu.dma_semaphore, #tpu.memory_space<semaphore_mem>>) src(%dma_wait3A_244 : memref<16384x256xf32, #tpu.memory_space<hbm>>) dst(%dma_wait3A_238 : memref<64x256xf32, #tpu.memory_space<vmem>>)
    %dma_wait3A_245 = arith.constant 2 : i32
    %dma_wait3A_246 = arith.constant 0 : i32
    %dma_wait3A_247 = arith.constant 0 : i32
    %dma_wait3A_248 = tpu.memref_slice %arg7[%dma_wait3A_245, %dma_wait3A_246, %dma_wait3A_247] : memref<5x64x256xf32, #tpu.memory_space<vmem>> -> memref<1x64x256xf32, #tpu.memory_space<vmem>>
    %dma_wait3A_249 = tpu.memref_squeeze %dma_wait3A_248 : memref<1x64x256xf32, #tpu.memory_space<vmem>> -> memref<64x256xf32, #tpu.memory_space<vmem>>
    %dma_wait3A_250 = arith.constant 0 : i32
    %dma_wait3A_251 = tpu.memref_slice %arg4[%add3A_163, %dma_wait3A_250] : memref<16384x256xf32, #tpu.memory_space<hbm>> -> memref<64x256xf32, #tpu.memory_space<hbm>>
    %dma_wait3A_252 = arith.constant 0 : i32
    %dma_wait3A_253 = tpu.memref_slice %arg4[%add3A_163, %dma_wait3A_252] : memref<16384x256xf32, #tpu.memory_space<hbm>> -> memref<64x256xf32, #tpu.memory_space<hbm>>
    %dma_wait3A_254 = arith.constant 0 : i32
    %dma_wait3A_255 = arith.constant 0 : i32
    %dma_wait3A_256 = tpu.memref_slice %arg7[%dma_wait3A_245, %dma_wait3A_254, %dma_wait3A_255] : memref<5x64x256xf32, #tpu.memory_space<vmem>> -> memref<1x64x256xf32, #tpu.memory_space<vmem>>
    %dma_wait3A_257 = tpu.memref_squeeze %dma_wait3A_256 : memref<1x64x256xf32, #tpu.memory_space<vmem>> -> memref<64x256xf32, #tpu.memory_space<vmem>>
    tpu.wait_dma2 semaphore(%arg15 : memref<!tpu.dma_semaphore, #tpu.memory_space<semaphore_mem>>) src(%dma_wait3A_257 : memref<64x256xf32, #tpu.memory_space<vmem>>) dst(%dma_wait3A_253 : memref<64x256xf32, #tpu.memory_space<hbm>>)
    %mul3A_258 = arith.constant 320 : i32
    %mul3A_259 = arith.muli %add3A, %mul3A_258 : i32
    %add3A_260 = arith.constant 0 : i32
    %add3A_261 = arith.addi %add3A_260, %mul3A_259 : i32
    %add3A_262 = arith.constant 256 : i32
    %add3A_263 = arith.addi %add3A_261, %add3A_262 : i32
    %dma_start3A_264 = arith.constant 4 : i32
    %dma_start3A_265 = arith.constant 0 : i32
    %dma_start3A_266 = arith.constant 0 : i32
    %dma_start3A_267 = tpu.memref_slice %arg7[%dma_start3A_264, %dma_start3A_265, %dma_start3A_266] : memref<5x64x256xf32, #tpu.memory_space<vmem>> -> memref<1x64x256xf32, #tpu.memory_space<vmem>>
    %dma_start3A_268 = tpu.memref_squeeze %dma_start3A_267 : memref<1x64x256xf32, #tpu.memory_space<vmem>> -> memref<64x256xf32, #tpu.memory_space<vmem>>
    %dma_start3A_269 = arith.constant 0 : i32
    %dma_start3A_270 = tpu.memref_slice %arg4[%add3A_263, %dma_start3A_269] : memref<16384x256xf32, #tpu.memory_space<hbm>> -> memref<64x256xf32, #tpu.memory_space<hbm>>
    %dma_start3A_271 = arith.constant 0 : i32
    %dma_start3A_272 = tpu.memref_slice %arg4[%add3A_263, %dma_start3A_271] : memref<16384x256xf32, #tpu.memory_space<hbm>> -> memref<64x256xf32, #tpu.memory_space<hbm>>
    %dma_start3A_273 = arith.constant 0 : i32
    %dma_start3A_274 = arith.constant 0 : i32
    %dma_start3A_275 = tpu.memref_slice %arg7[%dma_start3A_264, %dma_start3A_273, %dma_start3A_274] : memref<5x64x256xf32, #tpu.memory_space<vmem>> -> memref<1x64x256xf32, #tpu.memory_space<vmem>>
    %dma_start3A_276 = tpu.memref_squeeze %dma_start3A_275 : memref<1x64x256xf32, #tpu.memory_space<vmem>> -> memref<64x256xf32, #tpu.memory_space<vmem>>
    tpu.enqueue_dma source(%dma_start3A_276 : memref<64x256xf32, #tpu.memory_space<vmem>>) target(%dma_start3A_272 : memref<64x256xf32, #tpu.memory_space<hbm>>) target_semaphore(%arg17 : memref<!tpu.dma_semaphore, #tpu.memory_space<semaphore_mem>>)
    %dma_wait3A_277 = arith.constant 3 : i32
    %dma_wait3A_278 = arith.constant 0 : i32
    %dma_wait3A_279 = arith.constant 0 : i32
    %dma_wait3A_280 = tpu.memref_slice %arg7[%dma_wait3A_277, %dma_wait3A_278, %dma_wait3A_279] : memref<5x64x256xf32, #tpu.memory_space<vmem>> -> memref<1x64x256xf32, #tpu.memory_space<vmem>>
    %dma_wait3A_281 = tpu.memref_squeeze %dma_wait3A_280 : memref<1x64x256xf32, #tpu.memory_space<vmem>> -> memref<64x256xf32, #tpu.memory_space<vmem>>
    %dma_wait3A_282 = arith.constant 0 : i32
    %dma_wait3A_283 = tpu.memref_slice %arg4[%add3A_219, %dma_wait3A_282] : memref<16384x256xf32, #tpu.memory_space<hbm>> -> memref<64x256xf32, #tpu.memory_space<hbm>>
    %dma_wait3A_284 = arith.constant 0 : i32
    %dma_wait3A_285 = tpu.memref_slice %arg4[%add3A_219, %dma_wait3A_284] : memref<16384x256xf32, #tpu.memory_space<hbm>> -> memref<64x256xf32, #tpu.memory_space<hbm>>
    %dma_wait3A_286 = arith.constant 0 : i32
    %dma_wait3A_287 = arith.constant 0 : i32
    %dma_wait3A_288 = tpu.memref_slice %arg7[%dma_wait3A_277, %dma_wait3A_286, %dma_wait3A_287] : memref<5x64x256xf32, #tpu.memory_space<vmem>> -> memref<1x64x256xf32, #tpu.memory_space<vmem>>
    %dma_wait3A_289 = tpu.memref_squeeze %dma_wait3A_288 : memref<1x64x256xf32, #tpu.memory_space<vmem>> -> memref<64x256xf32, #tpu.memory_space<vmem>>
    tpu.wait_dma2 semaphore(%arg16 : memref<!tpu.dma_semaphore, #tpu.memory_space<semaphore_mem>>) src(%dma_wait3A_289 : memref<64x256xf32, #tpu.memory_space<vmem>>) dst(%dma_wait3A_285 : memref<64x256xf32, #tpu.memory_space<hbm>>)
    %dma_wait3A_290 = arith.constant 4 : i32
    %dma_wait3A_291 = arith.constant 0 : i32
    %dma_wait3A_292 = arith.constant 0 : i32
    %dma_wait3A_293 = tpu.memref_slice %arg7[%dma_wait3A_290, %dma_wait3A_291, %dma_wait3A_292] : memref<5x64x256xf32, #tpu.memory_space<vmem>> -> memref<1x64x256xf32, #tpu.memory_space<vmem>>
    %dma_wait3A_294 = tpu.memref_squeeze %dma_wait3A_293 : memref<1x64x256xf32, #tpu.memory_space<vmem>> -> memref<64x256xf32, #tpu.memory_space<vmem>>
    %dma_wait3A_295 = arith.constant 0 : i32
    %dma_wait3A_296 = tpu.memref_slice %arg4[%add3A_263, %dma_wait3A_295] : memref<16384x256xf32, #tpu.memory_space<hbm>> -> memref<64x256xf32, #tpu.memory_space<hbm>>
    %dma_wait3A_297 = arith.constant 0 : i32
    %dma_wait3A_298 = tpu.memref_slice %arg4[%add3A_263, %dma_wait3A_297] : memref<16384x256xf32, #tpu.memory_space<hbm>> -> memref<64x256xf32, #tpu.memory_space<hbm>>
    %dma_wait3A_299 = arith.constant 0 : i32
    %dma_wait3A_300 = arith.constant 0 : i32
    %dma_wait3A_301 = tpu.memref_slice %arg7[%dma_wait3A_290, %dma_wait3A_299, %dma_wait3A_300] : memref<5x64x256xf32, #tpu.memory_space<vmem>> -> memref<1x64x256xf32, #tpu.memory_space<vmem>>
    %dma_wait3A_302 = tpu.memref_squeeze %dma_wait3A_301 : memref<1x64x256xf32, #tpu.memory_space<vmem>> -> memref<64x256xf32, #tpu.memory_space<vmem>>
    tpu.wait_dma2 semaphore(%arg17 : memref<!tpu.dma_semaphore, #tpu.memory_space<semaphore_mem>>) src(%dma_wait3A_302 : memref<64x256xf32, #tpu.memory_space<vmem>>) dst(%dma_wait3A_298 : memref<64x256xf32, #tpu.memory_space<hbm>>)
    return
  }
}

module attributes {stable_mosaic.version = 14 : i64} {
  func.func @_norm_body(%arg0: memref<80x128xf32, #tpu.memory_space<vmem>>, %arg1: memref<48x128xf32, #tpu.memory_space<vmem>>, %arg2: memref<128x128xf32, #tpu.memory_space<vmem>>) attributes {dimension_semantics = [], scalar_prefetch = 0 : i64, scratch_operands = 0 : i64, tpu.core_type = #tpu.core_type<tc>} {
    %get3A = arith.constant 0 : index
    %get3A_0 = arith.constant 0 : index
    %get3A_1 = vector.load %arg0[%get3A, %get3A_0] : memref<80x128xf32, #tpu.memory_space<vmem>>, vector<80x128xf32>
    %get3A_2 = arith.constant 0 : index
    %get3A_3 = arith.constant 0 : index
    %get3A_4 = vector.load %arg1[%get3A_2, %get3A_3] : memref<48x128xf32, #tpu.memory_space<vmem>>, vector<48x128xf32>
    %concatenate3A = tpu.concatenate %get3A_1, %get3A_4 in 0 : vector<80x128xf32>, vector<48x128xf32> -> vector<128x128xf32>
    %reduce_max3A = arith.constant dense<0xFF800000> : vector<128xf32>
    %reduce_max3A_5 = vector.multi_reduction <maximumf>, %concatenate3A, %reduce_max3A [0] : vector<128x128xf32> to vector<128xf32>
    %broadcast_in_dim3A = vector.shape_cast %reduce_max3A_5 : vector<128xf32> to vector<1x128xf32>
    %sub3A = vector.broadcast %broadcast_in_dim3A : vector<1x128xf32> to vector<128x128xf32>
    %sub3A_6 = arith.subf %concatenate3A, %sub3A : vector<128x128xf32>
    %exp3A = math.exp %sub3A_6 : vector<128x128xf32>
    %reduce_sum3A = arith.constant dense<0.000000e+00> : vector<128xf32>
    %reduce_sum3A_7 = vector.multi_reduction <add>, %exp3A, %reduce_sum3A [0] : vector<128x128xf32> to vector<128xf32>
    %broadcast_in_dim3A_8 = vector.shape_cast %reduce_sum3A_7 : vector<128xf32> to vector<1x128xf32>
    %log3A = math.log %broadcast_in_dim3A_8 : vector<1x128xf32>
    %add3A = arith.addf %broadcast_in_dim3A, %log3A : vector<1x128xf32>
    %sub3A_9 = vector.broadcast %add3A : vector<1x128xf32> to vector<128x128xf32>
    %sub3A_10 = arith.subf %concatenate3A, %sub3A_9 : vector<128x128xf32>
    %swap3A = arith.constant 0 : index
    %swap3A_11 = arith.constant 0 : index
    %swap3A_12 = vector.load %arg2[%swap3A, %swap3A_11] : memref<128x128xf32, #tpu.memory_space<vmem>>, vector<128x128xf32>
    tpu.vector_store %arg2[%swap3A, %swap3A_11], %sub3A_10 {strides = array<i32>} : memref<128x128xf32, #tpu.memory_space<vmem>>, vector<128x128xf32>,
    return
  }
}

module attributes {stable_mosaic.version = 14 : i64} {
  func.func @_sample_a_body(%arg0: memref<128x128xf32, #tpu.memory_space<vmem>>, %arg1: memref<80x128xi32, #tpu.memory_space<vmem>>, %arg2: memref<80x128xf32, #tpu.memory_space<vmem>>) attributes {dimension_semantics = [], scalar_prefetch = 0 : i64, scratch_operands = 0 : i64, tpu.core_type = #tpu.core_type<tc>} {
    %get3A = arith.constant 0 : index
    %get3A_0 = arith.constant 0 : index
    %get3A_1 = vector.load %arg0[%get3A, %get3A_0] : memref<128x128xf32, #tpu.memory_space<vmem>>, vector<128x128xf32>
    %exp3A = math.exp %get3A_1 : vector<128x128xf32>
    %mul3A = arith.constant 5.000000e-01 : f32
    %mul3A_2 = vector.broadcast %mul3A : f32 to vector<128x128xf32>
    %mul3A_3 = arith.mulf %mul3A_2, %exp3A : vector<128x128xf32>
    %add3A = arith.constant 3.906250e-03 : f32
    %add3A_4 = vector.broadcast %add3A : f32 to vector<128x128xf32>
    %add3A_5 = arith.addf %mul3A_3, %add3A_4 : vector<128x128xf32>
    %log3A = math.log %add3A_5 : vector<128x128xf32>
    %sub3A = arith.subf %get3A_1, %log3A : vector<128x128xf32>
    %iota3A = tpu.iota {dimensions = array<i32: 0>} : vector<128x128xi32>
    %iota3A_6 = tpu.iota {dimensions = array<i32: 1>} : vector<128x128xi32>
    %mul3A_7 = arith.constant 128 : i32
    %mul3A_8 = vector.broadcast %mul3A_7 : i32 to vector<128x128xi32>
    %mul3A_9 = arith.muli %iota3A_6, %mul3A_8 : vector<128x128xi32>
    %add3A_10 = arith.addi %mul3A_9, %iota3A : vector<128x128xi32>
    %iota3A_11 = tpu.iota {dimensions = array<i32: 0>} : vector<128x128xi32>
    %iota3A_12 = tpu.iota {dimensions = array<i32: 1>} : vector<1x128xi32>
    %scan3A = arith.constant 0 : i32
    %scan3A_13 = arith.constant 10 : i32
    %scan3A_14 = arith.addi %scan3A, %scan3A_13 : i32
    %scan3A_15 = arith.constant 1 : i32
    scf.for %scan3A_17 = %scan3A to %scan3A_14 step %scan3A_15  : i32 {
      %mul3A_18 = arith.constant 8 : i32
      %mul3A_19 = arith.muli %mul3A_18, %scan3A_17 : i32
      %add3A_20 = arith.constant 0 : i32
      %add3A_21 = arith.addi %mul3A_19, %add3A_20 : i32
      %add3A_22 = arith.constant 0 : i32
      %add3A_23 = arith.addi %add3A_21, %add3A_22 : i32
      %mul3A_24 = arith.constant 16384 : i32
      %mul3A_25 = arith.muli %add3A_23, %mul3A_24 : i32
      %add3A_26 = vector.broadcast %mul3A_25 : i32 to vector<128x128xi32>
      %add3A_27 = arith.addi %add3A_10, %add3A_26 : vector<128x128xi32>
      %xor3A = arith.constant 0 : i32
      %xor3A_28 = arith.constant 42 : i32
      %xor3A_29 = arith.xori %xor3A, %xor3A_28 : i32
      %xor3A_30 = arith.constant 466688986 : i32
      %xor3A_31 = arith.xori %xor3A_29, %xor3A_30 : i32
      %add3A_32 = arith.constant 42 : i32
      %add3A_33 = vector.broadcast %add3A_32 : i32 to vector<128x128xi32>
      %add3A_34 = arith.addi %add3A_27, %add3A_33 : vector<128x128xi32>
      %shift_left3A = arith.constant 13 : i32
      %shift_left3A_35 = vector.broadcast %shift_left3A : i32 to vector<128x128xi32>
      %shift_left3A_36 = arith.shli %add3A_34, %shift_left3A_35 : vector<128x128xi32>
      %shift_right_logical3A = arith.constant 19 : i32
      %shift_right_logical3A_37 = vector.broadcast %shift_right_logical3A : i32 to vector<128x128xi32>
      %shift_right_logical3A_38 = arith.shrui %add3A_34, %shift_right_logical3A_37 : vector<128x128xi32>
      %or3A = arith.ori %shift_left3A_36, %shift_right_logical3A_38 : vector<128x128xi32>
      %xor3A_39 = arith.xori %or3A, %add3A_34 : vector<128x128xi32>
      %add3A_40 = arith.addi %add3A_34, %xor3A_39 : vector<128x128xi32>
      %shift_left3A_41 = arith.constant 15 : i32
      %shift_left3A_42 = vector.broadcast %shift_left3A_41 : i32 to vector<128x128xi32>
      %shift_left3A_43 = arith.shli %xor3A_39, %shift_left3A_42 : vector<128x128xi32>
      %shift_right_logical3A_44 = arith.constant 17 : i32
      %shift_right_logical3A_45 = vector.broadcast %shift_right_logical3A_44 : i32 to vector<128x128xi32>
      %shift_right_logical3A_46 = arith.shrui %xor3A_39, %shift_right_logical3A_45 : vector<128x128xi32>
      %or3A_47 = arith.ori %shift_left3A_43, %shift_right_logical3A_46 : vector<128x128xi32>
      %xor3A_48 = arith.xori %or3A_47, %add3A_40 : vector<128x128xi32>
      %add3A_49 = arith.addi %add3A_40, %xor3A_48 : vector<128x128xi32>
      %shift_left3A_50 = arith.constant 26 : i32
      %shift_left3A_51 = vector.broadcast %shift_left3A_50 : i32 to vector<128x128xi32>
      %shift_left3A_52 = arith.shli %xor3A_48, %shift_left3A_51 : vector<128x128xi32>
      %shift_right_logical3A_53 = arith.constant 6 : i32
      %shift_right_logical3A_54 = vector.broadcast %shift_right_logical3A_53 : i32 to vector<128x128xi32>
      %shift_right_logical3A_55 = arith.shrui %xor3A_48, %shift_right_logical3A_54 : vector<128x128xi32>
      %or3A_56 = arith.ori %shift_left3A_52, %shift_right_logical3A_55 : vector<128x128xi32>
      %xor3A_57 = arith.xori %or3A_56, %add3A_49 : vector<128x128xi32>
      %add3A_58 = arith.addi %add3A_49, %xor3A_57 : vector<128x128xi32>
      %shift_left3A_59 = arith.constant 6 : i32
      %shift_left3A_60 = vector.broadcast %shift_left3A_59 : i32 to vector<128x128xi32>
      %shift_left3A_61 = arith.shli %xor3A_57, %shift_left3A_60 : vector<128x128xi32>
      %shift_right_logical3A_62 = arith.constant 26 : i32
      %shift_right_logical3A_63 = vector.broadcast %shift_right_logical3A_62 : i32 to vector<128x128xi32>
      %shift_right_logical3A_64 = arith.shrui %xor3A_57, %shift_right_logical3A_63 : vector<128x128xi32>
      %or3A_65 = arith.ori %shift_left3A_61, %shift_right_logical3A_64 : vector<128x128xi32>
      %xor3A_66 = arith.xori %or3A_65, %add3A_58 : vector<128x128xi32>
      %add3A_67 = arith.constant 42 : i32
      %add3A_68 = vector.broadcast %add3A_67 : i32 to vector<128x128xi32>
      %add3A_69 = arith.addi %add3A_58, %add3A_68 : vector<128x128xi32>
      %add3A_70 = vector.broadcast %xor3A_31 : i32 to vector<128x128xi32>
      %add3A_71 = arith.addi %xor3A_66, %add3A_70 : vector<128x128xi32>
      %add3A_72 = arith.constant 1 : i32
      %add3A_73 = vector.broadcast %add3A_72 : i32 to vector<128x128xi32>
      %add3A_74 = arith.addi %add3A_71, %add3A_73 : vector<128x128xi32>
      %add3A_75 = arith.addi %add3A_69, %add3A_74 : vector<128x128xi32>
      %shift_left3A_76 = arith.constant 17 : i32
      %shift_left3A_77 = vector.broadcast %shift_left3A_76 : i32 to vector<128x128xi32>
      %shift_left3A_78 = arith.shli %add3A_74, %shift_left3A_77 : vector<128x128xi32>
      %shift_right_logical3A_79 = arith.constant 15 : i32
      %shift_right_logical3A_80 = vector.broadcast %shift_right_logical3A_79 : i32 to vector<128x128xi32>
      %shift_right_logical3A_81 = arith.shrui %add3A_74, %shift_right_logical3A_80 : vector<128x128xi32>
      %or3A_82 = arith.ori %shift_left3A_78, %shift_right_logical3A_81 : vector<128x128xi32>
      %xor3A_83 = arith.xori %or3A_82, %add3A_75 : vector<128x128xi32>
      %add3A_84 = arith.addi %add3A_75, %xor3A_83 : vector<128x128xi32>
      %shift_left3A_85 = arith.constant 29 : i32
      %shift_left3A_86 = vector.broadcast %shift_left3A_85 : i32 to vector<128x128xi32>
      %shift_left3A_87 = arith.shli %xor3A_83, %shift_left3A_86 : vector<128x128xi32>
      %shift_right_logical3A_88 = arith.constant 3 : i32
      %shift_right_logical3A_89 = vector.broadcast %shift_right_logical3A_88 : i32 to vector<128x128xi32>
      %shift_right_logical3A_90 = arith.shrui %xor3A_83, %shift_right_logical3A_89 : vector<128x128xi32>
      %or3A_91 = arith.ori %shift_left3A_87, %shift_right_logical3A_90 : vector<128x128xi32>
      %xor3A_92 = arith.xori %or3A_91, %add3A_84 : vector<128x128xi32>
      %add3A_93 = arith.addi %add3A_84, %xor3A_92 : vector<128x128xi32>
      %shift_left3A_94 = arith.constant 16 : i32
      %shift_left3A_95 = vector.broadcast %shift_left3A_94 : i32 to vector<128x128xi32>
      %shift_left3A_96 = arith.shli %xor3A_92, %shift_left3A_95 : vector<128x128xi32>
      %shift_right_logical3A_97 = arith.constant 16 : i32
      %shift_right_logical3A_98 = vector.broadcast %shift_right_logical3A_97 : i32 to vector<128x128xi32>
      %shift_right_logical3A_99 = arith.shrui %xor3A_92, %shift_right_logical3A_98 : vector<128x128xi32>
      %or3A_100 = arith.ori %shift_left3A_96, %shift_right_logical3A_99 : vector<128x128xi32>
      %xor3A_101 = arith.xori %or3A_100, %add3A_93 : vector<128x128xi32>
      %add3A_102 = arith.addi %add3A_93, %xor3A_101 : vector<128x128xi32>
      %shift_left3A_103 = arith.constant 24 : i32
      %shift_left3A_104 = vector.broadcast %shift_left3A_103 : i32 to vector<128x128xi32>
      %shift_left3A_105 = arith.shli %xor3A_101, %shift_left3A_104 : vector<128x128xi32>
      %shift_right_logical3A_106 = arith.constant 8 : i32
      %shift_right_logical3A_107 = vector.broadcast %shift_right_logical3A_106 : i32 to vector<128x128xi32>
      %shift_right_logical3A_108 = arith.shrui %xor3A_101, %shift_right_logical3A_107 : vector<128x128xi32>
      %or3A_109 = arith.ori %shift_left3A_105, %shift_right_logical3A_108 : vector<128x128xi32>
      %xor3A_110 = arith.xori %or3A_109, %add3A_102 : vector<128x128xi32>
      %add3A_111 = vector.broadcast %xor3A_31 : i32 to vector<128x128xi32>
      %add3A_112 = arith.addi %add3A_102, %add3A_111 : vector<128x128xi32>
      %add3A_113 = arith.constant 0 : i32
      %add3A_114 = vector.broadcast %add3A_113 : i32 to vector<128x128xi32>
      %add3A_115 = arith.addi %xor3A_110, %add3A_114 : vector<128x128xi32>
      %add3A_116 = arith.constant 2 : i32
      %add3A_117 = vector.broadcast %add3A_116 : i32 to vector<128x128xi32>
      %add3A_118 = arith.addi %add3A_115, %add3A_117 : vector<128x128xi32>
      %add3A_119 = arith.addi %add3A_112, %add3A_118 : vector<128x128xi32>
      %shift_left3A_120 = arith.constant 13 : i32
      %shift_left3A_121 = vector.broadcast %shift_left3A_120 : i32 to vector<128x128xi32>
      %shift_left3A_122 = arith.shli %add3A_118, %shift_left3A_121 : vector<128x128xi32>
      %shift_right_logical3A_123 = arith.constant 19 : i32
      %shift_right_logical3A_124 = vector.broadcast %shift_right_logical3A_123 : i32 to vector<128x128xi32>
      %shift_right_logical3A_125 = arith.shrui %add3A_118, %shift_right_logical3A_124 : vector<128x128xi32>
      %or3A_126 = arith.ori %shift_left3A_122, %shift_right_logical3A_125 : vector<128x128xi32>
      %xor3A_127 = arith.xori %or3A_126, %add3A_119 : vector<128x128xi32>
      %add3A_128 = arith.addi %add3A_119, %xor3A_127 : vector<128x128xi32>
      %shift_left3A_129 = arith.constant 15 : i32
      %shift_left3A_130 = vector.broadcast %shift_left3A_129 : i32 to vector<128x128xi32>
      %shift_left3A_131 = arith.shli %xor3A_127, %shift_left3A_130 : vector<128x128xi32>
      %shift_right_logical3A_132 = arith.constant 17 : i32
      %shift_right_logical3A_133 = vector.broadcast %shift_right_logical3A_132 : i32 to vector<128x128xi32>
      %shift_right_logical3A_134 = arith.shrui %xor3A_127, %shift_right_logical3A_133 : vector<128x128xi32>
      %or3A_135 = arith.ori %shift_left3A_131, %shift_right_logical3A_134 : vector<128x128xi32>
      %xor3A_136 = arith.xori %or3A_135, %add3A_128 : vector<128x128xi32>
      %add3A_137 = arith.addi %add3A_128, %xor3A_136 : vector<128x128xi32>
      %shift_left3A_138 = arith.constant 26 : i32
      %shift_left3A_139 = vector.broadcast %shift_left3A_138 : i32 to vector<128x128xi32>
      %shift_left3A_140 = arith.shli %xor3A_136, %shift_left3A_139 : vector<128x128xi32>
      %shift_right_logical3A_141 = arith.constant 6 : i32
      %shift_right_logical3A_142 = vector.broadcast %shift_right_logical3A_141 : i32 to vector<128x128xi32>
      %shift_right_logical3A_143 = arith.shrui %xor3A_136, %shift_right_logical3A_142 : vector<128x128xi32>
      %or3A_144 = arith.ori %shift_left3A_140, %shift_right_logical3A_143 : vector<128x128xi32>
      %xor3A_145 = arith.xori %or3A_144, %add3A_137 : vector<128x128xi32>
      %add3A_146 = arith.addi %add3A_137, %xor3A_145 : vector<128x128xi32>
      %shift_left3A_147 = arith.constant 6 : i32
      %shift_left3A_148 = vector.broadcast %shift_left3A_147 : i32 to vector<128x128xi32>
      %shift_left3A_149 = arith.shli %xor3A_145, %shift_left3A_148 : vector<128x128xi32>
      %shift_right_logical3A_150 = arith.constant 26 : i32
      %shift_right_logical3A_151 = vector.broadcast %shift_right_logical3A_150 : i32 to vector<128x128xi32>
      %shift_right_logical3A_152 = arith.shrui %xor3A_145, %shift_right_logical3A_151 : vector<128x128xi32>
      %or3A_153 = arith.ori %shift_left3A_149, %shift_right_logical3A_152 : vector<128x128xi32>
      %xor3A_154 = arith.xori %or3A_153, %add3A_146 : vector<128x128xi32>
      %add3A_155 = arith.constant 0 : i32
      %add3A_156 = vector.broadcast %add3A_155 : i32 to vector<128x128xi32>
      %add3A_157 = arith.addi %add3A_146, %add3A_156 : vector<128x128xi32>
      %add3A_158 = arith.constant 42 : i32
      %add3A_159 = vector.broadcast %add3A_158 : i32 to vector<128x128xi32>
      %add3A_160 = arith.addi %xor3A_154, %add3A_159 : vector<128x128xi32>
      %add3A_161 = arith.constant 3 : i32
      %add3A_162 = vector.broadcast %add3A_161 : i32 to vector<128x128xi32>
      %add3A_163 = arith.addi %add3A_160, %add3A_162 : vector<128x128xi32>
      %add3A_164 = arith.addi %add3A_157, %add3A_163 : vector<128x128xi32>
      %shift_left3A_165 = arith.constant 17 : i32
      %shift_left3A_166 = vector.broadcast %shift_left3A_165 : i32 to vector<128x128xi32>
      %shift_left3A_167 = arith.shli %add3A_163, %shift_left3A_166 : vector<128x128xi32>
      %shift_right_logical3A_168 = arith.constant 15 : i32
      %shift_right_logical3A_169 = vector.broadcast %shift_right_logical3A_168 : i32 to vector<128x128xi32>
      %shift_right_logical3A_170 = arith.shrui %add3A_163, %shift_right_logical3A_169 : vector<128x128xi32>
      %or3A_171 = arith.ori %shift_left3A_167, %shift_right_logical3A_170 : vector<128x128xi32>
      %xor3A_172 = arith.xori %or3A_171, %add3A_164 : vector<128x128xi32>
      %add3A_173 = arith.addi %add3A_164, %xor3A_172 : vector<128x128xi32>
      %shift_left3A_174 = arith.constant 29 : i32
      %shift_left3A_175 = vector.broadcast %shift_left3A_174 : i32 to vector<128x128xi32>
      %shift_left3A_176 = arith.shli %xor3A_172, %shift_left3A_175 : vector<128x128xi32>
      %shift_right_logical3A_177 = arith.constant 3 : i32
      %shift_right_logical3A_178 = vector.broadcast %shift_right_logical3A_177 : i32 to vector<128x128xi32>
      %shift_right_logical3A_179 = arith.shrui %xor3A_172, %shift_right_logical3A_178 : vector<128x128xi32>
      %or3A_180 = arith.ori %shift_left3A_176, %shift_right_logical3A_179 : vector<128x128xi32>
      %xor3A_181 = arith.xori %or3A_180, %add3A_173 : vector<128x128xi32>
      %add3A_182 = arith.addi %add3A_173, %xor3A_181 : vector<128x128xi32>
      %shift_left3A_183 = arith.constant 16 : i32
      %shift_left3A_184 = vector.broadcast %shift_left3A_183 : i32 to vector<128x128xi32>
      %shift_left3A_185 = arith.shli %xor3A_181, %shift_left3A_184 : vector<128x128xi32>
      %shift_right_logical3A_186 = arith.constant 16 : i32
      %shift_right_logical3A_187 = vector.broadcast %shift_right_logical3A_186 : i32 to vector<128x128xi32>
      %shift_right_logical3A_188 = arith.shrui %xor3A_181, %shift_right_logical3A_187 : vector<128x128xi32>
      %or3A_189 = arith.ori %shift_left3A_185, %shift_right_logical3A_188 : vector<128x128xi32>
      %xor3A_190 = arith.xori %or3A_189, %add3A_182 : vector<128x128xi32>
      %add3A_191 = arith.addi %add3A_182, %xor3A_190 : vector<128x128xi32>
      %shift_left3A_192 = arith.constant 24 : i32
      %shift_left3A_193 = vector.broadcast %shift_left3A_192 : i32 to vector<128x128xi32>
      %shift_left3A_194 = arith.shli %xor3A_190, %shift_left3A_193 : vector<128x128xi32>
      %shift_right_logical3A_195 = arith.constant 8 : i32
      %shift_right_logical3A_196 = vector.broadcast %shift_right_logical3A_195 : i32 to vector<128x128xi32>
      %shift_right_logical3A_197 = arith.shrui %xor3A_190, %shift_right_logical3A_196 : vector<128x128xi32>
      %or3A_198 = arith.ori %shift_left3A_194, %shift_right_logical3A_197 : vector<128x128xi32>
      %xor3A_199 = arith.xori %or3A_198, %add3A_191 : vector<128x128xi32>
      %add3A_200 = arith.constant 42 : i32
      %add3A_201 = vector.broadcast %add3A_200 : i32 to vector<128x128xi32>
      %add3A_202 = arith.addi %add3A_191, %add3A_201 : vector<128x128xi32>
      %add3A_203 = vector.broadcast %xor3A_31 : i32 to vector<128x128xi32>
      %add3A_204 = arith.addi %xor3A_199, %add3A_203 : vector<128x128xi32>
      %add3A_205 = arith.constant 4 : i32
      %add3A_206 = vector.broadcast %add3A_205 : i32 to vector<128x128xi32>
      %add3A_207 = arith.addi %add3A_204, %add3A_206 : vector<128x128xi32>
      %add3A_208 = arith.addi %add3A_202, %add3A_207 : vector<128x128xi32>
      %shift_left3A_209 = arith.constant 13 : i32
      %shift_left3A_210 = vector.broadcast %shift_left3A_209 : i32 to vector<128x128xi32>
      %shift_left3A_211 = arith.shli %add3A_207, %shift_left3A_210 : vector<128x128xi32>
      %shift_right_logical3A_212 = arith.constant 19 : i32
      %shift_right_logical3A_213 = vector.broadcast %shift_right_logical3A_212 : i32 to vector<128x128xi32>
      %shift_right_logical3A_214 = arith.shrui %add3A_207, %shift_right_logical3A_213 : vector<128x128xi32>
      %or3A_215 = arith.ori %shift_left3A_211, %shift_right_logical3A_214 : vector<128x128xi32>
      %xor3A_216 = arith.xori %or3A_215, %add3A_208 : vector<128x128xi32>
      %add3A_217 = arith.addi %add3A_208, %xor3A_216 : vector<128x128xi32>
      %shift_left3A_218 = arith.constant 15 : i32
      %shift_left3A_219 = vector.broadcast %shift_left3A_218 : i32 to vector<128x128xi32>
      %shift_left3A_220 = arith.shli %xor3A_216, %shift_left3A_219 : vector<128x128xi32>
      %shift_right_logical3A_221 = arith.constant 17 : i32
      %shift_right_logical3A_222 = vector.broadcast %shift_right_logical3A_221 : i32 to vector<128x128xi32>
      %shift_right_logical3A_223 = arith.shrui %xor3A_216, %shift_right_logical3A_222 : vector<128x128xi32>
      %or3A_224 = arith.ori %shift_left3A_220, %shift_right_logical3A_223 : vector<128x128xi32>
      %xor3A_225 = arith.xori %or3A_224, %add3A_217 : vector<128x128xi32>
      %add3A_226 = arith.addi %add3A_217, %xor3A_225 : vector<128x128xi32>
      %shift_left3A_227 = arith.constant 26 : i32
      %shift_left3A_228 = vector.broadcast %shift_left3A_227 : i32 to vector<128x128xi32>
      %shift_left3A_229 = arith.shli %xor3A_225, %shift_left3A_228 : vector<128x128xi32>
      %shift_right_logical3A_230 = arith.constant 6 : i32
      %shift_right_logical3A_231 = vector.broadcast %shift_right_logical3A_230 : i32 to vector<128x128xi32>
      %shift_right_logical3A_232 = arith.shrui %xor3A_225, %shift_right_logical3A_231 : vector<128x128xi32>
      %or3A_233 = arith.ori %shift_left3A_229, %shift_right_logical3A_232 : vector<128x128xi32>
      %xor3A_234 = arith.xori %or3A_233, %add3A_226 : vector<128x128xi32>
      %add3A_235 = arith.addi %add3A_226, %xor3A_234 : vector<128x128xi32>
      %shift_left3A_236 = arith.constant 6 : i32
      %shift_left3A_237 = vector.broadcast %shift_left3A_236 : i32 to vector<128x128xi32>
      %shift_left3A_238 = arith.shli %xor3A_234, %shift_left3A_237 : vector<128x128xi32>
      %shift_right_logical3A_239 = arith.constant 26 : i32
      %shift_right_logical3A_240 = vector.broadcast %shift_right_logical3A_239 : i32 to vector<128x128xi32>
      %shift_right_logical3A_241 = arith.shrui %xor3A_234, %shift_right_logical3A_240 : vector<128x128xi32>
      %or3A_242 = arith.ori %shift_left3A_238, %shift_right_logical3A_241 : vector<128x128xi32>
      %xor3A_243 = arith.xori %or3A_242, %add3A_235 : vector<128x128xi32>
      %add3A_244 = vector.broadcast %xor3A_31 : i32 to vector<128x128xi32>
      %add3A_245 = arith.addi %add3A_235, %add3A_244 : vector<128x128xi32>
      %add3A_246 = arith.constant 0 : i32
      %add3A_247 = vector.broadcast %add3A_246 : i32 to vector<128x128xi32>
      %add3A_248 = arith.addi %xor3A_243, %add3A_247 : vector<128x128xi32>
      %add3A_249 = arith.constant 5 : i32
      %add3A_250 = vector.broadcast %add3A_249 : i32 to vector<128x128xi32>
      %add3A_251 = arith.addi %add3A_248, %add3A_250 : vector<128x128xi32>
      %xor3A_252 = arith.xori %add3A_245, %add3A_251 : vector<128x128xi32>
      %shift_right_logical3A_253 = arith.constant 9 : i32
      %shift_right_logical3A_254 = vector.broadcast %shift_right_logical3A_253 : i32 to vector<128x128xi32>
      %shift_right_logical3A_255 = arith.shrui %xor3A_252, %shift_right_logical3A_254 : vector<128x128xi32>
      %or3A_256 = arith.constant 1065353216 : i32
      %or3A_257 = vector.broadcast %or3A_256 : i32 to vector<128x128xi32>
      %or3A_258 = arith.ori %shift_right_logical3A_255, %or3A_257 : vector<128x128xi32>
      %bitcast_convert_type3A = tpu.bitcast %or3A_258 : vector<128x128xi32> -> vector<128x128xf32>
      %sub3A_259 = arith.constant 1.000000e+00 : f32
      %sub3A_260 = vector.broadcast %sub3A_259 : f32 to vector<128x128xf32>
      %sub3A_261 = arith.subf %bitcast_convert_type3A, %sub3A_260 : vector<128x128xf32>
      %mul3A_262 = arith.constant 1.000000e+00 : f32
      %mul3A_263 = vector.broadcast %mul3A_262 : f32 to vector<128x128xf32>
      %mul3A_264 = arith.mulf %sub3A_261, %mul3A_263 : vector<128x128xf32>
      %add3A_265 = arith.constant 1.17549435E-38 : f32
      %add3A_266 = vector.broadcast %add3A_265 : f32 to vector<128x128xf32>
      %add3A_267 = arith.addf %mul3A_264, %add3A_266 : vector<128x128xf32>
      %max3A = arith.constant 1.17549435E-38 : f32
      %max3A_268 = vector.broadcast %max3A : f32 to vector<128x128xf32>
      %max3A_269 = arith.maximumf %max3A_268, %add3A_267 : vector<128x128xf32>
      %log3A_270 = math.log %max3A_269 : vector<128x128xf32>
      %neg3A = arith.constant 0.000000e+00 : f32
      %neg3A_271 = vector.broadcast %neg3A : f32 to vector<128x128xf32>
      %neg3A_272 = arith.subf %neg3A_271, %log3A_270 : vector<128x128xf32>
      %log3A_273 = math.log %neg3A_272 : vector<128x128xf32>
      %neg3A_274 = arith.constant 0.000000e+00 : f32
      %neg3A_275 = vector.broadcast %neg3A_274 : f32 to vector<128x128xf32>
      %neg3A_276 = arith.subf %neg3A_275, %log3A_273 : vector<128x128xf32>
      %add3A_277 = arith.addf %neg3A_276, %log3A : vector<128x128xf32>
      %reduce_max3A = arith.constant dense<0xFF800000> : vector<128xf32>
      %reduce_max3A_278 = vector.multi_reduction <maximumf>, %add3A_277, %reduce_max3A [0] : vector<128x128xf32> to vector<128xf32>
      %broadcast_in_dim3A = vector.shape_cast %reduce_max3A_278 : vector<128xf32> to vector<1x128xf32>
      %eq3A = vector.broadcast %broadcast_in_dim3A : vector<1x128xf32> to vector<128x128xf32>
      %eq3A_279 = arith.cmpf oeq, %add3A_277, %eq3A : vector<128x128xf32>
      %jit3A = arith.constant 128 : i32
      %broadcast_in_dim3A_280 = vector.broadcast %jit3A : i32 to vector<128x128xi32>
      %select_n3A = arith.select %eq3A_279, %iota3A_11, %broadcast_in_dim3A_280 : vector<128x128xi1>, vector<128x128xi32>
      %reduce_min3A = arith.constant dense<2147483647> : vector<128xi32>
      %reduce_min3A_281 = vector.multi_reduction <minsi>, %select_n3A, %reduce_min3A [0] : vector<128x128xi32> to vector<128xi32>
      %broadcast_in_dim3A_282 = vector.shape_cast %reduce_min3A_281 : vector<128xi32> to vector<1x128xi32>
      %mul3A_283 = arith.constant 128 : i32
      %mul3A_284 = vector.broadcast %mul3A_283 : i32 to vector<1x128xi32>
      %mul3A_285 = arith.muli %broadcast_in_dim3A_282, %mul3A_284 : vector<1x128xi32>
      %add3A_286 = arith.addi %iota3A_12, %mul3A_285 : vector<1x128xi32>
      %swap3A = arith.index_cast %add3A_21 : i32 to index
      %swap3A_287 = arith.constant 0 : index
      %swap3A_288 = vector.load %arg1[%swap3A, %swap3A_287] : memref<80x128xi32, #tpu.memory_space<vmem>>, vector<1x128xi32>
      tpu.vector_store %arg1[%swap3A, %swap3A_287], %add3A_286 {strides = array<i32>} : memref<80x128xi32, #tpu.memory_space<vmem>>, vector<1x128xi32>,
      %eq3A_289 = vector.broadcast %broadcast_in_dim3A_282 : vector<1x128xi32> to vector<128x128xi32>
      %eq3A_290 = arith.cmpi eq, %eq3A_289, %iota3A_11 : vector<128x128xi32>
      %jit3A_291 = arith.constant 0.000000e+00 : f32
      %broadcast_in_dim3A_292 = vector.broadcast %jit3A_291 : f32 to vector<128x128xf32>
      %select_n3A_293 = arith.select %eq3A_290, %sub3A, %broadcast_in_dim3A_292 : vector<128x128xi1>, vector<128x128xf32>
      %reduce_sum3A = arith.constant dense<0.000000e+00> : vector<128xf32>
      %reduce_sum3A_294 = vector.multi_reduction <add>, %select_n3A_293, %reduce_sum3A [0] : vector<128x128xf32> to vector<128xf32>
      %broadcast_in_dim3A_295 = vector.shape_cast %reduce_sum3A_294 : vector<128xf32> to vector<1x128xf32>
      %swap3A_296 = arith.index_cast %add3A_21 : i32 to index
      %swap3A_297 = arith.constant 0 : index
      %swap3A_298 = vector.load %arg2[%swap3A_296, %swap3A_297] : memref<80x128xf32, #tpu.memory_space<vmem>>, vector<1x128xf32>
      tpu.vector_store %arg2[%swap3A_296, %swap3A_297], %broadcast_in_dim3A_295 {strides = array<i32>} : memref<80x128xf32, #tpu.memory_space<vmem>>, vector<1x128xf32>,
      %mul3A_299 = arith.constant 8 : i32
      %mul3A_300 = arith.muli %mul3A_299, %scan3A_17 : i32
      %add3A_301 = arith.constant 1 : i32
      %add3A_302 = arith.addi %mul3A_300, %add3A_301 : i32
      %add3A_303 = arith.constant 0 : i32
      %add3A_304 = arith.addi %add3A_302, %add3A_303 : i32
      %mul3A_305 = arith.constant 16384 : i32
      %mul3A_306 = arith.muli %add3A_304, %mul3A_305 : i32
      %add3A_307 = vector.broadcast %mul3A_306 : i32 to vector<128x128xi32>
      %add3A_308 = arith.addi %add3A_10, %add3A_307 : vector<128x128xi32>
      %xor3A_309 = arith.constant 0 : i32
      %xor3A_310 = arith.constant 42 : i32
      %xor3A_311 = arith.xori %xor3A_309, %xor3A_310 : i32
      %xor3A_312 = arith.constant 466688986 : i32
      %xor3A_313 = arith.xori %xor3A_311, %xor3A_312 : i32
      %add3A_314 = arith.constant 42 : i32
      %add3A_315 = vector.broadcast %add3A_314 : i32 to vector<128x128xi32>
      %add3A_316 = arith.addi %add3A_308, %add3A_315 : vector<128x128xi32>
      %shift_left3A_317 = arith.constant 13 : i32
      %shift_left3A_318 = vector.broadcast %shift_left3A_317 : i32 to vector<128x128xi32>
      %shift_left3A_319 = arith.shli %add3A_316, %shift_left3A_318 : vector<128x128xi32>
      %shift_right_logical3A_320 = arith.constant 19 : i32
      %shift_right_logical3A_321 = vector.broadcast %shift_right_logical3A_320 : i32 to vector<128x128xi32>
      %shift_right_logical3A_322 = arith.shrui %add3A_316, %shift_right_logical3A_321 : vector<128x128xi32>
      %or3A_323 = arith.ori %shift_left3A_319, %shift_right_logical3A_322 : vector<128x128xi32>
      %xor3A_324 = arith.xori %or3A_323, %add3A_316 : vector<128x128xi32>
      %add3A_325 = arith.addi %add3A_316, %xor3A_324 : vector<128x128xi32>
      %shift_left3A_326 = arith.constant 15 : i32
      %shift_left3A_327 = vector.broadcast %shift_left3A_326 : i32 to vector<128x128xi32>
      %shift_left3A_328 = arith.shli %xor3A_324, %shift_left3A_327 : vector<128x128xi32>
      %shift_right_logical3A_329 = arith.constant 17 : i32
      %shift_right_logical3A_330 = vector.broadcast %shift_right_logical3A_329 : i32 to vector<128x128xi32>
      %shift_right_logical3A_331 = arith.shrui %xor3A_324, %shift_right_logical3A_330 : vector<128x128xi32>
      %or3A_332 = arith.ori %shift_left3A_328, %shift_right_logical3A_331 : vector<128x128xi32>
      %xor3A_333 = arith.xori %or3A_332, %add3A_325 : vector<128x128xi32>
      %add3A_334 = arith.addi %add3A_325, %xor3A_333 : vector<128x128xi32>
      %shift_left3A_335 = arith.constant 26 : i32
      %shift_left3A_336 = vector.broadcast %shift_left3A_335 : i32 to vector<128x128xi32>
      %shift_left3A_337 = arith.shli %xor3A_333, %shift_left3A_336 : vector<128x128xi32>
      %shift_right_logical3A_338 = arith.constant 6 : i32
      %shift_right_logical3A_339 = vector.broadcast %shift_right_logical3A_338 : i32 to vector<128x128xi32>
      %shift_right_logical3A_340 = arith.shrui %xor3A_333, %shift_right_logical3A_339 : vector<128x128xi32>
      %or3A_341 = arith.ori %shift_left3A_337, %shift_right_logical3A_340 : vector<128x128xi32>
      %xor3A_342 = arith.xori %or3A_341, %add3A_334 : vector<128x128xi32>
      %add3A_343 = arith.addi %add3A_334, %xor3A_342 : vector<128x128xi32>
      %shift_left3A_344 = arith.constant 6 : i32
      %shift_left3A_345 = vector.broadcast %shift_left3A_344 : i32 to vector<128x128xi32>
      %shift_left3A_346 = arith.shli %xor3A_342, %shift_left3A_345 : vector<128x128xi32>
      %shift_right_logical3A_347 = arith.constant 26 : i32
      %shift_right_logical3A_348 = vector.broadcast %shift_right_logical3A_347 : i32 to vector<128x128xi32>
      %shift_right_logical3A_349 = arith.shrui %xor3A_342, %shift_right_logical3A_348 : vector<128x128xi32>
      %or3A_350 = arith.ori %shift_left3A_346, %shift_right_logical3A_349 : vector<128x128xi32>
      %xor3A_351 = arith.xori %or3A_350, %add3A_343 : vector<128x128xi32>
      %add3A_352 = arith.constant 42 : i32
      %add3A_353 = vector.broadcast %add3A_352 : i32 to vector<128x128xi32>
      %add3A_354 = arith.addi %add3A_343, %add3A_353 : vector<128x128xi32>
      %add3A_355 = vector.broadcast %xor3A_313 : i32 to vector<128x128xi32>
      %add3A_356 = arith.addi %xor3A_351, %add3A_355 : vector<128x128xi32>
      %add3A_357 = arith.constant 1 : i32
      %add3A_358 = vector.broadcast %add3A_357 : i32 to vector<128x128xi32>
      %add3A_359 = arith.addi %add3A_356, %add3A_358 : vector<128x128xi32>
      %add3A_360 = arith.addi %add3A_354, %add3A_359 : vector<128x128xi32>
      %shift_left3A_361 = arith.constant 17 : i32
      %shift_left3A_362 = vector.broadcast %shift_left3A_361 : i32 to vector<128x128xi32>
      %shift_left3A_363 = arith.shli %add3A_359, %shift_left3A_362 : vector<128x128xi32>
      %shift_right_logical3A_364 = arith.constant 15 : i32
      %shift_right_logical3A_365 = vector.broadcast %shift_right_logical3A_364 : i32 to vector<128x128xi32>
      %shift_right_logical3A_366 = arith.shrui %add3A_359, %shift_right_logical3A_365 : vector<128x128xi32>
      %or3A_367 = arith.ori %shift_left3A_363, %shift_right_logical3A_366 : vector<128x128xi32>
      %xor3A_368 = arith.xori %or3A_367, %add3A_360 : vector<128x128xi32>
      %add3A_369 = arith.addi %add3A_360, %xor3A_368 : vector<128x128xi32>
      %shift_left3A_370 = arith.constant 29 : i32
      %shift_left3A_371 = vector.broadcast %shift_left3A_370 : i32 to vector<128x128xi32>
      %shift_left3A_372 = arith.shli %xor3A_368, %shift_left3A_371 : vector<128x128xi32>
      %shift_right_logical3A_373 = arith.constant 3 : i32
      %shift_right_logical3A_374 = vector.broadcast %shift_right_logical3A_373 : i32 to vector<128x128xi32>
      %shift_right_logical3A_375 = arith.shrui %xor3A_368, %shift_right_logical3A_374 : vector<128x128xi32>
      %or3A_376 = arith.ori %shift_left3A_372, %shift_right_logical3A_375 : vector<128x128xi32>
      %xor3A_377 = arith.xori %or3A_376, %add3A_369 : vector<128x128xi32>
      %add3A_378 = arith.addi %add3A_369, %xor3A_377 : vector<128x128xi32>
      %shift_left3A_379 = arith.constant 16 : i32
      %shift_left3A_380 = vector.broadcast %shift_left3A_379 : i32 to vector<128x128xi32>
      %shift_left3A_381 = arith.shli %xor3A_377, %shift_left3A_380 : vector<128x128xi32>
      %shift_right_logical3A_382 = arith.constant 16 : i32
      %shift_right_logical3A_383 = vector.broadcast %shift_right_logical3A_382 : i32 to vector<128x128xi32>
      %shift_right_logical3A_384 = arith.shrui %xor3A_377, %shift_right_logical3A_383 : vector<128x128xi32>
      %or3A_385 = arith.ori %shift_left3A_381, %shift_right_logical3A_384 : vector<128x128xi32>
      %xor3A_386 = arith.xori %or3A_385, %add3A_378 : vector<128x128xi32>
      %add3A_387 = arith.addi %add3A_378, %xor3A_386 : vector<128x128xi32>
      %shift_left3A_388 = arith.constant 24 : i32
      %shift_left3A_389 = vector.broadcast %shift_left3A_388 : i32 to vector<128x128xi32>
      %shift_left3A_390 = arith.shli %xor3A_386, %shift_left3A_389 : vector<128x128xi32>
      %shift_right_logical3A_391 = arith.constant 8 : i32
      %shift_right_logical3A_392 = vector.broadcast %shift_right_logical3A_391 : i32 to vector<128x128xi32>
      %shift_right_logical3A_393 = arith.shrui %xor3A_386, %shift_right_logical3A_392 : vector<128x128xi32>
      %or3A_394 = arith.ori %shift_left3A_390, %shift_right_logical3A_393 : vector<128x128xi32>
      %xor3A_395 = arith.xori %or3A_394, %add3A_387 : vector<128x128xi32>
      %add3A_396 = vector.broadcast %xor3A_313 : i32 to vector<128x128xi32>
      %add3A_397 = arith.addi %add3A_387, %add3A_396 : vector<128x128xi32>
      %add3A_398 = arith.constant 0 : i32
      %add3A_399 = vector.broadcast %add3A_398 : i32 to vector<128x128xi32>
      %add3A_400 = arith.addi %xor3A_395, %add3A_399 : vector<128x128xi32>
      %add3A_401 = arith.constant 2 : i32
      %add3A_402 = vector.broadcast %add3A_401 : i32 to vector<128x128xi32>
      %add3A_403 = arith.addi %add3A_400, %add3A_402 : vector<128x128xi32>
      %add3A_404 = arith.addi %add3A_397, %add3A_403 : vector<128x128xi32>
      %shift_left3A_405 = arith.constant 13 : i32
      %shift_left3A_406 = vector.broadcast %shift_left3A_405 : i32 to vector<128x128xi32>
      %shift_left3A_407 = arith.shli %add3A_403, %shift_left3A_406 : vector<128x128xi32>
      %shift_right_logical3A_408 = arith.constant 19 : i32
      %shift_right_logical3A_409 = vector.broadcast %shift_right_logical3A_408 : i32 to vector<128x128xi32>
      %shift_right_logical3A_410 = arith.shrui %add3A_403, %shift_right_logical3A_409 : vector<128x128xi32>
      %or3A_411 = arith.ori %shift_left3A_407, %shift_right_logical3A_410 : vector<128x128xi32>
      %xor3A_412 = arith.xori %or3A_411, %add3A_404 : vector<128x128xi32>
      %add3A_413 = arith.addi %add3A_404, %xor3A_412 : vector<128x128xi32>
      %shift_left3A_414 = arith.constant 15 : i32
      %shift_left3A_415 = vector.broadcast %shift_left3A_414 : i32 to vector<128x128xi32>
      %shift_left3A_416 = arith.shli %xor3A_412, %shift_left3A_415 : vector<128x128xi32>
      %shift_right_logical3A_417 = arith.constant 17 : i32
      %shift_right_logical3A_418 = vector.broadcast %shift_right_logical3A_417 : i32 to vector<128x128xi32>
      %shift_right_logical3A_419 = arith.shrui %xor3A_412, %shift_right_logical3A_418 : vector<128x128xi32>
      %or3A_420 = arith.ori %shift_left3A_416, %shift_right_logical3A_419 : vector<128x128xi32>
      %xor3A_421 = arith.xori %or3A_420, %add3A_413 : vector<128x128xi32>
      %add3A_422 = arith.addi %add3A_413, %xor3A_421 : vector<128x128xi32>
      %shift_left3A_423 = arith.constant 26 : i32
      %shift_left3A_424 = vector.broadcast %shift_left3A_423 : i32 to vector<128x128xi32>
      %shift_left3A_425 = arith.shli %xor3A_421, %shift_left3A_424 : vector<128x128xi32>
      %shift_right_logical3A_426 = arith.constant 6 : i32
      %shift_right_logical3A_427 = vector.broadcast %shift_right_logical3A_426 : i32 to vector<128x128xi32>
      %shift_right_logical3A_428 = arith.shrui %xor3A_421, %shift_right_logical3A_427 : vector<128x128xi32>
      %or3A_429 = arith.ori %shift_left3A_425, %shift_right_logical3A_428 : vector<128x128xi32>
      %xor3A_430 = arith.xori %or3A_429, %add3A_422 : vector<128x128xi32>
      %add3A_431 = arith.addi %add3A_422, %xor3A_430 : vector<128x128xi32>
      %shift_left3A_432 = arith.constant 6 : i32
      %shift_left3A_433 = vector.broadcast %shift_left3A_432 : i32 to vector<128x128xi32>
      %shift_left3A_434 = arith.shli %xor3A_430, %shift_left3A_433 : vector<128x128xi32>
      %shift_right_logical3A_435 = arith.constant 26 : i32
      %shift_right_logical3A_436 = vector.broadcast %shift_right_logical3A_435 : i32 to vector<128x128xi32>
      %shift_right_logical3A_437 = arith.shrui %xor3A_430, %shift_right_logical3A_436 : vector<128x128xi32>
      %or3A_438 = arith.ori %shift_left3A_434, %shift_right_logical3A_437 : vector<128x128xi32>
      %xor3A_439 = arith.xori %or3A_438, %add3A_431 : vector<128x128xi32>
      %add3A_440 = arith.constant 0 : i32
      %add3A_441 = vector.broadcast %add3A_440 : i32 to vector<128x128xi32>
      %add3A_442 = arith.addi %add3A_431, %add3A_441 : vector<128x128xi32>
      %add3A_443 = arith.constant 42 : i32
      %add3A_444 = vector.broadcast %add3A_443 : i32 to vector<128x128xi32>
      %add3A_445 = arith.addi %xor3A_439, %add3A_444 : vector<128x128xi32>
      %add3A_446 = arith.constant 3 : i32
      %add3A_447 = vector.broadcast %add3A_446 : i32 to vector<128x128xi32>
      %add3A_448 = arith.addi %add3A_445, %add3A_447 : vector<128x128xi32>
      %add3A_449 = arith.addi %add3A_442, %add3A_448 : vector<128x128xi32>
      %shift_left3A_450 = arith.constant 17 : i32
      %shift_left3A_451 = vector.broadcast %shift_left3A_450 : i32 to vector<128x128xi32>
      %shift_left3A_452 = arith.shli %add3A_448, %shift_left3A_451 : vector<128x128xi32>
      %shift_right_logical3A_453 = arith.constant 15 : i32
      %shift_right_logical3A_454 = vector.broadcast %shift_right_logical3A_453 : i32 to vector<128x128xi32>
      %shift_right_logical3A_455 = arith.shrui %add3A_448, %shift_right_logical3A_454 : vector<128x128xi32>
      %or3A_456 = arith.ori %shift_left3A_452, %shift_right_logical3A_455 : vector<128x128xi32>
      %xor3A_457 = arith.xori %or3A_456, %add3A_449 : vector<128x128xi32>
      %add3A_458 = arith.addi %add3A_449, %xor3A_457 : vector<128x128xi32>
      %shift_left3A_459 = arith.constant 29 : i32
      %shift_left3A_460 = vector.broadcast %shift_left3A_459 : i32 to vector<128x128xi32>
      %shift_left3A_461 = arith.shli %xor3A_457, %shift_left3A_460 : vector<128x128xi32>
      %shift_right_logical3A_462 = arith.constant 3 : i32
      %shift_right_logical3A_463 = vector.broadcast %shift_right_logical3A_462 : i32 to vector<128x128xi32>
      %shift_right_logical3A_464 = arith.shrui %xor3A_457, %shift_right_logical3A_463 : vector<128x128xi32>
      %or3A_465 = arith.ori %shift_left3A_461, %shift_right_logical3A_464 : vector<128x128xi32>
      %xor3A_466 = arith.xori %or3A_465, %add3A_458 : vector<128x128xi32>
      %add3A_467 = arith.addi %add3A_458, %xor3A_466 : vector<128x128xi32>
      %shift_left3A_468 = arith.constant 16 : i32
      %shift_left3A_469 = vector.broadcast %shift_left3A_468 : i32 to vector<128x128xi32>
      %shift_left3A_470 = arith.shli %xor3A_466, %shift_left3A_469 : vector<128x128xi32>
      %shift_right_logical3A_471 = arith.constant 16 : i32
      %shift_right_logical3A_472 = vector.broadcast %shift_right_logical3A_471 : i32 to vector<128x128xi32>
      %shift_right_logical3A_473 = arith.shrui %xor3A_466, %shift_right_logical3A_472 : vector<128x128xi32>
      %or3A_474 = arith.ori %shift_left3A_470, %shift_right_logical3A_473 : vector<128x128xi32>
      %xor3A_475 = arith.xori %or3A_474, %add3A_467 : vector<128x128xi32>
      %add3A_476 = arith.addi %add3A_467, %xor3A_475 : vector<128x128xi32>
      %shift_left3A_477 = arith.constant 24 : i32
      %shift_left3A_478 = vector.broadcast %shift_left3A_477 : i32 to vector<128x128xi32>
      %shift_left3A_479 = arith.shli %xor3A_475, %shift_left3A_478 : vector<128x128xi32>
      %shift_right_logical3A_480 = arith.constant 8 : i32
      %shift_right_logical3A_481 = vector.broadcast %shift_right_logical3A_480 : i32 to vector<128x128xi32>
      %shift_right_logical3A_482 = arith.shrui %xor3A_475, %shift_right_logical3A_481 : vector<128x128xi32>
      %or3A_483 = arith.ori %shift_left3A_479, %shift_right_logical3A_482 : vector<128x128xi32>
      %xor3A_484 = arith.xori %or3A_483, %add3A_476 : vector<128x128xi32>
      %add3A_485 = arith.constant 42 : i32
      %add3A_486 = vector.broadcast %add3A_485 : i32 to vector<128x128xi32>
      %add3A_487 = arith.addi %add3A_476, %add3A_486 : vector<128x128xi32>
      %add3A_488 = vector.broadcast %xor3A_313 : i32 to vector<128x128xi32>
      %add3A_489 = arith.addi %xor3A_484, %add3A_488 : vector<128x128xi32>
      %add3A_490 = arith.constant 4 : i32
      %add3A_491 = vector.broadcast %add3A_490 : i32 to vector<128x128xi32>
      %add3A_492 = arith.addi %add3A_489, %add3A_491 : vector<128x128xi32>
      %add3A_493 = arith.addi %add3A_487, %add3A_492 : vector<128x128xi32>
      %shift_left3A_494 = arith.constant 13 : i32
      %shift_left3A_495 = vector.broadcast %shift_left3A_494 : i32 to vector<128x128xi32>
      %shift_left3A_496 = arith.shli %add3A_492, %shift_left3A_495 : vector<128x128xi32>
      %shift_right_logical3A_497 = arith.constant 19 : i32
      %shift_right_logical3A_498 = vector.broadcast %shift_right_logical3A_497 : i32 to vector<128x128xi32>
      %shift_right_logical3A_499 = arith.shrui %add3A_492, %shift_right_logical3A_498 : vector<128x128xi32>
      %or3A_500 = arith.ori %shift_left3A_496, %shift_right_logical3A_499 : vector<128x128xi32>
      %xor3A_501 = arith.xori %or3A_500, %add3A_493 : vector<128x128xi32>
      %add3A_502 = arith.addi %add3A_493, %xor3A_501 : vector<128x128xi32>
      %shift_left3A_503 = arith.constant 15 : i32
      %shift_left3A_504 = vector.broadcast %shift_left3A_503 : i32 to vector<128x128xi32>
      %shift_left3A_505 = arith.shli %xor3A_501, %shift_left3A_504 : vector<128x128xi32>
      %shift_right_logical3A_506 = arith.constant 17 : i32
      %shift_right_logical3A_507 = vector.broadcast %shift_right_logical3A_506 : i32 to vector<128x128xi32>
      %shift_right_logical3A_508 = arith.shrui %xor3A_501, %shift_right_logical3A_507 : vector<128x128xi32>
      %or3A_509 = arith.ori %shift_left3A_505, %shift_right_logical3A_508 : vector<128x128xi32>
      %xor3A_510 = arith.xori %or3A_509, %add3A_502 : vector<128x128xi32>
      %add3A_511 = arith.addi %add3A_502, %xor3A_510 : vector<128x128xi32>
      %shift_left3A_512 = arith.constant 26 : i32
      %shift_left3A_513 = vector.broadcast %shift_left3A_512 : i32 to vector<128x128xi32>
      %shift_left3A_514 = arith.shli %xor3A_510, %shift_left3A_513 : vector<128x128xi32>
      %shift_right_logical3A_515 = arith.constant 6 : i32
      %shift_right_logical3A_516 = vector.broadcast %shift_right_logical3A_515 : i32 to vector<128x128xi32>
      %shift_right_logical3A_517 = arith.shrui %xor3A_510, %shift_right_logical3A_516 : vector<128x128xi32>
      %or3A_518 = arith.ori %shift_left3A_514, %shift_right_logical3A_517 : vector<128x128xi32>
      %xor3A_519 = arith.xori %or3A_518, %add3A_511 : vector<128x128xi32>
      %add3A_520 = arith.addi %add3A_511, %xor3A_519 : vector<128x128xi32>
      %shift_left3A_521 = arith.constant 6 : i32
      %shift_left3A_522 = vector.broadcast %shift_left3A_521 : i32 to vector<128x128xi32>
      %shift_left3A_523 = arith.shli %xor3A_519, %shift_left3A_522 : vector<128x128xi32>
      %shift_right_logical3A_524 = arith.constant 26 : i32
      %shift_right_logical3A_525 = vector.broadcast %shift_right_logical3A_524 : i32 to vector<128x128xi32>
      %shift_right_logical3A_526 = arith.shrui %xor3A_519, %shift_right_logical3A_525 : vector<128x128xi32>
      %or3A_527 = arith.ori %shift_left3A_523, %shift_right_logical3A_526 : vector<128x128xi32>
      %xor3A_528 = arith.xori %or3A_527, %add3A_520 : vector<128x128xi32>
      %add3A_529 = vector.broadcast %xor3A_313 : i32 to vector<128x128xi32>
      %add3A_530 = arith.addi %add3A_520, %add3A_529 : vector<128x128xi32>
      %add3A_531 = arith.constant 0 : i32
      %add3A_532 = vector.broadcast %add3A_531 : i32 to vector<128x128xi32>
      %add3A_533 = arith.addi %xor3A_528, %add3A_532 : vector<128x128xi32>
      %add3A_534 = arith.constant 5 : i32
      %add3A_535 = vector.broadcast %add3A_534 : i32 to vector<128x128xi32>
      %add3A_536 = arith.addi %add3A_533, %add3A_535 : vector<128x128xi32>
      %xor3A_537 = arith.xori %add3A_530, %add3A_536 : vector<128x128xi32>
      %shift_right_logical3A_538 = arith.constant 9 : i32
      %shift_right_logical3A_539 = vector.broadcast %shift_right_logical3A_538 : i32 to vector<128x128xi32>
      %shift_right_logical3A_540 = arith.shrui %xor3A_537, %shift_right_logical3A_539 : vector<128x128xi32>
      %or3A_541 = arith.constant 1065353216 : i32
      %or3A_542 = vector.broadcast %or3A_541 : i32 to vector<128x128xi32>
      %or3A_543 = arith.ori %shift_right_logical3A_540, %or3A_542 : vector<128x128xi32>
      %bitcast_convert_type3A_544 = tpu.bitcast %or3A_543 : vector<128x128xi32> -> vector<128x128xf32>
      %sub3A_545 = arith.constant 1.000000e+00 : f32
      %sub3A_546 = vector.broadcast %sub3A_545 : f32 to vector<128x128xf32>
      %sub3A_547 = arith.subf %bitcast_convert_type3A_544, %sub3A_546 : vector<128x128xf32>
      %mul3A_548 = arith.constant 1.000000e+00 : f32
      %mul3A_549 = vector.broadcast %mul3A_548 : f32 to vector<128x128xf32>
      %mul3A_550 = arith.mulf %sub3A_547, %mul3A_549 : vector<128x128xf32>
      %add3A_551 = arith.constant 1.17549435E-38 : f32
      %add3A_552 = vector.broadcast %add3A_551 : f32 to vector<128x128xf32>
      %add3A_553 = arith.addf %mul3A_550, %add3A_552 : vector<128x128xf32>
      %max3A_554 = arith.constant 1.17549435E-38 : f32
      %max3A_555 = vector.broadcast %max3A_554 : f32 to vector<128x128xf32>
      %max3A_556 = arith.maximumf %max3A_555, %add3A_553 : vector<128x128xf32>
      %log3A_557 = math.log %max3A_556 : vector<128x128xf32>
      %neg3A_558 = arith.constant 0.000000e+00 : f32
      %neg3A_559 = vector.broadcast %neg3A_558 : f32 to vector<128x128xf32>
      %neg3A_560 = arith.subf %neg3A_559, %log3A_557 : vector<128x128xf32>
      %log3A_561 = math.log %neg3A_560 : vector<128x128xf32>
      %neg3A_562 = arith.constant 0.000000e+00 : f32
      %neg3A_563 = vector.broadcast %neg3A_562 : f32 to vector<128x128xf32>
      %neg3A_564 = arith.subf %neg3A_563, %log3A_561 : vector<128x128xf32>
      %add3A_565 = arith.addf %neg3A_564, %log3A : vector<128x128xf32>
      %reduce_max3A_566 = arith.constant dense<0xFF800000> : vector<128xf32>
      %reduce_max3A_567 = vector.multi_reduction <maximumf>, %add3A_565, %reduce_max3A_566 [0] : vector<128x128xf32> to vector<128xf32>
      %broadcast_in_dim3A_568 = vector.shape_cast %reduce_max3A_567 : vector<128xf32> to vector<1x128xf32>
      %eq3A_569 = vector.broadcast %broadcast_in_dim3A_568 : vector<1x128xf32> to vector<128x128xf32>
      %eq3A_570 = arith.cmpf oeq, %add3A_565, %eq3A_569 : vector<128x128xf32>
      %jit3A_571 = arith.constant 128 : i32
      %broadcast_in_dim3A_572 = vector.broadcast %jit3A_571 : i32 to vector<128x128xi32>
      %select_n3A_573 = arith.select %eq3A_570, %iota3A_11, %broadcast_in_dim3A_572 : vector<128x128xi1>, vector<128x128xi32>
      %reduce_min3A_574 = arith.constant dense<2147483647> : vector<128xi32>
      %reduce_min3A_575 = vector.multi_reduction <minsi>, %select_n3A_573, %reduce_min3A_574 [0] : vector<128x128xi32> to vector<128xi32>
      %broadcast_in_dim3A_576 = vector.shape_cast %reduce_min3A_575 : vector<128xi32> to vector<1x128xi32>
      %mul3A_577 = arith.constant 128 : i32
      %mul3A_578 = vector.broadcast %mul3A_577 : i32 to vector<1x128xi32>
      %mul3A_579 = arith.muli %broadcast_in_dim3A_576, %mul3A_578 : vector<1x128xi32>
      %add3A_580 = arith.addi %iota3A_12, %mul3A_579 : vector<1x128xi32>
      %swap3A_581 = arith.index_cast %add3A_302 : i32 to index
      %swap3A_582 = arith.constant 0 : index
      %swap3A_583 = vector.load %arg1[%swap3A_581, %swap3A_582] : memref<80x128xi32, #tpu.memory_space<vmem>>, vector<1x128xi32>
      tpu.vector_store %arg1[%swap3A_581, %swap3A_582], %add3A_580 {strides = array<i32>} : memref<80x128xi32, #tpu.memory_space<vmem>>, vector<1x128xi32>,
      %eq3A_584 = vector.broadcast %broadcast_in_dim3A_576 : vector<1x128xi32> to vector<128x128xi32>
      %eq3A_585 = arith.cmpi eq, %eq3A_584, %iota3A_11 : vector<128x128xi32>
      %jit3A_586 = arith.constant 0.000000e+00 : f32
      %broadcast_in_dim3A_587 = vector.broadcast %jit3A_586 : f32 to vector<128x128xf32>
      %select_n3A_588 = arith.select %eq3A_585, %sub3A, %broadcast_in_dim3A_587 : vector<128x128xi1>, vector<128x128xf32>
      %reduce_sum3A_589 = arith.constant dense<0.000000e+00> : vector<128xf32>
      %reduce_sum3A_590 = vector.multi_reduction <add>, %select_n3A_588, %reduce_sum3A_589 [0] : vector<128x128xf32> to vector<128xf32>
      %broadcast_in_dim3A_591 = vector.shape_cast %reduce_sum3A_590 : vector<128xf32> to vector<1x128xf32>
      %swap3A_592 = arith.index_cast %add3A_302 : i32 to index
      %swap3A_593 = arith.constant 0 : index
      %swap3A_594 = vector.load %arg2[%swap3A_592, %swap3A_593] : memref<80x128xf32, #tpu.memory_space<vmem>>, vector<1x128xf32>
      tpu.vector_store %arg2[%swap3A_592, %swap3A_593], %broadcast_in_dim3A_591 {strides = array<i32>} : memref<80x128xf32, #tpu.memory_space<vmem>>, vector<1x128xf32>,
      %mul3A_595 = arith.constant 8 : i32
      %mul3A_596 = arith.muli %mul3A_595, %scan3A_17 : i32
      %add3A_597 = arith.constant 2 : i32
      %add3A_598 = arith.addi %mul3A_596, %add3A_597 : i32
      %add3A_599 = arith.constant 0 : i32
      %add3A_600 = arith.addi %add3A_598, %add3A_599 : i32
      %mul3A_601 = arith.constant 16384 : i32
      %mul3A_602 = arith.muli %add3A_600, %mul3A_601 : i32
      %add3A_603 = vector.broadcast %mul3A_602 : i32 to vector<128x128xi32>
      %add3A_604 = arith.addi %add3A_10, %add3A_603 : vector<128x128xi32>
      %xor3A_605 = arith.constant 0 : i32
      %xor3A_606 = arith.constant 42 : i32
      %xor3A_607 = arith.xori %xor3A_605, %xor3A_606 : i32
      %xor3A_608 = arith.constant 466688986 : i32
      %xor3A_609 = arith.xori %xor3A_607, %xor3A_608 : i32
      %add3A_610 = arith.constant 42 : i32
      %add3A_611 = vector.broadcast %add3A_610 : i32 to vector<128x128xi32>
      %add3A_612 = arith.addi %add3A_604, %add3A_611 : vector<128x128xi32>
      %shift_left3A_613 = arith.constant 13 : i32
      %shift_left3A_614 = vector.broadcast %shift_left3A_613 : i32 to vector<128x128xi32>
      %shift_left3A_615 = arith.shli %add3A_612, %shift_left3A_614 : vector<128x128xi32>
      %shift_right_logical3A_616 = arith.constant 19 : i32
      %shift_right_logical3A_617 = vector.broadcast %shift_right_logical3A_616 : i32 to vector<128x128xi32>
      %shift_right_logical3A_618 = arith.shrui %add3A_612, %shift_right_logical3A_617 : vector<128x128xi32>
      %or3A_619 = arith.ori %shift_left3A_615, %shift_right_logical3A_618 : vector<128x128xi32>
      %xor3A_620 = arith.xori %or3A_619, %add3A_612 : vector<128x128xi32>
      %add3A_621 = arith.addi %add3A_612, %xor3A_620 : vector<128x128xi32>
      %shift_left3A_622 = arith.constant 15 : i32
      %shift_left3A_623 = vector.broadcast %shift_left3A_622 : i32 to vector<128x128xi32>
      %shift_left3A_624 = arith.shli %xor3A_620, %shift_left3A_623 : vector<128x128xi32>
      %shift_right_logical3A_625 = arith.constant 17 : i32
      %shift_right_logical3A_626 = vector.broadcast %shift_right_logical3A_625 : i32 to vector<128x128xi32>
      %shift_right_logical3A_627 = arith.shrui %xor3A_620, %shift_right_logical3A_626 : vector<128x128xi32>
      %or3A_628 = arith.ori %shift_left3A_624, %shift_right_logical3A_627 : vector<128x128xi32>
      %xor3A_629 = arith.xori %or3A_628, %add3A_621 : vector<128x128xi32>
      %add3A_630 = arith.addi %add3A_621, %xor3A_629 : vector<128x128xi32>
      %shift_left3A_631 = arith.constant 26 : i32
      %shift_left3A_632 = vector.broadcast %shift_left3A_631 : i32 to vector<128x128xi32>
      %shift_left3A_633 = arith.shli %xor3A_629, %shift_left3A_632 : vector<128x128xi32>
      %shift_right_logical3A_634 = arith.constant 6 : i32
      %shift_right_logical3A_635 = vector.broadcast %shift_right_logical3A_634 : i32 to vector<128x128xi32>
      %shift_right_logical3A_636 = arith.shrui %xor3A_629, %shift_right_logical3A_635 : vector<128x128xi32>
      %or3A_637 = arith.ori %shift_left3A_633, %shift_right_logical3A_636 : vector<128x128xi32>
      %xor3A_638 = arith.xori %or3A_637, %add3A_630 : vector<128x128xi32>
      %add3A_639 = arith.addi %add3A_630, %xor3A_638 : vector<128x128xi32>
      %shift_left3A_640 = arith.constant 6 : i32
      %shift_left3A_641 = vector.broadcast %shift_left3A_640 : i32 to vector<128x128xi32>
      %shift_left3A_642 = arith.shli %xor3A_638, %shift_left3A_641 : vector<128x128xi32>
      %shift_right_logical3A_643 = arith.constant 26 : i32
      %shift_right_logical3A_644 = vector.broadcast %shift_right_logical3A_643 : i32 to vector<128x128xi32>
      %shift_right_logical3A_645 = arith.shrui %xor3A_638, %shift_right_logical3A_644 : vector<128x128xi32>
      %or3A_646 = arith.ori %shift_left3A_642, %shift_right_logical3A_645 : vector<128x128xi32>
      %xor3A_647 = arith.xori %or3A_646, %add3A_639 : vector<128x128xi32>
      %add3A_648 = arith.constant 42 : i32
      %add3A_649 = vector.broadcast %add3A_648 : i32 to vector<128x128xi32>
      %add3A_650 = arith.addi %add3A_639, %add3A_649 : vector<128x128xi32>
      %add3A_651 = vector.broadcast %xor3A_609 : i32 to vector<128x128xi32>
      %add3A_652 = arith.addi %xor3A_647, %add3A_651 : vector<128x128xi32>
      %add3A_653 = arith.constant 1 : i32
      %add3A_654 = vector.broadcast %add3A_653 : i32 to vector<128x128xi32>
      %add3A_655 = arith.addi %add3A_652, %add3A_654 : vector<128x128xi32>
      %add3A_656 = arith.addi %add3A_650, %add3A_655 : vector<128x128xi32>
      %shift_left3A_657 = arith.constant 17 : i32
      %shift_left3A_658 = vector.broadcast %shift_left3A_657 : i32 to vector<128x128xi32>
      %shift_left3A_659 = arith.shli %add3A_655, %shift_left3A_658 : vector<128x128xi32>
      %shift_right_logical3A_660 = arith.constant 15 : i32
      %shift_right_logical3A_661 = vector.broadcast %shift_right_logical3A_660 : i32 to vector<128x128xi32>
      %shift_right_logical3A_662 = arith.shrui %add3A_655, %shift_right_logical3A_661 : vector<128x128xi32>
      %or3A_663 = arith.ori %shift_left3A_659, %shift_right_logical3A_662 : vector<128x128xi32>
      %xor3A_664 = arith.xori %or3A_663, %add3A_656 : vector<128x128xi32>
      %add3A_665 = arith.addi %add3A_656, %xor3A_664 : vector<128x128xi32>
      %shift_left3A_666 = arith.constant 29 : i32
      %shift_left3A_667 = vector.broadcast %shift_left3A_666 : i32 to vector<128x128xi32>
      %shift_left3A_668 = arith.shli %xor3A_664, %shift_left3A_667 : vector<128x128xi32>
      %shift_right_logical3A_669 = arith.constant 3 : i32
      %shift_right_logical3A_670 = vector.broadcast %shift_right_logical3A_669 : i32 to vector<128x128xi32>
      %shift_right_logical3A_671 = arith.shrui %xor3A_664, %shift_right_logical3A_670 : vector<128x128xi32>
      %or3A_672 = arith.ori %shift_left3A_668, %shift_right_logical3A_671 : vector<128x128xi32>
      %xor3A_673 = arith.xori %or3A_672, %add3A_665 : vector<128x128xi32>
      %add3A_674 = arith.addi %add3A_665, %xor3A_673 : vector<128x128xi32>
      %shift_left3A_675 = arith.constant 16 : i32
      %shift_left3A_676 = vector.broadcast %shift_left3A_675 : i32 to vector<128x128xi32>
      %shift_left3A_677 = arith.shli %xor3A_673, %shift_left3A_676 : vector<128x128xi32>
      %shift_right_logical3A_678 = arith.constant 16 : i32
      %shift_right_logical3A_679 = vector.broadcast %shift_right_logical3A_678 : i32 to vector<128x128xi32>
      %shift_right_logical3A_680 = arith.shrui %xor3A_673, %shift_right_logical3A_679 : vector<128x128xi32>
      %or3A_681 = arith.ori %shift_left3A_677, %shift_right_logical3A_680 : vector<128x128xi32>
      %xor3A_682 = arith.xori %or3A_681, %add3A_674 : vector<128x128xi32>
      %add3A_683 = arith.addi %add3A_674, %xor3A_682 : vector<128x128xi32>
      %shift_left3A_684 = arith.constant 24 : i32
      %shift_left3A_685 = vector.broadcast %shift_left3A_684 : i32 to vector<128x128xi32>
      %shift_left3A_686 = arith.shli %xor3A_682, %shift_left3A_685 : vector<128x128xi32>
      %shift_right_logical3A_687 = arith.constant 8 : i32
      %shift_right_logical3A_688 = vector.broadcast %shift_right_logical3A_687 : i32 to vector<128x128xi32>
      %shift_right_logical3A_689 = arith.shrui %xor3A_682, %shift_right_logical3A_688 : vector<128x128xi32>
      %or3A_690 = arith.ori %shift_left3A_686, %shift_right_logical3A_689 : vector<128x128xi32>
      %xor3A_691 = arith.xori %or3A_690, %add3A_683 : vector<128x128xi32>
      %add3A_692 = vector.broadcast %xor3A_609 : i32 to vector<128x128xi32>
      %add3A_693 = arith.addi %add3A_683, %add3A_692 : vector<128x128xi32>
      %add3A_694 = arith.constant 0 : i32
      %add3A_695 = vector.broadcast %add3A_694 : i32 to vector<128x128xi32>
      %add3A_696 = arith.addi %xor3A_691, %add3A_695 : vector<128x128xi32>
      %add3A_697 = arith.constant 2 : i32
      %add3A_698 = vector.broadcast %add3A_697 : i32 to vector<128x128xi32>
      %add3A_699 = arith.addi %add3A_696, %add3A_698 : vector<128x128xi32>
      %add3A_700 = arith.addi %add3A_693, %add3A_699 : vector<128x128xi32>
      %shift_left3A_701 = arith.constant 13 : i32
      %shift_left3A_702 = vector.broadcast %shift_left3A_701 : i32 to vector<128x128xi32>
      %shift_left3A_703 = arith.shli %add3A_699, %shift_left3A_702 : vector<128x128xi32>
      %shift_right_logical3A_704 = arith.constant 19 : i32
      %shift_right_logical3A_705 = vector.broadcast %shift_right_logical3A_704 : i32 to vector<128x128xi32>
      %shift_right_logical3A_706 = arith.shrui %add3A_699, %shift_right_logical3A_705 : vector<128x128xi32>
      %or3A_707 = arith.ori %shift_left3A_703, %shift_right_logical3A_706 : vector<128x128xi32>
      %xor3A_708 = arith.xori %or3A_707, %add3A_700 : vector<128x128xi32>
      %add3A_709 = arith.addi %add3A_700, %xor3A_708 : vector<128x128xi32>
      %shift_left3A_710 = arith.constant 15 : i32
      %shift_left3A_711 = vector.broadcast %shift_left3A_710 : i32 to vector<128x128xi32>
      %shift_left3A_712 = arith.shli %xor3A_708, %shift_left3A_711 : vector<128x128xi32>
      %shift_right_logical3A_713 = arith.constant 17 : i32
      %shift_right_logical3A_714 = vector.broadcast %shift_right_logical3A_713 : i32 to vector<128x128xi32>
      %shift_right_logical3A_715 = arith.shrui %xor3A_708, %shift_right_logical3A_714 : vector<128x128xi32>
      %or3A_716 = arith.ori %shift_left3A_712, %shift_right_logical3A_715 : vector<128x128xi32>
      %xor3A_717 = arith.xori %or3A_716, %add3A_709 : vector<128x128xi32>
      %add3A_718 = arith.addi %add3A_709, %xor3A_717 : vector<128x128xi32>
      %shift_left3A_719 = arith.constant 26 : i32
      %shift_left3A_720 = vector.broadcast %shift_left3A_719 : i32 to vector<128x128xi32>
      %shift_left3A_721 = arith.shli %xor3A_717, %shift_left3A_720 : vector<128x128xi32>
      %shift_right_logical3A_722 = arith.constant 6 : i32
      %shift_right_logical3A_723 = vector.broadcast %shift_right_logical3A_722 : i32 to vector<128x128xi32>
      %shift_right_logical3A_724 = arith.shrui %xor3A_717, %shift_right_logical3A_723 : vector<128x128xi32>
      %or3A_725 = arith.ori %shift_left3A_721, %shift_right_logical3A_724 : vector<128x128xi32>
      %xor3A_726 = arith.xori %or3A_725, %add3A_718 : vector<128x128xi32>
      %add3A_727 = arith.addi %add3A_718, %xor3A_726 : vector<128x128xi32>
      %shift_left3A_728 = arith.constant 6 : i32
      %shift_left3A_729 = vector.broadcast %shift_left3A_728 : i32 to vector<128x128xi32>
      %shift_left3A_730 = arith.shli %xor3A_726, %shift_left3A_729 : vector<128x128xi32>
      %shift_right_logical3A_731 = arith.constant 26 : i32
      %shift_right_logical3A_732 = vector.broadcast %shift_right_logical3A_731 : i32 to vector<128x128xi32>
      %shift_right_logical3A_733 = arith.shrui %xor3A_726, %shift_right_logical3A_732 : vector<128x128xi32>
      %or3A_734 = arith.ori %shift_left3A_730, %shift_right_logical3A_733 : vector<128x128xi32>
      %xor3A_735 = arith.xori %or3A_734, %add3A_727 : vector<128x128xi32>
      %add3A_736 = arith.constant 0 : i32
      %add3A_737 = vector.broadcast %add3A_736 : i32 to vector<128x128xi32>
      %add3A_738 = arith.addi %add3A_727, %add3A_737 : vector<128x128xi32>
      %add3A_739 = arith.constant 42 : i32
      %add3A_740 = vector.broadcast %add3A_739 : i32 to vector<128x128xi32>
      %add3A_741 = arith.addi %xor3A_735, %add3A_740 : vector<128x128xi32>
      %add3A_742 = arith.constant 3 : i32
      %add3A_743 = vector.broadcast %add3A_742 : i32 to vector<128x128xi32>
      %add3A_744 = arith.addi %add3A_741, %add3A_743 : vector<128x128xi32>
      %add3A_745 = arith.addi %add3A_738, %add3A_744 : vector<128x128xi32>
      %shift_left3A_746 = arith.constant 17 : i32
      %shift_left3A_747 = vector.broadcast %shift_left3A_746 : i32 to vector<128x128xi32>
      %shift_left3A_748 = arith.shli %add3A_744, %shift_left3A_747 : vector<128x128xi32>
      %shift_right_logical3A_749 = arith.constant 15 : i32
      %shift_right_logical3A_750 = vector.broadcast %shift_right_logical3A_749 : i32 to vector<128x128xi32>
      %shift_right_logical3A_751 = arith.shrui %add3A_744, %shift_right_logical3A_750 : vector<128x128xi32>
      %or3A_752 = arith.ori %shift_left3A_748, %shift_right_logical3A_751 : vector<128x128xi32>
      %xor3A_753 = arith.xori %or3A_752, %add3A_745 : vector<128x128xi32>
      %add3A_754 = arith.addi %add3A_745, %xor3A_753 : vector<128x128xi32>
      %shift_left3A_755 = arith.constant 29 : i32
      %shift_left3A_756 = vector.broadcast %shift_left3A_755 : i32 to vector<128x128xi32>
      %shift_left3A_757 = arith.shli %xor3A_753, %shift_left3A_756 : vector<128x128xi32>
      %shift_right_logical3A_758 = arith.constant 3 : i32
      %shift_right_logical3A_759 = vector.broadcast %shift_right_logical3A_758 : i32 to vector<128x128xi32>
      %shift_right_logical3A_760 = arith.shrui %xor3A_753, %shift_right_logical3A_759 : vector<128x128xi32>
      %or3A_761 = arith.ori %shift_left3A_757, %shift_right_logical3A_760 : vector<128x128xi32>
      %xor3A_762 = arith.xori %or3A_761, %add3A_754 : vector<128x128xi32>
      %add3A_763 = arith.addi %add3A_754, %xor3A_762 : vector<128x128xi32>
      %shift_left3A_764 = arith.constant 16 : i32
      %shift_left3A_765 = vector.broadcast %shift_left3A_764 : i32 to vector<128x128xi32>
      %shift_left3A_766 = arith.shli %xor3A_762, %shift_left3A_765 : vector<128x128xi32>
      %shift_right_logical3A_767 = arith.constant 16 : i32
      %shift_right_logical3A_768 = vector.broadcast %shift_right_logical3A_767 : i32 to vector<128x128xi32>
      %shift_right_logical3A_769 = arith.shrui %xor3A_762, %shift_right_logical3A_768 : vector<128x128xi32>
      %or3A_770 = arith.ori %shift_left3A_766, %shift_right_logical3A_769 : vector<128x128xi32>
      %xor3A_771 = arith.xori %or3A_770, %add3A_763 : vector<128x128xi32>
      %add3A_772 = arith.addi %add3A_763, %xor3A_771 : vector<128x128xi32>
      %shift_left3A_773 = arith.constant 24 : i32
      %shift_left3A_774 = vector.broadcast %shift_left3A_773 : i32 to vector<128x128xi32>
      %shift_left3A_775 = arith.shli %xor3A_771, %shift_left3A_774 : vector<128x128xi32>
      %shift_right_logical3A_776 = arith.constant 8 : i32
      %shift_right_logical3A_777 = vector.broadcast %shift_right_logical3A_776 : i32 to vector<128x128xi32>
      %shift_right_logical3A_778 = arith.shrui %xor3A_771, %shift_right_logical3A_777 : vector<128x128xi32>
      %or3A_779 = arith.ori %shift_left3A_775, %shift_right_logical3A_778 : vector<128x128xi32>
      %xor3A_780 = arith.xori %or3A_779, %add3A_772 : vector<128x128xi32>
      %add3A_781 = arith.constant 42 : i32
      %add3A_782 = vector.broadcast %add3A_781 : i32 to vector<128x128xi32>
      %add3A_783 = arith.addi %add3A_772, %add3A_782 : vector<128x128xi32>
      %add3A_784 = vector.broadcast %xor3A_609 : i32 to vector<128x128xi32>
      %add3A_785 = arith.addi %xor3A_780, %add3A_784 : vector<128x128xi32>
      %add3A_786 = arith.constant 4 : i32
      %add3A_787 = vector.broadcast %add3A_786 : i32 to vector<128x128xi32>
      %add3A_788 = arith.addi %add3A_785, %add3A_787 : vector<128x128xi32>
      %add3A_789 = arith.addi %add3A_783, %add3A_788 : vector<128x128xi32>
      %shift_left3A_790 = arith.constant 13 : i32
      %shift_left3A_791 = vector.broadcast %shift_left3A_790 : i32 to vector<128x128xi32>
      %shift_left3A_792 = arith.shli %add3A_788, %shift_left3A_791 : vector<128x128xi32>
      %shift_right_logical3A_793 = arith.constant 19 : i32
      %shift_right_logical3A_794 = vector.broadcast %shift_right_logical3A_793 : i32 to vector<128x128xi32>
      %shift_right_logical3A_795 = arith.shrui %add3A_788, %shift_right_logical3A_794 : vector<128x128xi32>
      %or3A_796 = arith.ori %shift_left3A_792, %shift_right_logical3A_795 : vector<128x128xi32>
      %xor3A_797 = arith.xori %or3A_796, %add3A_789 : vector<128x128xi32>
      %add3A_798 = arith.addi %add3A_789, %xor3A_797 : vector<128x128xi32>
      %shift_left3A_799 = arith.constant 15 : i32
      %shift_left3A_800 = vector.broadcast %shift_left3A_799 : i32 to vector<128x128xi32>
      %shift_left3A_801 = arith.shli %xor3A_797, %shift_left3A_800 : vector<128x128xi32>
      %shift_right_logical3A_802 = arith.constant 17 : i32
      %shift_right_logical3A_803 = vector.broadcast %shift_right_logical3A_802 : i32 to vector<128x128xi32>
      %shift_right_logical3A_804 = arith.shrui %xor3A_797, %shift_right_logical3A_803 : vector<128x128xi32>
      %or3A_805 = arith.ori %shift_left3A_801, %shift_right_logical3A_804 : vector<128x128xi32>
      %xor3A_806 = arith.xori %or3A_805, %add3A_798 : vector<128x128xi32>
      %add3A_807 = arith.addi %add3A_798, %xor3A_806 : vector<128x128xi32>
      %shift_left3A_808 = arith.constant 26 : i32
      %shift_left3A_809 = vector.broadcast %shift_left3A_808 : i32 to vector<128x128xi32>
      %shift_left3A_810 = arith.shli %xor3A_806, %shift_left3A_809 : vector<128x128xi32>
      %shift_right_logical3A_811 = arith.constant 6 : i32
      %shift_right_logical3A_812 = vector.broadcast %shift_right_logical3A_811 : i32 to vector<128x128xi32>
      %shift_right_logical3A_813 = arith.shrui %xor3A_806, %shift_right_logical3A_812 : vector<128x128xi32>
      %or3A_814 = arith.ori %shift_left3A_810, %shift_right_logical3A_813 : vector<128x128xi32>
      %xor3A_815 = arith.xori %or3A_814, %add3A_807 : vector<128x128xi32>
      %add3A_816 = arith.addi %add3A_807, %xor3A_815 : vector<128x128xi32>
      %shift_left3A_817 = arith.constant 6 : i32
      %shift_left3A_818 = vector.broadcast %shift_left3A_817 : i32 to vector<128x128xi32>
      %shift_left3A_819 = arith.shli %xor3A_815, %shift_left3A_818 : vector<128x128xi32>
      %shift_right_logical3A_820 = arith.constant 26 : i32
      %shift_right_logical3A_821 = vector.broadcast %shift_right_logical3A_820 : i32 to vector<128x128xi32>
      %shift_right_logical3A_822 = arith.shrui %xor3A_815, %shift_right_logical3A_821 : vector<128x128xi32>
      %or3A_823 = arith.ori %shift_left3A_819, %shift_right_logical3A_822 : vector<128x128xi32>
      %xor3A_824 = arith.xori %or3A_823, %add3A_816 : vector<128x128xi32>
      %add3A_825 = vector.broadcast %xor3A_609 : i32 to vector<128x128xi32>
      %add3A_826 = arith.addi %add3A_816, %add3A_825 : vector<128x128xi32>
      %add3A_827 = arith.constant 0 : i32
      %add3A_828 = vector.broadcast %add3A_827 : i32 to vector<128x128xi32>
      %add3A_829 = arith.addi %xor3A_824, %add3A_828 : vector<128x128xi32>
      %add3A_830 = arith.constant 5 : i32
      %add3A_831 = vector.broadcast %add3A_830 : i32 to vector<128x128xi32>
      %add3A_832 = arith.addi %add3A_829, %add3A_831 : vector<128x128xi32>
      %xor3A_833 = arith.xori %add3A_826, %add3A_832 : vector<128x128xi32>
      %shift_right_logical3A_834 = arith.constant 9 : i32
      %shift_right_logical3A_835 = vector.broadcast %shift_right_logical3A_834 : i32 to vector<128x128xi32>
      %shift_right_logical3A_836 = arith.shrui %xor3A_833, %shift_right_logical3A_835 : vector<128x128xi32>
      %or3A_837 = arith.constant 1065353216 : i32
      %or3A_838 = vector.broadcast %or3A_837 : i32 to vector<128x128xi32>
      %or3A_839 = arith.ori %shift_right_logical3A_836, %or3A_838 : vector<128x128xi32>
      %bitcast_convert_type3A_840 = tpu.bitcast %or3A_839 : vector<128x128xi32> -> vector<128x128xf32>
      %sub3A_841 = arith.constant 1.000000e+00 : f32
      %sub3A_842 = vector.broadcast %sub3A_841 : f32 to vector<128x128xf32>
      %sub3A_843 = arith.subf %bitcast_convert_type3A_840, %sub3A_842 : vector<128x128xf32>
      %mul3A_844 = arith.constant 1.000000e+00 : f32
      %mul3A_845 = vector.broadcast %mul3A_844 : f32 to vector<128x128xf32>
      %mul3A_846 = arith.mulf %sub3A_843, %mul3A_845 : vector<128x128xf32>
      %add3A_847 = arith.constant 1.17549435E-38 : f32
      %add3A_848 = vector.broadcast %add3A_847 : f32 to vector<128x128xf32>
      %add3A_849 = arith.addf %mul3A_846, %add3A_848 : vector<128x128xf32>
      %max3A_850 = arith.constant 1.17549435E-38 : f32
      %max3A_851 = vector.broadcast %max3A_850 : f32 to vector<128x128xf32>
      %max3A_852 = arith.maximumf %max3A_851, %add3A_849 : vector<128x128xf32>
      %log3A_853 = math.log %max3A_852 : vector<128x128xf32>
      %neg3A_854 = arith.constant 0.000000e+00 : f32
      %neg3A_855 = vector.broadcast %neg3A_854 : f32 to vector<128x128xf32>
      %neg3A_856 = arith.subf %neg3A_855, %log3A_853 : vector<128x128xf32>
      %log3A_857 = math.log %neg3A_856 : vector<128x128xf32>
      %neg3A_858 = arith.constant 0.000000e+00 : f32
      %neg3A_859 = vector.broadcast %neg3A_858 : f32 to vector<128x128xf32>
      %neg3A_860 = arith.subf %neg3A_859, %log3A_857 : vector<128x128xf32>
      %add3A_861 = arith.addf %neg3A_860, %log3A : vector<128x128xf32>
      %reduce_max3A_862 = arith.constant dense<0xFF800000> : vector<128xf32>
      %reduce_max3A_863 = vector.multi_reduction <maximumf>, %add3A_861, %reduce_max3A_862 [0] : vector<128x128xf32> to vector<128xf32>
      %broadcast_in_dim3A_864 = vector.shape_cast %reduce_max3A_863 : vector<128xf32> to vector<1x128xf32>
      %eq3A_865 = vector.broadcast %broadcast_in_dim3A_864 : vector<1x128xf32> to vector<128x128xf32>
      %eq3A_866 = arith.cmpf oeq, %add3A_861, %eq3A_865 : vector<128x128xf32>
      %jit3A_867 = arith.constant 128 : i32
      %broadcast_in_dim3A_868 = vector.broadcast %jit3A_867 : i32 to vector<128x128xi32>
      %select_n3A_869 = arith.select %eq3A_866, %iota3A_11, %broadcast_in_dim3A_868 : vector<128x128xi1>, vector<128x128xi32>
      %reduce_min3A_870 = arith.constant dense<2147483647> : vector<128xi32>
      %reduce_min3A_871 = vector.multi_reduction <minsi>, %select_n3A_869, %reduce_min3A_870 [0] : vector<128x128xi32> to vector<128xi32>
      %broadcast_in_dim3A_872 = vector.shape_cast %reduce_min3A_871 : vector<128xi32> to vector<1x128xi32>
      %mul3A_873 = arith.constant 128 : i32
      %mul3A_874 = vector.broadcast %mul3A_873 : i32 to vector<1x128xi32>
      %mul3A_875 = arith.muli %broadcast_in_dim3A_872, %mul3A_874 : vector<1x128xi32>
      %add3A_876 = arith.addi %iota3A_12, %mul3A_875 : vector<1x128xi32>
      %swap3A_877 = arith.index_cast %add3A_598 : i32 to index
      %swap3A_878 = arith.constant 0 : index
      %swap3A_879 = vector.load %arg1[%swap3A_877, %swap3A_878] : memref<80x128xi32, #tpu.memory_space<vmem>>, vector<1x128xi32>
      tpu.vector_store %arg1[%swap3A_877, %swap3A_878], %add3A_876 {strides = array<i32>} : memref<80x128xi32, #tpu.memory_space<vmem>>, vector<1x128xi32>,
      %eq3A_880 = vector.broadcast %broadcast_in_dim3A_872 : vector<1x128xi32> to vector<128x128xi32>
      %eq3A_881 = arith.cmpi eq, %eq3A_880, %iota3A_11 : vector<128x128xi32>
      %jit3A_882 = arith.constant 0.000000e+00 : f32
      %broadcast_in_dim3A_883 = vector.broadcast %jit3A_882 : f32 to vector<128x128xf32>
      %select_n3A_884 = arith.select %eq3A_881, %sub3A, %broadcast_in_dim3A_883 : vector<128x128xi1>, vector<128x128xf32>
      %reduce_sum3A_885 = arith.constant dense<0.000000e+00> : vector<128xf32>
      %reduce_sum3A_886 = vector.multi_reduction <add>, %select_n3A_884, %reduce_sum3A_885 [0] : vector<128x128xf32> to vector<128xf32>
      %broadcast_in_dim3A_887 = vector.shape_cast %reduce_sum3A_886 : vector<128xf32> to vector<1x128xf32>
      %swap3A_888 = arith.index_cast %add3A_598 : i32 to index
      %swap3A_889 = arith.constant 0 : index
      %swap3A_890 = vector.load %arg2[%swap3A_888, %swap3A_889] : memref<80x128xf32, #tpu.memory_space<vmem>>, vector<1x128xf32>
      tpu.vector_store %arg2[%swap3A_888, %swap3A_889], %broadcast_in_dim3A_887 {strides = array<i32>} : memref<80x128xf32, #tpu.memory_space<vmem>>, vector<1x128xf32>,
      %mul3A_891 = arith.constant 8 : i32
      %mul3A_892 = arith.muli %mul3A_891, %scan3A_17 : i32
      %add3A_893 = arith.constant 3 : i32
      %add3A_894 = arith.addi %mul3A_892, %add3A_893 : i32
      %add3A_895 = arith.constant 0 : i32
      %add3A_896 = arith.addi %add3A_894, %add3A_895 : i32
      %mul3A_897 = arith.constant 16384 : i32
      %mul3A_898 = arith.muli %add3A_896, %mul3A_897 : i32
      %add3A_899 = vector.broadcast %mul3A_898 : i32 to vector<128x128xi32>
      %add3A_900 = arith.addi %add3A_10, %add3A_899 : vector<128x128xi32>
      %xor3A_901 = arith.constant 0 : i32
      %xor3A_902 = arith.constant 42 : i32
      %xor3A_903 = arith.xori %xor3A_901, %xor3A_902 : i32
      %xor3A_904 = arith.constant 466688986 : i32
      %xor3A_905 = arith.xori %xor3A_903, %xor3A_904 : i32
      %add3A_906 = arith.constant 42 : i32
      %add3A_907 = vector.broadcast %add3A_906 : i32 to vector<128x128xi32>
      %add3A_908 = arith.addi %add3A_900, %add3A_907 : vector<128x128xi32>
      %shift_left3A_909 = arith.constant 13 : i32
      %shift_left3A_910 = vector.broadcast %shift_left3A_909 : i32 to vector<128x128xi32>
      %shift_left3A_911 = arith.shli %add3A_908, %shift_left3A_910 : vector<128x128xi32>
      %shift_right_logical3A_912 = arith.constant 19 : i32
      %shift_right_logical3A_913 = vector.broadcast %shift_right_logical3A_912 : i32 to vector<128x128xi32>
      %shift_right_logical3A_914 = arith.shrui %add3A_908, %shift_right_logical3A_913 : vector<128x128xi32>
      %or3A_915 = arith.ori %shift_left3A_911, %shift_right_logical3A_914 : vector<128x128xi32>
      %xor3A_916 = arith.xori %or3A_915, %add3A_908 : vector<128x128xi32>
      %add3A_917 = arith.addi %add3A_908, %xor3A_916 : vector<128x128xi32>
      %shift_left3A_918 = arith.constant 15 : i32
      %shift_left3A_919 = vector.broadcast %shift_left3A_918 : i32 to vector<128x128xi32>
      %shift_left3A_920 = arith.shli %xor3A_916, %shift_left3A_919 : vector<128x128xi32>
      %shift_right_logical3A_921 = arith.constant 17 : i32
      %shift_right_logical3A_922 = vector.broadcast %shift_right_logical3A_921 : i32 to vector<128x128xi32>
      %shift_right_logical3A_923 = arith.shrui %xor3A_916, %shift_right_logical3A_922 : vector<128x128xi32>
      %or3A_924 = arith.ori %shift_left3A_920, %shift_right_logical3A_923 : vector<128x128xi32>
      %xor3A_925 = arith.xori %or3A_924, %add3A_917 : vector<128x128xi32>
      %add3A_926 = arith.addi %add3A_917, %xor3A_925 : vector<128x128xi32>
      %shift_left3A_927 = arith.constant 26 : i32
      %shift_left3A_928 = vector.broadcast %shift_left3A_927 : i32 to vector<128x128xi32>
      %shift_left3A_929 = arith.shli %xor3A_925, %shift_left3A_928 : vector<128x128xi32>
      %shift_right_logical3A_930 = arith.constant 6 : i32
      %shift_right_logical3A_931 = vector.broadcast %shift_right_logical3A_930 : i32 to vector<128x128xi32>
      %shift_right_logical3A_932 = arith.shrui %xor3A_925, %shift_right_logical3A_931 : vector<128x128xi32>
      %or3A_933 = arith.ori %shift_left3A_929, %shift_right_logical3A_932 : vector<128x128xi32>
      %xor3A_934 = arith.xori %or3A_933, %add3A_926 : vector<128x128xi32>
      %add3A_935 = arith.addi %add3A_926, %xor3A_934 : vector<128x128xi32>
      %shift_left3A_936 = arith.constant 6 : i32
      %shift_left3A_937 = vector.broadcast %shift_left3A_936 : i32 to vector<128x128xi32>
      %shift_left3A_938 = arith.shli %xor3A_934, %shift_left3A_937 : vector<128x128xi32>
      %shift_right_logical3A_939 = arith.constant 26 : i32
      %shift_right_logical3A_940 = vector.broadcast %shift_right_logical3A_939 : i32 to vector<128x128xi32>
      %shift_right_logical3A_941 = arith.shrui %xor3A_934, %shift_right_logical3A_940 : vector<128x128xi32>
      %or3A_942 = arith.ori %shift_left3A_938, %shift_right_logical3A_941 : vector<128x128xi32>
      %xor3A_943 = arith.xori %or3A_942, %add3A_935 : vector<128x128xi32>
      %add3A_944 = arith.constant 42 : i32
      %add3A_945 = vector.broadcast %add3A_944 : i32 to vector<128x128xi32>
      %add3A_946 = arith.addi %add3A_935, %add3A_945 : vector<128x128xi32>
      %add3A_947 = vector.broadcast %xor3A_905 : i32 to vector<128x128xi32>
      %add3A_948 = arith.addi %xor3A_943, %add3A_947 : vector<128x128xi32>
      %add3A_949 = arith.constant 1 : i32
      %add3A_950 = vector.broadcast %add3A_949 : i32 to vector<128x128xi32>
      %add3A_951 = arith.addi %add3A_948, %add3A_950 : vector<128x128xi32>
      %add3A_952 = arith.addi %add3A_946, %add3A_951 : vector<128x128xi32>
      %shift_left3A_953 = arith.constant 17 : i32
      %shift_left3A_954 = vector.broadcast %shift_left3A_953 : i32 to vector<128x128xi32>
      %shift_left3A_955 = arith.shli %add3A_951, %shift_left3A_954 : vector<128x128xi32>
      %shift_right_logical3A_956 = arith.constant 15 : i32
      %shift_right_logical3A_957 = vector.broadcast %shift_right_logical3A_956 : i32 to vector<128x128xi32>
      %shift_right_logical3A_958 = arith.shrui %add3A_951, %shift_right_logical3A_957 : vector<128x128xi32>
      %or3A_959 = arith.ori %shift_left3A_955, %shift_right_logical3A_958 : vector<128x128xi32>
      %xor3A_960 = arith.xori %or3A_959, %add3A_952 : vector<128x128xi32>
      %add3A_961 = arith.addi %add3A_952, %xor3A_960 : vector<128x128xi32>
      %shift_left3A_962 = arith.constant 29 : i32
      %shift_left3A_963 = vector.broadcast %shift_left3A_962 : i32 to vector<128x128xi32>
      %shift_left3A_964 = arith.shli %xor3A_960, %shift_left3A_963 : vector<128x128xi32>
      %shift_right_logical3A_965 = arith.constant 3 : i32
      %shift_right_logical3A_966 = vector.broadcast %shift_right_logical3A_965 : i32 to vector<128x128xi32>
      %shift_right_logical3A_967 = arith.shrui %xor3A_960, %shift_right_logical3A_966 : vector<128x128xi32>
      %or3A_968 = arith.ori %shift_left3A_964, %shift_right_logical3A_967 : vector<128x128xi32>
      %xor3A_969 = arith.xori %or3A_968, %add3A_961 : vector<128x128xi32>
      %add3A_970 = arith.addi %add3A_961, %xor3A_969 : vector<128x128xi32>
      %shift_left3A_971 = arith.constant 16 : i32
      %shift_left3A_972 = vector.broadcast %shift_left3A_971 : i32 to vector<128x128xi32>
      %shift_left3A_973 = arith.shli %xor3A_969, %shift_left3A_972 : vector<128x128xi32>
      %shift_right_logical3A_974 = arith.constant 16 : i32
      %shift_right_logical3A_975 = vector.broadcast %shift_right_logical3A_974 : i32 to vector<128x128xi32>
      %shift_right_logical3A_976 = arith.shrui %xor3A_969, %shift_right_logical3A_975 : vector<128x128xi32>
      %or3A_977 = arith.ori %shift_left3A_973, %shift_right_logical3A_976 : vector<128x128xi32>
      %xor3A_978 = arith.xori %or3A_977, %add3A_970 : vector<128x128xi32>
      %add3A_979 = arith.addi %add3A_970, %xor3A_978 : vector<128x128xi32>
      %shift_left3A_980 = arith.constant 24 : i32
      %shift_left3A_981 = vector.broadcast %shift_left3A_980 : i32 to vector<128x128xi32>
      %shift_left3A_982 = arith.shli %xor3A_978, %shift_left3A_981 : vector<128x128xi32>
      %shift_right_logical3A_983 = arith.constant 8 : i32
      %shift_right_logical3A_984 = vector.broadcast %shift_right_logical3A_983 : i32 to vector<128x128xi32>
      %shift_right_logical3A_985 = arith.shrui %xor3A_978, %shift_right_logical3A_984 : vector<128x128xi32>
      %or3A_986 = arith.ori %shift_left3A_982, %shift_right_logical3A_985 : vector<128x128xi32>
      %xor3A_987 = arith.xori %or3A_986, %add3A_979 : vector<128x128xi32>
      %add3A_988 = vector.broadcast %xor3A_905 : i32 to vector<128x128xi32>
      %add3A_989 = arith.addi %add3A_979, %add3A_988 : vector<128x128xi32>
      %add3A_990 = arith.constant 0 : i32
      %add3A_991 = vector.broadcast %add3A_990 : i32 to vector<128x128xi32>
      %add3A_992 = arith.addi %xor3A_987, %add3A_991 : vector<128x128xi32>
      %add3A_993 = arith.constant 2 : i32
      %add3A_994 = vector.broadcast %add3A_993 : i32 to vector<128x128xi32>
      %add3A_995 = arith.addi %add3A_992, %add3A_994 : vector<128x128xi32>
      %add3A_996 = arith.addi %add3A_989, %add3A_995 : vector<128x128xi32>
      %shift_left3A_997 = arith.constant 13 : i32
      %shift_left3A_998 = vector.broadcast %shift_left3A_997 : i32 to vector<128x128xi32>
      %shift_left3A_999 = arith.shli %add3A_995, %shift_left3A_998 : vector<128x128xi32>
      %shift_right_logical3A_1000 = arith.constant 19 : i32
      %shift_right_logical3A_1001 = vector.broadcast %shift_right_logical3A_1000 : i32 to vector<128x128xi32>
      %shift_right_logical3A_1002 = arith.shrui %add3A_995, %shift_right_logical3A_1001 : vector<128x128xi32>
      %or3A_1003 = arith.ori %shift_left3A_999, %shift_right_logical3A_1002 : vector<128x128xi32>
      %xor3A_1004 = arith.xori %or3A_1003, %add3A_996 : vector<128x128xi32>
      %add3A_1005 = arith.addi %add3A_996, %xor3A_1004 : vector<128x128xi32>
      %shift_left3A_1006 = arith.constant 15 : i32
      %shift_left3A_1007 = vector.broadcast %shift_left3A_1006 : i32 to vector<128x128xi32>
      %shift_left3A_1008 = arith.shli %xor3A_1004, %shift_left3A_1007 : vector<128x128xi32>
      %shift_right_logical3A_1009 = arith.constant 17 : i32
      %shift_right_logical3A_1010 = vector.broadcast %shift_right_logical3A_1009 : i32 to vector<128x128xi32>
      %shift_right_logical3A_1011 = arith.shrui %xor3A_1004, %shift_right_logical3A_1010 : vector<128x128xi32>
      %or3A_1012 = arith.ori %shift_left3A_1008, %shift_right_logical3A_1011 : vector<128x128xi32>
      %xor3A_1013 = arith.xori %or3A_1012, %add3A_1005 : vector<128x128xi32>
      %add3A_1014 = arith.addi %add3A_1005, %xor3A_1013 : vector<128x128xi32>
      %shift_left3A_1015 = arith.constant 26 : i32
      %shift_left3A_1016 = vector.broadcast %shift_left3A_1015 : i32 to vector<128x128xi32>
      %shift_left3A_1017 = arith.shli %xor3A_1013, %shift_left3A_1016 : vector<128x128xi32>
      %shift_right_logical3A_1018 = arith.constant 6 : i32
      %shift_right_logical3A_1019 = vector.broadcast %shift_right_logical3A_1018 : i32 to vector<128x128xi32>
      %shift_right_logical3A_1020 = arith.shrui %xor3A_1013, %shift_right_logical3A_1019 : vector<128x128xi32>
      %or3A_1021 = arith.ori %shift_left3A_1017, %shift_right_logical3A_1020 : vector<128x128xi32>
      %xor3A_1022 = arith.xori %or3A_1021, %add3A_1014 : vector<128x128xi32>
      %add3A_1023 = arith.addi %add3A_1014, %xor3A_1022 : vector<128x128xi32>
      %shift_left3A_1024 = arith.constant 6 : i32
      %shift_left3A_1025 = vector.broadcast %shift_left3A_1024 : i32 to vector<128x128xi32>
      %shift_left3A_1026 = arith.shli %xor3A_1022, %shift_left3A_1025 : vector<128x128xi32>
      %shift_right_logical3A_1027 = arith.constant 26 : i32
      %shift_right_logical3A_1028 = vector.broadcast %shift_right_logical3A_1027 : i32 to vector<128x128xi32>
      %shift_right_logical3A_1029 = arith.shrui %xor3A_1022, %shift_right_logical3A_1028 : vector<128x128xi32>
      %or3A_1030 = arith.ori %shift_left3A_1026, %shift_right_logical3A_1029 : vector<128x128xi32>
      %xor3A_1031 = arith.xori %or3A_1030, %add3A_1023 : vector<128x128xi32>
      %add3A_1032 = arith.constant 0 : i32
      %add3A_1033 = vector.broadcast %add3A_1032 : i32 to vector<128x128xi32>
      %add3A_1034 = arith.addi %add3A_1023, %add3A_1033 : vector<128x128xi32>
      %add3A_1035 = arith.constant 42 : i32
      %add3A_1036 = vector.broadcast %add3A_1035 : i32 to vector<128x128xi32>
      %add3A_1037 = arith.addi %xor3A_1031, %add3A_1036 : vector<128x128xi32>
      %add3A_1038 = arith.constant 3 : i32
      %add3A_1039 = vector.broadcast %add3A_1038 : i32 to vector<128x128xi32>
      %add3A_1040 = arith.addi %add3A_1037, %add3A_1039 : vector<128x128xi32>
      %add3A_1041 = arith.addi %add3A_1034, %add3A_1040 : vector<128x128xi32>
      %shift_left3A_1042 = arith.constant 17 : i32
      %shift_left3A_1043 = vector.broadcast %shift_left3A_1042 : i32 to vector<128x128xi32>
      %shift_left3A_1044 = arith.shli %add3A_1040, %shift_left3A_1043 : vector<128x128xi32>
      %shift_right_logical3A_1045 = arith.constant 15 : i32
      %shift_right_logical3A_1046 = vector.broadcast %shift_right_logical3A_1045 : i32 to vector<128x128xi32>
      %shift_right_logical3A_1047 = arith.shrui %add3A_1040, %shift_right_logical3A_1046 : vector<128x128xi32>
      %or3A_1048 = arith.ori %shift_left3A_1044, %shift_right_logical3A_1047 : vector<128x128xi32>
      %xor3A_1049 = arith.xori %or3A_1048, %add3A_1041 : vector<128x128xi32>
      %add3A_1050 = arith.addi %add3A_1041, %xor3A_1049 : vector<128x128xi32>
      %shift_left3A_1051 = arith.constant 29 : i32
      %shift_left3A_1052 = vector.broadcast %shift_left3A_1051 : i32 to vector<128x128xi32>
      %shift_left3A_1053 = arith.shli %xor3A_1049, %shift_left3A_1052 : vector<128x128xi32>
      %shift_right_logical3A_1054 = arith.constant 3 : i32
      %shift_right_logical3A_1055 = vector.broadcast %shift_right_logical3A_1054 : i32 to vector<128x128xi32>
      %shift_right_logical3A_1056 = arith.shrui %xor3A_1049, %shift_right_logical3A_1055 : vector<128x128xi32>
      %or3A_1057 = arith.ori %shift_left3A_1053, %shift_right_logical3A_1056 : vector<128x128xi32>
      %xor3A_1058 = arith.xori %or3A_1057, %add3A_1050 : vector<128x128xi32>
      %add3A_1059 = arith.addi %add3A_1050, %xor3A_1058 : vector<128x128xi32>
      %shift_left3A_1060 = arith.constant 16 : i32
      %shift_left3A_1061 = vector.broadcast %shift_left3A_1060 : i32 to vector<128x128xi32>
      %shift_left3A_1062 = arith.shli %xor3A_1058, %shift_left3A_1061 : vector<128x128xi32>
      %shift_right_logical3A_1063 = arith.constant 16 : i32
      %shift_right_logical3A_1064 = vector.broadcast %shift_right_logical3A_1063 : i32 to vector<128x128xi32>
      %shift_right_logical3A_1065 = arith.shrui %xor3A_1058, %shift_right_logical3A_1064 : vector<128x128xi32>
      %or3A_1066 = arith.ori %shift_left3A_1062, %shift_right_logical3A_1065 : vector<128x128xi32>
      %xor3A_1067 = arith.xori %or3A_1066, %add3A_1059 : vector<128x128xi32>
      %add3A_1068 = arith.addi %add3A_1059, %xor3A_1067 : vector<128x128xi32>
      %shift_left3A_1069 = arith.constant 24 : i32
      %shift_left3A_1070 = vector.broadcast %shift_left3A_1069 : i32 to vector<128x128xi32>
      %shift_left3A_1071 = arith.shli %xor3A_1067, %shift_left3A_1070 : vector<128x128xi32>
      %shift_right_logical3A_1072 = arith.constant 8 : i32
      %shift_right_logical3A_1073 = vector.broadcast %shift_right_logical3A_1072 : i32 to vector<128x128xi32>
      %shift_right_logical3A_1074 = arith.shrui %xor3A_1067, %shift_right_logical3A_1073 : vector<128x128xi32>
      %or3A_1075 = arith.ori %shift_left3A_1071, %shift_right_logical3A_1074 : vector<128x128xi32>
      %xor3A_1076 = arith.xori %or3A_1075, %add3A_1068 : vector<128x128xi32>
      %add3A_1077 = arith.constant 42 : i32
      %add3A_1078 = vector.broadcast %add3A_1077 : i32 to vector<128x128xi32>
      %add3A_1079 = arith.addi %add3A_1068, %add3A_1078 : vector<128x128xi32>
      %add3A_1080 = vector.broadcast %xor3A_905 : i32 to vector<128x128xi32>
      %add3A_1081 = arith.addi %xor3A_1076, %add3A_1080 : vector<128x128xi32>
      %add3A_1082 = arith.constant 4 : i32
      %add3A_1083 = vector.broadcast %add3A_1082 : i32 to vector<128x128xi32>
      %add3A_1084 = arith.addi %add3A_1081, %add3A_1083 : vector<128x128xi32>
      %add3A_1085 = arith.addi %add3A_1079, %add3A_1084 : vector<128x128xi32>
      %shift_left3A_1086 = arith.constant 13 : i32
      %shift_left3A_1087 = vector.broadcast %shift_left3A_1086 : i32 to vector<128x128xi32>
      %shift_left3A_1088 = arith.shli %add3A_1084, %shift_left3A_1087 : vector<128x128xi32>
      %shift_right_logical3A_1089 = arith.constant 19 : i32
      %shift_right_logical3A_1090 = vector.broadcast %shift_right_logical3A_1089 : i32 to vector<128x128xi32>
      %shift_right_logical3A_1091 = arith.shrui %add3A_1084, %shift_right_logical3A_1090 : vector<128x128xi32>
      %or3A_1092 = arith.ori %shift_left3A_1088, %shift_right_logical3A_1091 : vector<128x128xi32>
      %xor3A_1093 = arith.xori %or3A_1092, %add3A_1085 : vector<128x128xi32>
      %add3A_1094 = arith.addi %add3A_1085, %xor3A_1093 : vector<128x128xi32>
      %shift_left3A_1095 = arith.constant 15 : i32
      %shift_left3A_1096 = vector.broadcast %shift_left3A_1095 : i32 to vector<128x128xi32>
      %shift_left3A_1097 = arith.shli %xor3A_1093, %shift_left3A_1096 : vector<128x128xi32>
      %shift_right_logical3A_1098 = arith.constant 17 : i32
      %shift_right_logical3A_1099 = vector.broadcast %shift_right_logical3A_1098 : i32 to vector<128x128xi32>
      %shift_right_logical3A_1100 = arith.shrui %xor3A_1093, %shift_right_logical3A_1099 : vector<128x128xi32>
      %or3A_1101 = arith.ori %shift_left3A_1097, %shift_right_logical3A_1100 : vector<128x128xi32>
      %xor3A_1102 = arith.xori %or3A_1101, %add3A_1094 : vector<128x128xi32>
      %add3A_1103 = arith.addi %add3A_1094, %xor3A_1102 : vector<128x128xi32>
      %shift_left3A_1104 = arith.constant 26 : i32
      %shift_left3A_1105 = vector.broadcast %shift_left3A_1104 : i32 to vector<128x128xi32>
      %shift_left3A_1106 = arith.shli %xor3A_1102, %shift_left3A_1105 : vector<128x128xi32>
      %shift_right_logical3A_1107 = arith.constant 6 : i32
      %shift_right_logical3A_1108 = vector.broadcast %shift_right_logical3A_1107 : i32 to vector<128x128xi32>
      %shift_right_logical3A_1109 = arith.shrui %xor3A_1102, %shift_right_logical3A_1108 : vector<128x128xi32>
      %or3A_1110 = arith.ori %shift_left3A_1106, %shift_right_logical3A_1109 : vector<128x128xi32>
      %xor3A_1111 = arith.xori %or3A_1110, %add3A_1103 : vector<128x128xi32>
      %add3A_1112 = arith.addi %add3A_1103, %xor3A_1111 : vector<128x128xi32>
      %shift_left3A_1113 = arith.constant 6 : i32
      %shift_left3A_1114 = vector.broadcast %shift_left3A_1113 : i32 to vector<128x128xi32>
      %shift_left3A_1115 = arith.shli %xor3A_1111, %shift_left3A_1114 : vector<128x128xi32>
      %shift_right_logical3A_1116 = arith.constant 26 : i32
      %shift_right_logical3A_1117 = vector.broadcast %shift_right_logical3A_1116 : i32 to vector<128x128xi32>
      %shift_right_logical3A_1118 = arith.shrui %xor3A_1111, %shift_right_logical3A_1117 : vector<128x128xi32>
      %or3A_1119 = arith.ori %shift_left3A_1115, %shift_right_logical3A_1118 : vector<128x128xi32>
      %xor3A_1120 = arith.xori %or3A_1119, %add3A_1112 : vector<128x128xi32>
      %add3A_1121 = vector.broadcast %xor3A_905 : i32 to vector<128x128xi32>
      %add3A_1122 = arith.addi %add3A_1112, %add3A_1121 : vector<128x128xi32>
      %add3A_1123 = arith.constant 0 : i32
      %add3A_1124 = vector.broadcast %add3A_1123 : i32 to vector<128x128xi32>
      %add3A_1125 = arith.addi %xor3A_1120, %add3A_1124 : vector<128x128xi32>
      %add3A_1126 = arith.constant 5 : i32
      %add3A_1127 = vector.broadcast %add3A_1126 : i32 to vector<128x128xi32>
      %add3A_1128 = arith.addi %add3A_1125, %add3A_1127 : vector<128x128xi32>
      %xor3A_1129 = arith.xori %add3A_1122, %add3A_1128 : vector<128x128xi32>
      %shift_right_logical3A_1130 = arith.constant 9 : i32
      %shift_right_logical3A_1131 = vector.broadcast %shift_right_logical3A_1130 : i32 to vector<128x128xi32>
      %shift_right_logical3A_1132 = arith.shrui %xor3A_1129, %shift_right_logical3A_1131 : vector<128x128xi32>
      %or3A_1133 = arith.constant 1065353216 : i32
      %or3A_1134 = vector.broadcast %or3A_1133 : i32 to vector<128x128xi32>
      %or3A_1135 = arith.ori %shift_right_logical3A_1132, %or3A_1134 : vector<128x128xi32>
      %bitcast_convert_type3A_1136 = tpu.bitcast %or3A_1135 : vector<128x128xi32> -> vector<128x128xf32>
      %sub3A_1137 = arith.constant 1.000000e+00 : f32
      %sub3A_1138 = vector.broadcast %sub3A_1137 : f32 to vector<128x128xf32>
      %sub3A_1139 = arith.subf %bitcast_convert_type3A_1136, %sub3A_1138 : vector<128x128xf32>
      %mul3A_1140 = arith.constant 1.000000e+00 : f32
      %mul3A_1141 = vector.broadcast %mul3A_1140 : f32 to vector<128x128xf32>
      %mul3A_1142 = arith.mulf %sub3A_1139, %mul3A_1141 : vector<128x128xf32>
      %add3A_1143 = arith.constant 1.17549435E-38 : f32
      %add3A_1144 = vector.broadcast %add3A_1143 : f32 to vector<128x128xf32>
      %add3A_1145 = arith.addf %mul3A_1142, %add3A_1144 : vector<128x128xf32>
      %max3A_1146 = arith.constant 1.17549435E-38 : f32
      %max3A_1147 = vector.broadcast %max3A_1146 : f32 to vector<128x128xf32>
      %max3A_1148 = arith.maximumf %max3A_1147, %add3A_1145 : vector<128x128xf32>
      %log3A_1149 = math.log %max3A_1148 : vector<128x128xf32>
      %neg3A_1150 = arith.constant 0.000000e+00 : f32
      %neg3A_1151 = vector.broadcast %neg3A_1150 : f32 to vector<128x128xf32>
      %neg3A_1152 = arith.subf %neg3A_1151, %log3A_1149 : vector<128x128xf32>
      %log3A_1153 = math.log %neg3A_1152 : vector<128x128xf32>
      %neg3A_1154 = arith.constant 0.000000e+00 : f32
      %neg3A_1155 = vector.broadcast %neg3A_1154 : f32 to vector<128x128xf32>
      %neg3A_1156 = arith.subf %neg3A_1155, %log3A_1153 : vector<128x128xf32>
      %add3A_1157 = arith.addf %neg3A_1156, %log3A : vector<128x128xf32>
      %reduce_max3A_1158 = arith.constant dense<0xFF800000> : vector<128xf32>
      %reduce_max3A_1159 = vector.multi_reduction <maximumf>, %add3A_1157, %reduce_max3A_1158 [0] : vector<128x128xf32> to vector<128xf32>
      %broadcast_in_dim3A_1160 = vector.shape_cast %reduce_max3A_1159 : vector<128xf32> to vector<1x128xf32>
      %eq3A_1161 = vector.broadcast %broadcast_in_dim3A_1160 : vector<1x128xf32> to vector<128x128xf32>
      %eq3A_1162 = arith.cmpf oeq, %add3A_1157, %eq3A_1161 : vector<128x128xf32>
      %jit3A_1163 = arith.constant 128 : i32
      %broadcast_in_dim3A_1164 = vector.broadcast %jit3A_1163 : i32 to vector<128x128xi32>
      %select_n3A_1165 = arith.select %eq3A_1162, %iota3A_11, %broadcast_in_dim3A_1164 : vector<128x128xi1>, vector<128x128xi32>
      %reduce_min3A_1166 = arith.constant dense<2147483647> : vector<128xi32>
      %reduce_min3A_1167 = vector.multi_reduction <minsi>, %select_n3A_1165, %reduce_min3A_1166 [0] : vector<128x128xi32> to vector<128xi32>
      %broadcast_in_dim3A_1168 = vector.shape_cast %reduce_min3A_1167 : vector<128xi32> to vector<1x128xi32>
      %mul3A_1169 = arith.constant 128 : i32
      %mul3A_1170 = vector.broadcast %mul3A_1169 : i32 to vector<1x128xi32>
      %mul3A_1171 = arith.muli %broadcast_in_dim3A_1168, %mul3A_1170 : vector<1x128xi32>
      %add3A_1172 = arith.addi %iota3A_12, %mul3A_1171 : vector<1x128xi32>
      %swap3A_1173 = arith.index_cast %add3A_894 : i32 to index
      %swap3A_1174 = arith.constant 0 : index
      %swap3A_1175 = vector.load %arg1[%swap3A_1173, %swap3A_1174] : memref<80x128xi32, #tpu.memory_space<vmem>>, vector<1x128xi32>
      tpu.vector_store %arg1[%swap3A_1173, %swap3A_1174], %add3A_1172 {strides = array<i32>} : memref<80x128xi32, #tpu.memory_space<vmem>>, vector<1x128xi32>,
      %eq3A_1176 = vector.broadcast %broadcast_in_dim3A_1168 : vector<1x128xi32> to vector<128x128xi32>
      %eq3A_1177 = arith.cmpi eq, %eq3A_1176, %iota3A_11 : vector<128x128xi32>
      %jit3A_1178 = arith.constant 0.000000e+00 : f32
      %broadcast_in_dim3A_1179 = vector.broadcast %jit3A_1178 : f32 to vector<128x128xf32>
      %select_n3A_1180 = arith.select %eq3A_1177, %sub3A, %broadcast_in_dim3A_1179 : vector<128x128xi1>, vector<128x128xf32>
      %reduce_sum3A_1181 = arith.constant dense<0.000000e+00> : vector<128xf32>
      %reduce_sum3A_1182 = vector.multi_reduction <add>, %select_n3A_1180, %reduce_sum3A_1181 [0] : vector<128x128xf32> to vector<128xf32>
      %broadcast_in_dim3A_1183 = vector.shape_cast %reduce_sum3A_1182 : vector<128xf32> to vector<1x128xf32>
      %swap3A_1184 = arith.index_cast %add3A_894 : i32 to index
      %swap3A_1185 = arith.constant 0 : index
      %swap3A_1186 = vector.load %arg2[%swap3A_1184, %swap3A_1185] : memref<80x128xf32, #tpu.memory_space<vmem>>, vector<1x128xf32>
      tpu.vector_store %arg2[%swap3A_1184, %swap3A_1185], %broadcast_in_dim3A_1183 {strides = array<i32>} : memref<80x128xf32, #tpu.memory_space<vmem>>, vector<1x128xf32>,
      %mul3A_1187 = arith.constant 8 : i32
      %mul3A_1188 = arith.muli %mul3A_1187, %scan3A_17 : i32
      %add3A_1189 = arith.constant 4 : i32
      %add3A_1190 = arith.addi %mul3A_1188, %add3A_1189 : i32
      %add3A_1191 = arith.constant 0 : i32
      %add3A_1192 = arith.addi %add3A_1190, %add3A_1191 : i32
      %mul3A_1193 = arith.constant 16384 : i32
      %mul3A_1194 = arith.muli %add3A_1192, %mul3A_1193 : i32
      %add3A_1195 = vector.broadcast %mul3A_1194 : i32 to vector<128x128xi32>
      %add3A_1196 = arith.addi %add3A_10, %add3A_1195 : vector<128x128xi32>
      %xor3A_1197 = arith.constant 0 : i32
      %xor3A_1198 = arith.constant 42 : i32
      %xor3A_1199 = arith.xori %xor3A_1197, %xor3A_1198 : i32
      %xor3A_1200 = arith.constant 466688986 : i32
      %xor3A_1201 = arith.xori %xor3A_1199, %xor3A_1200 : i32
      %add3A_1202 = arith.constant 42 : i32
      %add3A_1203 = vector.broadcast %add3A_1202 : i32 to vector<128x128xi32>
      %add3A_1204 = arith.addi %add3A_1196, %add3A_1203 : vector<128x128xi32>
      %shift_left3A_1205 = arith.constant 13 : i32
      %shift_left3A_1206 = vector.broadcast %shift_left3A_1205 : i32 to vector<128x128xi32>
      %shift_left3A_1207 = arith.shli %add3A_1204, %shift_left3A_1206 : vector<128x128xi32>
      %shift_right_logical3A_1208 = arith.constant 19 : i32
      %shift_right_logical3A_1209 = vector.broadcast %shift_right_logical3A_1208 : i32 to vector<128x128xi32>
      %shift_right_logical3A_1210 = arith.shrui %add3A_1204, %shift_right_logical3A_1209 : vector<128x128xi32>
      %or3A_1211 = arith.ori %shift_left3A_1207, %shift_right_logical3A_1210 : vector<128x128xi32>
      %xor3A_1212 = arith.xori %or3A_1211, %add3A_1204 : vector<128x128xi32>
      %add3A_1213 = arith.addi %add3A_1204, %xor3A_1212 : vector<128x128xi32>
      %shift_left3A_1214 = arith.constant 15 : i32
      %shift_left3A_1215 = vector.broadcast %shift_left3A_1214 : i32 to vector<128x128xi32>
      %shift_left3A_1216 = arith.shli %xor3A_1212, %shift_left3A_1215 : vector<128x128xi32>
      %shift_right_logical3A_1217 = arith.constant 17 : i32
      %shift_right_logical3A_1218 = vector.broadcast %shift_right_logical3A_1217 : i32 to vector<128x128xi32>
      %shift_right_logical3A_1219 = arith.shrui %xor3A_1212, %shift_right_logical3A_1218 : vector<128x128xi32>
      %or3A_1220 = arith.ori %shift_left3A_1216, %shift_right_logical3A_1219 : vector<128x128xi32>
      %xor3A_1221 = arith.xori %or3A_1220, %add3A_1213 : vector<128x128xi32>
      %add3A_1222 = arith.addi %add3A_1213, %xor3A_1221 : vector<128x128xi32>
      %shift_left3A_1223 = arith.constant 26 : i32
      %shift_left3A_1224 = vector.broadcast %shift_left3A_1223 : i32 to vector<128x128xi32>
      %shift_left3A_1225 = arith.shli %xor3A_1221, %shift_left3A_1224 : vector<128x128xi32>
      %shift_right_logical3A_1226 = arith.constant 6 : i32
      %shift_right_logical3A_1227 = vector.broadcast %shift_right_logical3A_1226 : i32 to vector<128x128xi32>
      %shift_right_logical3A_1228 = arith.shrui %xor3A_1221, %shift_right_logical3A_1227 : vector<128x128xi32>
      %or3A_1229 = arith.ori %shift_left3A_1225, %shift_right_logical3A_1228 : vector<128x128xi32>
      %xor3A_1230 = arith.xori %or3A_1229, %add3A_1222 : vector<128x128xi32>
      %add3A_1231 = arith.addi %add3A_1222, %xor3A_1230 : vector<128x128xi32>
      %shift_left3A_1232 = arith.constant 6 : i32
      %shift_left3A_1233 = vector.broadcast %shift_left3A_1232 : i32 to vector<128x128xi32>
      %shift_left3A_1234 = arith.shli %xor3A_1230, %shift_left3A_1233 : vector<128x128xi32>
      %shift_right_logical3A_1235 = arith.constant 26 : i32
      %shift_right_logical3A_1236 = vector.broadcast %shift_right_logical3A_1235 : i32 to vector<128x128xi32>
      %shift_right_logical3A_1237 = arith.shrui %xor3A_1230, %shift_right_logical3A_1236 : vector<128x128xi32>
      %or3A_1238 = arith.ori %shift_left3A_1234, %shift_right_logical3A_1237 : vector<128x128xi32>
      %xor3A_1239 = arith.xori %or3A_1238, %add3A_1231 : vector<128x128xi32>
      %add3A_1240 = arith.constant 42 : i32
      %add3A_1241 = vector.broadcast %add3A_1240 : i32 to vector<128x128xi32>
      %add3A_1242 = arith.addi %add3A_1231, %add3A_1241 : vector<128x128xi32>
      %add3A_1243 = vector.broadcast %xor3A_1201 : i32 to vector<128x128xi32>
      %add3A_1244 = arith.addi %xor3A_1239, %add3A_1243 : vector<128x128xi32>
      %add3A_1245 = arith.constant 1 : i32
      %add3A_1246 = vector.broadcast %add3A_1245 : i32 to vector<128x128xi32>
      %add3A_1247 = arith.addi %add3A_1244, %add3A_1246 : vector<128x128xi32>
      %add3A_1248 = arith.addi %add3A_1242, %add3A_1247 : vector<128x128xi32>
      %shift_left3A_1249 = arith.constant 17 : i32
      %shift_left3A_1250 = vector.broadcast %shift_left3A_1249 : i32 to vector<128x128xi32>
      %shift_left3A_1251 = arith.shli %add3A_1247, %shift_left3A_1250 : vector<128x128xi32>
      %shift_right_logical3A_1252 = arith.constant 15 : i32
      %shift_right_logical3A_1253 = vector.broadcast %shift_right_logical3A_1252 : i32 to vector<128x128xi32>
      %shift_right_logical3A_1254 = arith.shrui %add3A_1247, %shift_right_logical3A_1253 : vector<128x128xi32>
      %or3A_1255 = arith.ori %shift_left3A_1251, %shift_right_logical3A_1254 : vector<128x128xi32>
      %xor3A_1256 = arith.xori %or3A_1255, %add3A_1248 : vector<128x128xi32>
      %add3A_1257 = arith.addi %add3A_1248, %xor3A_1256 : vector<128x128xi32>
      %shift_left3A_1258 = arith.constant 29 : i32
      %shift_left3A_1259 = vector.broadcast %shift_left3A_1258 : i32 to vector<128x128xi32>
      %shift_left3A_1260 = arith.shli %xor3A_1256, %shift_left3A_1259 : vector<128x128xi32>
      %shift_right_logical3A_1261 = arith.constant 3 : i32
      %shift_right_logical3A_1262 = vector.broadcast %shift_right_logical3A_1261 : i32 to vector<128x128xi32>
      %shift_right_logical3A_1263 = arith.shrui %xor3A_1256, %shift_right_logical3A_1262 : vector<128x128xi32>
      %or3A_1264 = arith.ori %shift_left3A_1260, %shift_right_logical3A_1263 : vector<128x128xi32>
      %xor3A_1265 = arith.xori %or3A_1264, %add3A_1257 : vector<128x128xi32>
      %add3A_1266 = arith.addi %add3A_1257, %xor3A_1265 : vector<128x128xi32>
      %shift_left3A_1267 = arith.constant 16 : i32
      %shift_left3A_1268 = vector.broadcast %shift_left3A_1267 : i32 to vector<128x128xi32>
      %shift_left3A_1269 = arith.shli %xor3A_1265, %shift_left3A_1268 : vector<128x128xi32>
      %shift_right_logical3A_1270 = arith.constant 16 : i32
      %shift_right_logical3A_1271 = vector.broadcast %shift_right_logical3A_1270 : i32 to vector<128x128xi32>
      %shift_right_logical3A_1272 = arith.shrui %xor3A_1265, %shift_right_logical3A_1271 : vector<128x128xi32>
      %or3A_1273 = arith.ori %shift_left3A_1269, %shift_right_logical3A_1272 : vector<128x128xi32>
      %xor3A_1274 = arith.xori %or3A_1273, %add3A_1266 : vector<128x128xi32>
      %add3A_1275 = arith.addi %add3A_1266, %xor3A_1274 : vector<128x128xi32>
      %shift_left3A_1276 = arith.constant 24 : i32
      %shift_left3A_1277 = vector.broadcast %shift_left3A_1276 : i32 to vector<128x128xi32>
      %shift_left3A_1278 = arith.shli %xor3A_1274, %shift_left3A_1277 : vector<128x128xi32>
      %shift_right_logical3A_1279 = arith.constant 8 : i32
      %shift_right_logical3A_1280 = vector.broadcast %shift_right_logical3A_1279 : i32 to vector<128x128xi32>
      %shift_right_logical3A_1281 = arith.shrui %xor3A_1274, %shift_right_logical3A_1280 : vector<128x128xi32>
      %or3A_1282 = arith.ori %shift_left3A_1278, %shift_right_logical3A_1281 : vector<128x128xi32>
      %xor3A_1283 = arith.xori %or3A_1282, %add3A_1275 : vector<128x128xi32>
      %add3A_1284 = vector.broadcast %xor3A_1201 : i32 to vector<128x128xi32>
      %add3A_1285 = arith.addi %add3A_1275, %add3A_1284 : vector<128x128xi32>
      %add3A_1286 = arith.constant 0 : i32
      %add3A_1287 = vector.broadcast %add3A_1286 : i32 to vector<128x128xi32>
      %add3A_1288 = arith.addi %xor3A_1283, %add3A_1287 : vector<128x128xi32>
      %add3A_1289 = arith.constant 2 : i32
      %add3A_1290 = vector.broadcast %add3A_1289 : i32 to vector<128x128xi32>
      %add3A_1291 = arith.addi %add3A_1288, %add3A_1290 : vector<128x128xi32>
      %add3A_1292 = arith.addi %add3A_1285, %add3A_1291 : vector<128x128xi32>
      %shift_left3A_1293 = arith.constant 13 : i32
      %shift_left3A_1294 = vector.broadcast %shift_left3A_1293 : i32 to vector<128x128xi32>
      %shift_left3A_1295 = arith.shli %add3A_1291, %shift_left3A_1294 : vector<128x128xi32>
      %shift_right_logical3A_1296 = arith.constant 19 : i32
      %shift_right_logical3A_1297 = vector.broadcast %shift_right_logical3A_1296 : i32 to vector<128x128xi32>
      %shift_right_logical3A_1298 = arith.shrui %add3A_1291, %shift_right_logical3A_1297 : vector<128x128xi32>
      %or3A_1299 = arith.ori %shift_left3A_1295, %shift_right_logical3A_1298 : vector<128x128xi32>
      %xor3A_1300 = arith.xori %or3A_1299, %add3A_1292 : vector<128x128xi32>
      %add3A_1301 = arith.addi %add3A_1292, %xor3A_1300 : vector<128x128xi32>
      %shift_left3A_1302 = arith.constant 15 : i32
      %shift_left3A_1303 = vector.broadcast %shift_left3A_1302 : i32 to vector<128x128xi32>
      %shift_left3A_1304 = arith.shli %xor3A_1300, %shift_left3A_1303 : vector<128x128xi32>
      %shift_right_logical3A_1305 = arith.constant 17 : i32
      %shift_right_logical3A_1306 = vector.broadcast %shift_right_logical3A_1305 : i32 to vector<128x128xi32>
      %shift_right_logical3A_1307 = arith.shrui %xor3A_1300, %shift_right_logical3A_1306 : vector<128x128xi32>
      %or3A_1308 = arith.ori %shift_left3A_1304, %shift_right_logical3A_1307 : vector<128x128xi32>
      %xor3A_1309 = arith.xori %or3A_1308, %add3A_1301 : vector<128x128xi32>
      %add3A_1310 = arith.addi %add3A_1301, %xor3A_1309 : vector<128x128xi32>
      %shift_left3A_1311 = arith.constant 26 : i32
      %shift_left3A_1312 = vector.broadcast %shift_left3A_1311 : i32 to vector<128x128xi32>
      %shift_left3A_1313 = arith.shli %xor3A_1309, %shift_left3A_1312 : vector<128x128xi32>
      %shift_right_logical3A_1314 = arith.constant 6 : i32
      %shift_right_logical3A_1315 = vector.broadcast %shift_right_logical3A_1314 : i32 to vector<128x128xi32>
      %shift_right_logical3A_1316 = arith.shrui %xor3A_1309, %shift_right_logical3A_1315 : vector<128x128xi32>
      %or3A_1317 = arith.ori %shift_left3A_1313, %shift_right_logical3A_1316 : vector<128x128xi32>
      %xor3A_1318 = arith.xori %or3A_1317, %add3A_1310 : vector<128x128xi32>
      %add3A_1319 = arith.addi %add3A_1310, %xor3A_1318 : vector<128x128xi32>
      %shift_left3A_1320 = arith.constant 6 : i32
      %shift_left3A_1321 = vector.broadcast %shift_left3A_1320 : i32 to vector<128x128xi32>
      %shift_left3A_1322 = arith.shli %xor3A_1318, %shift_left3A_1321 : vector<128x128xi32>
      %shift_right_logical3A_1323 = arith.constant 26 : i32
      %shift_right_logical3A_1324 = vector.broadcast %shift_right_logical3A_1323 : i32 to vector<128x128xi32>
      %shift_right_logical3A_1325 = arith.shrui %xor3A_1318, %shift_right_logical3A_1324 : vector<128x128xi32>
      %or3A_1326 = arith.ori %shift_left3A_1322, %shift_right_logical3A_1325 : vector<128x128xi32>
      %xor3A_1327 = arith.xori %or3A_1326, %add3A_1319 : vector<128x128xi32>
      %add3A_1328 = arith.constant 0 : i32
      %add3A_1329 = vector.broadcast %add3A_1328 : i32 to vector<128x128xi32>
      %add3A_1330 = arith.addi %add3A_1319, %add3A_1329 : vector<128x128xi32>
      %add3A_1331 = arith.constant 42 : i32
      %add3A_1332 = vector.broadcast %add3A_1331 : i32 to vector<128x128xi32>
      %add3A_1333 = arith.addi %xor3A_1327, %add3A_1332 : vector<128x128xi32>
      %add3A_1334 = arith.constant 3 : i32
      %add3A_1335 = vector.broadcast %add3A_1334 : i32 to vector<128x128xi32>
      %add3A_1336 = arith.addi %add3A_1333, %add3A_1335 : vector<128x128xi32>
      %add3A_1337 = arith.addi %add3A_1330, %add3A_1336 : vector<128x128xi32>
      %shift_left3A_1338 = arith.constant 17 : i32
      %shift_left3A_1339 = vector.broadcast %shift_left3A_1338 : i32 to vector<128x128xi32>
      %shift_left3A_1340 = arith.shli %add3A_1336, %shift_left3A_1339 : vector<128x128xi32>
      %shift_right_logical3A_1341 = arith.constant 15 : i32
      %shift_right_logical3A_1342 = vector.broadcast %shift_right_logical3A_1341 : i32 to vector<128x128xi32>
      %shift_right_logical3A_1343 = arith.shrui %add3A_1336, %shift_right_logical3A_1342 : vector<128x128xi32>
      %or3A_1344 = arith.ori %shift_left3A_1340, %shift_right_logical3A_1343 : vector<128x128xi32>
      %xor3A_1345 = arith.xori %or3A_1344, %add3A_1337 : vector<128x128xi32>
      %add3A_1346 = arith.addi %add3A_1337, %xor3A_1345 : vector<128x128xi32>
      %shift_left3A_1347 = arith.constant 29 : i32
      %shift_left3A_1348 = vector.broadcast %shift_left3A_1347 : i32 to vector<128x128xi32>
      %shift_left3A_1349 = arith.shli %xor3A_1345, %shift_left3A_1348 : vector<128x128xi32>
      %shift_right_logical3A_1350 = arith.constant 3 : i32
      %shift_right_logical3A_1351 = vector.broadcast %shift_right_logical3A_1350 : i32 to vector<128x128xi32>
      %shift_right_logical3A_1352 = arith.shrui %xor3A_1345, %shift_right_logical3A_1351 : vector<128x128xi32>
      %or3A_1353 = arith.ori %shift_left3A_1349, %shift_right_logical3A_1352 : vector<128x128xi32>
      %xor3A_1354 = arith.xori %or3A_1353, %add3A_1346 : vector<128x128xi32>
      %add3A_1355 = arith.addi %add3A_1346, %xor3A_1354 : vector<128x128xi32>
      %shift_left3A_1356 = arith.constant 16 : i32
      %shift_left3A_1357 = vector.broadcast %shift_left3A_1356 : i32 to vector<128x128xi32>
      %shift_left3A_1358 = arith.shli %xor3A_1354, %shift_left3A_1357 : vector<128x128xi32>
      %shift_right_logical3A_1359 = arith.constant 16 : i32
      %shift_right_logical3A_1360 = vector.broadcast %shift_right_logical3A_1359 : i32 to vector<128x128xi32>
      %shift_right_logical3A_1361 = arith.shrui %xor3A_1354, %shift_right_logical3A_1360 : vector<128x128xi32>
      %or3A_1362 = arith.ori %shift_left3A_1358, %shift_right_logical3A_1361 : vector<128x128xi32>
      %xor3A_1363 = arith.xori %or3A_1362, %add3A_1355 : vector<128x128xi32>
      %add3A_1364 = arith.addi %add3A_1355, %xor3A_1363 : vector<128x128xi32>
      %shift_left3A_1365 = arith.constant 24 : i32
      %shift_left3A_1366 = vector.broadcast %shift_left3A_1365 : i32 to vector<128x128xi32>
      %shift_left3A_1367 = arith.shli %xor3A_1363, %shift_left3A_1366 : vector<128x128xi32>
      %shift_right_logical3A_1368 = arith.constant 8 : i32
      %shift_right_logical3A_1369 = vector.broadcast %shift_right_logical3A_1368 : i32 to vector<128x128xi32>
      %shift_right_logical3A_1370 = arith.shrui %xor3A_1363, %shift_right_logical3A_1369 : vector<128x128xi32>
      %or3A_1371 = arith.ori %shift_left3A_1367, %shift_right_logical3A_1370 : vector<128x128xi32>
      %xor3A_1372 = arith.xori %or3A_1371, %add3A_1364 : vector<128x128xi32>
      %add3A_1373 = arith.constant 42 : i32
      %add3A_1374 = vector.broadcast %add3A_1373 : i32 to vector<128x128xi32>
      %add3A_1375 = arith.addi %add3A_1364, %add3A_1374 : vector<128x128xi32>
      %add3A_1376 = vector.broadcast %xor3A_1201 : i32 to vector<128x128xi32>
      %add3A_1377 = arith.addi %xor3A_1372, %add3A_1376 : vector<128x128xi32>
      %add3A_1378 = arith.constant 4 : i32
      %add3A_1379 = vector.broadcast %add3A_1378 : i32 to vector<128x128xi32>
      %add3A_1380 = arith.addi %add3A_1377, %add3A_1379 : vector<128x128xi32>
      %add3A_1381 = arith.addi %add3A_1375, %add3A_1380 : vector<128x128xi32>
      %shift_left3A_1382 = arith.constant 13 : i32
      %shift_left3A_1383 = vector.broadcast %shift_left3A_1382 : i32 to vector<128x128xi32>
      %shift_left3A_1384 = arith.shli %add3A_1380, %shift_left3A_1383 : vector<128x128xi32>
      %shift_right_logical3A_1385 = arith.constant 19 : i32
      %shift_right_logical3A_1386 = vector.broadcast %shift_right_logical3A_1385 : i32 to vector<128x128xi32>
      %shift_right_logical3A_1387 = arith.shrui %add3A_1380, %shift_right_logical3A_1386 : vector<128x128xi32>
      %or3A_1388 = arith.ori %shift_left3A_1384, %shift_right_logical3A_1387 : vector<128x128xi32>
      %xor3A_1389 = arith.xori %or3A_1388, %add3A_1381 : vector<128x128xi32>
      %add3A_1390 = arith.addi %add3A_1381, %xor3A_1389 : vector<128x128xi32>
      %shift_left3A_1391 = arith.constant 15 : i32
      %shift_left3A_1392 = vector.broadcast %shift_left3A_1391 : i32 to vector<128x128xi32>
      %shift_left3A_1393 = arith.shli %xor3A_1389, %shift_left3A_1392 : vector<128x128xi32>
      %shift_right_logical3A_1394 = arith.constant 17 : i32
      %shift_right_logical3A_1395 = vector.broadcast %shift_right_logical3A_1394 : i32 to vector<128x128xi32>
      %shift_right_logical3A_1396 = arith.shrui %xor3A_1389, %shift_right_logical3A_1395 : vector<128x128xi32>
      %or3A_1397 = arith.ori %shift_left3A_1393, %shift_right_logical3A_1396 : vector<128x128xi32>
      %xor3A_1398 = arith.xori %or3A_1397, %add3A_1390 : vector<128x128xi32>
      %add3A_1399 = arith.addi %add3A_1390, %xor3A_1398 : vector<128x128xi32>
      %shift_left3A_1400 = arith.constant 26 : i32
      %shift_left3A_1401 = vector.broadcast %shift_left3A_1400 : i32 to vector<128x128xi32>
      %shift_left3A_1402 = arith.shli %xor3A_1398, %shift_left3A_1401 : vector<128x128xi32>
      %shift_right_logical3A_1403 = arith.constant 6 : i32
      %shift_right_logical3A_1404 = vector.broadcast %shift_right_logical3A_1403 : i32 to vector<128x128xi32>
      %shift_right_logical3A_1405 = arith.shrui %xor3A_1398, %shift_right_logical3A_1404 : vector<128x128xi32>
      %or3A_1406 = arith.ori %shift_left3A_1402, %shift_right_logical3A_1405 : vector<128x128xi32>
      %xor3A_1407 = arith.xori %or3A_1406, %add3A_1399 : vector<128x128xi32>
      %add3A_1408 = arith.addi %add3A_1399, %xor3A_1407 : vector<128x128xi32>
      %shift_left3A_1409 = arith.constant 6 : i32
      %shift_left3A_1410 = vector.broadcast %shift_left3A_1409 : i32 to vector<128x128xi32>
      %shift_left3A_1411 = arith.shli %xor3A_1407, %shift_left3A_1410 : vector<128x128xi32>
      %shift_right_logical3A_1412 = arith.constant 26 : i32
      %shift_right_logical3A_1413 = vector.broadcast %shift_right_logical3A_1412 : i32 to vector<128x128xi32>
      %shift_right_logical3A_1414 = arith.shrui %xor3A_1407, %shift_right_logical3A_1413 : vector<128x128xi32>
      %or3A_1415 = arith.ori %shift_left3A_1411, %shift_right_logical3A_1414 : vector<128x128xi32>
      %xor3A_1416 = arith.xori %or3A_1415, %add3A_1408 : vector<128x128xi32>
      %add3A_1417 = vector.broadcast %xor3A_1201 : i32 to vector<128x128xi32>
      %add3A_1418 = arith.addi %add3A_1408, %add3A_1417 : vector<128x128xi32>
      %add3A_1419 = arith.constant 0 : i32
      %add3A_1420 = vector.broadcast %add3A_1419 : i32 to vector<128x128xi32>
      %add3A_1421 = arith.addi %xor3A_1416, %add3A_1420 : vector<128x128xi32>
      %add3A_1422 = arith.constant 5 : i32
      %add3A_1423 = vector.broadcast %add3A_1422 : i32 to vector<128x128xi32>
      %add3A_1424 = arith.addi %add3A_1421, %add3A_1423 : vector<128x128xi32>
      %xor3A_1425 = arith.xori %add3A_1418, %add3A_1424 : vector<128x128xi32>
      %shift_right_logical3A_1426 = arith.constant 9 : i32
      %shift_right_logical3A_1427 = vector.broadcast %shift_right_logical3A_1426 : i32 to vector<128x128xi32>
      %shift_right_logical3A_1428 = arith.shrui %xor3A_1425, %shift_right_logical3A_1427 : vector<128x128xi32>
      %or3A_1429 = arith.constant 1065353216 : i32
      %or3A_1430 = vector.broadcast %or3A_1429 : i32 to vector<128x128xi32>
      %or3A_1431 = arith.ori %shift_right_logical3A_1428, %or3A_1430 : vector<128x128xi32>
      %bitcast_convert_type3A_1432 = tpu.bitcast %or3A_1431 : vector<128x128xi32> -> vector<128x128xf32>
      %sub3A_1433 = arith.constant 1.000000e+00 : f32
      %sub3A_1434 = vector.broadcast %sub3A_1433 : f32 to vector<128x128xf32>
      %sub3A_1435 = arith.subf %bitcast_convert_type3A_1432, %sub3A_1434 : vector<128x128xf32>
      %mul3A_1436 = arith.constant 1.000000e+00 : f32
      %mul3A_1437 = vector.broadcast %mul3A_1436 : f32 to vector<128x128xf32>
      %mul3A_1438 = arith.mulf %sub3A_1435, %mul3A_1437 : vector<128x128xf32>
      %add3A_1439 = arith.constant 1.17549435E-38 : f32
      %add3A_1440 = vector.broadcast %add3A_1439 : f32 to vector<128x128xf32>
      %add3A_1441 = arith.addf %mul3A_1438, %add3A_1440 : vector<128x128xf32>
      %max3A_1442 = arith.constant 1.17549435E-38 : f32
      %max3A_1443 = vector.broadcast %max3A_1442 : f32 to vector<128x128xf32>
      %max3A_1444 = arith.maximumf %max3A_1443, %add3A_1441 : vector<128x128xf32>
      %log3A_1445 = math.log %max3A_1444 : vector<128x128xf32>
      %neg3A_1446 = arith.constant 0.000000e+00 : f32
      %neg3A_1447 = vector.broadcast %neg3A_1446 : f32 to vector<128x128xf32>
      %neg3A_1448 = arith.subf %neg3A_1447, %log3A_1445 : vector<128x128xf32>
      %log3A_1449 = math.log %neg3A_1448 : vector<128x128xf32>
      %neg3A_1450 = arith.constant 0.000000e+00 : f32
      %neg3A_1451 = vector.broadcast %neg3A_1450 : f32 to vector<128x128xf32>
      %neg3A_1452 = arith.subf %neg3A_1451, %log3A_1449 : vector<128x128xf32>
      %add3A_1453 = arith.addf %neg3A_1452, %log3A : vector<128x128xf32>
      %reduce_max3A_1454 = arith.constant dense<0xFF800000> : vector<128xf32>
      %reduce_max3A_1455 = vector.multi_reduction <maximumf>, %add3A_1453, %reduce_max3A_1454 [0] : vector<128x128xf32> to vector<128xf32>
      %broadcast_in_dim3A_1456 = vector.shape_cast %reduce_max3A_1455 : vector<128xf32> to vector<1x128xf32>
      %eq3A_1457 = vector.broadcast %broadcast_in_dim3A_1456 : vector<1x128xf32> to vector<128x128xf32>
      %eq3A_1458 = arith.cmpf oeq, %add3A_1453, %eq3A_1457 : vector<128x128xf32>
      %jit3A_1459 = arith.constant 128 : i32
      %broadcast_in_dim3A_1460 = vector.broadcast %jit3A_1459 : i32 to vector<128x128xi32>
      %select_n3A_1461 = arith.select %eq3A_1458, %iota3A_11, %broadcast_in_dim3A_1460 : vector<128x128xi1>, vector<128x128xi32>
      %reduce_min3A_1462 = arith.constant dense<2147483647> : vector<128xi32>
      %reduce_min3A_1463 = vector.multi_reduction <minsi>, %select_n3A_1461, %reduce_min3A_1462 [0] : vector<128x128xi32> to vector<128xi32>
      %broadcast_in_dim3A_1464 = vector.shape_cast %reduce_min3A_1463 : vector<128xi32> to vector<1x128xi32>
      %mul3A_1465 = arith.constant 128 : i32
      %mul3A_1466 = vector.broadcast %mul3A_1465 : i32 to vector<1x128xi32>
      %mul3A_1467 = arith.muli %broadcast_in_dim3A_1464, %mul3A_1466 : vector<1x128xi32>
      %add3A_1468 = arith.addi %iota3A_12, %mul3A_1467 : vector<1x128xi32>
      %swap3A_1469 = arith.index_cast %add3A_1190 : i32 to index
      %swap3A_1470 = arith.constant 0 : index
      %swap3A_1471 = vector.load %arg1[%swap3A_1469, %swap3A_1470] : memref<80x128xi32, #tpu.memory_space<vmem>>, vector<1x128xi32>
      tpu.vector_store %arg1[%swap3A_1469, %swap3A_1470], %add3A_1468 {strides = array<i32>} : memref<80x128xi32, #tpu.memory_space<vmem>>, vector<1x128xi32>,
      %eq3A_1472 = vector.broadcast %broadcast_in_dim3A_1464 : vector<1x128xi32> to vector<128x128xi32>
      %eq3A_1473 = arith.cmpi eq, %eq3A_1472, %iota3A_11 : vector<128x128xi32>
      %jit3A_1474 = arith.constant 0.000000e+00 : f32
      %broadcast_in_dim3A_1475 = vector.broadcast %jit3A_1474 : f32 to vector<128x128xf32>
      %select_n3A_1476 = arith.select %eq3A_1473, %sub3A, %broadcast_in_dim3A_1475 : vector<128x128xi1>, vector<128x128xf32>
      %reduce_sum3A_1477 = arith.constant dense<0.000000e+00> : vector<128xf32>
      %reduce_sum3A_1478 = vector.multi_reduction <add>, %select_n3A_1476, %reduce_sum3A_1477 [0] : vector<128x128xf32> to vector<128xf32>
      %broadcast_in_dim3A_1479 = vector.shape_cast %reduce_sum3A_1478 : vector<128xf32> to vector<1x128xf32>
      %swap3A_1480 = arith.index_cast %add3A_1190 : i32 to index
      %swap3A_1481 = arith.constant 0 : index
      %swap3A_1482 = vector.load %arg2[%swap3A_1480, %swap3A_1481] : memref<80x128xf32, #tpu.memory_space<vmem>>, vector<1x128xf32>
      tpu.vector_store %arg2[%swap3A_1480, %swap3A_1481], %broadcast_in_dim3A_1479 {strides = array<i32>} : memref<80x128xf32, #tpu.memory_space<vmem>>, vector<1x128xf32>,
      %mul3A_1483 = arith.constant 8 : i32
      %mul3A_1484 = arith.muli %mul3A_1483, %scan3A_17 : i32
      %add3A_1485 = arith.constant 5 : i32
      %add3A_1486 = arith.addi %mul3A_1484, %add3A_1485 : i32
      %add3A_1487 = arith.constant 0 : i32
      %add3A_1488 = arith.addi %add3A_1486, %add3A_1487 : i32
      %mul3A_1489 = arith.constant 16384 : i32
      %mul3A_1490 = arith.muli %add3A_1488, %mul3A_1489 : i32
      %add3A_1491 = vector.broadcast %mul3A_1490 : i32 to vector<128x128xi32>
      %add3A_1492 = arith.addi %add3A_10, %add3A_1491 : vector<128x128xi32>
      %xor3A_1493 = arith.constant 0 : i32
      %xor3A_1494 = arith.constant 42 : i32
      %xor3A_1495 = arith.xori %xor3A_1493, %xor3A_1494 : i32
      %xor3A_1496 = arith.constant 466688986 : i32
      %xor3A_1497 = arith.xori %xor3A_1495, %xor3A_1496 : i32
      %add3A_1498 = arith.constant 42 : i32
      %add3A_1499 = vector.broadcast %add3A_1498 : i32 to vector<128x128xi32>
      %add3A_1500 = arith.addi %add3A_1492, %add3A_1499 : vector<128x128xi32>
      %shift_left3A_1501 = arith.constant 13 : i32
      %shift_left3A_1502 = vector.broadcast %shift_left3A_1501 : i32 to vector<128x128xi32>
      %shift_left3A_1503 = arith.shli %add3A_1500, %shift_left3A_1502 : vector<128x128xi32>
      %shift_right_logical3A_1504 = arith.constant 19 : i32
      %shift_right_logical3A_1505 = vector.broadcast %shift_right_logical3A_1504 : i32 to vector<128x128xi32>
      %shift_right_logical3A_1506 = arith.shrui %add3A_1500, %shift_right_logical3A_1505 : vector<128x128xi32>
      %or3A_1507 = arith.ori %shift_left3A_1503, %shift_right_logical3A_1506 : vector<128x128xi32>
      %xor3A_1508 = arith.xori %or3A_1507, %add3A_1500 : vector<128x128xi32>
      %add3A_1509 = arith.addi %add3A_1500, %xor3A_1508 : vector<128x128xi32>
      %shift_left3A_1510 = arith.constant 15 : i32
      %shift_left3A_1511 = vector.broadcast %shift_left3A_1510 : i32 to vector<128x128xi32>
      %shift_left3A_1512 = arith.shli %xor3A_1508, %shift_left3A_1511 : vector<128x128xi32>
      %shift_right_logical3A_1513 = arith.constant 17 : i32
      %shift_right_logical3A_1514 = vector.broadcast %shift_right_logical3A_1513 : i32 to vector<128x128xi32>
      %shift_right_logical3A_1515 = arith.shrui %xor3A_1508, %shift_right_logical3A_1514 : vector<128x128xi32>
      %or3A_1516 = arith.ori %shift_left3A_1512, %shift_right_logical3A_1515 : vector<128x128xi32>
      %xor3A_1517 = arith.xori %or3A_1516, %add3A_1509 : vector<128x128xi32>
      %add3A_1518 = arith.addi %add3A_1509, %xor3A_1517 : vector<128x128xi32>
      %shift_left3A_1519 = arith.constant 26 : i32
      %shift_left3A_1520 = vector.broadcast %shift_left3A_1519 : i32 to vector<128x128xi32>
      %shift_left3A_1521 = arith.shli %xor3A_1517, %shift_left3A_1520 : vector<128x128xi32>
      %shift_right_logical3A_1522 = arith.constant 6 : i32
      %shift_right_logical3A_1523 = vector.broadcast %shift_right_logical3A_1522 : i32 to vector<128x128xi32>
      %shift_right_logical3A_1524 = arith.shrui %xor3A_1517, %shift_right_logical3A_1523 : vector<128x128xi32>
      %or3A_1525 = arith.ori %shift_left3A_1521, %shift_right_logical3A_1524 : vector<128x128xi32>
      %xor3A_1526 = arith.xori %or3A_1525, %add3A_1518 : vector<128x128xi32>
      %add3A_1527 = arith.addi %add3A_1518, %xor3A_1526 : vector<128x128xi32>
      %shift_left3A_1528 = arith.constant 6 : i32
      %shift_left3A_1529 = vector.broadcast %shift_left3A_1528 : i32 to vector<128x128xi32>
      %shift_left3A_1530 = arith.shli %xor3A_1526, %shift_left3A_1529 : vector<128x128xi32>
      %shift_right_logical3A_1531 = arith.constant 26 : i32
      %shift_right_logical3A_1532 = vector.broadcast %shift_right_logical3A_1531 : i32 to vector<128x128xi32>
      %shift_right_logical3A_1533 = arith.shrui %xor3A_1526, %shift_right_logical3A_1532 : vector<128x128xi32>
      %or3A_1534 = arith.ori %shift_left3A_1530, %shift_right_logical3A_1533 : vector<128x128xi32>
      %xor3A_1535 = arith.xori %or3A_1534, %add3A_1527 : vector<128x128xi32>
      %add3A_1536 = arith.constant 42 : i32
      %add3A_1537 = vector.broadcast %add3A_1536 : i32 to vector<128x128xi32>
      %add3A_1538 = arith.addi %add3A_1527, %add3A_1537 : vector<128x128xi32>
      %add3A_1539 = vector.broadcast %xor3A_1497 : i32 to vector<128x128xi32>
      %add3A_1540 = arith.addi %xor3A_1535, %add3A_1539 : vector<128x128xi32>
      %add3A_1541 = arith.constant 1 : i32
      %add3A_1542 = vector.broadcast %add3A_1541 : i32 to vector<128x128xi32>
      %add3A_1543 = arith.addi %add3A_1540, %add3A_1542 : vector<128x128xi32>
      %add3A_1544 = arith.addi %add3A_1538, %add3A_1543 : vector<128x128xi32>
      %shift_left3A_1545 = arith.constant 17 : i32
      %shift_left3A_1546 = vector.broadcast %shift_left3A_1545 : i32 to vector<128x128xi32>
      %shift_left3A_1547 = arith.shli %add3A_1543, %shift_left3A_1546 : vector<128x128xi32>
      %shift_right_logical3A_1548 = arith.constant 15 : i32
      %shift_right_logical3A_1549 = vector.broadcast %shift_right_logical3A_1548 : i32 to vector<128x128xi32>
      %shift_right_logical3A_1550 = arith.shrui %add3A_1543, %shift_right_logical3A_1549 : vector<128x128xi32>
      %or3A_1551 = arith.ori %shift_left3A_1547, %shift_right_logical3A_1550 : vector<128x128xi32>
      %xor3A_1552 = arith.xori %or3A_1551, %add3A_1544 : vector<128x128xi32>
      %add3A_1553 = arith.addi %add3A_1544, %xor3A_1552 : vector<128x128xi32>
      %shift_left3A_1554 = arith.constant 29 : i32
      %shift_left3A_1555 = vector.broadcast %shift_left3A_1554 : i32 to vector<128x128xi32>
      %shift_left3A_1556 = arith.shli %xor3A_1552, %shift_left3A_1555 : vector<128x128xi32>
      %shift_right_logical3A_1557 = arith.constant 3 : i32
      %shift_right_logical3A_1558 = vector.broadcast %shift_right_logical3A_1557 : i32 to vector<128x128xi32>
      %shift_right_logical3A_1559 = arith.shrui %xor3A_1552, %shift_right_logical3A_1558 : vector<128x128xi32>
      %or3A_1560 = arith.ori %shift_left3A_1556, %shift_right_logical3A_1559 : vector<128x128xi32>
      %xor3A_1561 = arith.xori %or3A_1560, %add3A_1553 : vector<128x128xi32>
      %add3A_1562 = arith.addi %add3A_1553, %xor3A_1561 : vector<128x128xi32>
      %shift_left3A_1563 = arith.constant 16 : i32
      %shift_left3A_1564 = vector.broadcast %shift_left3A_1563 : i32 to vector<128x128xi32>
      %shift_left3A_1565 = arith.shli %xor3A_1561, %shift_left3A_1564 : vector<128x128xi32>
      %shift_right_logical3A_1566 = arith.constant 16 : i32
      %shift_right_logical3A_1567 = vector.broadcast %shift_right_logical3A_1566 : i32 to vector<128x128xi32>
      %shift_right_logical3A_1568 = arith.shrui %xor3A_1561, %shift_right_logical3A_1567 : vector<128x128xi32>
      %or3A_1569 = arith.ori %shift_left3A_1565, %shift_right_logical3A_1568 : vector<128x128xi32>
      %xor3A_1570 = arith.xori %or3A_1569, %add3A_1562 : vector<128x128xi32>
      %add3A_1571 = arith.addi %add3A_1562, %xor3A_1570 : vector<128x128xi32>
      %shift_left3A_1572 = arith.constant 24 : i32
      %shift_left3A_1573 = vector.broadcast %shift_left3A_1572 : i32 to vector<128x128xi32>
      %shift_left3A_1574 = arith.shli %xor3A_1570, %shift_left3A_1573 : vector<128x128xi32>
      %shift_right_logical3A_1575 = arith.constant 8 : i32
      %shift_right_logical3A_1576 = vector.broadcast %shift_right_logical3A_1575 : i32 to vector<128x128xi32>
      %shift_right_logical3A_1577 = arith.shrui %xor3A_1570, %shift_right_logical3A_1576 : vector<128x128xi32>
      %or3A_1578 = arith.ori %shift_left3A_1574, %shift_right_logical3A_1577 : vector<128x128xi32>
      %xor3A_1579 = arith.xori %or3A_1578, %add3A_1571 : vector<128x128xi32>
      %add3A_1580 = vector.broadcast %xor3A_1497 : i32 to vector<128x128xi32>
      %add3A_1581 = arith.addi %add3A_1571, %add3A_1580 : vector<128x128xi32>
      %add3A_1582 = arith.constant 0 : i32
      %add3A_1583 = vector.broadcast %add3A_1582 : i32 to vector<128x128xi32>
      %add3A_1584 = arith.addi %xor3A_1579, %add3A_1583 : vector<128x128xi32>
      %add3A_1585 = arith.constant 2 : i32
      %add3A_1586 = vector.broadcast %add3A_1585 : i32 to vector<128x128xi32>
      %add3A_1587 = arith.addi %add3A_1584, %add3A_1586 : vector<128x128xi32>
      %add3A_1588 = arith.addi %add3A_1581, %add3A_1587 : vector<128x128xi32>
      %shift_left3A_1589 = arith.constant 13 : i32
      %shift_left3A_1590 = vector.broadcast %shift_left3A_1589 : i32 to vector<128x128xi32>
      %shift_left3A_1591 = arith.shli %add3A_1587, %shift_left3A_1590 : vector<128x128xi32>
      %shift_right_logical3A_1592 = arith.constant 19 : i32
      %shift_right_logical3A_1593 = vector.broadcast %shift_right_logical3A_1592 : i32 to vector<128x128xi32>
      %shift_right_logical3A_1594 = arith.shrui %add3A_1587, %shift_right_logical3A_1593 : vector<128x128xi32>
      %or3A_1595 = arith.ori %shift_left3A_1591, %shift_right_logical3A_1594 : vector<128x128xi32>
      %xor3A_1596 = arith.xori %or3A_1595, %add3A_1588 : vector<128x128xi32>
      %add3A_1597 = arith.addi %add3A_1588, %xor3A_1596 : vector<128x128xi32>
      %shift_left3A_1598 = arith.constant 15 : i32
      %shift_left3A_1599 = vector.broadcast %shift_left3A_1598 : i32 to vector<128x128xi32>
      %shift_left3A_1600 = arith.shli %xor3A_1596, %shift_left3A_1599 : vector<128x128xi32>
      %shift_right_logical3A_1601 = arith.constant 17 : i32
      %shift_right_logical3A_1602 = vector.broadcast %shift_right_logical3A_1601 : i32 to vector<128x128xi32>
      %shift_right_logical3A_1603 = arith.shrui %xor3A_1596, %shift_right_logical3A_1602 : vector<128x128xi32>
      %or3A_1604 = arith.ori %shift_left3A_1600, %shift_right_logical3A_1603 : vector<128x128xi32>
      %xor3A_1605 = arith.xori %or3A_1604, %add3A_1597 : vector<128x128xi32>
      %add3A_1606 = arith.addi %add3A_1597, %xor3A_1605 : vector<128x128xi32>
      %shift_left3A_1607 = arith.constant 26 : i32
      %shift_left3A_1608 = vector.broadcast %shift_left3A_1607 : i32 to vector<128x128xi32>
      %shift_left3A_1609 = arith.shli %xor3A_1605, %shift_left3A_1608 : vector<128x128xi32>
      %shift_right_logical3A_1610 = arith.constant 6 : i32
      %shift_right_logical3A_1611 = vector.broadcast %shift_right_logical3A_1610 : i32 to vector<128x128xi32>
      %shift_right_logical3A_1612 = arith.shrui %xor3A_1605, %shift_right_logical3A_1611 : vector<128x128xi32>
      %or3A_1613 = arith.ori %shift_left3A_1609, %shift_right_logical3A_1612 : vector<128x128xi32>
      %xor3A_1614 = arith.xori %or3A_1613, %add3A_1606 : vector<128x128xi32>
      %add3A_1615 = arith.addi %add3A_1606, %xor3A_1614 : vector<128x128xi32>
      %shift_left3A_1616 = arith.constant 6 : i32
      %shift_left3A_1617 = vector.broadcast %shift_left3A_1616 : i32 to vector<128x128xi32>
      %shift_left3A_1618 = arith.shli %xor3A_1614, %shift_left3A_1617 : vector<128x128xi32>
      %shift_right_logical3A_1619 = arith.constant 26 : i32
      %shift_right_logical3A_1620 = vector.broadcast %shift_right_logical3A_1619 : i32 to vector<128x128xi32>
      %shift_right_logical3A_1621 = arith.shrui %xor3A_1614, %shift_right_logical3A_1620 : vector<128x128xi32>
      %or3A_1622 = arith.ori %shift_left3A_1618, %shift_right_logical3A_1621 : vector<128x128xi32>
      %xor3A_1623 = arith.xori %or3A_1622, %add3A_1615 : vector<128x128xi32>
      %add3A_1624 = arith.constant 0 : i32
      %add3A_1625 = vector.broadcast %add3A_1624 : i32 to vector<128x128xi32>
      %add3A_1626 = arith.addi %add3A_1615, %add3A_1625 : vector<128x128xi32>
      %add3A_1627 = arith.constant 42 : i32
      %add3A_1628 = vector.broadcast %add3A_1627 : i32 to vector<128x128xi32>
      %add3A_1629 = arith.addi %xor3A_1623, %add3A_1628 : vector<128x128xi32>
      %add3A_1630 = arith.constant 3 : i32
      %add3A_1631 = vector.broadcast %add3A_1630 : i32 to vector<128x128xi32>
      %add3A_1632 = arith.addi %add3A_1629, %add3A_1631 : vector<128x128xi32>
      %add3A_1633 = arith.addi %add3A_1626, %add3A_1632 : vector<128x128xi32>
      %shift_left3A_1634 = arith.constant 17 : i32
      %shift_left3A_1635 = vector.broadcast %shift_left3A_1634 : i32 to vector<128x128xi32>
      %shift_left3A_1636 = arith.shli %add3A_1632, %shift_left3A_1635 : vector<128x128xi32>
      %shift_right_logical3A_1637 = arith.constant 15 : i32
      %shift_right_logical3A_1638 = vector.broadcast %shift_right_logical3A_1637 : i32 to vector<128x128xi32>
      %shift_right_logical3A_1639 = arith.shrui %add3A_1632, %shift_right_logical3A_1638 : vector<128x128xi32>
      %or3A_1640 = arith.ori %shift_left3A_1636, %shift_right_logical3A_1639 : vector<128x128xi32>
      %xor3A_1641 = arith.xori %or3A_1640, %add3A_1633 : vector<128x128xi32>
      %add3A_1642 = arith.addi %add3A_1633, %xor3A_1641 : vector<128x128xi32>
      %shift_left3A_1643 = arith.constant 29 : i32
      %shift_left3A_1644 = vector.broadcast %shift_left3A_1643 : i32 to vector<128x128xi32>
      %shift_left3A_1645 = arith.shli %xor3A_1641, %shift_left3A_1644 : vector<128x128xi32>
      %shift_right_logical3A_1646 = arith.constant 3 : i32
      %shift_right_logical3A_1647 = vector.broadcast %shift_right_logical3A_1646 : i32 to vector<128x128xi32>
      %shift_right_logical3A_1648 = arith.shrui %xor3A_1641, %shift_right_logical3A_1647 : vector<128x128xi32>
      %or3A_1649 = arith.ori %shift_left3A_1645, %shift_right_logical3A_1648 : vector<128x128xi32>
      %xor3A_1650 = arith.xori %or3A_1649, %add3A_1642 : vector<128x128xi32>
      %add3A_1651 = arith.addi %add3A_1642, %xor3A_1650 : vector<128x128xi32>
      %shift_left3A_1652 = arith.constant 16 : i32
      %shift_left3A_1653 = vector.broadcast %shift_left3A_1652 : i32 to vector<128x128xi32>
      %shift_left3A_1654 = arith.shli %xor3A_1650, %shift_left3A_1653 : vector<128x128xi32>
      %shift_right_logical3A_1655 = arith.constant 16 : i32
      %shift_right_logical3A_1656 = vector.broadcast %shift_right_logical3A_1655 : i32 to vector<128x128xi32>
      %shift_right_logical3A_1657 = arith.shrui %xor3A_1650, %shift_right_logical3A_1656 : vector<128x128xi32>
      %or3A_1658 = arith.ori %shift_left3A_1654, %shift_right_logical3A_1657 : vector<128x128xi32>
      %xor3A_1659 = arith.xori %or3A_1658, %add3A_1651 : vector<128x128xi32>
      %add3A_1660 = arith.addi %add3A_1651, %xor3A_1659 : vector<128x128xi32>
      %shift_left3A_1661 = arith.constant 24 : i32
      %shift_left3A_1662 = vector.broadcast %shift_left3A_1661 : i32 to vector<128x128xi32>
      %shift_left3A_1663 = arith.shli %xor3A_1659, %shift_left3A_1662 : vector<128x128xi32>
      %shift_right_logical3A_1664 = arith.constant 8 : i32
      %shift_right_logical3A_1665 = vector.broadcast %shift_right_logical3A_1664 : i32 to vector<128x128xi32>
      %shift_right_logical3A_1666 = arith.shrui %xor3A_1659, %shift_right_logical3A_1665 : vector<128x128xi32>
      %or3A_1667 = arith.ori %shift_left3A_1663, %shift_right_logical3A_1666 : vector<128x128xi32>
      %xor3A_1668 = arith.xori %or3A_1667, %add3A_1660 : vector<128x128xi32>
      %add3A_1669 = arith.constant 42 : i32
      %add3A_1670 = vector.broadcast %add3A_1669 : i32 to vector<128x128xi32>
      %add3A_1671 = arith.addi %add3A_1660, %add3A_1670 : vector<128x128xi32>
      %add3A_1672 = vector.broadcast %xor3A_1497 : i32 to vector<128x128xi32>
      %add3A_1673 = arith.addi %xor3A_1668, %add3A_1672 : vector<128x128xi32>
      %add3A_1674 = arith.constant 4 : i32
      %add3A_1675 = vector.broadcast %add3A_1674 : i32 to vector<128x128xi32>
      %add3A_1676 = arith.addi %add3A_1673, %add3A_1675 : vector<128x128xi32>
      %add3A_1677 = arith.addi %add3A_1671, %add3A_1676 : vector<128x128xi32>
      %shift_left3A_1678 = arith.constant 13 : i32
      %shift_left3A_1679 = vector.broadcast %shift_left3A_1678 : i32 to vector<128x128xi32>
      %shift_left3A_1680 = arith.shli %add3A_1676, %shift_left3A_1679 : vector<128x128xi32>
      %shift_right_logical3A_1681 = arith.constant 19 : i32
      %shift_right_logical3A_1682 = vector.broadcast %shift_right_logical3A_1681 : i32 to vector<128x128xi32>
      %shift_right_logical3A_1683 = arith.shrui %add3A_1676, %shift_right_logical3A_1682 : vector<128x128xi32>
      %or3A_1684 = arith.ori %shift_left3A_1680, %shift_right_logical3A_1683 : vector<128x128xi32>
      %xor3A_1685 = arith.xori %or3A_1684, %add3A_1677 : vector<128x128xi32>
      %add3A_1686 = arith.addi %add3A_1677, %xor3A_1685 : vector<128x128xi32>
      %shift_left3A_1687 = arith.constant 15 : i32
      %shift_left3A_1688 = vector.broadcast %shift_left3A_1687 : i32 to vector<128x128xi32>
      %shift_left3A_1689 = arith.shli %xor3A_1685, %shift_left3A_1688 : vector<128x128xi32>
      %shift_right_logical3A_1690 = arith.constant 17 : i32
      %shift_right_logical3A_1691 = vector.broadcast %shift_right_logical3A_1690 : i32 to vector<128x128xi32>
      %shift_right_logical3A_1692 = arith.shrui %xor3A_1685, %shift_right_logical3A_1691 : vector<128x128xi32>
      %or3A_1693 = arith.ori %shift_left3A_1689, %shift_right_logical3A_1692 : vector<128x128xi32>
      %xor3A_1694 = arith.xori %or3A_1693, %add3A_1686 : vector<128x128xi32>
      %add3A_1695 = arith.addi %add3A_1686, %xor3A_1694 : vector<128x128xi32>
      %shift_left3A_1696 = arith.constant 26 : i32
      %shift_left3A_1697 = vector.broadcast %shift_left3A_1696 : i32 to vector<128x128xi32>
      %shift_left3A_1698 = arith.shli %xor3A_1694, %shift_left3A_1697 : vector<128x128xi32>
      %shift_right_logical3A_1699 = arith.constant 6 : i32
      %shift_right_logical3A_1700 = vector.broadcast %shift_right_logical3A_1699 : i32 to vector<128x128xi32>
      %shift_right_logical3A_1701 = arith.shrui %xor3A_1694, %shift_right_logical3A_1700 : vector<128x128xi32>
      %or3A_1702 = arith.ori %shift_left3A_1698, %shift_right_logical3A_1701 : vector<128x128xi32>
      %xor3A_1703 = arith.xori %or3A_1702, %add3A_1695 : vector<128x128xi32>
      %add3A_1704 = arith.addi %add3A_1695, %xor3A_1703 : vector<128x128xi32>
      %shift_left3A_1705 = arith.constant 6 : i32
      %shift_left3A_1706 = vector.broadcast %shift_left3A_1705 : i32 to vector<128x128xi32>
      %shift_left3A_1707 = arith.shli %xor3A_1703, %shift_left3A_1706 : vector<128x128xi32>
      %shift_right_logical3A_1708 = arith.constant 26 : i32
      %shift_right_logical3A_1709 = vector.broadcast %shift_right_logical3A_1708 : i32 to vector<128x128xi32>
      %shift_right_logical3A_1710 = arith.shrui %xor3A_1703, %shift_right_logical3A_1709 : vector<128x128xi32>
      %or3A_1711 = arith.ori %shift_left3A_1707, %shift_right_logical3A_1710 : vector<128x128xi32>
      %xor3A_1712 = arith.xori %or3A_1711, %add3A_1704 : vector<128x128xi32>
      %add3A_1713 = vector.broadcast %xor3A_1497 : i32 to vector<128x128xi32>
      %add3A_1714 = arith.addi %add3A_1704, %add3A_1713 : vector<128x128xi32>
      %add3A_1715 = arith.constant 0 : i32
      %add3A_1716 = vector.broadcast %add3A_1715 : i32 to vector<128x128xi32>
      %add3A_1717 = arith.addi %xor3A_1712, %add3A_1716 : vector<128x128xi32>
      %add3A_1718 = arith.constant 5 : i32
      %add3A_1719 = vector.broadcast %add3A_1718 : i32 to vector<128x128xi32>
      %add3A_1720 = arith.addi %add3A_1717, %add3A_1719 : vector<128x128xi32>
      %xor3A_1721 = arith.xori %add3A_1714, %add3A_1720 : vector<128x128xi32>
      %shift_right_logical3A_1722 = arith.constant 9 : i32
      %shift_right_logical3A_1723 = vector.broadcast %shift_right_logical3A_1722 : i32 to vector<128x128xi32>
      %shift_right_logical3A_1724 = arith.shrui %xor3A_1721, %shift_right_logical3A_1723 : vector<128x128xi32>
      %or3A_1725 = arith.constant 1065353216 : i32
      %or3A_1726 = vector.broadcast %or3A_1725 : i32 to vector<128x128xi32>
      %or3A_1727 = arith.ori %shift_right_logical3A_1724, %or3A_1726 : vector<128x128xi32>
      %bitcast_convert_type3A_1728 = tpu.bitcast %or3A_1727 : vector<128x128xi32> -> vector<128x128xf32>
      %sub3A_1729 = arith.constant 1.000000e+00 : f32
      %sub3A_1730 = vector.broadcast %sub3A_1729 : f32 to vector<128x128xf32>
      %sub3A_1731 = arith.subf %bitcast_convert_type3A_1728, %sub3A_1730 : vector<128x128xf32>
      %mul3A_1732 = arith.constant 1.000000e+00 : f32
      %mul3A_1733 = vector.broadcast %mul3A_1732 : f32 to vector<128x128xf32>
      %mul3A_1734 = arith.mulf %sub3A_1731, %mul3A_1733 : vector<128x128xf32>
      %add3A_1735 = arith.constant 1.17549435E-38 : f32
      %add3A_1736 = vector.broadcast %add3A_1735 : f32 to vector<128x128xf32>
      %add3A_1737 = arith.addf %mul3A_1734, %add3A_1736 : vector<128x128xf32>
      %max3A_1738 = arith.constant 1.17549435E-38 : f32
      %max3A_1739 = vector.broadcast %max3A_1738 : f32 to vector<128x128xf32>
      %max3A_1740 = arith.maximumf %max3A_1739, %add3A_1737 : vector<128x128xf32>
      %log3A_1741 = math.log %max3A_1740 : vector<128x128xf32>
      %neg3A_1742 = arith.constant 0.000000e+00 : f32
      %neg3A_1743 = vector.broadcast %neg3A_1742 : f32 to vector<128x128xf32>
      %neg3A_1744 = arith.subf %neg3A_1743, %log3A_1741 : vector<128x128xf32>
      %log3A_1745 = math.log %neg3A_1744 : vector<128x128xf32>
      %neg3A_1746 = arith.constant 0.000000e+00 : f32
      %neg3A_1747 = vector.broadcast %neg3A_1746 : f32 to vector<128x128xf32>
      %neg3A_1748 = arith.subf %neg3A_1747, %log3A_1745 : vector<128x128xf32>
      %add3A_1749 = arith.addf %neg3A_1748, %log3A : vector<128x128xf32>
      %reduce_max3A_1750 = arith.constant dense<0xFF800000> : vector<128xf32>
      %reduce_max3A_1751 = vector.multi_reduction <maximumf>, %add3A_1749, %reduce_max3A_1750 [0] : vector<128x128xf32> to vector<128xf32>
      %broadcast_in_dim3A_1752 = vector.shape_cast %reduce_max3A_1751 : vector<128xf32> to vector<1x128xf32>
      %eq3A_1753 = vector.broadcast %broadcast_in_dim3A_1752 : vector<1x128xf32> to vector<128x128xf32>
      %eq3A_1754 = arith.cmpf oeq, %add3A_1749, %eq3A_1753 : vector<128x128xf32>
      %jit3A_1755 = arith.constant 128 : i32
      %broadcast_in_dim3A_1756 = vector.broadcast %jit3A_1755 : i32 to vector<128x128xi32>
      %select_n3A_1757 = arith.select %eq3A_1754, %iota3A_11, %broadcast_in_dim3A_1756 : vector<128x128xi1>, vector<128x128xi32>
      %reduce_min3A_1758 = arith.constant dense<2147483647> : vector<128xi32>
      %reduce_min3A_1759 = vector.multi_reduction <minsi>, %select_n3A_1757, %reduce_min3A_1758 [0] : vector<128x128xi32> to vector<128xi32>
      %broadcast_in_dim3A_1760 = vector.shape_cast %reduce_min3A_1759 : vector<128xi32> to vector<1x128xi32>
      %mul3A_1761 = arith.constant 128 : i32
      %mul3A_1762 = vector.broadcast %mul3A_1761 : i32 to vector<1x128xi32>
      %mul3A_1763 = arith.muli %broadcast_in_dim3A_1760, %mul3A_1762 : vector<1x128xi32>
      %add3A_1764 = arith.addi %iota3A_12, %mul3A_1763 : vector<1x128xi32>
      %swap3A_1765 = arith.index_cast %add3A_1486 : i32 to index
      %swap3A_1766 = arith.constant 0 : index
      %swap3A_1767 = vector.load %arg1[%swap3A_1765, %swap3A_1766] : memref<80x128xi32, #tpu.memory_space<vmem>>, vector<1x128xi32>
      tpu.vector_store %arg1[%swap3A_1765, %swap3A_1766], %add3A_1764 {strides = array<i32>} : memref<80x128xi32, #tpu.memory_space<vmem>>, vector<1x128xi32>,
      %eq3A_1768 = vector.broadcast %broadcast_in_dim3A_1760 : vector<1x128xi32> to vector<128x128xi32>
      %eq3A_1769 = arith.cmpi eq, %eq3A_1768, %iota3A_11 : vector<128x128xi32>
      %jit3A_1770 = arith.constant 0.000000e+00 : f32
      %broadcast_in_dim3A_1771 = vector.broadcast %jit3A_1770 : f32 to vector<128x128xf32>
      %select_n3A_1772 = arith.select %eq3A_1769, %sub3A, %broadcast_in_dim3A_1771 : vector<128x128xi1>, vector<128x128xf32>
      %reduce_sum3A_1773 = arith.constant dense<0.000000e+00> : vector<128xf32>
      %reduce_sum3A_1774 = vector.multi_reduction <add>, %select_n3A_1772, %reduce_sum3A_1773 [0] : vector<128x128xf32> to vector<128xf32>
      %broadcast_in_dim3A_1775 = vector.shape_cast %reduce_sum3A_1774 : vector<128xf32> to vector<1x128xf32>
      %swap3A_1776 = arith.index_cast %add3A_1486 : i32 to index
      %swap3A_1777 = arith.constant 0 : index
      %swap3A_1778 = vector.load %arg2[%swap3A_1776, %swap3A_1777] : memref<80x128xf32, #tpu.memory_space<vmem>>, vector<1x128xf32>
      tpu.vector_store %arg2[%swap3A_1776, %swap3A_1777], %broadcast_in_dim3A_1775 {strides = array<i32>} : memref<80x128xf32, #tpu.memory_space<vmem>>, vector<1x128xf32>,
      %mul3A_1779 = arith.constant 8 : i32
      %mul3A_1780 = arith.muli %mul3A_1779, %scan3A_17 : i32
      %add3A_1781 = arith.constant 6 : i32
      %add3A_1782 = arith.addi %mul3A_1780, %add3A_1781 : i32
      %add3A_1783 = arith.constant 0 : i32
      %add3A_1784 = arith.addi %add3A_1782, %add3A_1783 : i32
      %mul3A_1785 = arith.constant 16384 : i32
      %mul3A_1786 = arith.muli %add3A_1784, %mul3A_1785 : i32
      %add3A_1787 = vector.broadcast %mul3A_1786 : i32 to vector<128x128xi32>
      %add3A_1788 = arith.addi %add3A_10, %add3A_1787 : vector<128x128xi32>
      %xor3A_1789 = arith.constant 0 : i32
      %xor3A_1790 = arith.constant 42 : i32
      %xor3A_1791 = arith.xori %xor3A_1789, %xor3A_1790 : i32
      %xor3A_1792 = arith.constant 466688986 : i32
      %xor3A_1793 = arith.xori %xor3A_1791, %xor3A_1792 : i32
      %add3A_1794 = arith.constant 42 : i32
      %add3A_1795 = vector.broadcast %add3A_1794 : i32 to vector<128x128xi32>
      %add3A_1796 = arith.addi %add3A_1788, %add3A_1795 : vector<128x128xi32>
      %shift_left3A_1797 = arith.constant 13 : i32
      %shift_left3A_1798 = vector.broadcast %shift_left3A_1797 : i32 to vector<128x128xi32>
      %shift_left3A_1799 = arith.shli %add3A_1796, %shift_left3A_1798 : vector<128x128xi32>
      %shift_right_logical3A_1800 = arith.constant 19 : i32
      %shift_right_logical3A_1801 = vector.broadcast %shift_right_logical3A_1800 : i32 to vector<128x128xi32>
      %shift_right_logical3A_1802 = arith.shrui %add3A_1796, %shift_right_logical3A_1801 : vector<128x128xi32>
      %or3A_1803 = arith.ori %shift_left3A_1799, %shift_right_logical3A_1802 : vector<128x128xi32>
      %xor3A_1804 = arith.xori %or3A_1803, %add3A_1796 : vector<128x128xi32>
      %add3A_1805 = arith.addi %add3A_1796, %xor3A_1804 : vector<128x128xi32>
      %shift_left3A_1806 = arith.constant 15 : i32
      %shift_left3A_1807 = vector.broadcast %shift_left3A_1806 : i32 to vector<128x128xi32>
      %shift_left3A_1808 = arith.shli %xor3A_1804, %shift_left3A_1807 : vector<128x128xi32>
      %shift_right_logical3A_1809 = arith.constant 17 : i32
      %shift_right_logical3A_1810 = vector.broadcast %shift_right_logical3A_1809 : i32 to vector<128x128xi32>
      %shift_right_logical3A_1811 = arith.shrui %xor3A_1804, %shift_right_logical3A_1810 : vector<128x128xi32>
      %or3A_1812 = arith.ori %shift_left3A_1808, %shift_right_logical3A_1811 : vector<128x128xi32>
      %xor3A_1813 = arith.xori %or3A_1812, %add3A_1805 : vector<128x128xi32>
      %add3A_1814 = arith.addi %add3A_1805, %xor3A_1813 : vector<128x128xi32>
      %shift_left3A_1815 = arith.constant 26 : i32
      %shift_left3A_1816 = vector.broadcast %shift_left3A_1815 : i32 to vector<128x128xi32>
      %shift_left3A_1817 = arith.shli %xor3A_1813, %shift_left3A_1816 : vector<128x128xi32>
      %shift_right_logical3A_1818 = arith.constant 6 : i32
      %shift_right_logical3A_1819 = vector.broadcast %shift_right_logical3A_1818 : i32 to vector<128x128xi32>
      %shift_right_logical3A_1820 = arith.shrui %xor3A_1813, %shift_right_logical3A_1819 : vector<128x128xi32>
      %or3A_1821 = arith.ori %shift_left3A_1817, %shift_right_logical3A_1820 : vector<128x128xi32>
      %xor3A_1822 = arith.xori %or3A_1821, %add3A_1814 : vector<128x128xi32>
      %add3A_1823 = arith.addi %add3A_1814, %xor3A_1822 : vector<128x128xi32>
      %shift_left3A_1824 = arith.constant 6 : i32
      %shift_left3A_1825 = vector.broadcast %shift_left3A_1824 : i32 to vector<128x128xi32>
      %shift_left3A_1826 = arith.shli %xor3A_1822, %shift_left3A_1825 : vector<128x128xi32>
      %shift_right_logical3A_1827 = arith.constant 26 : i32
      %shift_right_logical3A_1828 = vector.broadcast %shift_right_logical3A_1827 : i32 to vector<128x128xi32>
      %shift_right_logical3A_1829 = arith.shrui %xor3A_1822, %shift_right_logical3A_1828 : vector<128x128xi32>
      %or3A_1830 = arith.ori %shift_left3A_1826, %shift_right_logical3A_1829 : vector<128x128xi32>
      %xor3A_1831 = arith.xori %or3A_1830, %add3A_1823 : vector<128x128xi32>
      %add3A_1832 = arith.constant 42 : i32
      %add3A_1833 = vector.broadcast %add3A_1832 : i32 to vector<128x128xi32>
      %add3A_1834 = arith.addi %add3A_1823, %add3A_1833 : vector<128x128xi32>
      %add3A_1835 = vector.broadcast %xor3A_1793 : i32 to vector<128x128xi32>
      %add3A_1836 = arith.addi %xor3A_1831, %add3A_1835 : vector<128x128xi32>
      %add3A_1837 = arith.constant 1 : i32
      %add3A_1838 = vector.broadcast %add3A_1837 : i32 to vector<128x128xi32>
      %add3A_1839 = arith.addi %add3A_1836, %add3A_1838 : vector<128x128xi32>
      %add3A_1840 = arith.addi %add3A_1834, %add3A_1839 : vector<128x128xi32>
      %shift_left3A_1841 = arith.constant 17 : i32
      %shift_left3A_1842 = vector.broadcast %shift_left3A_1841 : i32 to vector<128x128xi32>
      %shift_left3A_1843 = arith.shli %add3A_1839, %shift_left3A_1842 : vector<128x128xi32>
      %shift_right_logical3A_1844 = arith.constant 15 : i32
      %shift_right_logical3A_1845 = vector.broadcast %shift_right_logical3A_1844 : i32 to vector<128x128xi32>
      %shift_right_logical3A_1846 = arith.shrui %add3A_1839, %shift_right_logical3A_1845 : vector<128x128xi32>
      %or3A_1847 = arith.ori %shift_left3A_1843, %shift_right_logical3A_1846 : vector<128x128xi32>
      %xor3A_1848 = arith.xori %or3A_1847, %add3A_1840 : vector<128x128xi32>
      %add3A_1849 = arith.addi %add3A_1840, %xor3A_1848 : vector<128x128xi32>
      %shift_left3A_1850 = arith.constant 29 : i32
      %shift_left3A_1851 = vector.broadcast %shift_left3A_1850 : i32 to vector<128x128xi32>
      %shift_left3A_1852 = arith.shli %xor3A_1848, %shift_left3A_1851 : vector<128x128xi32>
      %shift_right_logical3A_1853 = arith.constant 3 : i32
      %shift_right_logical3A_1854 = vector.broadcast %shift_right_logical3A_1853 : i32 to vector<128x128xi32>
      %shift_right_logical3A_1855 = arith.shrui %xor3A_1848, %shift_right_logical3A_1854 : vector<128x128xi32>
      %or3A_1856 = arith.ori %shift_left3A_1852, %shift_right_logical3A_1855 : vector<128x128xi32>
      %xor3A_1857 = arith.xori %or3A_1856, %add3A_1849 : vector<128x128xi32>
      %add3A_1858 = arith.addi %add3A_1849, %xor3A_1857 : vector<128x128xi32>
      %shift_left3A_1859 = arith.constant 16 : i32
      %shift_left3A_1860 = vector.broadcast %shift_left3A_1859 : i32 to vector<128x128xi32>
      %shift_left3A_1861 = arith.shli %xor3A_1857, %shift_left3A_1860 : vector<128x128xi32>
      %shift_right_logical3A_1862 = arith.constant 16 : i32
      %shift_right_logical3A_1863 = vector.broadcast %shift_right_logical3A_1862 : i32 to vector<128x128xi32>
      %shift_right_logical3A_1864 = arith.shrui %xor3A_1857, %shift_right_logical3A_1863 : vector<128x128xi32>
      %or3A_1865 = arith.ori %shift_left3A_1861, %shift_right_logical3A_1864 : vector<128x128xi32>
      %xor3A_1866 = arith.xori %or3A_1865, %add3A_1858 : vector<128x128xi32>
      %add3A_1867 = arith.addi %add3A_1858, %xor3A_1866 : vector<128x128xi32>
      %shift_left3A_1868 = arith.constant 24 : i32
      %shift_left3A_1869 = vector.broadcast %shift_left3A_1868 : i32 to vector<128x128xi32>
      %shift_left3A_1870 = arith.shli %xor3A_1866, %shift_left3A_1869 : vector<128x128xi32>
      %shift_right_logical3A_1871 = arith.constant 8 : i32
      %shift_right_logical3A_1872 = vector.broadcast %shift_right_logical3A_1871 : i32 to vector<128x128xi32>
      %shift_right_logical3A_1873 = arith.shrui %xor3A_1866, %shift_right_logical3A_1872 : vector<128x128xi32>
      %or3A_1874 = arith.ori %shift_left3A_1870, %shift_right_logical3A_1873 : vector<128x128xi32>
      %xor3A_1875 = arith.xori %or3A_1874, %add3A_1867 : vector<128x128xi32>
      %add3A_1876 = vector.broadcast %xor3A_1793 : i32 to vector<128x128xi32>
      %add3A_1877 = arith.addi %add3A_1867, %add3A_1876 : vector<128x128xi32>
      %add3A_1878 = arith.constant 0 : i32
      %add3A_1879 = vector.broadcast %add3A_1878 : i32 to vector<128x128xi32>
      %add3A_1880 = arith.addi %xor3A_1875, %add3A_1879 : vector<128x128xi32>
      %add3A_1881 = arith.constant 2 : i32
      %add3A_1882 = vector.broadcast %add3A_1881 : i32 to vector<128x128xi32>
      %add3A_1883 = arith.addi %add3A_1880, %add3A_1882 : vector<128x128xi32>
      %add3A_1884 = arith.addi %add3A_1877, %add3A_1883 : vector<128x128xi32>
      %shift_left3A_1885 = arith.constant 13 : i32
      %shift_left3A_1886 = vector.broadcast %shift_left3A_1885 : i32 to vector<128x128xi32>
      %shift_left3A_1887 = arith.shli %add3A_1883, %shift_left3A_1886 : vector<128x128xi32>
      %shift_right_logical3A_1888 = arith.constant 19 : i32
      %shift_right_logical3A_1889 = vector.broadcast %shift_right_logical3A_1888 : i32 to vector<128x128xi32>
      %shift_right_logical3A_1890 = arith.shrui %add3A_1883, %shift_right_logical3A_1889 : vector<128x128xi32>
      %or3A_1891 = arith.ori %shift_left3A_1887, %shift_right_logical3A_1890 : vector<128x128xi32>
      %xor3A_1892 = arith.xori %or3A_1891, %add3A_1884 : vector<128x128xi32>
      %add3A_1893 = arith.addi %add3A_1884, %xor3A_1892 : vector<128x128xi32>
      %shift_left3A_1894 = arith.constant 15 : i32
      %shift_left3A_1895 = vector.broadcast %shift_left3A_1894 : i32 to vector<128x128xi32>
      %shift_left3A_1896 = arith.shli %xor3A_1892, %shift_left3A_1895 : vector<128x128xi32>
      %shift_right_logical3A_1897 = arith.constant 17 : i32
      %shift_right_logical3A_1898 = vector.broadcast %shift_right_logical3A_1897 : i32 to vector<128x128xi32>
      %shift_right_logical3A_1899 = arith.shrui %xor3A_1892, %shift_right_logical3A_1898 : vector<128x128xi32>
      %or3A_1900 = arith.ori %shift_left3A_1896, %shift_right_logical3A_1899 : vector<128x128xi32>
      %xor3A_1901 = arith.xori %or3A_1900, %add3A_1893 : vector<128x128xi32>
      %add3A_1902 = arith.addi %add3A_1893, %xor3A_1901 : vector<128x128xi32>
      %shift_left3A_1903 = arith.constant 26 : i32
      %shift_left3A_1904 = vector.broadcast %shift_left3A_1903 : i32 to vector<128x128xi32>
      %shift_left3A_1905 = arith.shli %xor3A_1901, %shift_left3A_1904 : vector<128x128xi32>
      %shift_right_logical3A_1906 = arith.constant 6 : i32
      %shift_right_logical3A_1907 = vector.broadcast %shift_right_logical3A_1906 : i32 to vector<128x128xi32>
      %shift_right_logical3A_1908 = arith.shrui %xor3A_1901, %shift_right_logical3A_1907 : vector<128x128xi32>
      %or3A_1909 = arith.ori %shift_left3A_1905, %shift_right_logical3A_1908 : vector<128x128xi32>
      %xor3A_1910 = arith.xori %or3A_1909, %add3A_1902 : vector<128x128xi32>
      %add3A_1911 = arith.addi %add3A_1902, %xor3A_1910 : vector<128x128xi32>
      %shift_left3A_1912 = arith.constant 6 : i32
      %shift_left3A_1913 = vector.broadcast %shift_left3A_1912 : i32 to vector<128x128xi32>
      %shift_left3A_1914 = arith.shli %xor3A_1910, %shift_left3A_1913 : vector<128x128xi32>
      %shift_right_logical3A_1915 = arith.constant 26 : i32
      %shift_right_logical3A_1916 = vector.broadcast %shift_right_logical3A_1915 : i32 to vector<128x128xi32>
      %shift_right_logical3A_1917 = arith.shrui %xor3A_1910, %shift_right_logical3A_1916 : vector<128x128xi32>
      %or3A_1918 = arith.ori %shift_left3A_1914, %shift_right_logical3A_1917 : vector<128x128xi32>
      %xor3A_1919 = arith.xori %or3A_1918, %add3A_1911 : vector<128x128xi32>
      %add3A_1920 = arith.constant 0 : i32
      %add3A_1921 = vector.broadcast %add3A_1920 : i32 to vector<128x128xi32>
      %add3A_1922 = arith.addi %add3A_1911, %add3A_1921 : vector<128x128xi32>
      %add3A_1923 = arith.constant 42 : i32
      %add3A_1924 = vector.broadcast %add3A_1923 : i32 to vector<128x128xi32>
      %add3A_1925 = arith.addi %xor3A_1919, %add3A_1924 : vector<128x128xi32>
      %add3A_1926 = arith.constant 3 : i32
      %add3A_1927 = vector.broadcast %add3A_1926 : i32 to vector<128x128xi32>
      %add3A_1928 = arith.addi %add3A_1925, %add3A_1927 : vector<128x128xi32>
      %add3A_1929 = arith.addi %add3A_1922, %add3A_1928 : vector<128x128xi32>
      %shift_left3A_1930 = arith.constant 17 : i32
      %shift_left3A_1931 = vector.broadcast %shift_left3A_1930 : i32 to vector<128x128xi32>
      %shift_left3A_1932 = arith.shli %add3A_1928, %shift_left3A_1931 : vector<128x128xi32>
      %shift_right_logical3A_1933 = arith.constant 15 : i32
      %shift_right_logical3A_1934 = vector.broadcast %shift_right_logical3A_1933 : i32 to vector<128x128xi32>
      %shift_right_logical3A_1935 = arith.shrui %add3A_1928, %shift_right_logical3A_1934 : vector<128x128xi32>
      %or3A_1936 = arith.ori %shift_left3A_1932, %shift_right_logical3A_1935 : vector<128x128xi32>
      %xor3A_1937 = arith.xori %or3A_1936, %add3A_1929 : vector<128x128xi32>
      %add3A_1938 = arith.addi %add3A_1929, %xor3A_1937 : vector<128x128xi32>
      %shift_left3A_1939 = arith.constant 29 : i32
      %shift_left3A_1940 = vector.broadcast %shift_left3A_1939 : i32 to vector<128x128xi32>
      %shift_left3A_1941 = arith.shli %xor3A_1937, %shift_left3A_1940 : vector<128x128xi32>
      %shift_right_logical3A_1942 = arith.constant 3 : i32
      %shift_right_logical3A_1943 = vector.broadcast %shift_right_logical3A_1942 : i32 to vector<128x128xi32>
      %shift_right_logical3A_1944 = arith.shrui %xor3A_1937, %shift_right_logical3A_1943 : vector<128x128xi32>
      %or3A_1945 = arith.ori %shift_left3A_1941, %shift_right_logical3A_1944 : vector<128x128xi32>
      %xor3A_1946 = arith.xori %or3A_1945, %add3A_1938 : vector<128x128xi32>
      %add3A_1947 = arith.addi %add3A_1938, %xor3A_1946 : vector<128x128xi32>
      %shift_left3A_1948 = arith.constant 16 : i32
      %shift_left3A_1949 = vector.broadcast %shift_left3A_1948 : i32 to vector<128x128xi32>
      %shift_left3A_1950 = arith.shli %xor3A_1946, %shift_left3A_1949 : vector<128x128xi32>
      %shift_right_logical3A_1951 = arith.constant 16 : i32
      %shift_right_logical3A_1952 = vector.broadcast %shift_right_logical3A_1951 : i32 to vector<128x128xi32>
      %shift_right_logical3A_1953 = arith.shrui %xor3A_1946, %shift_right_logical3A_1952 : vector<128x128xi32>
      %or3A_1954 = arith.ori %shift_left3A_1950, %shift_right_logical3A_1953 : vector<128x128xi32>
      %xor3A_1955 = arith.xori %or3A_1954, %add3A_1947 : vector<128x128xi32>
      %add3A_1956 = arith.addi %add3A_1947, %xor3A_1955 : vector<128x128xi32>
      %shift_left3A_1957 = arith.constant 24 : i32
      %shift_left3A_1958 = vector.broadcast %shift_left3A_1957 : i32 to vector<128x128xi32>
      %shift_left3A_1959 = arith.shli %xor3A_1955, %shift_left3A_1958 : vector<128x128xi32>
      %shift_right_logical3A_1960 = arith.constant 8 : i32
      %shift_right_logical3A_1961 = vector.broadcast %shift_right_logical3A_1960 : i32 to vector<128x128xi32>
      %shift_right_logical3A_1962 = arith.shrui %xor3A_1955, %shift_right_logical3A_1961 : vector<128x128xi32>
      %or3A_1963 = arith.ori %shift_left3A_1959, %shift_right_logical3A_1962 : vector<128x128xi32>
      %xor3A_1964 = arith.xori %or3A_1963, %add3A_1956 : vector<128x128xi32>
      %add3A_1965 = arith.constant 42 : i32
      %add3A_1966 = vector.broadcast %add3A_1965 : i32 to vector<128x128xi32>
      %add3A_1967 = arith.addi %add3A_1956, %add3A_1966 : vector<128x128xi32>
      %add3A_1968 = vector.broadcast %xor3A_1793 : i32 to vector<128x128xi32>
      %add3A_1969 = arith.addi %xor3A_1964, %add3A_1968 : vector<128x128xi32>
      %add3A_1970 = arith.constant 4 : i32
      %add3A_1971 = vector.broadcast %add3A_1970 : i32 to vector<128x128xi32>
      %add3A_1972 = arith.addi %add3A_1969, %add3A_1971 : vector<128x128xi32>
      %add3A_1973 = arith.addi %add3A_1967, %add3A_1972 : vector<128x128xi32>
      %shift_left3A_1974 = arith.constant 13 : i32
      %shift_left3A_1975 = vector.broadcast %shift_left3A_1974 : i32 to vector<128x128xi32>
      %shift_left3A_1976 = arith.shli %add3A_1972, %shift_left3A_1975 : vector<128x128xi32>
      %shift_right_logical3A_1977 = arith.constant 19 : i32
      %shift_right_logical3A_1978 = vector.broadcast %shift_right_logical3A_1977 : i32 to vector<128x128xi32>
      %shift_right_logical3A_1979 = arith.shrui %add3A_1972, %shift_right_logical3A_1978 : vector<128x128xi32>
      %or3A_1980 = arith.ori %shift_left3A_1976, %shift_right_logical3A_1979 : vector<128x128xi32>
      %xor3A_1981 = arith.xori %or3A_1980, %add3A_1973 : vector<128x128xi32>
      %add3A_1982 = arith.addi %add3A_1973, %xor3A_1981 : vector<128x128xi32>
      %shift_left3A_1983 = arith.constant 15 : i32
      %shift_left3A_1984 = vector.broadcast %shift_left3A_1983 : i32 to vector<128x128xi32>
      %shift_left3A_1985 = arith.shli %xor3A_1981, %shift_left3A_1984 : vector<128x128xi32>
      %shift_right_logical3A_1986 = arith.constant 17 : i32
      %shift_right_logical3A_1987 = vector.broadcast %shift_right_logical3A_1986 : i32 to vector<128x128xi32>
      %shift_right_logical3A_1988 = arith.shrui %xor3A_1981, %shift_right_logical3A_1987 : vector<128x128xi32>
      %or3A_1989 = arith.ori %shift_left3A_1985, %shift_right_logical3A_1988 : vector<128x128xi32>
      %xor3A_1990 = arith.xori %or3A_1989, %add3A_1982 : vector<128x128xi32>
      %add3A_1991 = arith.addi %add3A_1982, %xor3A_1990 : vector<128x128xi32>
      %shift_left3A_1992 = arith.constant 26 : i32
      %shift_left3A_1993 = vector.broadcast %shift_left3A_1992 : i32 to vector<128x128xi32>
      %shift_left3A_1994 = arith.shli %xor3A_1990, %shift_left3A_1993 : vector<128x128xi32>
      %shift_right_logical3A_1995 = arith.constant 6 : i32
      %shift_right_logical3A_1996 = vector.broadcast %shift_right_logical3A_1995 : i32 to vector<128x128xi32>
      %shift_right_logical3A_1997 = arith.shrui %xor3A_1990, %shift_right_logical3A_1996 : vector<128x128xi32>
      %or3A_1998 = arith.ori %shift_left3A_1994, %shift_right_logical3A_1997 : vector<128x128xi32>
      %xor3A_1999 = arith.xori %or3A_1998, %add3A_1991 : vector<128x128xi32>
      %add3A_2000 = arith.addi %add3A_1991, %xor3A_1999 : vector<128x128xi32>
      %shift_left3A_2001 = arith.constant 6 : i32
      %shift_left3A_2002 = vector.broadcast %shift_left3A_2001 : i32 to vector<128x128xi32>
      %shift_left3A_2003 = arith.shli %xor3A_1999, %shift_left3A_2002 : vector<128x128xi32>
      %shift_right_logical3A_2004 = arith.constant 26 : i32
      %shift_right_logical3A_2005 = vector.broadcast %shift_right_logical3A_2004 : i32 to vector<128x128xi32>
      %shift_right_logical3A_2006 = arith.shrui %xor3A_1999, %shift_right_logical3A_2005 : vector<128x128xi32>
      %or3A_2007 = arith.ori %shift_left3A_2003, %shift_right_logical3A_2006 : vector<128x128xi32>
      %xor3A_2008 = arith.xori %or3A_2007, %add3A_2000 : vector<128x128xi32>
      %add3A_2009 = vector.broadcast %xor3A_1793 : i32 to vector<128x128xi32>
      %add3A_2010 = arith.addi %add3A_2000, %add3A_2009 : vector<128x128xi32>
      %add3A_2011 = arith.constant 0 : i32
      %add3A_2012 = vector.broadcast %add3A_2011 : i32 to vector<128x128xi32>
      %add3A_2013 = arith.addi %xor3A_2008, %add3A_2012 : vector<128x128xi32>
      %add3A_2014 = arith.constant 5 : i32
      %add3A_2015 = vector.broadcast %add3A_2014 : i32 to vector<128x128xi32>
      %add3A_2016 = arith.addi %add3A_2013, %add3A_2015 : vector<128x128xi32>
      %xor3A_2017 = arith.xori %add3A_2010, %add3A_2016 : vector<128x128xi32>
      %shift_right_logical3A_2018 = arith.constant 9 : i32
      %shift_right_logical3A_2019 = vector.broadcast %shift_right_logical3A_2018 : i32 to vector<128x128xi32>
      %shift_right_logical3A_2020 = arith.shrui %xor3A_2017, %shift_right_logical3A_2019 : vector<128x128xi32>
      %or3A_2021 = arith.constant 1065353216 : i32
      %or3A_2022 = vector.broadcast %or3A_2021 : i32 to vector<128x128xi32>
      %or3A_2023 = arith.ori %shift_right_logical3A_2020, %or3A_2022 : vector<128x128xi32>
      %bitcast_convert_type3A_2024 = tpu.bitcast %or3A_2023 : vector<128x128xi32> -> vector<128x128xf32>
      %sub3A_2025 = arith.constant 1.000000e+00 : f32
      %sub3A_2026 = vector.broadcast %sub3A_2025 : f32 to vector<128x128xf32>
      %sub3A_2027 = arith.subf %bitcast_convert_type3A_2024, %sub3A_2026 : vector<128x128xf32>
      %mul3A_2028 = arith.constant 1.000000e+00 : f32
      %mul3A_2029 = vector.broadcast %mul3A_2028 : f32 to vector<128x128xf32>
      %mul3A_2030 = arith.mulf %sub3A_2027, %mul3A_2029 : vector<128x128xf32>
      %add3A_2031 = arith.constant 1.17549435E-38 : f32
      %add3A_2032 = vector.broadcast %add3A_2031 : f32 to vector<128x128xf32>
      %add3A_2033 = arith.addf %mul3A_2030, %add3A_2032 : vector<128x128xf32>
      %max3A_2034 = arith.constant 1.17549435E-38 : f32
      %max3A_2035 = vector.broadcast %max3A_2034 : f32 to vector<128x128xf32>
      %max3A_2036 = arith.maximumf %max3A_2035, %add3A_2033 : vector<128x128xf32>
      %log3A_2037 = math.log %max3A_2036 : vector<128x128xf32>
      %neg3A_2038 = arith.constant 0.000000e+00 : f32
      %neg3A_2039 = vector.broadcast %neg3A_2038 : f32 to vector<128x128xf32>
      %neg3A_2040 = arith.subf %neg3A_2039, %log3A_2037 : vector<128x128xf32>
      %log3A_2041 = math.log %neg3A_2040 : vector<128x128xf32>
      %neg3A_2042 = arith.constant 0.000000e+00 : f32
      %neg3A_2043 = vector.broadcast %neg3A_2042 : f32 to vector<128x128xf32>
      %neg3A_2044 = arith.subf %neg3A_2043, %log3A_2041 : vector<128x128xf32>
      %add3A_2045 = arith.addf %neg3A_2044, %log3A : vector<128x128xf32>
      %reduce_max3A_2046 = arith.constant dense<0xFF800000> : vector<128xf32>
      %reduce_max3A_2047 = vector.multi_reduction <maximumf>, %add3A_2045, %reduce_max3A_2046 [0] : vector<128x128xf32> to vector<128xf32>
      %broadcast_in_dim3A_2048 = vector.shape_cast %reduce_max3A_2047 : vector<128xf32> to vector<1x128xf32>
      %eq3A_2049 = vector.broadcast %broadcast_in_dim3A_2048 : vector<1x128xf32> to vector<128x128xf32>
      %eq3A_2050 = arith.cmpf oeq, %add3A_2045, %eq3A_2049 : vector<128x128xf32>
      %jit3A_2051 = arith.constant 128 : i32
      %broadcast_in_dim3A_2052 = vector.broadcast %jit3A_2051 : i32 to vector<128x128xi32>
      %select_n3A_2053 = arith.select %eq3A_2050, %iota3A_11, %broadcast_in_dim3A_2052 : vector<128x128xi1>, vector<128x128xi32>
      %reduce_min3A_2054 = arith.constant dense<2147483647> : vector<128xi32>
      %reduce_min3A_2055 = vector.multi_reduction <minsi>, %select_n3A_2053, %reduce_min3A_2054 [0] : vector<128x128xi32> to vector<128xi32>
      %broadcast_in_dim3A_2056 = vector.shape_cast %reduce_min3A_2055 : vector<128xi32> to vector<1x128xi32>
      %mul3A_2057 = arith.constant 128 : i32
      %mul3A_2058 = vector.broadcast %mul3A_2057 : i32 to vector<1x128xi32>
      %mul3A_2059 = arith.muli %broadcast_in_dim3A_2056, %mul3A_2058 : vector<1x128xi32>
      %add3A_2060 = arith.addi %iota3A_12, %mul3A_2059 : vector<1x128xi32>
      %swap3A_2061 = arith.index_cast %add3A_1782 : i32 to index
      %swap3A_2062 = arith.constant 0 : index
      %swap3A_2063 = vector.load %arg1[%swap3A_2061, %swap3A_2062] : memref<80x128xi32, #tpu.memory_space<vmem>>, vector<1x128xi32>
      tpu.vector_store %arg1[%swap3A_2061, %swap3A_2062], %add3A_2060 {strides = array<i32>} : memref<80x128xi32, #tpu.memory_space<vmem>>, vector<1x128xi32>,
      %eq3A_2064 = vector.broadcast %broadcast_in_dim3A_2056 : vector<1x128xi32> to vector<128x128xi32>
      %eq3A_2065 = arith.cmpi eq, %eq3A_2064, %iota3A_11 : vector<128x128xi32>
      %jit3A_2066 = arith.constant 0.000000e+00 : f32
      %broadcast_in_dim3A_2067 = vector.broadcast %jit3A_2066 : f32 to vector<128x128xf32>
      %select_n3A_2068 = arith.select %eq3A_2065, %sub3A, %broadcast_in_dim3A_2067 : vector<128x128xi1>, vector<128x128xf32>
      %reduce_sum3A_2069 = arith.constant dense<0.000000e+00> : vector<128xf32>
      %reduce_sum3A_2070 = vector.multi_reduction <add>, %select_n3A_2068, %reduce_sum3A_2069 [0] : vector<128x128xf32> to vector<128xf32>
      %broadcast_in_dim3A_2071 = vector.shape_cast %reduce_sum3A_2070 : vector<128xf32> to vector<1x128xf32>
      %swap3A_2072 = arith.index_cast %add3A_1782 : i32 to index
      %swap3A_2073 = arith.constant 0 : index
      %swap3A_2074 = vector.load %arg2[%swap3A_2072, %swap3A_2073] : memref<80x128xf32, #tpu.memory_space<vmem>>, vector<1x128xf32>
      tpu.vector_store %arg2[%swap3A_2072, %swap3A_2073], %broadcast_in_dim3A_2071 {strides = array<i32>} : memref<80x128xf32, #tpu.memory_space<vmem>>, vector<1x128xf32>,
      %mul3A_2075 = arith.constant 8 : i32
      %mul3A_2076 = arith.muli %mul3A_2075, %scan3A_17 : i32
      %add3A_2077 = arith.constant 7 : i32
      %add3A_2078 = arith.addi %mul3A_2076, %add3A_2077 : i32
      %add3A_2079 = arith.constant 0 : i32
      %add3A_2080 = arith.addi %add3A_2078, %add3A_2079 : i32
      %mul3A_2081 = arith.constant 16384 : i32
      %mul3A_2082 = arith.muli %add3A_2080, %mul3A_2081 : i32
      %add3A_2083 = vector.broadcast %mul3A_2082 : i32 to vector<128x128xi32>
      %add3A_2084 = arith.addi %add3A_10, %add3A_2083 : vector<128x128xi32>
      %xor3A_2085 = arith.constant 0 : i32
      %xor3A_2086 = arith.constant 42 : i32
      %xor3A_2087 = arith.xori %xor3A_2085, %xor3A_2086 : i32
      %xor3A_2088 = arith.constant 466688986 : i32
      %xor3A_2089 = arith.xori %xor3A_2087, %xor3A_2088 : i32
      %add3A_2090 = arith.constant 42 : i32
      %add3A_2091 = vector.broadcast %add3A_2090 : i32 to vector<128x128xi32>
      %add3A_2092 = arith.addi %add3A_2084, %add3A_2091 : vector<128x128xi32>
      %shift_left3A_2093 = arith.constant 13 : i32
      %shift_left3A_2094 = vector.broadcast %shift_left3A_2093 : i32 to vector<128x128xi32>
      %shift_left3A_2095 = arith.shli %add3A_2092, %shift_left3A_2094 : vector<128x128xi32>
      %shift_right_logical3A_2096 = arith.constant 19 : i32
      %shift_right_logical3A_2097 = vector.broadcast %shift_right_logical3A_2096 : i32 to vector<128x128xi32>
      %shift_right_logical3A_2098 = arith.shrui %add3A_2092, %shift_right_logical3A_2097 : vector<128x128xi32>
      %or3A_2099 = arith.ori %shift_left3A_2095, %shift_right_logical3A_2098 : vector<128x128xi32>
      %xor3A_2100 = arith.xori %or3A_2099, %add3A_2092 : vector<128x128xi32>
      %add3A_2101 = arith.addi %add3A_2092, %xor3A_2100 : vector<128x128xi32>
      %shift_left3A_2102 = arith.constant 15 : i32
      %shift_left3A_2103 = vector.broadcast %shift_left3A_2102 : i32 to vector<128x128xi32>
      %shift_left3A_2104 = arith.shli %xor3A_2100, %shift_left3A_2103 : vector<128x128xi32>
      %shift_right_logical3A_2105 = arith.constant 17 : i32
      %shift_right_logical3A_2106 = vector.broadcast %shift_right_logical3A_2105 : i32 to vector<128x128xi32>
      %shift_right_logical3A_2107 = arith.shrui %xor3A_2100, %shift_right_logical3A_2106 : vector<128x128xi32>
      %or3A_2108 = arith.ori %shift_left3A_2104, %shift_right_logical3A_2107 : vector<128x128xi32>
      %xor3A_2109 = arith.xori %or3A_2108, %add3A_2101 : vector<128x128xi32>
      %add3A_2110 = arith.addi %add3A_2101, %xor3A_2109 : vector<128x128xi32>
      %shift_left3A_2111 = arith.constant 26 : i32
      %shift_left3A_2112 = vector.broadcast %shift_left3A_2111 : i32 to vector<128x128xi32>
      %shift_left3A_2113 = arith.shli %xor3A_2109, %shift_left3A_2112 : vector<128x128xi32>
      %shift_right_logical3A_2114 = arith.constant 6 : i32
      %shift_right_logical3A_2115 = vector.broadcast %shift_right_logical3A_2114 : i32 to vector<128x128xi32>
      %shift_right_logical3A_2116 = arith.shrui %xor3A_2109, %shift_right_logical3A_2115 : vector<128x128xi32>
      %or3A_2117 = arith.ori %shift_left3A_2113, %shift_right_logical3A_2116 : vector<128x128xi32>
      %xor3A_2118 = arith.xori %or3A_2117, %add3A_2110 : vector<128x128xi32>
      %add3A_2119 = arith.addi %add3A_2110, %xor3A_2118 : vector<128x128xi32>
      %shift_left3A_2120 = arith.constant 6 : i32
      %shift_left3A_2121 = vector.broadcast %shift_left3A_2120 : i32 to vector<128x128xi32>
      %shift_left3A_2122 = arith.shli %xor3A_2118, %shift_left3A_2121 : vector<128x128xi32>
      %shift_right_logical3A_2123 = arith.constant 26 : i32
      %shift_right_logical3A_2124 = vector.broadcast %shift_right_logical3A_2123 : i32 to vector<128x128xi32>
      %shift_right_logical3A_2125 = arith.shrui %xor3A_2118, %shift_right_logical3A_2124 : vector<128x128xi32>
      %or3A_2126 = arith.ori %shift_left3A_2122, %shift_right_logical3A_2125 : vector<128x128xi32>
      %xor3A_2127 = arith.xori %or3A_2126, %add3A_2119 : vector<128x128xi32>
      %add3A_2128 = arith.constant 42 : i32
      %add3A_2129 = vector.broadcast %add3A_2128 : i32 to vector<128x128xi32>
      %add3A_2130 = arith.addi %add3A_2119, %add3A_2129 : vector<128x128xi32>
      %add3A_2131 = vector.broadcast %xor3A_2089 : i32 to vector<128x128xi32>
      %add3A_2132 = arith.addi %xor3A_2127, %add3A_2131 : vector<128x128xi32>
      %add3A_2133 = arith.constant 1 : i32
      %add3A_2134 = vector.broadcast %add3A_2133 : i32 to vector<128x128xi32>
      %add3A_2135 = arith.addi %add3A_2132, %add3A_2134 : vector<128x128xi32>
      %add3A_2136 = arith.addi %add3A_2130, %add3A_2135 : vector<128x128xi32>
      %shift_left3A_2137 = arith.constant 17 : i32
      %shift_left3A_2138 = vector.broadcast %shift_left3A_2137 : i32 to vector<128x128xi32>
      %shift_left3A_2139 = arith.shli %add3A_2135, %shift_left3A_2138 : vector<128x128xi32>
      %shift_right_logical3A_2140 = arith.constant 15 : i32
      %shift_right_logical3A_2141 = vector.broadcast %shift_right_logical3A_2140 : i32 to vector<128x128xi32>
      %shift_right_logical3A_2142 = arith.shrui %add3A_2135, %shift_right_logical3A_2141 : vector<128x128xi32>
      %or3A_2143 = arith.ori %shift_left3A_2139, %shift_right_logical3A_2142 : vector<128x128xi32>
      %xor3A_2144 = arith.xori %or3A_2143, %add3A_2136 : vector<128x128xi32>
      %add3A_2145 = arith.addi %add3A_2136, %xor3A_2144 : vector<128x128xi32>
      %shift_left3A_2146 = arith.constant 29 : i32
      %shift_left3A_2147 = vector.broadcast %shift_left3A_2146 : i32 to vector<128x128xi32>
      %shift_left3A_2148 = arith.shli %xor3A_2144, %shift_left3A_2147 : vector<128x128xi32>
      %shift_right_logical3A_2149 = arith.constant 3 : i32
      %shift_right_logical3A_2150 = vector.broadcast %shift_right_logical3A_2149 : i32 to vector<128x128xi32>
      %shift_right_logical3A_2151 = arith.shrui %xor3A_2144, %shift_right_logical3A_2150 : vector<128x128xi32>
      %or3A_2152 = arith.ori %shift_left3A_2148, %shift_right_logical3A_2151 : vector<128x128xi32>
      %xor3A_2153 = arith.xori %or3A_2152, %add3A_2145 : vector<128x128xi32>
      %add3A_2154 = arith.addi %add3A_2145, %xor3A_2153 : vector<128x128xi32>
      %shift_left3A_2155 = arith.constant 16 : i32
      %shift_left3A_2156 = vector.broadcast %shift_left3A_2155 : i32 to vector<128x128xi32>
      %shift_left3A_2157 = arith.shli %xor3A_2153, %shift_left3A_2156 : vector<128x128xi32>
      %shift_right_logical3A_2158 = arith.constant 16 : i32
      %shift_right_logical3A_2159 = vector.broadcast %shift_right_logical3A_2158 : i32 to vector<128x128xi32>
      %shift_right_logical3A_2160 = arith.shrui %xor3A_2153, %shift_right_logical3A_2159 : vector<128x128xi32>
      %or3A_2161 = arith.ori %shift_left3A_2157, %shift_right_logical3A_2160 : vector<128x128xi32>
      %xor3A_2162 = arith.xori %or3A_2161, %add3A_2154 : vector<128x128xi32>
      %add3A_2163 = arith.addi %add3A_2154, %xor3A_2162 : vector<128x128xi32>
      %shift_left3A_2164 = arith.constant 24 : i32
      %shift_left3A_2165 = vector.broadcast %shift_left3A_2164 : i32 to vector<128x128xi32>
      %shift_left3A_2166 = arith.shli %xor3A_2162, %shift_left3A_2165 : vector<128x128xi32>
      %shift_right_logical3A_2167 = arith.constant 8 : i32
      %shift_right_logical3A_2168 = vector.broadcast %shift_right_logical3A_2167 : i32 to vector<128x128xi32>
      %shift_right_logical3A_2169 = arith.shrui %xor3A_2162, %shift_right_logical3A_2168 : vector<128x128xi32>
      %or3A_2170 = arith.ori %shift_left3A_2166, %shift_right_logical3A_2169 : vector<128x128xi32>
      %xor3A_2171 = arith.xori %or3A_2170, %add3A_2163 : vector<128x128xi32>
      %add3A_2172 = vector.broadcast %xor3A_2089 : i32 to vector<128x128xi32>
      %add3A_2173 = arith.addi %add3A_2163, %add3A_2172 : vector<128x128xi32>
      %add3A_2174 = arith.constant 0 : i32
      %add3A_2175 = vector.broadcast %add3A_2174 : i32 to vector<128x128xi32>
      %add3A_2176 = arith.addi %xor3A_2171, %add3A_2175 : vector<128x128xi32>
      %add3A_2177 = arith.constant 2 : i32
      %add3A_2178 = vector.broadcast %add3A_2177 : i32 to vector<128x128xi32>
      %add3A_2179 = arith.addi %add3A_2176, %add3A_2178 : vector<128x128xi32>
      %add3A_2180 = arith.addi %add3A_2173, %add3A_2179 : vector<128x128xi32>
      %shift_left3A_2181 = arith.constant 13 : i32
      %shift_left3A_2182 = vector.broadcast %shift_left3A_2181 : i32 to vector<128x128xi32>
      %shift_left3A_2183 = arith.shli %add3A_2179, %shift_left3A_2182 : vector<128x128xi32>
      %shift_right_logical3A_2184 = arith.constant 19 : i32
      %shift_right_logical3A_2185 = vector.broadcast %shift_right_logical3A_2184 : i32 to vector<128x128xi32>
      %shift_right_logical3A_2186 = arith.shrui %add3A_2179, %shift_right_logical3A_2185 : vector<128x128xi32>
      %or3A_2187 = arith.ori %shift_left3A_2183, %shift_right_logical3A_2186 : vector<128x128xi32>
      %xor3A_2188 = arith.xori %or3A_2187, %add3A_2180 : vector<128x128xi32>
      %add3A_2189 = arith.addi %add3A_2180, %xor3A_2188 : vector<128x128xi32>
      %shift_left3A_2190 = arith.constant 15 : i32
      %shift_left3A_2191 = vector.broadcast %shift_left3A_2190 : i32 to vector<128x128xi32>
      %shift_left3A_2192 = arith.shli %xor3A_2188, %shift_left3A_2191 : vector<128x128xi32>
      %shift_right_logical3A_2193 = arith.constant 17 : i32
      %shift_right_logical3A_2194 = vector.broadcast %shift_right_logical3A_2193 : i32 to vector<128x128xi32>
      %shift_right_logical3A_2195 = arith.shrui %xor3A_2188, %shift_right_logical3A_2194 : vector<128x128xi32>
      %or3A_2196 = arith.ori %shift_left3A_2192, %shift_right_logical3A_2195 : vector<128x128xi32>
      %xor3A_2197 = arith.xori %or3A_2196, %add3A_2189 : vector<128x128xi32>
      %add3A_2198 = arith.addi %add3A_2189, %xor3A_2197 : vector<128x128xi32>
      %shift_left3A_2199 = arith.constant 26 : i32
      %shift_left3A_2200 = vector.broadcast %shift_left3A_2199 : i32 to vector<128x128xi32>
      %shift_left3A_2201 = arith.shli %xor3A_2197, %shift_left3A_2200 : vector<128x128xi32>
      %shift_right_logical3A_2202 = arith.constant 6 : i32
      %shift_right_logical3A_2203 = vector.broadcast %shift_right_logical3A_2202 : i32 to vector<128x128xi32>
      %shift_right_logical3A_2204 = arith.shrui %xor3A_2197, %shift_right_logical3A_2203 : vector<128x128xi32>
      %or3A_2205 = arith.ori %shift_left3A_2201, %shift_right_logical3A_2204 : vector<128x128xi32>
      %xor3A_2206 = arith.xori %or3A_2205, %add3A_2198 : vector<128x128xi32>
      %add3A_2207 = arith.addi %add3A_2198, %xor3A_2206 : vector<128x128xi32>
      %shift_left3A_2208 = arith.constant 6 : i32
      %shift_left3A_2209 = vector.broadcast %shift_left3A_2208 : i32 to vector<128x128xi32>
      %shift_left3A_2210 = arith.shli %xor3A_2206, %shift_left3A_2209 : vector<128x128xi32>
      %shift_right_logical3A_2211 = arith.constant 26 : i32
      %shift_right_logical3A_2212 = vector.broadcast %shift_right_logical3A_2211 : i32 to vector<128x128xi32>
      %shift_right_logical3A_2213 = arith.shrui %xor3A_2206, %shift_right_logical3A_2212 : vector<128x128xi32>
      %or3A_2214 = arith.ori %shift_left3A_2210, %shift_right_logical3A_2213 : vector<128x128xi32>
      %xor3A_2215 = arith.xori %or3A_2214, %add3A_2207 : vector<128x128xi32>
      %add3A_2216 = arith.constant 0 : i32
      %add3A_2217 = vector.broadcast %add3A_2216 : i32 to vector<128x128xi32>
      %add3A_2218 = arith.addi %add3A_2207, %add3A_2217 : vector<128x128xi32>
      %add3A_2219 = arith.constant 42 : i32
      %add3A_2220 = vector.broadcast %add3A_2219 : i32 to vector<128x128xi32>
      %add3A_2221 = arith.addi %xor3A_2215, %add3A_2220 : vector<128x128xi32>
      %add3A_2222 = arith.constant 3 : i32
      %add3A_2223 = vector.broadcast %add3A_2222 : i32 to vector<128x128xi32>
      %add3A_2224 = arith.addi %add3A_2221, %add3A_2223 : vector<128x128xi32>
      %add3A_2225 = arith.addi %add3A_2218, %add3A_2224 : vector<128x128xi32>
      %shift_left3A_2226 = arith.constant 17 : i32
      %shift_left3A_2227 = vector.broadcast %shift_left3A_2226 : i32 to vector<128x128xi32>
      %shift_left3A_2228 = arith.shli %add3A_2224, %shift_left3A_2227 : vector<128x128xi32>
      %shift_right_logical3A_2229 = arith.constant 15 : i32
      %shift_right_logical3A_2230 = vector.broadcast %shift_right_logical3A_2229 : i32 to vector<128x128xi32>
      %shift_right_logical3A_2231 = arith.shrui %add3A_2224, %shift_right_logical3A_2230 : vector<128x128xi32>
      %or3A_2232 = arith.ori %shift_left3A_2228, %shift_right_logical3A_2231 : vector<128x128xi32>
      %xor3A_2233 = arith.xori %or3A_2232, %add3A_2225 : vector<128x128xi32>
      %add3A_2234 = arith.addi %add3A_2225, %xor3A_2233 : vector<128x128xi32>
      %shift_left3A_2235 = arith.constant 29 : i32
      %shift_left3A_2236 = vector.broadcast %shift_left3A_2235 : i32 to vector<128x128xi32>
      %shift_left3A_2237 = arith.shli %xor3A_2233, %shift_left3A_2236 : vector<128x128xi32>
      %shift_right_logical3A_2238 = arith.constant 3 : i32
      %shift_right_logical3A_2239 = vector.broadcast %shift_right_logical3A_2238 : i32 to vector<128x128xi32>
      %shift_right_logical3A_2240 = arith.shrui %xor3A_2233, %shift_right_logical3A_2239 : vector<128x128xi32>
      %or3A_2241 = arith.ori %shift_left3A_2237, %shift_right_logical3A_2240 : vector<128x128xi32>
      %xor3A_2242 = arith.xori %or3A_2241, %add3A_2234 : vector<128x128xi32>
      %add3A_2243 = arith.addi %add3A_2234, %xor3A_2242 : vector<128x128xi32>
      %shift_left3A_2244 = arith.constant 16 : i32
      %shift_left3A_2245 = vector.broadcast %shift_left3A_2244 : i32 to vector<128x128xi32>
      %shift_left3A_2246 = arith.shli %xor3A_2242, %shift_left3A_2245 : vector<128x128xi32>
      %shift_right_logical3A_2247 = arith.constant 16 : i32
      %shift_right_logical3A_2248 = vector.broadcast %shift_right_logical3A_2247 : i32 to vector<128x128xi32>
      %shift_right_logical3A_2249 = arith.shrui %xor3A_2242, %shift_right_logical3A_2248 : vector<128x128xi32>
      %or3A_2250 = arith.ori %shift_left3A_2246, %shift_right_logical3A_2249 : vector<128x128xi32>
      %xor3A_2251 = arith.xori %or3A_2250, %add3A_2243 : vector<128x128xi32>
      %add3A_2252 = arith.addi %add3A_2243, %xor3A_2251 : vector<128x128xi32>
      %shift_left3A_2253 = arith.constant 24 : i32
      %shift_left3A_2254 = vector.broadcast %shift_left3A_2253 : i32 to vector<128x128xi32>
      %shift_left3A_2255 = arith.shli %xor3A_2251, %shift_left3A_2254 : vector<128x128xi32>
      %shift_right_logical3A_2256 = arith.constant 8 : i32
      %shift_right_logical3A_2257 = vector.broadcast %shift_right_logical3A_2256 : i32 to vector<128x128xi32>
      %shift_right_logical3A_2258 = arith.shrui %xor3A_2251, %shift_right_logical3A_2257 : vector<128x128xi32>
      %or3A_2259 = arith.ori %shift_left3A_2255, %shift_right_logical3A_2258 : vector<128x128xi32>
      %xor3A_2260 = arith.xori %or3A_2259, %add3A_2252 : vector<128x128xi32>
      %add3A_2261 = arith.constant 42 : i32
      %add3A_2262 = vector.broadcast %add3A_2261 : i32 to vector<128x128xi32>
      %add3A_2263 = arith.addi %add3A_2252, %add3A_2262 : vector<128x128xi32>
      %add3A_2264 = vector.broadcast %xor3A_2089 : i32 to vector<128x128xi32>
      %add3A_2265 = arith.addi %xor3A_2260, %add3A_2264 : vector<128x128xi32>
      %add3A_2266 = arith.constant 4 : i32
      %add3A_2267 = vector.broadcast %add3A_2266 : i32 to vector<128x128xi32>
      %add3A_2268 = arith.addi %add3A_2265, %add3A_2267 : vector<128x128xi32>
      %add3A_2269 = arith.addi %add3A_2263, %add3A_2268 : vector<128x128xi32>
      %shift_left3A_2270 = arith.constant 13 : i32
      %shift_left3A_2271 = vector.broadcast %shift_left3A_2270 : i32 to vector<128x128xi32>
      %shift_left3A_2272 = arith.shli %add3A_2268, %shift_left3A_2271 : vector<128x128xi32>
      %shift_right_logical3A_2273 = arith.constant 19 : i32
      %shift_right_logical3A_2274 = vector.broadcast %shift_right_logical3A_2273 : i32 to vector<128x128xi32>
      %shift_right_logical3A_2275 = arith.shrui %add3A_2268, %shift_right_logical3A_2274 : vector<128x128xi32>
      %or3A_2276 = arith.ori %shift_left3A_2272, %shift_right_logical3A_2275 : vector<128x128xi32>
      %xor3A_2277 = arith.xori %or3A_2276, %add3A_2269 : vector<128x128xi32>
      %add3A_2278 = arith.addi %add3A_2269, %xor3A_2277 : vector<128x128xi32>
      %shift_left3A_2279 = arith.constant 15 : i32
      %shift_left3A_2280 = vector.broadcast %shift_left3A_2279 : i32 to vector<128x128xi32>
      %shift_left3A_2281 = arith.shli %xor3A_2277, %shift_left3A_2280 : vector<128x128xi32>
      %shift_right_logical3A_2282 = arith.constant 17 : i32
      %shift_right_logical3A_2283 = vector.broadcast %shift_right_logical3A_2282 : i32 to vector<128x128xi32>
      %shift_right_logical3A_2284 = arith.shrui %xor3A_2277, %shift_right_logical3A_2283 : vector<128x128xi32>
      %or3A_2285 = arith.ori %shift_left3A_2281, %shift_right_logical3A_2284 : vector<128x128xi32>
      %xor3A_2286 = arith.xori %or3A_2285, %add3A_2278 : vector<128x128xi32>
      %add3A_2287 = arith.addi %add3A_2278, %xor3A_2286 : vector<128x128xi32>
      %shift_left3A_2288 = arith.constant 26 : i32
      %shift_left3A_2289 = vector.broadcast %shift_left3A_2288 : i32 to vector<128x128xi32>
      %shift_left3A_2290 = arith.shli %xor3A_2286, %shift_left3A_2289 : vector<128x128xi32>
      %shift_right_logical3A_2291 = arith.constant 6 : i32
      %shift_right_logical3A_2292 = vector.broadcast %shift_right_logical3A_2291 : i32 to vector<128x128xi32>
      %shift_right_logical3A_2293 = arith.shrui %xor3A_2286, %shift_right_logical3A_2292 : vector<128x128xi32>
      %or3A_2294 = arith.ori %shift_left3A_2290, %shift_right_logical3A_2293 : vector<128x128xi32>
      %xor3A_2295 = arith.xori %or3A_2294, %add3A_2287 : vector<128x128xi32>
      %add3A_2296 = arith.addi %add3A_2287, %xor3A_2295 : vector<128x128xi32>
      %shift_left3A_2297 = arith.constant 6 : i32
      %shift_left3A_2298 = vector.broadcast %shift_left3A_2297 : i32 to vector<128x128xi32>
      %shift_left3A_2299 = arith.shli %xor3A_2295, %shift_left3A_2298 : vector<128x128xi32>
      %shift_right_logical3A_2300 = arith.constant 26 : i32
      %shift_right_logical3A_2301 = vector.broadcast %shift_right_logical3A_2300 : i32 to vector<128x128xi32>
      %shift_right_logical3A_2302 = arith.shrui %xor3A_2295, %shift_right_logical3A_2301 : vector<128x128xi32>
      %or3A_2303 = arith.ori %shift_left3A_2299, %shift_right_logical3A_2302 : vector<128x128xi32>
      %xor3A_2304 = arith.xori %or3A_2303, %add3A_2296 : vector<128x128xi32>
      %add3A_2305 = vector.broadcast %xor3A_2089 : i32 to vector<128x128xi32>
      %add3A_2306 = arith.addi %add3A_2296, %add3A_2305 : vector<128x128xi32>
      %add3A_2307 = arith.constant 0 : i32
      %add3A_2308 = vector.broadcast %add3A_2307 : i32 to vector<128x128xi32>
      %add3A_2309 = arith.addi %xor3A_2304, %add3A_2308 : vector<128x128xi32>
      %add3A_2310 = arith.constant 5 : i32
      %add3A_2311 = vector.broadcast %add3A_2310 : i32 to vector<128x128xi32>
      %add3A_2312 = arith.addi %add3A_2309, %add3A_2311 : vector<128x128xi32>
      %xor3A_2313 = arith.xori %add3A_2306, %add3A_2312 : vector<128x128xi32>
      %shift_right_logical3A_2314 = arith.constant 9 : i32
      %shift_right_logical3A_2315 = vector.broadcast %shift_right_logical3A_2314 : i32 to vector<128x128xi32>
      %shift_right_logical3A_2316 = arith.shrui %xor3A_2313, %shift_right_logical3A_2315 : vector<128x128xi32>
      %or3A_2317 = arith.constant 1065353216 : i32
      %or3A_2318 = vector.broadcast %or3A_2317 : i32 to vector<128x128xi32>
      %or3A_2319 = arith.ori %shift_right_logical3A_2316, %or3A_2318 : vector<128x128xi32>
      %bitcast_convert_type3A_2320 = tpu.bitcast %or3A_2319 : vector<128x128xi32> -> vector<128x128xf32>
      %sub3A_2321 = arith.constant 1.000000e+00 : f32
      %sub3A_2322 = vector.broadcast %sub3A_2321 : f32 to vector<128x128xf32>
      %sub3A_2323 = arith.subf %bitcast_convert_type3A_2320, %sub3A_2322 : vector<128x128xf32>
      %mul3A_2324 = arith.constant 1.000000e+00 : f32
      %mul3A_2325 = vector.broadcast %mul3A_2324 : f32 to vector<128x128xf32>
      %mul3A_2326 = arith.mulf %sub3A_2323, %mul3A_2325 : vector<128x128xf32>
      %add3A_2327 = arith.constant 1.17549435E-38 : f32
      %add3A_2328 = vector.broadcast %add3A_2327 : f32 to vector<128x128xf32>
      %add3A_2329 = arith.addf %mul3A_2326, %add3A_2328 : vector<128x128xf32>
      %max3A_2330 = arith.constant 1.17549435E-38 : f32
      %max3A_2331 = vector.broadcast %max3A_2330 : f32 to vector<128x128xf32>
      %max3A_2332 = arith.maximumf %max3A_2331, %add3A_2329 : vector<128x128xf32>
      %log3A_2333 = math.log %max3A_2332 : vector<128x128xf32>
      %neg3A_2334 = arith.constant 0.000000e+00 : f32
      %neg3A_2335 = vector.broadcast %neg3A_2334 : f32 to vector<128x128xf32>
      %neg3A_2336 = arith.subf %neg3A_2335, %log3A_2333 : vector<128x128xf32>
      %log3A_2337 = math.log %neg3A_2336 : vector<128x128xf32>
      %neg3A_2338 = arith.constant 0.000000e+00 : f32
      %neg3A_2339 = vector.broadcast %neg3A_2338 : f32 to vector<128x128xf32>
      %neg3A_2340 = arith.subf %neg3A_2339, %log3A_2337 : vector<128x128xf32>
      %add3A_2341 = arith.addf %neg3A_2340, %log3A : vector<128x128xf32>
      %reduce_max3A_2342 = arith.constant dense<0xFF800000> : vector<128xf32>
      %reduce_max3A_2343 = vector.multi_reduction <maximumf>, %add3A_2341, %reduce_max3A_2342 [0] : vector<128x128xf32> to vector<128xf32>
      %broadcast_in_dim3A_2344 = vector.shape_cast %reduce_max3A_2343 : vector<128xf32> to vector<1x128xf32>
      %eq3A_2345 = vector.broadcast %broadcast_in_dim3A_2344 : vector<1x128xf32> to vector<128x128xf32>
      %eq3A_2346 = arith.cmpf oeq, %add3A_2341, %eq3A_2345 : vector<128x128xf32>
      %jit3A_2347 = arith.constant 128 : i32
      %broadcast_in_dim3A_2348 = vector.broadcast %jit3A_2347 : i32 to vector<128x128xi32>
      %select_n3A_2349 = arith.select %eq3A_2346, %iota3A_11, %broadcast_in_dim3A_2348 : vector<128x128xi1>, vector<128x128xi32>
      %reduce_min3A_2350 = arith.constant dense<2147483647> : vector<128xi32>
      %reduce_min3A_2351 = vector.multi_reduction <minsi>, %select_n3A_2349, %reduce_min3A_2350 [0] : vector<128x128xi32> to vector<128xi32>
      %broadcast_in_dim3A_2352 = vector.shape_cast %reduce_min3A_2351 : vector<128xi32> to vector<1x128xi32>
      %mul3A_2353 = arith.constant 128 : i32
      %mul3A_2354 = vector.broadcast %mul3A_2353 : i32 to vector<1x128xi32>
      %mul3A_2355 = arith.muli %broadcast_in_dim3A_2352, %mul3A_2354 : vector<1x128xi32>
      %add3A_2356 = arith.addi %iota3A_12, %mul3A_2355 : vector<1x128xi32>
      %swap3A_2357 = arith.index_cast %add3A_2078 : i32 to index
      %swap3A_2358 = arith.constant 0 : index
      %swap3A_2359 = vector.load %arg1[%swap3A_2357, %swap3A_2358] : memref<80x128xi32, #tpu.memory_space<vmem>>, vector<1x128xi32>
      tpu.vector_store %arg1[%swap3A_2357, %swap3A_2358], %add3A_2356 {strides = array<i32>} : memref<80x128xi32, #tpu.memory_space<vmem>>, vector<1x128xi32>,
      %eq3A_2360 = vector.broadcast %broadcast_in_dim3A_2352 : vector<1x128xi32> to vector<128x128xi32>
      %eq3A_2361 = arith.cmpi eq, %eq3A_2360, %iota3A_11 : vector<128x128xi32>
      %jit3A_2362 = arith.constant 0.000000e+00 : f32
      %broadcast_in_dim3A_2363 = vector.broadcast %jit3A_2362 : f32 to vector<128x128xf32>
      %select_n3A_2364 = arith.select %eq3A_2361, %sub3A, %broadcast_in_dim3A_2363 : vector<128x128xi1>, vector<128x128xf32>
      %reduce_sum3A_2365 = arith.constant dense<0.000000e+00> : vector<128xf32>
      %reduce_sum3A_2366 = vector.multi_reduction <add>, %select_n3A_2364, %reduce_sum3A_2365 [0] : vector<128x128xf32> to vector<128xf32>
      %broadcast_in_dim3A_2367 = vector.shape_cast %reduce_sum3A_2366 : vector<128xf32> to vector<1x128xf32>
      %swap3A_2368 = arith.index_cast %add3A_2078 : i32 to index
      %swap3A_2369 = arith.constant 0 : index
      %swap3A_2370 = vector.load %arg2[%swap3A_2368, %swap3A_2369] : memref<80x128xf32, #tpu.memory_space<vmem>>, vector<1x128xf32>
      tpu.vector_store %arg2[%swap3A_2368, %swap3A_2369], %broadcast_in_dim3A_2367 {strides = array<i32>} : memref<80x128xf32, #tpu.memory_space<vmem>>, vector<1x128xf32>,
    }
    %scan3A_16 = arith.constant 10 : i32
    return
  }
}

module attributes {stable_mosaic.version = 14 : i64} {
  func.func @_sample_b_body(%arg0: memref<128x128xf32, #tpu.memory_space<vmem>>, %arg1: memref<48x128xi32, #tpu.memory_space<vmem>>, %arg2: memref<48x128xf32, #tpu.memory_space<vmem>>) attributes {dimension_semantics = [], scalar_prefetch = 0 : i64, scratch_operands = 0 : i64, tpu.core_type = #tpu.core_type<tc>} {
    %get3A = arith.constant 0 : index
    %get3A_0 = arith.constant 0 : index
    %get3A_1 = vector.load %arg0[%get3A, %get3A_0] : memref<128x128xf32, #tpu.memory_space<vmem>>, vector<128x128xf32>
    %exp3A = math.exp %get3A_1 : vector<128x128xf32>
    %mul3A = arith.constant 5.000000e-01 : f32
    %mul3A_2 = vector.broadcast %mul3A : f32 to vector<128x128xf32>
    %mul3A_3 = arith.mulf %mul3A_2, %exp3A : vector<128x128xf32>
    %add3A = arith.constant 3.906250e-03 : f32
    %add3A_4 = vector.broadcast %add3A : f32 to vector<128x128xf32>
    %add3A_5 = arith.addf %mul3A_3, %add3A_4 : vector<128x128xf32>
    %log3A = math.log %add3A_5 : vector<128x128xf32>
    %sub3A = arith.subf %get3A_1, %log3A : vector<128x128xf32>
    %iota3A = tpu.iota {dimensions = array<i32: 0>} : vector<128x128xi32>
    %iota3A_6 = tpu.iota {dimensions = array<i32: 1>} : vector<128x128xi32>
    %mul3A_7 = arith.constant 128 : i32
    %mul3A_8 = vector.broadcast %mul3A_7 : i32 to vector<128x128xi32>
    %mul3A_9 = arith.muli %iota3A_6, %mul3A_8 : vector<128x128xi32>
    %add3A_10 = arith.addi %mul3A_9, %iota3A : vector<128x128xi32>
    %iota3A_11 = tpu.iota {dimensions = array<i32: 0>} : vector<128x128xi32>
    %iota3A_12 = tpu.iota {dimensions = array<i32: 1>} : vector<1x128xi32>
    %scan3A = arith.constant 0 : i32
    %scan3A_13 = arith.constant 6 : i32
    %scan3A_14 = arith.addi %scan3A, %scan3A_13 : i32
    %scan3A_15 = arith.constant 1 : i32
    scf.for %scan3A_17 = %scan3A to %scan3A_14 step %scan3A_15  : i32 {
      %mul3A_18 = arith.constant 8 : i32
      %mul3A_19 = arith.muli %mul3A_18, %scan3A_17 : i32
      %add3A_20 = arith.constant 0 : i32
      %add3A_21 = arith.addi %mul3A_19, %add3A_20 : i32
      %add3A_22 = arith.constant 80 : i32
      %add3A_23 = arith.addi %add3A_21, %add3A_22 : i32
      %mul3A_24 = arith.constant 16384 : i32
      %mul3A_25 = arith.muli %add3A_23, %mul3A_24 : i32
      %add3A_26 = vector.broadcast %mul3A_25 : i32 to vector<128x128xi32>
      %add3A_27 = arith.addi %add3A_10, %add3A_26 : vector<128x128xi32>
      %xor3A = arith.constant 0 : i32
      %xor3A_28 = arith.constant 42 : i32
      %xor3A_29 = arith.xori %xor3A, %xor3A_28 : i32
      %xor3A_30 = arith.constant 466688986 : i32
      %xor3A_31 = arith.xori %xor3A_29, %xor3A_30 : i32
      %add3A_32 = arith.constant 42 : i32
      %add3A_33 = vector.broadcast %add3A_32 : i32 to vector<128x128xi32>
      %add3A_34 = arith.addi %add3A_27, %add3A_33 : vector<128x128xi32>
      %shift_left3A = arith.constant 13 : i32
      %shift_left3A_35 = vector.broadcast %shift_left3A : i32 to vector<128x128xi32>
      %shift_left3A_36 = arith.shli %add3A_34, %shift_left3A_35 : vector<128x128xi32>
      %shift_right_logical3A = arith.constant 19 : i32
      %shift_right_logical3A_37 = vector.broadcast %shift_right_logical3A : i32 to vector<128x128xi32>
      %shift_right_logical3A_38 = arith.shrui %add3A_34, %shift_right_logical3A_37 : vector<128x128xi32>
      %or3A = arith.ori %shift_left3A_36, %shift_right_logical3A_38 : vector<128x128xi32>
      %xor3A_39 = arith.xori %or3A, %add3A_34 : vector<128x128xi32>
      %add3A_40 = arith.addi %add3A_34, %xor3A_39 : vector<128x128xi32>
      %shift_left3A_41 = arith.constant 15 : i32
      %shift_left3A_42 = vector.broadcast %shift_left3A_41 : i32 to vector<128x128xi32>
      %shift_left3A_43 = arith.shli %xor3A_39, %shift_left3A_42 : vector<128x128xi32>
      %shift_right_logical3A_44 = arith.constant 17 : i32
      %shift_right_logical3A_45 = vector.broadcast %shift_right_logical3A_44 : i32 to vector<128x128xi32>
      %shift_right_logical3A_46 = arith.shrui %xor3A_39, %shift_right_logical3A_45 : vector<128x128xi32>
      %or3A_47 = arith.ori %shift_left3A_43, %shift_right_logical3A_46 : vector<128x128xi32>
      %xor3A_48 = arith.xori %or3A_47, %add3A_40 : vector<128x128xi32>
      %add3A_49 = arith.addi %add3A_40, %xor3A_48 : vector<128x128xi32>
      %shift_left3A_50 = arith.constant 26 : i32
      %shift_left3A_51 = vector.broadcast %shift_left3A_50 : i32 to vector<128x128xi32>
      %shift_left3A_52 = arith.shli %xor3A_48, %shift_left3A_51 : vector<128x128xi32>
      %shift_right_logical3A_53 = arith.constant 6 : i32
      %shift_right_logical3A_54 = vector.broadcast %shift_right_logical3A_53 : i32 to vector<128x128xi32>
      %shift_right_logical3A_55 = arith.shrui %xor3A_48, %shift_right_logical3A_54 : vector<128x128xi32>
      %or3A_56 = arith.ori %shift_left3A_52, %shift_right_logical3A_55 : vector<128x128xi32>
      %xor3A_57 = arith.xori %or3A_56, %add3A_49 : vector<128x128xi32>
      %add3A_58 = arith.addi %add3A_49, %xor3A_57 : vector<128x128xi32>
      %shift_left3A_59 = arith.constant 6 : i32
      %shift_left3A_60 = vector.broadcast %shift_left3A_59 : i32 to vector<128x128xi32>
      %shift_left3A_61 = arith.shli %xor3A_57, %shift_left3A_60 : vector<128x128xi32>
      %shift_right_logical3A_62 = arith.constant 26 : i32
      %shift_right_logical3A_63 = vector.broadcast %shift_right_logical3A_62 : i32 to vector<128x128xi32>
      %shift_right_logical3A_64 = arith.shrui %xor3A_57, %shift_right_logical3A_63 : vector<128x128xi32>
      %or3A_65 = arith.ori %shift_left3A_61, %shift_right_logical3A_64 : vector<128x128xi32>
      %xor3A_66 = arith.xori %or3A_65, %add3A_58 : vector<128x128xi32>
      %add3A_67 = arith.constant 42 : i32
      %add3A_68 = vector.broadcast %add3A_67 : i32 to vector<128x128xi32>
      %add3A_69 = arith.addi %add3A_58, %add3A_68 : vector<128x128xi32>
      %add3A_70 = vector.broadcast %xor3A_31 : i32 to vector<128x128xi32>
      %add3A_71 = arith.addi %xor3A_66, %add3A_70 : vector<128x128xi32>
      %add3A_72 = arith.constant 1 : i32
      %add3A_73 = vector.broadcast %add3A_72 : i32 to vector<128x128xi32>
      %add3A_74 = arith.addi %add3A_71, %add3A_73 : vector<128x128xi32>
      %add3A_75 = arith.addi %add3A_69, %add3A_74 : vector<128x128xi32>
      %shift_left3A_76 = arith.constant 17 : i32
      %shift_left3A_77 = vector.broadcast %shift_left3A_76 : i32 to vector<128x128xi32>
      %shift_left3A_78 = arith.shli %add3A_74, %shift_left3A_77 : vector<128x128xi32>
      %shift_right_logical3A_79 = arith.constant 15 : i32
      %shift_right_logical3A_80 = vector.broadcast %shift_right_logical3A_79 : i32 to vector<128x128xi32>
      %shift_right_logical3A_81 = arith.shrui %add3A_74, %shift_right_logical3A_80 : vector<128x128xi32>
      %or3A_82 = arith.ori %shift_left3A_78, %shift_right_logical3A_81 : vector<128x128xi32>
      %xor3A_83 = arith.xori %or3A_82, %add3A_75 : vector<128x128xi32>
      %add3A_84 = arith.addi %add3A_75, %xor3A_83 : vector<128x128xi32>
      %shift_left3A_85 = arith.constant 29 : i32
      %shift_left3A_86 = vector.broadcast %shift_left3A_85 : i32 to vector<128x128xi32>
      %shift_left3A_87 = arith.shli %xor3A_83, %shift_left3A_86 : vector<128x128xi32>
      %shift_right_logical3A_88 = arith.constant 3 : i32
      %shift_right_logical3A_89 = vector.broadcast %shift_right_logical3A_88 : i32 to vector<128x128xi32>
      %shift_right_logical3A_90 = arith.shrui %xor3A_83, %shift_right_logical3A_89 : vector<128x128xi32>
      %or3A_91 = arith.ori %shift_left3A_87, %shift_right_logical3A_90 : vector<128x128xi32>
      %xor3A_92 = arith.xori %or3A_91, %add3A_84 : vector<128x128xi32>
      %add3A_93 = arith.addi %add3A_84, %xor3A_92 : vector<128x128xi32>
      %shift_left3A_94 = arith.constant 16 : i32
      %shift_left3A_95 = vector.broadcast %shift_left3A_94 : i32 to vector<128x128xi32>
      %shift_left3A_96 = arith.shli %xor3A_92, %shift_left3A_95 : vector<128x128xi32>
      %shift_right_logical3A_97 = arith.constant 16 : i32
      %shift_right_logical3A_98 = vector.broadcast %shift_right_logical3A_97 : i32 to vector<128x128xi32>
      %shift_right_logical3A_99 = arith.shrui %xor3A_92, %shift_right_logical3A_98 : vector<128x128xi32>
      %or3A_100 = arith.ori %shift_left3A_96, %shift_right_logical3A_99 : vector<128x128xi32>
      %xor3A_101 = arith.xori %or3A_100, %add3A_93 : vector<128x128xi32>
      %add3A_102 = arith.addi %add3A_93, %xor3A_101 : vector<128x128xi32>
      %shift_left3A_103 = arith.constant 24 : i32
      %shift_left3A_104 = vector.broadcast %shift_left3A_103 : i32 to vector<128x128xi32>
      %shift_left3A_105 = arith.shli %xor3A_101, %shift_left3A_104 : vector<128x128xi32>
      %shift_right_logical3A_106 = arith.constant 8 : i32
      %shift_right_logical3A_107 = vector.broadcast %shift_right_logical3A_106 : i32 to vector<128x128xi32>
      %shift_right_logical3A_108 = arith.shrui %xor3A_101, %shift_right_logical3A_107 : vector<128x128xi32>
      %or3A_109 = arith.ori %shift_left3A_105, %shift_right_logical3A_108 : vector<128x128xi32>
      %xor3A_110 = arith.xori %or3A_109, %add3A_102 : vector<128x128xi32>
      %add3A_111 = vector.broadcast %xor3A_31 : i32 to vector<128x128xi32>
      %add3A_112 = arith.addi %add3A_102, %add3A_111 : vector<128x128xi32>
      %add3A_113 = arith.constant 0 : i32
      %add3A_114 = vector.broadcast %add3A_113 : i32 to vector<128x128xi32>
      %add3A_115 = arith.addi %xor3A_110, %add3A_114 : vector<128x128xi32>
      %add3A_116 = arith.constant 2 : i32
      %add3A_117 = vector.broadcast %add3A_116 : i32 to vector<128x128xi32>
      %add3A_118 = arith.addi %add3A_115, %add3A_117 : vector<128x128xi32>
      %add3A_119 = arith.addi %add3A_112, %add3A_118 : vector<128x128xi32>
      %shift_left3A_120 = arith.constant 13 : i32
      %shift_left3A_121 = vector.broadcast %shift_left3A_120 : i32 to vector<128x128xi32>
      %shift_left3A_122 = arith.shli %add3A_118, %shift_left3A_121 : vector<128x128xi32>
      %shift_right_logical3A_123 = arith.constant 19 : i32
      %shift_right_logical3A_124 = vector.broadcast %shift_right_logical3A_123 : i32 to vector<128x128xi32>
      %shift_right_logical3A_125 = arith.shrui %add3A_118, %shift_right_logical3A_124 : vector<128x128xi32>
      %or3A_126 = arith.ori %shift_left3A_122, %shift_right_logical3A_125 : vector<128x128xi32>
      %xor3A_127 = arith.xori %or3A_126, %add3A_119 : vector<128x128xi32>
      %add3A_128 = arith.addi %add3A_119, %xor3A_127 : vector<128x128xi32>
      %shift_left3A_129 = arith.constant 15 : i32
      %shift_left3A_130 = vector.broadcast %shift_left3A_129 : i32 to vector<128x128xi32>
      %shift_left3A_131 = arith.shli %xor3A_127, %shift_left3A_130 : vector<128x128xi32>
      %shift_right_logical3A_132 = arith.constant 17 : i32
      %shift_right_logical3A_133 = vector.broadcast %shift_right_logical3A_132 : i32 to vector<128x128xi32>
      %shift_right_logical3A_134 = arith.shrui %xor3A_127, %shift_right_logical3A_133 : vector<128x128xi32>
      %or3A_135 = arith.ori %shift_left3A_131, %shift_right_logical3A_134 : vector<128x128xi32>
      %xor3A_136 = arith.xori %or3A_135, %add3A_128 : vector<128x128xi32>
      %add3A_137 = arith.addi %add3A_128, %xor3A_136 : vector<128x128xi32>
      %shift_left3A_138 = arith.constant 26 : i32
      %shift_left3A_139 = vector.broadcast %shift_left3A_138 : i32 to vector<128x128xi32>
      %shift_left3A_140 = arith.shli %xor3A_136, %shift_left3A_139 : vector<128x128xi32>
      %shift_right_logical3A_141 = arith.constant 6 : i32
      %shift_right_logical3A_142 = vector.broadcast %shift_right_logical3A_141 : i32 to vector<128x128xi32>
      %shift_right_logical3A_143 = arith.shrui %xor3A_136, %shift_right_logical3A_142 : vector<128x128xi32>
      %or3A_144 = arith.ori %shift_left3A_140, %shift_right_logical3A_143 : vector<128x128xi32>
      %xor3A_145 = arith.xori %or3A_144, %add3A_137 : vector<128x128xi32>
      %add3A_146 = arith.addi %add3A_137, %xor3A_145 : vector<128x128xi32>
      %shift_left3A_147 = arith.constant 6 : i32
      %shift_left3A_148 = vector.broadcast %shift_left3A_147 : i32 to vector<128x128xi32>
      %shift_left3A_149 = arith.shli %xor3A_145, %shift_left3A_148 : vector<128x128xi32>
      %shift_right_logical3A_150 = arith.constant 26 : i32
      %shift_right_logical3A_151 = vector.broadcast %shift_right_logical3A_150 : i32 to vector<128x128xi32>
      %shift_right_logical3A_152 = arith.shrui %xor3A_145, %shift_right_logical3A_151 : vector<128x128xi32>
      %or3A_153 = arith.ori %shift_left3A_149, %shift_right_logical3A_152 : vector<128x128xi32>
      %xor3A_154 = arith.xori %or3A_153, %add3A_146 : vector<128x128xi32>
      %add3A_155 = arith.constant 0 : i32
      %add3A_156 = vector.broadcast %add3A_155 : i32 to vector<128x128xi32>
      %add3A_157 = arith.addi %add3A_146, %add3A_156 : vector<128x128xi32>
      %add3A_158 = arith.constant 42 : i32
      %add3A_159 = vector.broadcast %add3A_158 : i32 to vector<128x128xi32>
      %add3A_160 = arith.addi %xor3A_154, %add3A_159 : vector<128x128xi32>
      %add3A_161 = arith.constant 3 : i32
      %add3A_162 = vector.broadcast %add3A_161 : i32 to vector<128x128xi32>
      %add3A_163 = arith.addi %add3A_160, %add3A_162 : vector<128x128xi32>
      %add3A_164 = arith.addi %add3A_157, %add3A_163 : vector<128x128xi32>
      %shift_left3A_165 = arith.constant 17 : i32
      %shift_left3A_166 = vector.broadcast %shift_left3A_165 : i32 to vector<128x128xi32>
      %shift_left3A_167 = arith.shli %add3A_163, %shift_left3A_166 : vector<128x128xi32>
      %shift_right_logical3A_168 = arith.constant 15 : i32
      %shift_right_logical3A_169 = vector.broadcast %shift_right_logical3A_168 : i32 to vector<128x128xi32>
      %shift_right_logical3A_170 = arith.shrui %add3A_163, %shift_right_logical3A_169 : vector<128x128xi32>
      %or3A_171 = arith.ori %shift_left3A_167, %shift_right_logical3A_170 : vector<128x128xi32>
      %xor3A_172 = arith.xori %or3A_171, %add3A_164 : vector<128x128xi32>
      %add3A_173 = arith.addi %add3A_164, %xor3A_172 : vector<128x128xi32>
      %shift_left3A_174 = arith.constant 29 : i32
      %shift_left3A_175 = vector.broadcast %shift_left3A_174 : i32 to vector<128x128xi32>
      %shift_left3A_176 = arith.shli %xor3A_172, %shift_left3A_175 : vector<128x128xi32>
      %shift_right_logical3A_177 = arith.constant 3 : i32
      %shift_right_logical3A_178 = vector.broadcast %shift_right_logical3A_177 : i32 to vector<128x128xi32>
      %shift_right_logical3A_179 = arith.shrui %xor3A_172, %shift_right_logical3A_178 : vector<128x128xi32>
      %or3A_180 = arith.ori %shift_left3A_176, %shift_right_logical3A_179 : vector<128x128xi32>
      %xor3A_181 = arith.xori %or3A_180, %add3A_173 : vector<128x128xi32>
      %add3A_182 = arith.addi %add3A_173, %xor3A_181 : vector<128x128xi32>
      %shift_left3A_183 = arith.constant 16 : i32
      %shift_left3A_184 = vector.broadcast %shift_left3A_183 : i32 to vector<128x128xi32>
      %shift_left3A_185 = arith.shli %xor3A_181, %shift_left3A_184 : vector<128x128xi32>
      %shift_right_logical3A_186 = arith.constant 16 : i32
      %shift_right_logical3A_187 = vector.broadcast %shift_right_logical3A_186 : i32 to vector<128x128xi32>
      %shift_right_logical3A_188 = arith.shrui %xor3A_181, %shift_right_logical3A_187 : vector<128x128xi32>
      %or3A_189 = arith.ori %shift_left3A_185, %shift_right_logical3A_188 : vector<128x128xi32>
      %xor3A_190 = arith.xori %or3A_189, %add3A_182 : vector<128x128xi32>
      %add3A_191 = arith.addi %add3A_182, %xor3A_190 : vector<128x128xi32>
      %shift_left3A_192 = arith.constant 24 : i32
      %shift_left3A_193 = vector.broadcast %shift_left3A_192 : i32 to vector<128x128xi32>
      %shift_left3A_194 = arith.shli %xor3A_190, %shift_left3A_193 : vector<128x128xi32>
      %shift_right_logical3A_195 = arith.constant 8 : i32
      %shift_right_logical3A_196 = vector.broadcast %shift_right_logical3A_195 : i32 to vector<128x128xi32>
      %shift_right_logical3A_197 = arith.shrui %xor3A_190, %shift_right_logical3A_196 : vector<128x128xi32>
      %or3A_198 = arith.ori %shift_left3A_194, %shift_right_logical3A_197 : vector<128x128xi32>
      %xor3A_199 = arith.xori %or3A_198, %add3A_191 : vector<128x128xi32>
      %add3A_200 = arith.constant 42 : i32
      %add3A_201 = vector.broadcast %add3A_200 : i32 to vector<128x128xi32>
      %add3A_202 = arith.addi %add3A_191, %add3A_201 : vector<128x128xi32>
      %add3A_203 = vector.broadcast %xor3A_31 : i32 to vector<128x128xi32>
      %add3A_204 = arith.addi %xor3A_199, %add3A_203 : vector<128x128xi32>
      %add3A_205 = arith.constant 4 : i32
      %add3A_206 = vector.broadcast %add3A_205 : i32 to vector<128x128xi32>
      %add3A_207 = arith.addi %add3A_204, %add3A_206 : vector<128x128xi32>
      %add3A_208 = arith.addi %add3A_202, %add3A_207 : vector<128x128xi32>
      %shift_left3A_209 = arith.constant 13 : i32
      %shift_left3A_210 = vector.broadcast %shift_left3A_209 : i32 to vector<128x128xi32>
      %shift_left3A_211 = arith.shli %add3A_207, %shift_left3A_210 : vector<128x128xi32>
      %shift_right_logical3A_212 = arith.constant 19 : i32
      %shift_right_logical3A_213 = vector.broadcast %shift_right_logical3A_212 : i32 to vector<128x128xi32>
      %shift_right_logical3A_214 = arith.shrui %add3A_207, %shift_right_logical3A_213 : vector<128x128xi32>
      %or3A_215 = arith.ori %shift_left3A_211, %shift_right_logical3A_214 : vector<128x128xi32>
      %xor3A_216 = arith.xori %or3A_215, %add3A_208 : vector<128x128xi32>
      %add3A_217 = arith.addi %add3A_208, %xor3A_216 : vector<128x128xi32>
      %shift_left3A_218 = arith.constant 15 : i32
      %shift_left3A_219 = vector.broadcast %shift_left3A_218 : i32 to vector<128x128xi32>
      %shift_left3A_220 = arith.shli %xor3A_216, %shift_left3A_219 : vector<128x128xi32>
      %shift_right_logical3A_221 = arith.constant 17 : i32
      %shift_right_logical3A_222 = vector.broadcast %shift_right_logical3A_221 : i32 to vector<128x128xi32>
      %shift_right_logical3A_223 = arith.shrui %xor3A_216, %shift_right_logical3A_222 : vector<128x128xi32>
      %or3A_224 = arith.ori %shift_left3A_220, %shift_right_logical3A_223 : vector<128x128xi32>
      %xor3A_225 = arith.xori %or3A_224, %add3A_217 : vector<128x128xi32>
      %add3A_226 = arith.addi %add3A_217, %xor3A_225 : vector<128x128xi32>
      %shift_left3A_227 = arith.constant 26 : i32
      %shift_left3A_228 = vector.broadcast %shift_left3A_227 : i32 to vector<128x128xi32>
      %shift_left3A_229 = arith.shli %xor3A_225, %shift_left3A_228 : vector<128x128xi32>
      %shift_right_logical3A_230 = arith.constant 6 : i32
      %shift_right_logical3A_231 = vector.broadcast %shift_right_logical3A_230 : i32 to vector<128x128xi32>
      %shift_right_logical3A_232 = arith.shrui %xor3A_225, %shift_right_logical3A_231 : vector<128x128xi32>
      %or3A_233 = arith.ori %shift_left3A_229, %shift_right_logical3A_232 : vector<128x128xi32>
      %xor3A_234 = arith.xori %or3A_233, %add3A_226 : vector<128x128xi32>
      %add3A_235 = arith.addi %add3A_226, %xor3A_234 : vector<128x128xi32>
      %shift_left3A_236 = arith.constant 6 : i32
      %shift_left3A_237 = vector.broadcast %shift_left3A_236 : i32 to vector<128x128xi32>
      %shift_left3A_238 = arith.shli %xor3A_234, %shift_left3A_237 : vector<128x128xi32>
      %shift_right_logical3A_239 = arith.constant 26 : i32
      %shift_right_logical3A_240 = vector.broadcast %shift_right_logical3A_239 : i32 to vector<128x128xi32>
      %shift_right_logical3A_241 = arith.shrui %xor3A_234, %shift_right_logical3A_240 : vector<128x128xi32>
      %or3A_242 = arith.ori %shift_left3A_238, %shift_right_logical3A_241 : vector<128x128xi32>
      %xor3A_243 = arith.xori %or3A_242, %add3A_235 : vector<128x128xi32>
      %add3A_244 = vector.broadcast %xor3A_31 : i32 to vector<128x128xi32>
      %add3A_245 = arith.addi %add3A_235, %add3A_244 : vector<128x128xi32>
      %add3A_246 = arith.constant 0 : i32
      %add3A_247 = vector.broadcast %add3A_246 : i32 to vector<128x128xi32>
      %add3A_248 = arith.addi %xor3A_243, %add3A_247 : vector<128x128xi32>
      %add3A_249 = arith.constant 5 : i32
      %add3A_250 = vector.broadcast %add3A_249 : i32 to vector<128x128xi32>
      %add3A_251 = arith.addi %add3A_248, %add3A_250 : vector<128x128xi32>
      %xor3A_252 = arith.xori %add3A_245, %add3A_251 : vector<128x128xi32>
      %shift_right_logical3A_253 = arith.constant 9 : i32
      %shift_right_logical3A_254 = vector.broadcast %shift_right_logical3A_253 : i32 to vector<128x128xi32>
      %shift_right_logical3A_255 = arith.shrui %xor3A_252, %shift_right_logical3A_254 : vector<128x128xi32>
      %or3A_256 = arith.constant 1065353216 : i32
      %or3A_257 = vector.broadcast %or3A_256 : i32 to vector<128x128xi32>
      %or3A_258 = arith.ori %shift_right_logical3A_255, %or3A_257 : vector<128x128xi32>
      %bitcast_convert_type3A = tpu.bitcast %or3A_258 : vector<128x128xi32> -> vector<128x128xf32>
      %sub3A_259 = arith.constant 1.000000e+00 : f32
      %sub3A_260 = vector.broadcast %sub3A_259 : f32 to vector<128x128xf32>
      %sub3A_261 = arith.subf %bitcast_convert_type3A, %sub3A_260 : vector<128x128xf32>
      %mul3A_262 = arith.constant 1.000000e+00 : f32
      %mul3A_263 = vector.broadcast %mul3A_262 : f32 to vector<128x128xf32>
      %mul3A_264 = arith.mulf %sub3A_261, %mul3A_263 : vector<128x128xf32>
      %add3A_265 = arith.constant 1.17549435E-38 : f32
      %add3A_266 = vector.broadcast %add3A_265 : f32 to vector<128x128xf32>
      %add3A_267 = arith.addf %mul3A_264, %add3A_266 : vector<128x128xf32>
      %max3A = arith.constant 1.17549435E-38 : f32
      %max3A_268 = vector.broadcast %max3A : f32 to vector<128x128xf32>
      %max3A_269 = arith.maximumf %max3A_268, %add3A_267 : vector<128x128xf32>
      %log3A_270 = math.log %max3A_269 : vector<128x128xf32>
      %neg3A = arith.constant 0.000000e+00 : f32
      %neg3A_271 = vector.broadcast %neg3A : f32 to vector<128x128xf32>
      %neg3A_272 = arith.subf %neg3A_271, %log3A_270 : vector<128x128xf32>
      %log3A_273 = math.log %neg3A_272 : vector<128x128xf32>
      %neg3A_274 = arith.constant 0.000000e+00 : f32
      %neg3A_275 = vector.broadcast %neg3A_274 : f32 to vector<128x128xf32>
      %neg3A_276 = arith.subf %neg3A_275, %log3A_273 : vector<128x128xf32>
      %add3A_277 = arith.addf %neg3A_276, %log3A : vector<128x128xf32>
      %reduce_max3A = arith.constant dense<0xFF800000> : vector<128xf32>
      %reduce_max3A_278 = vector.multi_reduction <maximumf>, %add3A_277, %reduce_max3A [0] : vector<128x128xf32> to vector<128xf32>
      %broadcast_in_dim3A = vector.shape_cast %reduce_max3A_278 : vector<128xf32> to vector<1x128xf32>
      %eq3A = vector.broadcast %broadcast_in_dim3A : vector<1x128xf32> to vector<128x128xf32>
      %eq3A_279 = arith.cmpf oeq, %add3A_277, %eq3A : vector<128x128xf32>
      %jit3A = arith.constant 128 : i32
      %broadcast_in_dim3A_280 = vector.broadcast %jit3A : i32 to vector<128x128xi32>
      %select_n3A = arith.select %eq3A_279, %iota3A_11, %broadcast_in_dim3A_280 : vector<128x128xi1>, vector<128x128xi32>
      %reduce_min3A = arith.constant dense<2147483647> : vector<128xi32>
      %reduce_min3A_281 = vector.multi_reduction <minsi>, %select_n3A, %reduce_min3A [0] : vector<128x128xi32> to vector<128xi32>
      %broadcast_in_dim3A_282 = vector.shape_cast %reduce_min3A_281 : vector<128xi32> to vector<1x128xi32>
      %mul3A_283 = arith.constant 128 : i32
      %mul3A_284 = vector.broadcast %mul3A_283 : i32 to vector<1x128xi32>
      %mul3A_285 = arith.muli %broadcast_in_dim3A_282, %mul3A_284 : vector<1x128xi32>
      %add3A_286 = arith.addi %iota3A_12, %mul3A_285 : vector<1x128xi32>
      %swap3A = arith.index_cast %add3A_21 : i32 to index
      %swap3A_287 = arith.constant 0 : index
      %swap3A_288 = vector.load %arg1[%swap3A, %swap3A_287] : memref<48x128xi32, #tpu.memory_space<vmem>>, vector<1x128xi32>
      tpu.vector_store %arg1[%swap3A, %swap3A_287], %add3A_286 {strides = array<i32>} : memref<48x128xi32, #tpu.memory_space<vmem>>, vector<1x128xi32>,
      %eq3A_289 = vector.broadcast %broadcast_in_dim3A_282 : vector<1x128xi32> to vector<128x128xi32>
      %eq3A_290 = arith.cmpi eq, %eq3A_289, %iota3A_11 : vector<128x128xi32>
      %jit3A_291 = arith.constant 0.000000e+00 : f32
      %broadcast_in_dim3A_292 = vector.broadcast %jit3A_291 : f32 to vector<128x128xf32>
      %select_n3A_293 = arith.select %eq3A_290, %sub3A, %broadcast_in_dim3A_292 : vector<128x128xi1>, vector<128x128xf32>
      %reduce_sum3A = arith.constant dense<0.000000e+00> : vector<128xf32>
      %reduce_sum3A_294 = vector.multi_reduction <add>, %select_n3A_293, %reduce_sum3A [0] : vector<128x128xf32> to vector<128xf32>
      %broadcast_in_dim3A_295 = vector.shape_cast %reduce_sum3A_294 : vector<128xf32> to vector<1x128xf32>
      %swap3A_296 = arith.index_cast %add3A_21 : i32 to index
      %swap3A_297 = arith.constant 0 : index
      %swap3A_298 = vector.load %arg2[%swap3A_296, %swap3A_297] : memref<48x128xf32, #tpu.memory_space<vmem>>, vector<1x128xf32>
      tpu.vector_store %arg2[%swap3A_296, %swap3A_297], %broadcast_in_dim3A_295 {strides = array<i32>} : memref<48x128xf32, #tpu.memory_space<vmem>>, vector<1x128xf32>,
      %mul3A_299 = arith.constant 8 : i32
      %mul3A_300 = arith.muli %mul3A_299, %scan3A_17 : i32
      %add3A_301 = arith.constant 1 : i32
      %add3A_302 = arith.addi %mul3A_300, %add3A_301 : i32
      %add3A_303 = arith.constant 80 : i32
      %add3A_304 = arith.addi %add3A_302, %add3A_303 : i32
      %mul3A_305 = arith.constant 16384 : i32
      %mul3A_306 = arith.muli %add3A_304, %mul3A_305 : i32
      %add3A_307 = vector.broadcast %mul3A_306 : i32 to vector<128x128xi32>
      %add3A_308 = arith.addi %add3A_10, %add3A_307 : vector<128x128xi32>
      %xor3A_309 = arith.constant 0 : i32
      %xor3A_310 = arith.constant 42 : i32
      %xor3A_311 = arith.xori %xor3A_309, %xor3A_310 : i32
      %xor3A_312 = arith.constant 466688986 : i32
      %xor3A_313 = arith.xori %xor3A_311, %xor3A_312 : i32
      %add3A_314 = arith.constant 42 : i32
      %add3A_315 = vector.broadcast %add3A_314 : i32 to vector<128x128xi32>
      %add3A_316 = arith.addi %add3A_308, %add3A_315 : vector<128x128xi32>
      %shift_left3A_317 = arith.constant 13 : i32
      %shift_left3A_318 = vector.broadcast %shift_left3A_317 : i32 to vector<128x128xi32>
      %shift_left3A_319 = arith.shli %add3A_316, %shift_left3A_318 : vector<128x128xi32>
      %shift_right_logical3A_320 = arith.constant 19 : i32
      %shift_right_logical3A_321 = vector.broadcast %shift_right_logical3A_320 : i32 to vector<128x128xi32>
      %shift_right_logical3A_322 = arith.shrui %add3A_316, %shift_right_logical3A_321 : vector<128x128xi32>
      %or3A_323 = arith.ori %shift_left3A_319, %shift_right_logical3A_322 : vector<128x128xi32>
      %xor3A_324 = arith.xori %or3A_323, %add3A_316 : vector<128x128xi32>
      %add3A_325 = arith.addi %add3A_316, %xor3A_324 : vector<128x128xi32>
      %shift_left3A_326 = arith.constant 15 : i32
      %shift_left3A_327 = vector.broadcast %shift_left3A_326 : i32 to vector<128x128xi32>
      %shift_left3A_328 = arith.shli %xor3A_324, %shift_left3A_327 : vector<128x128xi32>
      %shift_right_logical3A_329 = arith.constant 17 : i32
      %shift_right_logical3A_330 = vector.broadcast %shift_right_logical3A_329 : i32 to vector<128x128xi32>
      %shift_right_logical3A_331 = arith.shrui %xor3A_324, %shift_right_logical3A_330 : vector<128x128xi32>
      %or3A_332 = arith.ori %shift_left3A_328, %shift_right_logical3A_331 : vector<128x128xi32>
      %xor3A_333 = arith.xori %or3A_332, %add3A_325 : vector<128x128xi32>
      %add3A_334 = arith.addi %add3A_325, %xor3A_333 : vector<128x128xi32>
      %shift_left3A_335 = arith.constant 26 : i32
      %shift_left3A_336 = vector.broadcast %shift_left3A_335 : i32 to vector<128x128xi32>
      %shift_left3A_337 = arith.shli %xor3A_333, %shift_left3A_336 : vector<128x128xi32>
      %shift_right_logical3A_338 = arith.constant 6 : i32
      %shift_right_logical3A_339 = vector.broadcast %shift_right_logical3A_338 : i32 to vector<128x128xi32>
      %shift_right_logical3A_340 = arith.shrui %xor3A_333, %shift_right_logical3A_339 : vector<128x128xi32>
      %or3A_341 = arith.ori %shift_left3A_337, %shift_right_logical3A_340 : vector<128x128xi32>
      %xor3A_342 = arith.xori %or3A_341, %add3A_334 : vector<128x128xi32>
      %add3A_343 = arith.addi %add3A_334, %xor3A_342 : vector<128x128xi32>
      %shift_left3A_344 = arith.constant 6 : i32
      %shift_left3A_345 = vector.broadcast %shift_left3A_344 : i32 to vector<128x128xi32>
      %shift_left3A_346 = arith.shli %xor3A_342, %shift_left3A_345 : vector<128x128xi32>
      %shift_right_logical3A_347 = arith.constant 26 : i32
      %shift_right_logical3A_348 = vector.broadcast %shift_right_logical3A_347 : i32 to vector<128x128xi32>
      %shift_right_logical3A_349 = arith.shrui %xor3A_342, %shift_right_logical3A_348 : vector<128x128xi32>
      %or3A_350 = arith.ori %shift_left3A_346, %shift_right_logical3A_349 : vector<128x128xi32>
      %xor3A_351 = arith.xori %or3A_350, %add3A_343 : vector<128x128xi32>
      %add3A_352 = arith.constant 42 : i32
      %add3A_353 = vector.broadcast %add3A_352 : i32 to vector<128x128xi32>
      %add3A_354 = arith.addi %add3A_343, %add3A_353 : vector<128x128xi32>
      %add3A_355 = vector.broadcast %xor3A_313 : i32 to vector<128x128xi32>
      %add3A_356 = arith.addi %xor3A_351, %add3A_355 : vector<128x128xi32>
      %add3A_357 = arith.constant 1 : i32
      %add3A_358 = vector.broadcast %add3A_357 : i32 to vector<128x128xi32>
      %add3A_359 = arith.addi %add3A_356, %add3A_358 : vector<128x128xi32>
      %add3A_360 = arith.addi %add3A_354, %add3A_359 : vector<128x128xi32>
      %shift_left3A_361 = arith.constant 17 : i32
      %shift_left3A_362 = vector.broadcast %shift_left3A_361 : i32 to vector<128x128xi32>
      %shift_left3A_363 = arith.shli %add3A_359, %shift_left3A_362 : vector<128x128xi32>
      %shift_right_logical3A_364 = arith.constant 15 : i32
      %shift_right_logical3A_365 = vector.broadcast %shift_right_logical3A_364 : i32 to vector<128x128xi32>
      %shift_right_logical3A_366 = arith.shrui %add3A_359, %shift_right_logical3A_365 : vector<128x128xi32>
      %or3A_367 = arith.ori %shift_left3A_363, %shift_right_logical3A_366 : vector<128x128xi32>
      %xor3A_368 = arith.xori %or3A_367, %add3A_360 : vector<128x128xi32>
      %add3A_369 = arith.addi %add3A_360, %xor3A_368 : vector<128x128xi32>
      %shift_left3A_370 = arith.constant 29 : i32
      %shift_left3A_371 = vector.broadcast %shift_left3A_370 : i32 to vector<128x128xi32>
      %shift_left3A_372 = arith.shli %xor3A_368, %shift_left3A_371 : vector<128x128xi32>
      %shift_right_logical3A_373 = arith.constant 3 : i32
      %shift_right_logical3A_374 = vector.broadcast %shift_right_logical3A_373 : i32 to vector<128x128xi32>
      %shift_right_logical3A_375 = arith.shrui %xor3A_368, %shift_right_logical3A_374 : vector<128x128xi32>
      %or3A_376 = arith.ori %shift_left3A_372, %shift_right_logical3A_375 : vector<128x128xi32>
      %xor3A_377 = arith.xori %or3A_376, %add3A_369 : vector<128x128xi32>
      %add3A_378 = arith.addi %add3A_369, %xor3A_377 : vector<128x128xi32>
      %shift_left3A_379 = arith.constant 16 : i32
      %shift_left3A_380 = vector.broadcast %shift_left3A_379 : i32 to vector<128x128xi32>
      %shift_left3A_381 = arith.shli %xor3A_377, %shift_left3A_380 : vector<128x128xi32>
      %shift_right_logical3A_382 = arith.constant 16 : i32
      %shift_right_logical3A_383 = vector.broadcast %shift_right_logical3A_382 : i32 to vector<128x128xi32>
      %shift_right_logical3A_384 = arith.shrui %xor3A_377, %shift_right_logical3A_383 : vector<128x128xi32>
      %or3A_385 = arith.ori %shift_left3A_381, %shift_right_logical3A_384 : vector<128x128xi32>
      %xor3A_386 = arith.xori %or3A_385, %add3A_378 : vector<128x128xi32>
      %add3A_387 = arith.addi %add3A_378, %xor3A_386 : vector<128x128xi32>
      %shift_left3A_388 = arith.constant 24 : i32
      %shift_left3A_389 = vector.broadcast %shift_left3A_388 : i32 to vector<128x128xi32>
      %shift_left3A_390 = arith.shli %xor3A_386, %shift_left3A_389 : vector<128x128xi32>
      %shift_right_logical3A_391 = arith.constant 8 : i32
      %shift_right_logical3A_392 = vector.broadcast %shift_right_logical3A_391 : i32 to vector<128x128xi32>
      %shift_right_logical3A_393 = arith.shrui %xor3A_386, %shift_right_logical3A_392 : vector<128x128xi32>
      %or3A_394 = arith.ori %shift_left3A_390, %shift_right_logical3A_393 : vector<128x128xi32>
      %xor3A_395 = arith.xori %or3A_394, %add3A_387 : vector<128x128xi32>
      %add3A_396 = vector.broadcast %xor3A_313 : i32 to vector<128x128xi32>
      %add3A_397 = arith.addi %add3A_387, %add3A_396 : vector<128x128xi32>
      %add3A_398 = arith.constant 0 : i32
      %add3A_399 = vector.broadcast %add3A_398 : i32 to vector<128x128xi32>
      %add3A_400 = arith.addi %xor3A_395, %add3A_399 : vector<128x128xi32>
      %add3A_401 = arith.constant 2 : i32
      %add3A_402 = vector.broadcast %add3A_401 : i32 to vector<128x128xi32>
      %add3A_403 = arith.addi %add3A_400, %add3A_402 : vector<128x128xi32>
      %add3A_404 = arith.addi %add3A_397, %add3A_403 : vector<128x128xi32>
      %shift_left3A_405 = arith.constant 13 : i32
      %shift_left3A_406 = vector.broadcast %shift_left3A_405 : i32 to vector<128x128xi32>
      %shift_left3A_407 = arith.shli %add3A_403, %shift_left3A_406 : vector<128x128xi32>
      %shift_right_logical3A_408 = arith.constant 19 : i32
      %shift_right_logical3A_409 = vector.broadcast %shift_right_logical3A_408 : i32 to vector<128x128xi32>
      %shift_right_logical3A_410 = arith.shrui %add3A_403, %shift_right_logical3A_409 : vector<128x128xi32>
      %or3A_411 = arith.ori %shift_left3A_407, %shift_right_logical3A_410 : vector<128x128xi32>
      %xor3A_412 = arith.xori %or3A_411, %add3A_404 : vector<128x128xi32>
      %add3A_413 = arith.addi %add3A_404, %xor3A_412 : vector<128x128xi32>
      %shift_left3A_414 = arith.constant 15 : i32
      %shift_left3A_415 = vector.broadcast %shift_left3A_414 : i32 to vector<128x128xi32>
      %shift_left3A_416 = arith.shli %xor3A_412, %shift_left3A_415 : vector<128x128xi32>
      %shift_right_logical3A_417 = arith.constant 17 : i32
      %shift_right_logical3A_418 = vector.broadcast %shift_right_logical3A_417 : i32 to vector<128x128xi32>
      %shift_right_logical3A_419 = arith.shrui %xor3A_412, %shift_right_logical3A_418 : vector<128x128xi32>
      %or3A_420 = arith.ori %shift_left3A_416, %shift_right_logical3A_419 : vector<128x128xi32>
      %xor3A_421 = arith.xori %or3A_420, %add3A_413 : vector<128x128xi32>
      %add3A_422 = arith.addi %add3A_413, %xor3A_421 : vector<128x128xi32>
      %shift_left3A_423 = arith.constant 26 : i32
      %shift_left3A_424 = vector.broadcast %shift_left3A_423 : i32 to vector<128x128xi32>
      %shift_left3A_425 = arith.shli %xor3A_421, %shift_left3A_424 : vector<128x128xi32>
      %shift_right_logical3A_426 = arith.constant 6 : i32
      %shift_right_logical3A_427 = vector.broadcast %shift_right_logical3A_426 : i32 to vector<128x128xi32>
      %shift_right_logical3A_428 = arith.shrui %xor3A_421, %shift_right_logical3A_427 : vector<128x128xi32>
      %or3A_429 = arith.ori %shift_left3A_425, %shift_right_logical3A_428 : vector<128x128xi32>
      %xor3A_430 = arith.xori %or3A_429, %add3A_422 : vector<128x128xi32>
      %add3A_431 = arith.addi %add3A_422, %xor3A_430 : vector<128x128xi32>
      %shift_left3A_432 = arith.constant 6 : i32
      %shift_left3A_433 = vector.broadcast %shift_left3A_432 : i32 to vector<128x128xi32>
      %shift_left3A_434 = arith.shli %xor3A_430, %shift_left3A_433 : vector<128x128xi32>
      %shift_right_logical3A_435 = arith.constant 26 : i32
      %shift_right_logical3A_436 = vector.broadcast %shift_right_logical3A_435 : i32 to vector<128x128xi32>
      %shift_right_logical3A_437 = arith.shrui %xor3A_430, %shift_right_logical3A_436 : vector<128x128xi32>
      %or3A_438 = arith.ori %shift_left3A_434, %shift_right_logical3A_437 : vector<128x128xi32>
      %xor3A_439 = arith.xori %or3A_438, %add3A_431 : vector<128x128xi32>
      %add3A_440 = arith.constant 0 : i32
      %add3A_441 = vector.broadcast %add3A_440 : i32 to vector<128x128xi32>
      %add3A_442 = arith.addi %add3A_431, %add3A_441 : vector<128x128xi32>
      %add3A_443 = arith.constant 42 : i32
      %add3A_444 = vector.broadcast %add3A_443 : i32 to vector<128x128xi32>
      %add3A_445 = arith.addi %xor3A_439, %add3A_444 : vector<128x128xi32>
      %add3A_446 = arith.constant 3 : i32
      %add3A_447 = vector.broadcast %add3A_446 : i32 to vector<128x128xi32>
      %add3A_448 = arith.addi %add3A_445, %add3A_447 : vector<128x128xi32>
      %add3A_449 = arith.addi %add3A_442, %add3A_448 : vector<128x128xi32>
      %shift_left3A_450 = arith.constant 17 : i32
      %shift_left3A_451 = vector.broadcast %shift_left3A_450 : i32 to vector<128x128xi32>
      %shift_left3A_452 = arith.shli %add3A_448, %shift_left3A_451 : vector<128x128xi32>
      %shift_right_logical3A_453 = arith.constant 15 : i32
      %shift_right_logical3A_454 = vector.broadcast %shift_right_logical3A_453 : i32 to vector<128x128xi32>
      %shift_right_logical3A_455 = arith.shrui %add3A_448, %shift_right_logical3A_454 : vector<128x128xi32>
      %or3A_456 = arith.ori %shift_left3A_452, %shift_right_logical3A_455 : vector<128x128xi32>
      %xor3A_457 = arith.xori %or3A_456, %add3A_449 : vector<128x128xi32>
      %add3A_458 = arith.addi %add3A_449, %xor3A_457 : vector<128x128xi32>
      %shift_left3A_459 = arith.constant 29 : i32
      %shift_left3A_460 = vector.broadcast %shift_left3A_459 : i32 to vector<128x128xi32>
      %shift_left3A_461 = arith.shli %xor3A_457, %shift_left3A_460 : vector<128x128xi32>
      %shift_right_logical3A_462 = arith.constant 3 : i32
      %shift_right_logical3A_463 = vector.broadcast %shift_right_logical3A_462 : i32 to vector<128x128xi32>
      %shift_right_logical3A_464 = arith.shrui %xor3A_457, %shift_right_logical3A_463 : vector<128x128xi32>
      %or3A_465 = arith.ori %shift_left3A_461, %shift_right_logical3A_464 : vector<128x128xi32>
      %xor3A_466 = arith.xori %or3A_465, %add3A_458 : vector<128x128xi32>
      %add3A_467 = arith.addi %add3A_458, %xor3A_466 : vector<128x128xi32>
      %shift_left3A_468 = arith.constant 16 : i32
      %shift_left3A_469 = vector.broadcast %shift_left3A_468 : i32 to vector<128x128xi32>
      %shift_left3A_470 = arith.shli %xor3A_466, %shift_left3A_469 : vector<128x128xi32>
      %shift_right_logical3A_471 = arith.constant 16 : i32
      %shift_right_logical3A_472 = vector.broadcast %shift_right_logical3A_471 : i32 to vector<128x128xi32>
      %shift_right_logical3A_473 = arith.shrui %xor3A_466, %shift_right_logical3A_472 : vector<128x128xi32>
      %or3A_474 = arith.ori %shift_left3A_470, %shift_right_logical3A_473 : vector<128x128xi32>
      %xor3A_475 = arith.xori %or3A_474, %add3A_467 : vector<128x128xi32>
      %add3A_476 = arith.addi %add3A_467, %xor3A_475 : vector<128x128xi32>
      %shift_left3A_477 = arith.constant 24 : i32
      %shift_left3A_478 = vector.broadcast %shift_left3A_477 : i32 to vector<128x128xi32>
      %shift_left3A_479 = arith.shli %xor3A_475, %shift_left3A_478 : vector<128x128xi32>
      %shift_right_logical3A_480 = arith.constant 8 : i32
      %shift_right_logical3A_481 = vector.broadcast %shift_right_logical3A_480 : i32 to vector<128x128xi32>
      %shift_right_logical3A_482 = arith.shrui %xor3A_475, %shift_right_logical3A_481 : vector<128x128xi32>
      %or3A_483 = arith.ori %shift_left3A_479, %shift_right_logical3A_482 : vector<128x128xi32>
      %xor3A_484 = arith.xori %or3A_483, %add3A_476 : vector<128x128xi32>
      %add3A_485 = arith.constant 42 : i32
      %add3A_486 = vector.broadcast %add3A_485 : i32 to vector<128x128xi32>
      %add3A_487 = arith.addi %add3A_476, %add3A_486 : vector<128x128xi32>
      %add3A_488 = vector.broadcast %xor3A_313 : i32 to vector<128x128xi32>
      %add3A_489 = arith.addi %xor3A_484, %add3A_488 : vector<128x128xi32>
      %add3A_490 = arith.constant 4 : i32
      %add3A_491 = vector.broadcast %add3A_490 : i32 to vector<128x128xi32>
      %add3A_492 = arith.addi %add3A_489, %add3A_491 : vector<128x128xi32>
      %add3A_493 = arith.addi %add3A_487, %add3A_492 : vector<128x128xi32>
      %shift_left3A_494 = arith.constant 13 : i32
      %shift_left3A_495 = vector.broadcast %shift_left3A_494 : i32 to vector<128x128xi32>
      %shift_left3A_496 = arith.shli %add3A_492, %shift_left3A_495 : vector<128x128xi32>
      %shift_right_logical3A_497 = arith.constant 19 : i32
      %shift_right_logical3A_498 = vector.broadcast %shift_right_logical3A_497 : i32 to vector<128x128xi32>
      %shift_right_logical3A_499 = arith.shrui %add3A_492, %shift_right_logical3A_498 : vector<128x128xi32>
      %or3A_500 = arith.ori %shift_left3A_496, %shift_right_logical3A_499 : vector<128x128xi32>
      %xor3A_501 = arith.xori %or3A_500, %add3A_493 : vector<128x128xi32>
      %add3A_502 = arith.addi %add3A_493, %xor3A_501 : vector<128x128xi32>
      %shift_left3A_503 = arith.constant 15 : i32
      %shift_left3A_504 = vector.broadcast %shift_left3A_503 : i32 to vector<128x128xi32>
      %shift_left3A_505 = arith.shli %xor3A_501, %shift_left3A_504 : vector<128x128xi32>
      %shift_right_logical3A_506 = arith.constant 17 : i32
      %shift_right_logical3A_507 = vector.broadcast %shift_right_logical3A_506 : i32 to vector<128x128xi32>
      %shift_right_logical3A_508 = arith.shrui %xor3A_501, %shift_right_logical3A_507 : vector<128x128xi32>
      %or3A_509 = arith.ori %shift_left3A_505, %shift_right_logical3A_508 : vector<128x128xi32>
      %xor3A_510 = arith.xori %or3A_509, %add3A_502 : vector<128x128xi32>
      %add3A_511 = arith.addi %add3A_502, %xor3A_510 : vector<128x128xi32>
      %shift_left3A_512 = arith.constant 26 : i32
      %shift_left3A_513 = vector.broadcast %shift_left3A_512 : i32 to vector<128x128xi32>
      %shift_left3A_514 = arith.shli %xor3A_510, %shift_left3A_513 : vector<128x128xi32>
      %shift_right_logical3A_515 = arith.constant 6 : i32
      %shift_right_logical3A_516 = vector.broadcast %shift_right_logical3A_515 : i32 to vector<128x128xi32>
      %shift_right_logical3A_517 = arith.shrui %xor3A_510, %shift_right_logical3A_516 : vector<128x128xi32>
      %or3A_518 = arith.ori %shift_left3A_514, %shift_right_logical3A_517 : vector<128x128xi32>
      %xor3A_519 = arith.xori %or3A_518, %add3A_511 : vector<128x128xi32>
      %add3A_520 = arith.addi %add3A_511, %xor3A_519 : vector<128x128xi32>
      %shift_left3A_521 = arith.constant 6 : i32
      %shift_left3A_522 = vector.broadcast %shift_left3A_521 : i32 to vector<128x128xi32>
      %shift_left3A_523 = arith.shli %xor3A_519, %shift_left3A_522 : vector<128x128xi32>
      %shift_right_logical3A_524 = arith.constant 26 : i32
      %shift_right_logical3A_525 = vector.broadcast %shift_right_logical3A_524 : i32 to vector<128x128xi32>
      %shift_right_logical3A_526 = arith.shrui %xor3A_519, %shift_right_logical3A_525 : vector<128x128xi32>
      %or3A_527 = arith.ori %shift_left3A_523, %shift_right_logical3A_526 : vector<128x128xi32>
      %xor3A_528 = arith.xori %or3A_527, %add3A_520 : vector<128x128xi32>
      %add3A_529 = vector.broadcast %xor3A_313 : i32 to vector<128x128xi32>
      %add3A_530 = arith.addi %add3A_520, %add3A_529 : vector<128x128xi32>
      %add3A_531 = arith.constant 0 : i32
      %add3A_532 = vector.broadcast %add3A_531 : i32 to vector<128x128xi32>
      %add3A_533 = arith.addi %xor3A_528, %add3A_532 : vector<128x128xi32>
      %add3A_534 = arith.constant 5 : i32
      %add3A_535 = vector.broadcast %add3A_534 : i32 to vector<128x128xi32>
      %add3A_536 = arith.addi %add3A_533, %add3A_535 : vector<128x128xi32>
      %xor3A_537 = arith.xori %add3A_530, %add3A_536 : vector<128x128xi32>
      %shift_right_logical3A_538 = arith.constant 9 : i32
      %shift_right_logical3A_539 = vector.broadcast %shift_right_logical3A_538 : i32 to vector<128x128xi32>
      %shift_right_logical3A_540 = arith.shrui %xor3A_537, %shift_right_logical3A_539 : vector<128x128xi32>
      %or3A_541 = arith.constant 1065353216 : i32
      %or3A_542 = vector.broadcast %or3A_541 : i32 to vector<128x128xi32>
      %or3A_543 = arith.ori %shift_right_logical3A_540, %or3A_542 : vector<128x128xi32>
      %bitcast_convert_type3A_544 = tpu.bitcast %or3A_543 : vector<128x128xi32> -> vector<128x128xf32>
      %sub3A_545 = arith.constant 1.000000e+00 : f32
      %sub3A_546 = vector.broadcast %sub3A_545 : f32 to vector<128x128xf32>
      %sub3A_547 = arith.subf %bitcast_convert_type3A_544, %sub3A_546 : vector<128x128xf32>
      %mul3A_548 = arith.constant 1.000000e+00 : f32
      %mul3A_549 = vector.broadcast %mul3A_548 : f32 to vector<128x128xf32>
      %mul3A_550 = arith.mulf %sub3A_547, %mul3A_549 : vector<128x128xf32>
      %add3A_551 = arith.constant 1.17549435E-38 : f32
      %add3A_552 = vector.broadcast %add3A_551 : f32 to vector<128x128xf32>
      %add3A_553 = arith.addf %mul3A_550, %add3A_552 : vector<128x128xf32>
      %max3A_554 = arith.constant 1.17549435E-38 : f32
      %max3A_555 = vector.broadcast %max3A_554 : f32 to vector<128x128xf32>
      %max3A_556 = arith.maximumf %max3A_555, %add3A_553 : vector<128x128xf32>
      %log3A_557 = math.log %max3A_556 : vector<128x128xf32>
      %neg3A_558 = arith.constant 0.000000e+00 : f32
      %neg3A_559 = vector.broadcast %neg3A_558 : f32 to vector<128x128xf32>
      %neg3A_560 = arith.subf %neg3A_559, %log3A_557 : vector<128x128xf32>
      %log3A_561 = math.log %neg3A_560 : vector<128x128xf32>
      %neg3A_562 = arith.constant 0.000000e+00 : f32
      %neg3A_563 = vector.broadcast %neg3A_562 : f32 to vector<128x128xf32>
      %neg3A_564 = arith.subf %neg3A_563, %log3A_561 : vector<128x128xf32>
      %add3A_565 = arith.addf %neg3A_564, %log3A : vector<128x128xf32>
      %reduce_max3A_566 = arith.constant dense<0xFF800000> : vector<128xf32>
      %reduce_max3A_567 = vector.multi_reduction <maximumf>, %add3A_565, %reduce_max3A_566 [0] : vector<128x128xf32> to vector<128xf32>
      %broadcast_in_dim3A_568 = vector.shape_cast %reduce_max3A_567 : vector<128xf32> to vector<1x128xf32>
      %eq3A_569 = vector.broadcast %broadcast_in_dim3A_568 : vector<1x128xf32> to vector<128x128xf32>
      %eq3A_570 = arith.cmpf oeq, %add3A_565, %eq3A_569 : vector<128x128xf32>
      %jit3A_571 = arith.constant 128 : i32
      %broadcast_in_dim3A_572 = vector.broadcast %jit3A_571 : i32 to vector<128x128xi32>
      %select_n3A_573 = arith.select %eq3A_570, %iota3A_11, %broadcast_in_dim3A_572 : vector<128x128xi1>, vector<128x128xi32>
      %reduce_min3A_574 = arith.constant dense<2147483647> : vector<128xi32>
      %reduce_min3A_575 = vector.multi_reduction <minsi>, %select_n3A_573, %reduce_min3A_574 [0] : vector<128x128xi32> to vector<128xi32>
      %broadcast_in_dim3A_576 = vector.shape_cast %reduce_min3A_575 : vector<128xi32> to vector<1x128xi32>
      %mul3A_577 = arith.constant 128 : i32
      %mul3A_578 = vector.broadcast %mul3A_577 : i32 to vector<1x128xi32>
      %mul3A_579 = arith.muli %broadcast_in_dim3A_576, %mul3A_578 : vector<1x128xi32>
      %add3A_580 = arith.addi %iota3A_12, %mul3A_579 : vector<1x128xi32>
      %swap3A_581 = arith.index_cast %add3A_302 : i32 to index
      %swap3A_582 = arith.constant 0 : index
      %swap3A_583 = vector.load %arg1[%swap3A_581, %swap3A_582] : memref<48x128xi32, #tpu.memory_space<vmem>>, vector<1x128xi32>
      tpu.vector_store %arg1[%swap3A_581, %swap3A_582], %add3A_580 {strides = array<i32>} : memref<48x128xi32, #tpu.memory_space<vmem>>, vector<1x128xi32>,
      %eq3A_584 = vector.broadcast %broadcast_in_dim3A_576 : vector<1x128xi32> to vector<128x128xi32>
      %eq3A_585 = arith.cmpi eq, %eq3A_584, %iota3A_11 : vector<128x128xi32>
      %jit3A_586 = arith.constant 0.000000e+00 : f32
      %broadcast_in_dim3A_587 = vector.broadcast %jit3A_586 : f32 to vector<128x128xf32>
      %select_n3A_588 = arith.select %eq3A_585, %sub3A, %broadcast_in_dim3A_587 : vector<128x128xi1>, vector<128x128xf32>
      %reduce_sum3A_589 = arith.constant dense<0.000000e+00> : vector<128xf32>
      %reduce_sum3A_590 = vector.multi_reduction <add>, %select_n3A_588, %reduce_sum3A_589 [0] : vector<128x128xf32> to vector<128xf32>
      %broadcast_in_dim3A_591 = vector.shape_cast %reduce_sum3A_590 : vector<128xf32> to vector<1x128xf32>
      %swap3A_592 = arith.index_cast %add3A_302 : i32 to index
      %swap3A_593 = arith.constant 0 : index
      %swap3A_594 = vector.load %arg2[%swap3A_592, %swap3A_593] : memref<48x128xf32, #tpu.memory_space<vmem>>, vector<1x128xf32>
      tpu.vector_store %arg2[%swap3A_592, %swap3A_593], %broadcast_in_dim3A_591 {strides = array<i32>} : memref<48x128xf32, #tpu.memory_space<vmem>>, vector<1x128xf32>,
      %mul3A_595 = arith.constant 8 : i32
      %mul3A_596 = arith.muli %mul3A_595, %scan3A_17 : i32
      %add3A_597 = arith.constant 2 : i32
      %add3A_598 = arith.addi %mul3A_596, %add3A_597 : i32
      %add3A_599 = arith.constant 80 : i32
      %add3A_600 = arith.addi %add3A_598, %add3A_599 : i32
      %mul3A_601 = arith.constant 16384 : i32
      %mul3A_602 = arith.muli %add3A_600, %mul3A_601 : i32
      %add3A_603 = vector.broadcast %mul3A_602 : i32 to vector<128x128xi32>
      %add3A_604 = arith.addi %add3A_10, %add3A_603 : vector<128x128xi32>
      %xor3A_605 = arith.constant 0 : i32
      %xor3A_606 = arith.constant 42 : i32
      %xor3A_607 = arith.xori %xor3A_605, %xor3A_606 : i32
      %xor3A_608 = arith.constant 466688986 : i32
      %xor3A_609 = arith.xori %xor3A_607, %xor3A_608 : i32
      %add3A_610 = arith.constant 42 : i32
      %add3A_611 = vector.broadcast %add3A_610 : i32 to vector<128x128xi32>
      %add3A_612 = arith.addi %add3A_604, %add3A_611 : vector<128x128xi32>
      %shift_left3A_613 = arith.constant 13 : i32
      %shift_left3A_614 = vector.broadcast %shift_left3A_613 : i32 to vector<128x128xi32>
      %shift_left3A_615 = arith.shli %add3A_612, %shift_left3A_614 : vector<128x128xi32>
      %shift_right_logical3A_616 = arith.constant 19 : i32
      %shift_right_logical3A_617 = vector.broadcast %shift_right_logical3A_616 : i32 to vector<128x128xi32>
      %shift_right_logical3A_618 = arith.shrui %add3A_612, %shift_right_logical3A_617 : vector<128x128xi32>
      %or3A_619 = arith.ori %shift_left3A_615, %shift_right_logical3A_618 : vector<128x128xi32>
      %xor3A_620 = arith.xori %or3A_619, %add3A_612 : vector<128x128xi32>
      %add3A_621 = arith.addi %add3A_612, %xor3A_620 : vector<128x128xi32>
      %shift_left3A_622 = arith.constant 15 : i32
      %shift_left3A_623 = vector.broadcast %shift_left3A_622 : i32 to vector<128x128xi32>
      %shift_left3A_624 = arith.shli %xor3A_620, %shift_left3A_623 : vector<128x128xi32>
      %shift_right_logical3A_625 = arith.constant 17 : i32
      %shift_right_logical3A_626 = vector.broadcast %shift_right_logical3A_625 : i32 to vector<128x128xi32>
      %shift_right_logical3A_627 = arith.shrui %xor3A_620, %shift_right_logical3A_626 : vector<128x128xi32>
      %or3A_628 = arith.ori %shift_left3A_624, %shift_right_logical3A_627 : vector<128x128xi32>
      %xor3A_629 = arith.xori %or3A_628, %add3A_621 : vector<128x128xi32>
      %add3A_630 = arith.addi %add3A_621, %xor3A_629 : vector<128x128xi32>
      %shift_left3A_631 = arith.constant 26 : i32
      %shift_left3A_632 = vector.broadcast %shift_left3A_631 : i32 to vector<128x128xi32>
      %shift_left3A_633 = arith.shli %xor3A_629, %shift_left3A_632 : vector<128x128xi32>
      %shift_right_logical3A_634 = arith.constant 6 : i32
      %shift_right_logical3A_635 = vector.broadcast %shift_right_logical3A_634 : i32 to vector<128x128xi32>
      %shift_right_logical3A_636 = arith.shrui %xor3A_629, %shift_right_logical3A_635 : vector<128x128xi32>
      %or3A_637 = arith.ori %shift_left3A_633, %shift_right_logical3A_636 : vector<128x128xi32>
      %xor3A_638 = arith.xori %or3A_637, %add3A_630 : vector<128x128xi32>
      %add3A_639 = arith.addi %add3A_630, %xor3A_638 : vector<128x128xi32>
      %shift_left3A_640 = arith.constant 6 : i32
      %shift_left3A_641 = vector.broadcast %shift_left3A_640 : i32 to vector<128x128xi32>
      %shift_left3A_642 = arith.shli %xor3A_638, %shift_left3A_641 : vector<128x128xi32>
      %shift_right_logical3A_643 = arith.constant 26 : i32
      %shift_right_logical3A_644 = vector.broadcast %shift_right_logical3A_643 : i32 to vector<128x128xi32>
      %shift_right_logical3A_645 = arith.shrui %xor3A_638, %shift_right_logical3A_644 : vector<128x128xi32>
      %or3A_646 = arith.ori %shift_left3A_642, %shift_right_logical3A_645 : vector<128x128xi32>
      %xor3A_647 = arith.xori %or3A_646, %add3A_639 : vector<128x128xi32>
      %add3A_648 = arith.constant 42 : i32
      %add3A_649 = vector.broadcast %add3A_648 : i32 to vector<128x128xi32>
      %add3A_650 = arith.addi %add3A_639, %add3A_649 : vector<128x128xi32>
      %add3A_651 = vector.broadcast %xor3A_609 : i32 to vector<128x128xi32>
      %add3A_652 = arith.addi %xor3A_647, %add3A_651 : vector<128x128xi32>
      %add3A_653 = arith.constant 1 : i32
      %add3A_654 = vector.broadcast %add3A_653 : i32 to vector<128x128xi32>
      %add3A_655 = arith.addi %add3A_652, %add3A_654 : vector<128x128xi32>
      %add3A_656 = arith.addi %add3A_650, %add3A_655 : vector<128x128xi32>
      %shift_left3A_657 = arith.constant 17 : i32
      %shift_left3A_658 = vector.broadcast %shift_left3A_657 : i32 to vector<128x128xi32>
      %shift_left3A_659 = arith.shli %add3A_655, %shift_left3A_658 : vector<128x128xi32>
      %shift_right_logical3A_660 = arith.constant 15 : i32
      %shift_right_logical3A_661 = vector.broadcast %shift_right_logical3A_660 : i32 to vector<128x128xi32>
      %shift_right_logical3A_662 = arith.shrui %add3A_655, %shift_right_logical3A_661 : vector<128x128xi32>
      %or3A_663 = arith.ori %shift_left3A_659, %shift_right_logical3A_662 : vector<128x128xi32>
      %xor3A_664 = arith.xori %or3A_663, %add3A_656 : vector<128x128xi32>
      %add3A_665 = arith.addi %add3A_656, %xor3A_664 : vector<128x128xi32>
      %shift_left3A_666 = arith.constant 29 : i32
      %shift_left3A_667 = vector.broadcast %shift_left3A_666 : i32 to vector<128x128xi32>
      %shift_left3A_668 = arith.shli %xor3A_664, %shift_left3A_667 : vector<128x128xi32>
      %shift_right_logical3A_669 = arith.constant 3 : i32
      %shift_right_logical3A_670 = vector.broadcast %shift_right_logical3A_669 : i32 to vector<128x128xi32>
      %shift_right_logical3A_671 = arith.shrui %xor3A_664, %shift_right_logical3A_670 : vector<128x128xi32>
      %or3A_672 = arith.ori %shift_left3A_668, %shift_right_logical3A_671 : vector<128x128xi32>
      %xor3A_673 = arith.xori %or3A_672, %add3A_665 : vector<128x128xi32>
      %add3A_674 = arith.addi %add3A_665, %xor3A_673 : vector<128x128xi32>
      %shift_left3A_675 = arith.constant 16 : i32
      %shift_left3A_676 = vector.broadcast %shift_left3A_675 : i32 to vector<128x128xi32>
      %shift_left3A_677 = arith.shli %xor3A_673, %shift_left3A_676 : vector<128x128xi32>
      %shift_right_logical3A_678 = arith.constant 16 : i32
      %shift_right_logical3A_679 = vector.broadcast %shift_right_logical3A_678 : i32 to vector<128x128xi32>
      %shift_right_logical3A_680 = arith.shrui %xor3A_673, %shift_right_logical3A_679 : vector<128x128xi32>
      %or3A_681 = arith.ori %shift_left3A_677, %shift_right_logical3A_680 : vector<128x128xi32>
      %xor3A_682 = arith.xori %or3A_681, %add3A_674 : vector<128x128xi32>
      %add3A_683 = arith.addi %add3A_674, %xor3A_682 : vector<128x128xi32>
      %shift_left3A_684 = arith.constant 24 : i32
      %shift_left3A_685 = vector.broadcast %shift_left3A_684 : i32 to vector<128x128xi32>
      %shift_left3A_686 = arith.shli %xor3A_682, %shift_left3A_685 : vector<128x128xi32>
      %shift_right_logical3A_687 = arith.constant 8 : i32
      %shift_right_logical3A_688 = vector.broadcast %shift_right_logical3A_687 : i32 to vector<128x128xi32>
      %shift_right_logical3A_689 = arith.shrui %xor3A_682, %shift_right_logical3A_688 : vector<128x128xi32>
      %or3A_690 = arith.ori %shift_left3A_686, %shift_right_logical3A_689 : vector<128x128xi32>
      %xor3A_691 = arith.xori %or3A_690, %add3A_683 : vector<128x128xi32>
      %add3A_692 = vector.broadcast %xor3A_609 : i32 to vector<128x128xi32>
      %add3A_693 = arith.addi %add3A_683, %add3A_692 : vector<128x128xi32>
      %add3A_694 = arith.constant 0 : i32
      %add3A_695 = vector.broadcast %add3A_694 : i32 to vector<128x128xi32>
      %add3A_696 = arith.addi %xor3A_691, %add3A_695 : vector<128x128xi32>
      %add3A_697 = arith.constant 2 : i32
      %add3A_698 = vector.broadcast %add3A_697 : i32 to vector<128x128xi32>
      %add3A_699 = arith.addi %add3A_696, %add3A_698 : vector<128x128xi32>
      %add3A_700 = arith.addi %add3A_693, %add3A_699 : vector<128x128xi32>
      %shift_left3A_701 = arith.constant 13 : i32
      %shift_left3A_702 = vector.broadcast %shift_left3A_701 : i32 to vector<128x128xi32>
      %shift_left3A_703 = arith.shli %add3A_699, %shift_left3A_702 : vector<128x128xi32>
      %shift_right_logical3A_704 = arith.constant 19 : i32
      %shift_right_logical3A_705 = vector.broadcast %shift_right_logical3A_704 : i32 to vector<128x128xi32>
      %shift_right_logical3A_706 = arith.shrui %add3A_699, %shift_right_logical3A_705 : vector<128x128xi32>
      %or3A_707 = arith.ori %shift_left3A_703, %shift_right_logical3A_706 : vector<128x128xi32>
      %xor3A_708 = arith.xori %or3A_707, %add3A_700 : vector<128x128xi32>
      %add3A_709 = arith.addi %add3A_700, %xor3A_708 : vector<128x128xi32>
      %shift_left3A_710 = arith.constant 15 : i32
      %shift_left3A_711 = vector.broadcast %shift_left3A_710 : i32 to vector<128x128xi32>
      %shift_left3A_712 = arith.shli %xor3A_708, %shift_left3A_711 : vector<128x128xi32>
      %shift_right_logical3A_713 = arith.constant 17 : i32
      %shift_right_logical3A_714 = vector.broadcast %shift_right_logical3A_713 : i32 to vector<128x128xi32>
      %shift_right_logical3A_715 = arith.shrui %xor3A_708, %shift_right_logical3A_714 : vector<128x128xi32>
      %or3A_716 = arith.ori %shift_left3A_712, %shift_right_logical3A_715 : vector<128x128xi32>
      %xor3A_717 = arith.xori %or3A_716, %add3A_709 : vector<128x128xi32>
      %add3A_718 = arith.addi %add3A_709, %xor3A_717 : vector<128x128xi32>
      %shift_left3A_719 = arith.constant 26 : i32
      %shift_left3A_720 = vector.broadcast %shift_left3A_719 : i32 to vector<128x128xi32>
      %shift_left3A_721 = arith.shli %xor3A_717, %shift_left3A_720 : vector<128x128xi32>
      %shift_right_logical3A_722 = arith.constant 6 : i32
      %shift_right_logical3A_723 = vector.broadcast %shift_right_logical3A_722 : i32 to vector<128x128xi32>
      %shift_right_logical3A_724 = arith.shrui %xor3A_717, %shift_right_logical3A_723 : vector<128x128xi32>
      %or3A_725 = arith.ori %shift_left3A_721, %shift_right_logical3A_724 : vector<128x128xi32>
      %xor3A_726 = arith.xori %or3A_725, %add3A_718 : vector<128x128xi32>
      %add3A_727 = arith.addi %add3A_718, %xor3A_726 : vector<128x128xi32>
      %shift_left3A_728 = arith.constant 6 : i32
      %shift_left3A_729 = vector.broadcast %shift_left3A_728 : i32 to vector<128x128xi32>
      %shift_left3A_730 = arith.shli %xor3A_726, %shift_left3A_729 : vector<128x128xi32>
      %shift_right_logical3A_731 = arith.constant 26 : i32
      %shift_right_logical3A_732 = vector.broadcast %shift_right_logical3A_731 : i32 to vector<128x128xi32>
      %shift_right_logical3A_733 = arith.shrui %xor3A_726, %shift_right_logical3A_732 : vector<128x128xi32>
      %or3A_734 = arith.ori %shift_left3A_730, %shift_right_logical3A_733 : vector<128x128xi32>
      %xor3A_735 = arith.xori %or3A_734, %add3A_727 : vector<128x128xi32>
      %add3A_736 = arith.constant 0 : i32
      %add3A_737 = vector.broadcast %add3A_736 : i32 to vector<128x128xi32>
      %add3A_738 = arith.addi %add3A_727, %add3A_737 : vector<128x128xi32>
      %add3A_739 = arith.constant 42 : i32
      %add3A_740 = vector.broadcast %add3A_739 : i32 to vector<128x128xi32>
      %add3A_741 = arith.addi %xor3A_735, %add3A_740 : vector<128x128xi32>
      %add3A_742 = arith.constant 3 : i32
      %add3A_743 = vector.broadcast %add3A_742 : i32 to vector<128x128xi32>
      %add3A_744 = arith.addi %add3A_741, %add3A_743 : vector<128x128xi32>
      %add3A_745 = arith.addi %add3A_738, %add3A_744 : vector<128x128xi32>
      %shift_left3A_746 = arith.constant 17 : i32
      %shift_left3A_747 = vector.broadcast %shift_left3A_746 : i32 to vector<128x128xi32>
      %shift_left3A_748 = arith.shli %add3A_744, %shift_left3A_747 : vector<128x128xi32>
      %shift_right_logical3A_749 = arith.constant 15 : i32
      %shift_right_logical3A_750 = vector.broadcast %shift_right_logical3A_749 : i32 to vector<128x128xi32>
      %shift_right_logical3A_751 = arith.shrui %add3A_744, %shift_right_logical3A_750 : vector<128x128xi32>
      %or3A_752 = arith.ori %shift_left3A_748, %shift_right_logical3A_751 : vector<128x128xi32>
      %xor3A_753 = arith.xori %or3A_752, %add3A_745 : vector<128x128xi32>
      %add3A_754 = arith.addi %add3A_745, %xor3A_753 : vector<128x128xi32>
      %shift_left3A_755 = arith.constant 29 : i32
      %shift_left3A_756 = vector.broadcast %shift_left3A_755 : i32 to vector<128x128xi32>
      %shift_left3A_757 = arith.shli %xor3A_753, %shift_left3A_756 : vector<128x128xi32>
      %shift_right_logical3A_758 = arith.constant 3 : i32
      %shift_right_logical3A_759 = vector.broadcast %shift_right_logical3A_758 : i32 to vector<128x128xi32>
      %shift_right_logical3A_760 = arith.shrui %xor3A_753, %shift_right_logical3A_759 : vector<128x128xi32>
      %or3A_761 = arith.ori %shift_left3A_757, %shift_right_logical3A_760 : vector<128x128xi32>
      %xor3A_762 = arith.xori %or3A_761, %add3A_754 : vector<128x128xi32>
      %add3A_763 = arith.addi %add3A_754, %xor3A_762 : vector<128x128xi32>
      %shift_left3A_764 = arith.constant 16 : i32
      %shift_left3A_765 = vector.broadcast %shift_left3A_764 : i32 to vector<128x128xi32>
      %shift_left3A_766 = arith.shli %xor3A_762, %shift_left3A_765 : vector<128x128xi32>
      %shift_right_logical3A_767 = arith.constant 16 : i32
      %shift_right_logical3A_768 = vector.broadcast %shift_right_logical3A_767 : i32 to vector<128x128xi32>
      %shift_right_logical3A_769 = arith.shrui %xor3A_762, %shift_right_logical3A_768 : vector<128x128xi32>
      %or3A_770 = arith.ori %shift_left3A_766, %shift_right_logical3A_769 : vector<128x128xi32>
      %xor3A_771 = arith.xori %or3A_770, %add3A_763 : vector<128x128xi32>
      %add3A_772 = arith.addi %add3A_763, %xor3A_771 : vector<128x128xi32>
      %shift_left3A_773 = arith.constant 24 : i32
      %shift_left3A_774 = vector.broadcast %shift_left3A_773 : i32 to vector<128x128xi32>
      %shift_left3A_775 = arith.shli %xor3A_771, %shift_left3A_774 : vector<128x128xi32>
      %shift_right_logical3A_776 = arith.constant 8 : i32
      %shift_right_logical3A_777 = vector.broadcast %shift_right_logical3A_776 : i32 to vector<128x128xi32>
      %shift_right_logical3A_778 = arith.shrui %xor3A_771, %shift_right_logical3A_777 : vector<128x128xi32>
      %or3A_779 = arith.ori %shift_left3A_775, %shift_right_logical3A_778 : vector<128x128xi32>
      %xor3A_780 = arith.xori %or3A_779, %add3A_772 : vector<128x128xi32>
      %add3A_781 = arith.constant 42 : i32
      %add3A_782 = vector.broadcast %add3A_781 : i32 to vector<128x128xi32>
      %add3A_783 = arith.addi %add3A_772, %add3A_782 : vector<128x128xi32>
      %add3A_784 = vector.broadcast %xor3A_609 : i32 to vector<128x128xi32>
      %add3A_785 = arith.addi %xor3A_780, %add3A_784 : vector<128x128xi32>
      %add3A_786 = arith.constant 4 : i32
      %add3A_787 = vector.broadcast %add3A_786 : i32 to vector<128x128xi32>
      %add3A_788 = arith.addi %add3A_785, %add3A_787 : vector<128x128xi32>
      %add3A_789 = arith.addi %add3A_783, %add3A_788 : vector<128x128xi32>
      %shift_left3A_790 = arith.constant 13 : i32
      %shift_left3A_791 = vector.broadcast %shift_left3A_790 : i32 to vector<128x128xi32>
      %shift_left3A_792 = arith.shli %add3A_788, %shift_left3A_791 : vector<128x128xi32>
      %shift_right_logical3A_793 = arith.constant 19 : i32
      %shift_right_logical3A_794 = vector.broadcast %shift_right_logical3A_793 : i32 to vector<128x128xi32>
      %shift_right_logical3A_795 = arith.shrui %add3A_788, %shift_right_logical3A_794 : vector<128x128xi32>
      %or3A_796 = arith.ori %shift_left3A_792, %shift_right_logical3A_795 : vector<128x128xi32>
      %xor3A_797 = arith.xori %or3A_796, %add3A_789 : vector<128x128xi32>
      %add3A_798 = arith.addi %add3A_789, %xor3A_797 : vector<128x128xi32>
      %shift_left3A_799 = arith.constant 15 : i32
      %shift_left3A_800 = vector.broadcast %shift_left3A_799 : i32 to vector<128x128xi32>
      %shift_left3A_801 = arith.shli %xor3A_797, %shift_left3A_800 : vector<128x128xi32>
      %shift_right_logical3A_802 = arith.constant 17 : i32
      %shift_right_logical3A_803 = vector.broadcast %shift_right_logical3A_802 : i32 to vector<128x128xi32>
      %shift_right_logical3A_804 = arith.shrui %xor3A_797, %shift_right_logical3A_803 : vector<128x128xi32>
      %or3A_805 = arith.ori %shift_left3A_801, %shift_right_logical3A_804 : vector<128x128xi32>
      %xor3A_806 = arith.xori %or3A_805, %add3A_798 : vector<128x128xi32>
      %add3A_807 = arith.addi %add3A_798, %xor3A_806 : vector<128x128xi32>
      %shift_left3A_808 = arith.constant 26 : i32
      %shift_left3A_809 = vector.broadcast %shift_left3A_808 : i32 to vector<128x128xi32>
      %shift_left3A_810 = arith.shli %xor3A_806, %shift_left3A_809 : vector<128x128xi32>
      %shift_right_logical3A_811 = arith.constant 6 : i32
      %shift_right_logical3A_812 = vector.broadcast %shift_right_logical3A_811 : i32 to vector<128x128xi32>
      %shift_right_logical3A_813 = arith.shrui %xor3A_806, %shift_right_logical3A_812 : vector<128x128xi32>
      %or3A_814 = arith.ori %shift_left3A_810, %shift_right_logical3A_813 : vector<128x128xi32>
      %xor3A_815 = arith.xori %or3A_814, %add3A_807 : vector<128x128xi32>
      %add3A_816 = arith.addi %add3A_807, %xor3A_815 : vector<128x128xi32>
      %shift_left3A_817 = arith.constant 6 : i32
      %shift_left3A_818 = vector.broadcast %shift_left3A_817 : i32 to vector<128x128xi32>
      %shift_left3A_819 = arith.shli %xor3A_815, %shift_left3A_818 : vector<128x128xi32>
      %shift_right_logical3A_820 = arith.constant 26 : i32
      %shift_right_logical3A_821 = vector.broadcast %shift_right_logical3A_820 : i32 to vector<128x128xi32>
      %shift_right_logical3A_822 = arith.shrui %xor3A_815, %shift_right_logical3A_821 : vector<128x128xi32>
      %or3A_823 = arith.ori %shift_left3A_819, %shift_right_logical3A_822 : vector<128x128xi32>
      %xor3A_824 = arith.xori %or3A_823, %add3A_816 : vector<128x128xi32>
      %add3A_825 = vector.broadcast %xor3A_609 : i32 to vector<128x128xi32>
      %add3A_826 = arith.addi %add3A_816, %add3A_825 : vector<128x128xi32>
      %add3A_827 = arith.constant 0 : i32
      %add3A_828 = vector.broadcast %add3A_827 : i32 to vector<128x128xi32>
      %add3A_829 = arith.addi %xor3A_824, %add3A_828 : vector<128x128xi32>
      %add3A_830 = arith.constant 5 : i32
      %add3A_831 = vector.broadcast %add3A_830 : i32 to vector<128x128xi32>
      %add3A_832 = arith.addi %add3A_829, %add3A_831 : vector<128x128xi32>
      %xor3A_833 = arith.xori %add3A_826, %add3A_832 : vector<128x128xi32>
      %shift_right_logical3A_834 = arith.constant 9 : i32
      %shift_right_logical3A_835 = vector.broadcast %shift_right_logical3A_834 : i32 to vector<128x128xi32>
      %shift_right_logical3A_836 = arith.shrui %xor3A_833, %shift_right_logical3A_835 : vector<128x128xi32>
      %or3A_837 = arith.constant 1065353216 : i32
      %or3A_838 = vector.broadcast %or3A_837 : i32 to vector<128x128xi32>
      %or3A_839 = arith.ori %shift_right_logical3A_836, %or3A_838 : vector<128x128xi32>
      %bitcast_convert_type3A_840 = tpu.bitcast %or3A_839 : vector<128x128xi32> -> vector<128x128xf32>
      %sub3A_841 = arith.constant 1.000000e+00 : f32
      %sub3A_842 = vector.broadcast %sub3A_841 : f32 to vector<128x128xf32>
      %sub3A_843 = arith.subf %bitcast_convert_type3A_840, %sub3A_842 : vector<128x128xf32>
      %mul3A_844 = arith.constant 1.000000e+00 : f32
      %mul3A_845 = vector.broadcast %mul3A_844 : f32 to vector<128x128xf32>
      %mul3A_846 = arith.mulf %sub3A_843, %mul3A_845 : vector<128x128xf32>
      %add3A_847 = arith.constant 1.17549435E-38 : f32
      %add3A_848 = vector.broadcast %add3A_847 : f32 to vector<128x128xf32>
      %add3A_849 = arith.addf %mul3A_846, %add3A_848 : vector<128x128xf32>
      %max3A_850 = arith.constant 1.17549435E-38 : f32
      %max3A_851 = vector.broadcast %max3A_850 : f32 to vector<128x128xf32>
      %max3A_852 = arith.maximumf %max3A_851, %add3A_849 : vector<128x128xf32>
      %log3A_853 = math.log %max3A_852 : vector<128x128xf32>
      %neg3A_854 = arith.constant 0.000000e+00 : f32
      %neg3A_855 = vector.broadcast %neg3A_854 : f32 to vector<128x128xf32>
      %neg3A_856 = arith.subf %neg3A_855, %log3A_853 : vector<128x128xf32>
      %log3A_857 = math.log %neg3A_856 : vector<128x128xf32>
      %neg3A_858 = arith.constant 0.000000e+00 : f32
      %neg3A_859 = vector.broadcast %neg3A_858 : f32 to vector<128x128xf32>
      %neg3A_860 = arith.subf %neg3A_859, %log3A_857 : vector<128x128xf32>
      %add3A_861 = arith.addf %neg3A_860, %log3A : vector<128x128xf32>
      %reduce_max3A_862 = arith.constant dense<0xFF800000> : vector<128xf32>
      %reduce_max3A_863 = vector.multi_reduction <maximumf>, %add3A_861, %reduce_max3A_862 [0] : vector<128x128xf32> to vector<128xf32>
      %broadcast_in_dim3A_864 = vector.shape_cast %reduce_max3A_863 : vector<128xf32> to vector<1x128xf32>
      %eq3A_865 = vector.broadcast %broadcast_in_dim3A_864 : vector<1x128xf32> to vector<128x128xf32>
      %eq3A_866 = arith.cmpf oeq, %add3A_861, %eq3A_865 : vector<128x128xf32>
      %jit3A_867 = arith.constant 128 : i32
      %broadcast_in_dim3A_868 = vector.broadcast %jit3A_867 : i32 to vector<128x128xi32>
      %select_n3A_869 = arith.select %eq3A_866, %iota3A_11, %broadcast_in_dim3A_868 : vector<128x128xi1>, vector<128x128xi32>
      %reduce_min3A_870 = arith.constant dense<2147483647> : vector<128xi32>
      %reduce_min3A_871 = vector.multi_reduction <minsi>, %select_n3A_869, %reduce_min3A_870 [0] : vector<128x128xi32> to vector<128xi32>
      %broadcast_in_dim3A_872 = vector.shape_cast %reduce_min3A_871 : vector<128xi32> to vector<1x128xi32>
      %mul3A_873 = arith.constant 128 : i32
      %mul3A_874 = vector.broadcast %mul3A_873 : i32 to vector<1x128xi32>
      %mul3A_875 = arith.muli %broadcast_in_dim3A_872, %mul3A_874 : vector<1x128xi32>
      %add3A_876 = arith.addi %iota3A_12, %mul3A_875 : vector<1x128xi32>
      %swap3A_877 = arith.index_cast %add3A_598 : i32 to index
      %swap3A_878 = arith.constant 0 : index
      %swap3A_879 = vector.load %arg1[%swap3A_877, %swap3A_878] : memref<48x128xi32, #tpu.memory_space<vmem>>, vector<1x128xi32>
      tpu.vector_store %arg1[%swap3A_877, %swap3A_878], %add3A_876 {strides = array<i32>} : memref<48x128xi32, #tpu.memory_space<vmem>>, vector<1x128xi32>,
      %eq3A_880 = vector.broadcast %broadcast_in_dim3A_872 : vector<1x128xi32> to vector<128x128xi32>
      %eq3A_881 = arith.cmpi eq, %eq3A_880, %iota3A_11 : vector<128x128xi32>
      %jit3A_882 = arith.constant 0.000000e+00 : f32
      %broadcast_in_dim3A_883 = vector.broadcast %jit3A_882 : f32 to vector<128x128xf32>
      %select_n3A_884 = arith.select %eq3A_881, %sub3A, %broadcast_in_dim3A_883 : vector<128x128xi1>, vector<128x128xf32>
      %reduce_sum3A_885 = arith.constant dense<0.000000e+00> : vector<128xf32>
      %reduce_sum3A_886 = vector.multi_reduction <add>, %select_n3A_884, %reduce_sum3A_885 [0] : vector<128x128xf32> to vector<128xf32>
      %broadcast_in_dim3A_887 = vector.shape_cast %reduce_sum3A_886 : vector<128xf32> to vector<1x128xf32>
      %swap3A_888 = arith.index_cast %add3A_598 : i32 to index
      %swap3A_889 = arith.constant 0 : index
      %swap3A_890 = vector.load %arg2[%swap3A_888, %swap3A_889] : memref<48x128xf32, #tpu.memory_space<vmem>>, vector<1x128xf32>
      tpu.vector_store %arg2[%swap3A_888, %swap3A_889], %broadcast_in_dim3A_887 {strides = array<i32>} : memref<48x128xf32, #tpu.memory_space<vmem>>, vector<1x128xf32>,
      %mul3A_891 = arith.constant 8 : i32
      %mul3A_892 = arith.muli %mul3A_891, %scan3A_17 : i32
      %add3A_893 = arith.constant 3 : i32
      %add3A_894 = arith.addi %mul3A_892, %add3A_893 : i32
      %add3A_895 = arith.constant 80 : i32
      %add3A_896 = arith.addi %add3A_894, %add3A_895 : i32
      %mul3A_897 = arith.constant 16384 : i32
      %mul3A_898 = arith.muli %add3A_896, %mul3A_897 : i32
      %add3A_899 = vector.broadcast %mul3A_898 : i32 to vector<128x128xi32>
      %add3A_900 = arith.addi %add3A_10, %add3A_899 : vector<128x128xi32>
      %xor3A_901 = arith.constant 0 : i32
      %xor3A_902 = arith.constant 42 : i32
      %xor3A_903 = arith.xori %xor3A_901, %xor3A_902 : i32
      %xor3A_904 = arith.constant 466688986 : i32
      %xor3A_905 = arith.xori %xor3A_903, %xor3A_904 : i32
      %add3A_906 = arith.constant 42 : i32
      %add3A_907 = vector.broadcast %add3A_906 : i32 to vector<128x128xi32>
      %add3A_908 = arith.addi %add3A_900, %add3A_907 : vector<128x128xi32>
      %shift_left3A_909 = arith.constant 13 : i32
      %shift_left3A_910 = vector.broadcast %shift_left3A_909 : i32 to vector<128x128xi32>
      %shift_left3A_911 = arith.shli %add3A_908, %shift_left3A_910 : vector<128x128xi32>
      %shift_right_logical3A_912 = arith.constant 19 : i32
      %shift_right_logical3A_913 = vector.broadcast %shift_right_logical3A_912 : i32 to vector<128x128xi32>
      %shift_right_logical3A_914 = arith.shrui %add3A_908, %shift_right_logical3A_913 : vector<128x128xi32>
      %or3A_915 = arith.ori %shift_left3A_911, %shift_right_logical3A_914 : vector<128x128xi32>
      %xor3A_916 = arith.xori %or3A_915, %add3A_908 : vector<128x128xi32>
      %add3A_917 = arith.addi %add3A_908, %xor3A_916 : vector<128x128xi32>
      %shift_left3A_918 = arith.constant 15 : i32
      %shift_left3A_919 = vector.broadcast %shift_left3A_918 : i32 to vector<128x128xi32>
      %shift_left3A_920 = arith.shli %xor3A_916, %shift_left3A_919 : vector<128x128xi32>
      %shift_right_logical3A_921 = arith.constant 17 : i32
      %shift_right_logical3A_922 = vector.broadcast %shift_right_logical3A_921 : i32 to vector<128x128xi32>
      %shift_right_logical3A_923 = arith.shrui %xor3A_916, %shift_right_logical3A_922 : vector<128x128xi32>
      %or3A_924 = arith.ori %shift_left3A_920, %shift_right_logical3A_923 : vector<128x128xi32>
      %xor3A_925 = arith.xori %or3A_924, %add3A_917 : vector<128x128xi32>
      %add3A_926 = arith.addi %add3A_917, %xor3A_925 : vector<128x128xi32>
      %shift_left3A_927 = arith.constant 26 : i32
      %shift_left3A_928 = vector.broadcast %shift_left3A_927 : i32 to vector<128x128xi32>
      %shift_left3A_929 = arith.shli %xor3A_925, %shift_left3A_928 : vector<128x128xi32>
      %shift_right_logical3A_930 = arith.constant 6 : i32
      %shift_right_logical3A_931 = vector.broadcast %shift_right_logical3A_930 : i32 to vector<128x128xi32>
      %shift_right_logical3A_932 = arith.shrui %xor3A_925, %shift_right_logical3A_931 : vector<128x128xi32>
      %or3A_933 = arith.ori %shift_left3A_929, %shift_right_logical3A_932 : vector<128x128xi32>
      %xor3A_934 = arith.xori %or3A_933, %add3A_926 : vector<128x128xi32>
      %add3A_935 = arith.addi %add3A_926, %xor3A_934 : vector<128x128xi32>
      %shift_left3A_936 = arith.constant 6 : i32
      %shift_left3A_937 = vector.broadcast %shift_left3A_936 : i32 to vector<128x128xi32>
      %shift_left3A_938 = arith.shli %xor3A_934, %shift_left3A_937 : vector<128x128xi32>
      %shift_right_logical3A_939 = arith.constant 26 : i32
      %shift_right_logical3A_940 = vector.broadcast %shift_right_logical3A_939 : i32 to vector<128x128xi32>
      %shift_right_logical3A_941 = arith.shrui %xor3A_934, %shift_right_logical3A_940 : vector<128x128xi32>
      %or3A_942 = arith.ori %shift_left3A_938, %shift_right_logical3A_941 : vector<128x128xi32>
      %xor3A_943 = arith.xori %or3A_942, %add3A_935 : vector<128x128xi32>
      %add3A_944 = arith.constant 42 : i32
      %add3A_945 = vector.broadcast %add3A_944 : i32 to vector<128x128xi32>
      %add3A_946 = arith.addi %add3A_935, %add3A_945 : vector<128x128xi32>
      %add3A_947 = vector.broadcast %xor3A_905 : i32 to vector<128x128xi32>
      %add3A_948 = arith.addi %xor3A_943, %add3A_947 : vector<128x128xi32>
      %add3A_949 = arith.constant 1 : i32
      %add3A_950 = vector.broadcast %add3A_949 : i32 to vector<128x128xi32>
      %add3A_951 = arith.addi %add3A_948, %add3A_950 : vector<128x128xi32>
      %add3A_952 = arith.addi %add3A_946, %add3A_951 : vector<128x128xi32>
      %shift_left3A_953 = arith.constant 17 : i32
      %shift_left3A_954 = vector.broadcast %shift_left3A_953 : i32 to vector<128x128xi32>
      %shift_left3A_955 = arith.shli %add3A_951, %shift_left3A_954 : vector<128x128xi32>
      %shift_right_logical3A_956 = arith.constant 15 : i32
      %shift_right_logical3A_957 = vector.broadcast %shift_right_logical3A_956 : i32 to vector<128x128xi32>
      %shift_right_logical3A_958 = arith.shrui %add3A_951, %shift_right_logical3A_957 : vector<128x128xi32>
      %or3A_959 = arith.ori %shift_left3A_955, %shift_right_logical3A_958 : vector<128x128xi32>
      %xor3A_960 = arith.xori %or3A_959, %add3A_952 : vector<128x128xi32>
      %add3A_961 = arith.addi %add3A_952, %xor3A_960 : vector<128x128xi32>
      %shift_left3A_962 = arith.constant 29 : i32
      %shift_left3A_963 = vector.broadcast %shift_left3A_962 : i32 to vector<128x128xi32>
      %shift_left3A_964 = arith.shli %xor3A_960, %shift_left3A_963 : vector<128x128xi32>
      %shift_right_logical3A_965 = arith.constant 3 : i32
      %shift_right_logical3A_966 = vector.broadcast %shift_right_logical3A_965 : i32 to vector<128x128xi32>
      %shift_right_logical3A_967 = arith.shrui %xor3A_960, %shift_right_logical3A_966 : vector<128x128xi32>
      %or3A_968 = arith.ori %shift_left3A_964, %shift_right_logical3A_967 : vector<128x128xi32>
      %xor3A_969 = arith.xori %or3A_968, %add3A_961 : vector<128x128xi32>
      %add3A_970 = arith.addi %add3A_961, %xor3A_969 : vector<128x128xi32>
      %shift_left3A_971 = arith.constant 16 : i32
      %shift_left3A_972 = vector.broadcast %shift_left3A_971 : i32 to vector<128x128xi32>
      %shift_left3A_973 = arith.shli %xor3A_969, %shift_left3A_972 : vector<128x128xi32>
      %shift_right_logical3A_974 = arith.constant 16 : i32
      %shift_right_logical3A_975 = vector.broadcast %shift_right_logical3A_974 : i32 to vector<128x128xi32>
      %shift_right_logical3A_976 = arith.shrui %xor3A_969, %shift_right_logical3A_975 : vector<128x128xi32>
      %or3A_977 = arith.ori %shift_left3A_973, %shift_right_logical3A_976 : vector<128x128xi32>
      %xor3A_978 = arith.xori %or3A_977, %add3A_970 : vector<128x128xi32>
      %add3A_979 = arith.addi %add3A_970, %xor3A_978 : vector<128x128xi32>
      %shift_left3A_980 = arith.constant 24 : i32
      %shift_left3A_981 = vector.broadcast %shift_left3A_980 : i32 to vector<128x128xi32>
      %shift_left3A_982 = arith.shli %xor3A_978, %shift_left3A_981 : vector<128x128xi32>
      %shift_right_logical3A_983 = arith.constant 8 : i32
      %shift_right_logical3A_984 = vector.broadcast %shift_right_logical3A_983 : i32 to vector<128x128xi32>
      %shift_right_logical3A_985 = arith.shrui %xor3A_978, %shift_right_logical3A_984 : vector<128x128xi32>
      %or3A_986 = arith.ori %shift_left3A_982, %shift_right_logical3A_985 : vector<128x128xi32>
      %xor3A_987 = arith.xori %or3A_986, %add3A_979 : vector<128x128xi32>
      %add3A_988 = vector.broadcast %xor3A_905 : i32 to vector<128x128xi32>
      %add3A_989 = arith.addi %add3A_979, %add3A_988 : vector<128x128xi32>
      %add3A_990 = arith.constant 0 : i32
      %add3A_991 = vector.broadcast %add3A_990 : i32 to vector<128x128xi32>
      %add3A_992 = arith.addi %xor3A_987, %add3A_991 : vector<128x128xi32>
      %add3A_993 = arith.constant 2 : i32
      %add3A_994 = vector.broadcast %add3A_993 : i32 to vector<128x128xi32>
      %add3A_995 = arith.addi %add3A_992, %add3A_994 : vector<128x128xi32>
      %add3A_996 = arith.addi %add3A_989, %add3A_995 : vector<128x128xi32>
      %shift_left3A_997 = arith.constant 13 : i32
      %shift_left3A_998 = vector.broadcast %shift_left3A_997 : i32 to vector<128x128xi32>
      %shift_left3A_999 = arith.shli %add3A_995, %shift_left3A_998 : vector<128x128xi32>
      %shift_right_logical3A_1000 = arith.constant 19 : i32
      %shift_right_logical3A_1001 = vector.broadcast %shift_right_logical3A_1000 : i32 to vector<128x128xi32>
      %shift_right_logical3A_1002 = arith.shrui %add3A_995, %shift_right_logical3A_1001 : vector<128x128xi32>
      %or3A_1003 = arith.ori %shift_left3A_999, %shift_right_logical3A_1002 : vector<128x128xi32>
      %xor3A_1004 = arith.xori %or3A_1003, %add3A_996 : vector<128x128xi32>
      %add3A_1005 = arith.addi %add3A_996, %xor3A_1004 : vector<128x128xi32>
      %shift_left3A_1006 = arith.constant 15 : i32
      %shift_left3A_1007 = vector.broadcast %shift_left3A_1006 : i32 to vector<128x128xi32>
      %shift_left3A_1008 = arith.shli %xor3A_1004, %shift_left3A_1007 : vector<128x128xi32>
      %shift_right_logical3A_1009 = arith.constant 17 : i32
      %shift_right_logical3A_1010 = vector.broadcast %shift_right_logical3A_1009 : i32 to vector<128x128xi32>
      %shift_right_logical3A_1011 = arith.shrui %xor3A_1004, %shift_right_logical3A_1010 : vector<128x128xi32>
      %or3A_1012 = arith.ori %shift_left3A_1008, %shift_right_logical3A_1011 : vector<128x128xi32>
      %xor3A_1013 = arith.xori %or3A_1012, %add3A_1005 : vector<128x128xi32>
      %add3A_1014 = arith.addi %add3A_1005, %xor3A_1013 : vector<128x128xi32>
      %shift_left3A_1015 = arith.constant 26 : i32
      %shift_left3A_1016 = vector.broadcast %shift_left3A_1015 : i32 to vector<128x128xi32>
      %shift_left3A_1017 = arith.shli %xor3A_1013, %shift_left3A_1016 : vector<128x128xi32>
      %shift_right_logical3A_1018 = arith.constant 6 : i32
      %shift_right_logical3A_1019 = vector.broadcast %shift_right_logical3A_1018 : i32 to vector<128x128xi32>
      %shift_right_logical3A_1020 = arith.shrui %xor3A_1013, %shift_right_logical3A_1019 : vector<128x128xi32>
      %or3A_1021 = arith.ori %shift_left3A_1017, %shift_right_logical3A_1020 : vector<128x128xi32>
      %xor3A_1022 = arith.xori %or3A_1021, %add3A_1014 : vector<128x128xi32>
      %add3A_1023 = arith.addi %add3A_1014, %xor3A_1022 : vector<128x128xi32>
      %shift_left3A_1024 = arith.constant 6 : i32
      %shift_left3A_1025 = vector.broadcast %shift_left3A_1024 : i32 to vector<128x128xi32>
      %shift_left3A_1026 = arith.shli %xor3A_1022, %shift_left3A_1025 : vector<128x128xi32>
      %shift_right_logical3A_1027 = arith.constant 26 : i32
      %shift_right_logical3A_1028 = vector.broadcast %shift_right_logical3A_1027 : i32 to vector<128x128xi32>
      %shift_right_logical3A_1029 = arith.shrui %xor3A_1022, %shift_right_logical3A_1028 : vector<128x128xi32>
      %or3A_1030 = arith.ori %shift_left3A_1026, %shift_right_logical3A_1029 : vector<128x128xi32>
      %xor3A_1031 = arith.xori %or3A_1030, %add3A_1023 : vector<128x128xi32>
      %add3A_1032 = arith.constant 0 : i32
      %add3A_1033 = vector.broadcast %add3A_1032 : i32 to vector<128x128xi32>
      %add3A_1034 = arith.addi %add3A_1023, %add3A_1033 : vector<128x128xi32>
      %add3A_1035 = arith.constant 42 : i32
      %add3A_1036 = vector.broadcast %add3A_1035 : i32 to vector<128x128xi32>
      %add3A_1037 = arith.addi %xor3A_1031, %add3A_1036 : vector<128x128xi32>
      %add3A_1038 = arith.constant 3 : i32
      %add3A_1039 = vector.broadcast %add3A_1038 : i32 to vector<128x128xi32>
      %add3A_1040 = arith.addi %add3A_1037, %add3A_1039 : vector<128x128xi32>
      %add3A_1041 = arith.addi %add3A_1034, %add3A_1040 : vector<128x128xi32>
      %shift_left3A_1042 = arith.constant 17 : i32
      %shift_left3A_1043 = vector.broadcast %shift_left3A_1042 : i32 to vector<128x128xi32>
      %shift_left3A_1044 = arith.shli %add3A_1040, %shift_left3A_1043 : vector<128x128xi32>
      %shift_right_logical3A_1045 = arith.constant 15 : i32
      %shift_right_logical3A_1046 = vector.broadcast %shift_right_logical3A_1045 : i32 to vector<128x128xi32>
      %shift_right_logical3A_1047 = arith.shrui %add3A_1040, %shift_right_logical3A_1046 : vector<128x128xi32>
      %or3A_1048 = arith.ori %shift_left3A_1044, %shift_right_logical3A_1047 : vector<128x128xi32>
      %xor3A_1049 = arith.xori %or3A_1048, %add3A_1041 : vector<128x128xi32>
      %add3A_1050 = arith.addi %add3A_1041, %xor3A_1049 : vector<128x128xi32>
      %shift_left3A_1051 = arith.constant 29 : i32
      %shift_left3A_1052 = vector.broadcast %shift_left3A_1051 : i32 to vector<128x128xi32>
      %shift_left3A_1053 = arith.shli %xor3A_1049, %shift_left3A_1052 : vector<128x128xi32>
      %shift_right_logical3A_1054 = arith.constant 3 : i32
      %shift_right_logical3A_1055 = vector.broadcast %shift_right_logical3A_1054 : i32 to vector<128x128xi32>
      %shift_right_logical3A_1056 = arith.shrui %xor3A_1049, %shift_right_logical3A_1055 : vector<128x128xi32>
      %or3A_1057 = arith.ori %shift_left3A_1053, %shift_right_logical3A_1056 : vector<128x128xi32>
      %xor3A_1058 = arith.xori %or3A_1057, %add3A_1050 : vector<128x128xi32>
      %add3A_1059 = arith.addi %add3A_1050, %xor3A_1058 : vector<128x128xi32>
      %shift_left3A_1060 = arith.constant 16 : i32
      %shift_left3A_1061 = vector.broadcast %shift_left3A_1060 : i32 to vector<128x128xi32>
      %shift_left3A_1062 = arith.shli %xor3A_1058, %shift_left3A_1061 : vector<128x128xi32>
      %shift_right_logical3A_1063 = arith.constant 16 : i32
      %shift_right_logical3A_1064 = vector.broadcast %shift_right_logical3A_1063 : i32 to vector<128x128xi32>
      %shift_right_logical3A_1065 = arith.shrui %xor3A_1058, %shift_right_logical3A_1064 : vector<128x128xi32>
      %or3A_1066 = arith.ori %shift_left3A_1062, %shift_right_logical3A_1065 : vector<128x128xi32>
      %xor3A_1067 = arith.xori %or3A_1066, %add3A_1059 : vector<128x128xi32>
      %add3A_1068 = arith.addi %add3A_1059, %xor3A_1067 : vector<128x128xi32>
      %shift_left3A_1069 = arith.constant 24 : i32
      %shift_left3A_1070 = vector.broadcast %shift_left3A_1069 : i32 to vector<128x128xi32>
      %shift_left3A_1071 = arith.shli %xor3A_1067, %shift_left3A_1070 : vector<128x128xi32>
      %shift_right_logical3A_1072 = arith.constant 8 : i32
      %shift_right_logical3A_1073 = vector.broadcast %shift_right_logical3A_1072 : i32 to vector<128x128xi32>
      %shift_right_logical3A_1074 = arith.shrui %xor3A_1067, %shift_right_logical3A_1073 : vector<128x128xi32>
      %or3A_1075 = arith.ori %shift_left3A_1071, %shift_right_logical3A_1074 : vector<128x128xi32>
      %xor3A_1076 = arith.xori %or3A_1075, %add3A_1068 : vector<128x128xi32>
      %add3A_1077 = arith.constant 42 : i32
      %add3A_1078 = vector.broadcast %add3A_1077 : i32 to vector<128x128xi32>
      %add3A_1079 = arith.addi %add3A_1068, %add3A_1078 : vector<128x128xi32>
      %add3A_1080 = vector.broadcast %xor3A_905 : i32 to vector<128x128xi32>
      %add3A_1081 = arith.addi %xor3A_1076, %add3A_1080 : vector<128x128xi32>
      %add3A_1082 = arith.constant 4 : i32
      %add3A_1083 = vector.broadcast %add3A_1082 : i32 to vector<128x128xi32>
      %add3A_1084 = arith.addi %add3A_1081, %add3A_1083 : vector<128x128xi32>
      %add3A_1085 = arith.addi %add3A_1079, %add3A_1084 : vector<128x128xi32>
      %shift_left3A_1086 = arith.constant 13 : i32
      %shift_left3A_1087 = vector.broadcast %shift_left3A_1086 : i32 to vector<128x128xi32>
      %shift_left3A_1088 = arith.shli %add3A_1084, %shift_left3A_1087 : vector<128x128xi32>
      %shift_right_logical3A_1089 = arith.constant 19 : i32
      %shift_right_logical3A_1090 = vector.broadcast %shift_right_logical3A_1089 : i32 to vector<128x128xi32>
      %shift_right_logical3A_1091 = arith.shrui %add3A_1084, %shift_right_logical3A_1090 : vector<128x128xi32>
      %or3A_1092 = arith.ori %shift_left3A_1088, %shift_right_logical3A_1091 : vector<128x128xi32>
      %xor3A_1093 = arith.xori %or3A_1092, %add3A_1085 : vector<128x128xi32>
      %add3A_1094 = arith.addi %add3A_1085, %xor3A_1093 : vector<128x128xi32>
      %shift_left3A_1095 = arith.constant 15 : i32
      %shift_left3A_1096 = vector.broadcast %shift_left3A_1095 : i32 to vector<128x128xi32>
      %shift_left3A_1097 = arith.shli %xor3A_1093, %shift_left3A_1096 : vector<128x128xi32>
      %shift_right_logical3A_1098 = arith.constant 17 : i32
      %shift_right_logical3A_1099 = vector.broadcast %shift_right_logical3A_1098 : i32 to vector<128x128xi32>
      %shift_right_logical3A_1100 = arith.shrui %xor3A_1093, %shift_right_logical3A_1099 : vector<128x128xi32>
      %or3A_1101 = arith.ori %shift_left3A_1097, %shift_right_logical3A_1100 : vector<128x128xi32>
      %xor3A_1102 = arith.xori %or3A_1101, %add3A_1094 : vector<128x128xi32>
      %add3A_1103 = arith.addi %add3A_1094, %xor3A_1102 : vector<128x128xi32>
      %shift_left3A_1104 = arith.constant 26 : i32
      %shift_left3A_1105 = vector.broadcast %shift_left3A_1104 : i32 to vector<128x128xi32>
      %shift_left3A_1106 = arith.shli %xor3A_1102, %shift_left3A_1105 : vector<128x128xi32>
      %shift_right_logical3A_1107 = arith.constant 6 : i32
      %shift_right_logical3A_1108 = vector.broadcast %shift_right_logical3A_1107 : i32 to vector<128x128xi32>
      %shift_right_logical3A_1109 = arith.shrui %xor3A_1102, %shift_right_logical3A_1108 : vector<128x128xi32>
      %or3A_1110 = arith.ori %shift_left3A_1106, %shift_right_logical3A_1109 : vector<128x128xi32>
      %xor3A_1111 = arith.xori %or3A_1110, %add3A_1103 : vector<128x128xi32>
      %add3A_1112 = arith.addi %add3A_1103, %xor3A_1111 : vector<128x128xi32>
      %shift_left3A_1113 = arith.constant 6 : i32
      %shift_left3A_1114 = vector.broadcast %shift_left3A_1113 : i32 to vector<128x128xi32>
      %shift_left3A_1115 = arith.shli %xor3A_1111, %shift_left3A_1114 : vector<128x128xi32>
      %shift_right_logical3A_1116 = arith.constant 26 : i32
      %shift_right_logical3A_1117 = vector.broadcast %shift_right_logical3A_1116 : i32 to vector<128x128xi32>
      %shift_right_logical3A_1118 = arith.shrui %xor3A_1111, %shift_right_logical3A_1117 : vector<128x128xi32>
      %or3A_1119 = arith.ori %shift_left3A_1115, %shift_right_logical3A_1118 : vector<128x128xi32>
      %xor3A_1120 = arith.xori %or3A_1119, %add3A_1112 : vector<128x128xi32>
      %add3A_1121 = vector.broadcast %xor3A_905 : i32 to vector<128x128xi32>
      %add3A_1122 = arith.addi %add3A_1112, %add3A_1121 : vector<128x128xi32>
      %add3A_1123 = arith.constant 0 : i32
      %add3A_1124 = vector.broadcast %add3A_1123 : i32 to vector<128x128xi32>
      %add3A_1125 = arith.addi %xor3A_1120, %add3A_1124 : vector<128x128xi32>
      %add3A_1126 = arith.constant 5 : i32
      %add3A_1127 = vector.broadcast %add3A_1126 : i32 to vector<128x128xi32>
      %add3A_1128 = arith.addi %add3A_1125, %add3A_1127 : vector<128x128xi32>
      %xor3A_1129 = arith.xori %add3A_1122, %add3A_1128 : vector<128x128xi32>
      %shift_right_logical3A_1130 = arith.constant 9 : i32
      %shift_right_logical3A_1131 = vector.broadcast %shift_right_logical3A_1130 : i32 to vector<128x128xi32>
      %shift_right_logical3A_1132 = arith.shrui %xor3A_1129, %shift_right_logical3A_1131 : vector<128x128xi32>
      %or3A_1133 = arith.constant 1065353216 : i32
      %or3A_1134 = vector.broadcast %or3A_1133 : i32 to vector<128x128xi32>
      %or3A_1135 = arith.ori %shift_right_logical3A_1132, %or3A_1134 : vector<128x128xi32>
      %bitcast_convert_type3A_1136 = tpu.bitcast %or3A_1135 : vector<128x128xi32> -> vector<128x128xf32>
      %sub3A_1137 = arith.constant 1.000000e+00 : f32
      %sub3A_1138 = vector.broadcast %sub3A_1137 : f32 to vector<128x128xf32>
      %sub3A_1139 = arith.subf %bitcast_convert_type3A_1136, %sub3A_1138 : vector<128x128xf32>
      %mul3A_1140 = arith.constant 1.000000e+00 : f32
      %mul3A_1141 = vector.broadcast %mul3A_1140 : f32 to vector<128x128xf32>
      %mul3A_1142 = arith.mulf %sub3A_1139, %mul3A_1141 : vector<128x128xf32>
      %add3A_1143 = arith.constant 1.17549435E-38 : f32
      %add3A_1144 = vector.broadcast %add3A_1143 : f32 to vector<128x128xf32>
      %add3A_1145 = arith.addf %mul3A_1142, %add3A_1144 : vector<128x128xf32>
      %max3A_1146 = arith.constant 1.17549435E-38 : f32
      %max3A_1147 = vector.broadcast %max3A_1146 : f32 to vector<128x128xf32>
      %max3A_1148 = arith.maximumf %max3A_1147, %add3A_1145 : vector<128x128xf32>
      %log3A_1149 = math.log %max3A_1148 : vector<128x128xf32>
      %neg3A_1150 = arith.constant 0.000000e+00 : f32
      %neg3A_1151 = vector.broadcast %neg3A_1150 : f32 to vector<128x128xf32>
      %neg3A_1152 = arith.subf %neg3A_1151, %log3A_1149 : vector<128x128xf32>
      %log3A_1153 = math.log %neg3A_1152 : vector<128x128xf32>
      %neg3A_1154 = arith.constant 0.000000e+00 : f32
      %neg3A_1155 = vector.broadcast %neg3A_1154 : f32 to vector<128x128xf32>
      %neg3A_1156 = arith.subf %neg3A_1155, %log3A_1153 : vector<128x128xf32>
      %add3A_1157 = arith.addf %neg3A_1156, %log3A : vector<128x128xf32>
      %reduce_max3A_1158 = arith.constant dense<0xFF800000> : vector<128xf32>
      %reduce_max3A_1159 = vector.multi_reduction <maximumf>, %add3A_1157, %reduce_max3A_1158 [0] : vector<128x128xf32> to vector<128xf32>
      %broadcast_in_dim3A_1160 = vector.shape_cast %reduce_max3A_1159 : vector<128xf32> to vector<1x128xf32>
      %eq3A_1161 = vector.broadcast %broadcast_in_dim3A_1160 : vector<1x128xf32> to vector<128x128xf32>
      %eq3A_1162 = arith.cmpf oeq, %add3A_1157, %eq3A_1161 : vector<128x128xf32>
      %jit3A_1163 = arith.constant 128 : i32
      %broadcast_in_dim3A_1164 = vector.broadcast %jit3A_1163 : i32 to vector<128x128xi32>
      %select_n3A_1165 = arith.select %eq3A_1162, %iota3A_11, %broadcast_in_dim3A_1164 : vector<128x128xi1>, vector<128x128xi32>
      %reduce_min3A_1166 = arith.constant dense<2147483647> : vector<128xi32>
      %reduce_min3A_1167 = vector.multi_reduction <minsi>, %select_n3A_1165, %reduce_min3A_1166 [0] : vector<128x128xi32> to vector<128xi32>
      %broadcast_in_dim3A_1168 = vector.shape_cast %reduce_min3A_1167 : vector<128xi32> to vector<1x128xi32>
      %mul3A_1169 = arith.constant 128 : i32
      %mul3A_1170 = vector.broadcast %mul3A_1169 : i32 to vector<1x128xi32>
      %mul3A_1171 = arith.muli %broadcast_in_dim3A_1168, %mul3A_1170 : vector<1x128xi32>
      %add3A_1172 = arith.addi %iota3A_12, %mul3A_1171 : vector<1x128xi32>
      %swap3A_1173 = arith.index_cast %add3A_894 : i32 to index
      %swap3A_1174 = arith.constant 0 : index
      %swap3A_1175 = vector.load %arg1[%swap3A_1173, %swap3A_1174] : memref<48x128xi32, #tpu.memory_space<vmem>>, vector<1x128xi32>
      tpu.vector_store %arg1[%swap3A_1173, %swap3A_1174], %add3A_1172 {strides = array<i32>} : memref<48x128xi32, #tpu.memory_space<vmem>>, vector<1x128xi32>,
      %eq3A_1176 = vector.broadcast %broadcast_in_dim3A_1168 : vector<1x128xi32> to vector<128x128xi32>
      %eq3A_1177 = arith.cmpi eq, %eq3A_1176, %iota3A_11 : vector<128x128xi32>
      %jit3A_1178 = arith.constant 0.000000e+00 : f32
      %broadcast_in_dim3A_1179 = vector.broadcast %jit3A_1178 : f32 to vector<128x128xf32>
      %select_n3A_1180 = arith.select %eq3A_1177, %sub3A, %broadcast_in_dim3A_1179 : vector<128x128xi1>, vector<128x128xf32>
      %reduce_sum3A_1181 = arith.constant dense<0.000000e+00> : vector<128xf32>
      %reduce_sum3A_1182 = vector.multi_reduction <add>, %select_n3A_1180, %reduce_sum3A_1181 [0] : vector<128x128xf32> to vector<128xf32>
      %broadcast_in_dim3A_1183 = vector.shape_cast %reduce_sum3A_1182 : vector<128xf32> to vector<1x128xf32>
      %swap3A_1184 = arith.index_cast %add3A_894 : i32 to index
      %swap3A_1185 = arith.constant 0 : index
      %swap3A_1186 = vector.load %arg2[%swap3A_1184, %swap3A_1185] : memref<48x128xf32, #tpu.memory_space<vmem>>, vector<1x128xf32>
      tpu.vector_store %arg2[%swap3A_1184, %swap3A_1185], %broadcast_in_dim3A_1183 {strides = array<i32>} : memref<48x128xf32, #tpu.memory_space<vmem>>, vector<1x128xf32>,
      %mul3A_1187 = arith.constant 8 : i32
      %mul3A_1188 = arith.muli %mul3A_1187, %scan3A_17 : i32
      %add3A_1189 = arith.constant 4 : i32
      %add3A_1190 = arith.addi %mul3A_1188, %add3A_1189 : i32
      %add3A_1191 = arith.constant 80 : i32
      %add3A_1192 = arith.addi %add3A_1190, %add3A_1191 : i32
      %mul3A_1193 = arith.constant 16384 : i32
      %mul3A_1194 = arith.muli %add3A_1192, %mul3A_1193 : i32
      %add3A_1195 = vector.broadcast %mul3A_1194 : i32 to vector<128x128xi32>
      %add3A_1196 = arith.addi %add3A_10, %add3A_1195 : vector<128x128xi32>
      %xor3A_1197 = arith.constant 0 : i32
      %xor3A_1198 = arith.constant 42 : i32
      %xor3A_1199 = arith.xori %xor3A_1197, %xor3A_1198 : i32
      %xor3A_1200 = arith.constant 466688986 : i32
      %xor3A_1201 = arith.xori %xor3A_1199, %xor3A_1200 : i32
      %add3A_1202 = arith.constant 42 : i32
      %add3A_1203 = vector.broadcast %add3A_1202 : i32 to vector<128x128xi32>
      %add3A_1204 = arith.addi %add3A_1196, %add3A_1203 : vector<128x128xi32>
      %shift_left3A_1205 = arith.constant 13 : i32
      %shift_left3A_1206 = vector.broadcast %shift_left3A_1205 : i32 to vector<128x128xi32>
      %shift_left3A_1207 = arith.shli %add3A_1204, %shift_left3A_1206 : vector<128x128xi32>
      %shift_right_logical3A_1208 = arith.constant 19 : i32
      %shift_right_logical3A_1209 = vector.broadcast %shift_right_logical3A_1208 : i32 to vector<128x128xi32>
      %shift_right_logical3A_1210 = arith.shrui %add3A_1204, %shift_right_logical3A_1209 : vector<128x128xi32>
      %or3A_1211 = arith.ori %shift_left3A_1207, %shift_right_logical3A_1210 : vector<128x128xi32>
      %xor3A_1212 = arith.xori %or3A_1211, %add3A_1204 : vector<128x128xi32>
      %add3A_1213 = arith.addi %add3A_1204, %xor3A_1212 : vector<128x128xi32>
      %shift_left3A_1214 = arith.constant 15 : i32
      %shift_left3A_1215 = vector.broadcast %shift_left3A_1214 : i32 to vector<128x128xi32>
      %shift_left3A_1216 = arith.shli %xor3A_1212, %shift_left3A_1215 : vector<128x128xi32>
      %shift_right_logical3A_1217 = arith.constant 17 : i32
      %shift_right_logical3A_1218 = vector.broadcast %shift_right_logical3A_1217 : i32 to vector<128x128xi32>
      %shift_right_logical3A_1219 = arith.shrui %xor3A_1212, %shift_right_logical3A_1218 : vector<128x128xi32>
      %or3A_1220 = arith.ori %shift_left3A_1216, %shift_right_logical3A_1219 : vector<128x128xi32>
      %xor3A_1221 = arith.xori %or3A_1220, %add3A_1213 : vector<128x128xi32>
      %add3A_1222 = arith.addi %add3A_1213, %xor3A_1221 : vector<128x128xi32>
      %shift_left3A_1223 = arith.constant 26 : i32
      %shift_left3A_1224 = vector.broadcast %shift_left3A_1223 : i32 to vector<128x128xi32>
      %shift_left3A_1225 = arith.shli %xor3A_1221, %shift_left3A_1224 : vector<128x128xi32>
      %shift_right_logical3A_1226 = arith.constant 6 : i32
      %shift_right_logical3A_1227 = vector.broadcast %shift_right_logical3A_1226 : i32 to vector<128x128xi32>
      %shift_right_logical3A_1228 = arith.shrui %xor3A_1221, %shift_right_logical3A_1227 : vector<128x128xi32>
      %or3A_1229 = arith.ori %shift_left3A_1225, %shift_right_logical3A_1228 : vector<128x128xi32>
      %xor3A_1230 = arith.xori %or3A_1229, %add3A_1222 : vector<128x128xi32>
      %add3A_1231 = arith.addi %add3A_1222, %xor3A_1230 : vector<128x128xi32>
      %shift_left3A_1232 = arith.constant 6 : i32
      %shift_left3A_1233 = vector.broadcast %shift_left3A_1232 : i32 to vector<128x128xi32>
      %shift_left3A_1234 = arith.shli %xor3A_1230, %shift_left3A_1233 : vector<128x128xi32>
      %shift_right_logical3A_1235 = arith.constant 26 : i32
      %shift_right_logical3A_1236 = vector.broadcast %shift_right_logical3A_1235 : i32 to vector<128x128xi32>
      %shift_right_logical3A_1237 = arith.shrui %xor3A_1230, %shift_right_logical3A_1236 : vector<128x128xi32>
      %or3A_1238 = arith.ori %shift_left3A_1234, %shift_right_logical3A_1237 : vector<128x128xi32>
      %xor3A_1239 = arith.xori %or3A_1238, %add3A_1231 : vector<128x128xi32>
      %add3A_1240 = arith.constant 42 : i32
      %add3A_1241 = vector.broadcast %add3A_1240 : i32 to vector<128x128xi32>
      %add3A_1242 = arith.addi %add3A_1231, %add3A_1241 : vector<128x128xi32>
      %add3A_1243 = vector.broadcast %xor3A_1201 : i32 to vector<128x128xi32>
      %add3A_1244 = arith.addi %xor3A_1239, %add3A_1243 : vector<128x128xi32>
      %add3A_1245 = arith.constant 1 : i32
      %add3A_1246 = vector.broadcast %add3A_1245 : i32 to vector<128x128xi32>
      %add3A_1247 = arith.addi %add3A_1244, %add3A_1246 : vector<128x128xi32>
      %add3A_1248 = arith.addi %add3A_1242, %add3A_1247 : vector<128x128xi32>
      %shift_left3A_1249 = arith.constant 17 : i32
      %shift_left3A_1250 = vector.broadcast %shift_left3A_1249 : i32 to vector<128x128xi32>
      %shift_left3A_1251 = arith.shli %add3A_1247, %shift_left3A_1250 : vector<128x128xi32>
      %shift_right_logical3A_1252 = arith.constant 15 : i32
      %shift_right_logical3A_1253 = vector.broadcast %shift_right_logical3A_1252 : i32 to vector<128x128xi32>
      %shift_right_logical3A_1254 = arith.shrui %add3A_1247, %shift_right_logical3A_1253 : vector<128x128xi32>
      %or3A_1255 = arith.ori %shift_left3A_1251, %shift_right_logical3A_1254 : vector<128x128xi32>
      %xor3A_1256 = arith.xori %or3A_1255, %add3A_1248 : vector<128x128xi32>
      %add3A_1257 = arith.addi %add3A_1248, %xor3A_1256 : vector<128x128xi32>
      %shift_left3A_1258 = arith.constant 29 : i32
      %shift_left3A_1259 = vector.broadcast %shift_left3A_1258 : i32 to vector<128x128xi32>
      %shift_left3A_1260 = arith.shli %xor3A_1256, %shift_left3A_1259 : vector<128x128xi32>
      %shift_right_logical3A_1261 = arith.constant 3 : i32
      %shift_right_logical3A_1262 = vector.broadcast %shift_right_logical3A_1261 : i32 to vector<128x128xi32>
      %shift_right_logical3A_1263 = arith.shrui %xor3A_1256, %shift_right_logical3A_1262 : vector<128x128xi32>
      %or3A_1264 = arith.ori %shift_left3A_1260, %shift_right_logical3A_1263 : vector<128x128xi32>
      %xor3A_1265 = arith.xori %or3A_1264, %add3A_1257 : vector<128x128xi32>
      %add3A_1266 = arith.addi %add3A_1257, %xor3A_1265 : vector<128x128xi32>
      %shift_left3A_1267 = arith.constant 16 : i32
      %shift_left3A_1268 = vector.broadcast %shift_left3A_1267 : i32 to vector<128x128xi32>
      %shift_left3A_1269 = arith.shli %xor3A_1265, %shift_left3A_1268 : vector<128x128xi32>
      %shift_right_logical3A_1270 = arith.constant 16 : i32
      %shift_right_logical3A_1271 = vector.broadcast %shift_right_logical3A_1270 : i32 to vector<128x128xi32>
      %shift_right_logical3A_1272 = arith.shrui %xor3A_1265, %shift_right_logical3A_1271 : vector<128x128xi32>
      %or3A_1273 = arith.ori %shift_left3A_1269, %shift_right_logical3A_1272 : vector<128x128xi32>
      %xor3A_1274 = arith.xori %or3A_1273, %add3A_1266 : vector<128x128xi32>
      %add3A_1275 = arith.addi %add3A_1266, %xor3A_1274 : vector<128x128xi32>
      %shift_left3A_1276 = arith.constant 24 : i32
      %shift_left3A_1277 = vector.broadcast %shift_left3A_1276 : i32 to vector<128x128xi32>
      %shift_left3A_1278 = arith.shli %xor3A_1274, %shift_left3A_1277 : vector<128x128xi32>
      %shift_right_logical3A_1279 = arith.constant 8 : i32
      %shift_right_logical3A_1280 = vector.broadcast %shift_right_logical3A_1279 : i32 to vector<128x128xi32>
      %shift_right_logical3A_1281 = arith.shrui %xor3A_1274, %shift_right_logical3A_1280 : vector<128x128xi32>
      %or3A_1282 = arith.ori %shift_left3A_1278, %shift_right_logical3A_1281 : vector<128x128xi32>
      %xor3A_1283 = arith.xori %or3A_1282, %add3A_1275 : vector<128x128xi32>
      %add3A_1284 = vector.broadcast %xor3A_1201 : i32 to vector<128x128xi32>
      %add3A_1285 = arith.addi %add3A_1275, %add3A_1284 : vector<128x128xi32>
      %add3A_1286 = arith.constant 0 : i32
      %add3A_1287 = vector.broadcast %add3A_1286 : i32 to vector<128x128xi32>
      %add3A_1288 = arith.addi %xor3A_1283, %add3A_1287 : vector<128x128xi32>
      %add3A_1289 = arith.constant 2 : i32
      %add3A_1290 = vector.broadcast %add3A_1289 : i32 to vector<128x128xi32>
      %add3A_1291 = arith.addi %add3A_1288, %add3A_1290 : vector<128x128xi32>
      %add3A_1292 = arith.addi %add3A_1285, %add3A_1291 : vector<128x128xi32>
      %shift_left3A_1293 = arith.constant 13 : i32
      %shift_left3A_1294 = vector.broadcast %shift_left3A_1293 : i32 to vector<128x128xi32>
      %shift_left3A_1295 = arith.shli %add3A_1291, %shift_left3A_1294 : vector<128x128xi32>
      %shift_right_logical3A_1296 = arith.constant 19 : i32
      %shift_right_logical3A_1297 = vector.broadcast %shift_right_logical3A_1296 : i32 to vector<128x128xi32>
      %shift_right_logical3A_1298 = arith.shrui %add3A_1291, %shift_right_logical3A_1297 : vector<128x128xi32>
      %or3A_1299 = arith.ori %shift_left3A_1295, %shift_right_logical3A_1298 : vector<128x128xi32>
      %xor3A_1300 = arith.xori %or3A_1299, %add3A_1292 : vector<128x128xi32>
      %add3A_1301 = arith.addi %add3A_1292, %xor3A_1300 : vector<128x128xi32>
      %shift_left3A_1302 = arith.constant 15 : i32
      %shift_left3A_1303 = vector.broadcast %shift_left3A_1302 : i32 to vector<128x128xi32>
      %shift_left3A_1304 = arith.shli %xor3A_1300, %shift_left3A_1303 : vector<128x128xi32>
      %shift_right_logical3A_1305 = arith.constant 17 : i32
      %shift_right_logical3A_1306 = vector.broadcast %shift_right_logical3A_1305 : i32 to vector<128x128xi32>
      %shift_right_logical3A_1307 = arith.shrui %xor3A_1300, %shift_right_logical3A_1306 : vector<128x128xi32>
      %or3A_1308 = arith.ori %shift_left3A_1304, %shift_right_logical3A_1307 : vector<128x128xi32>
      %xor3A_1309 = arith.xori %or3A_1308, %add3A_1301 : vector<128x128xi32>
      %add3A_1310 = arith.addi %add3A_1301, %xor3A_1309 : vector<128x128xi32>
      %shift_left3A_1311 = arith.constant 26 : i32
      %shift_left3A_1312 = vector.broadcast %shift_left3A_1311 : i32 to vector<128x128xi32>
      %shift_left3A_1313 = arith.shli %xor3A_1309, %shift_left3A_1312 : vector<128x128xi32>
      %shift_right_logical3A_1314 = arith.constant 6 : i32
      %shift_right_logical3A_1315 = vector.broadcast %shift_right_logical3A_1314 : i32 to vector<128x128xi32>
      %shift_right_logical3A_1316 = arith.shrui %xor3A_1309, %shift_right_logical3A_1315 : vector<128x128xi32>
      %or3A_1317 = arith.ori %shift_left3A_1313, %shift_right_logical3A_1316 : vector<128x128xi32>
      %xor3A_1318 = arith.xori %or3A_1317, %add3A_1310 : vector<128x128xi32>
      %add3A_1319 = arith.addi %add3A_1310, %xor3A_1318 : vector<128x128xi32>
      %shift_left3A_1320 = arith.constant 6 : i32
      %shift_left3A_1321 = vector.broadcast %shift_left3A_1320 : i32 to vector<128x128xi32>
      %shift_left3A_1322 = arith.shli %xor3A_1318, %shift_left3A_1321 : vector<128x128xi32>
      %shift_right_logical3A_1323 = arith.constant 26 : i32
      %shift_right_logical3A_1324 = vector.broadcast %shift_right_logical3A_1323 : i32 to vector<128x128xi32>
      %shift_right_logical3A_1325 = arith.shrui %xor3A_1318, %shift_right_logical3A_1324 : vector<128x128xi32>
      %or3A_1326 = arith.ori %shift_left3A_1322, %shift_right_logical3A_1325 : vector<128x128xi32>
      %xor3A_1327 = arith.xori %or3A_1326, %add3A_1319 : vector<128x128xi32>
      %add3A_1328 = arith.constant 0 : i32
      %add3A_1329 = vector.broadcast %add3A_1328 : i32 to vector<128x128xi32>
      %add3A_1330 = arith.addi %add3A_1319, %add3A_1329 : vector<128x128xi32>
      %add3A_1331 = arith.constant 42 : i32
      %add3A_1332 = vector.broadcast %add3A_1331 : i32 to vector<128x128xi32>
      %add3A_1333 = arith.addi %xor3A_1327, %add3A_1332 : vector<128x128xi32>
      %add3A_1334 = arith.constant 3 : i32
      %add3A_1335 = vector.broadcast %add3A_1334 : i32 to vector<128x128xi32>
      %add3A_1336 = arith.addi %add3A_1333, %add3A_1335 : vector<128x128xi32>
      %add3A_1337 = arith.addi %add3A_1330, %add3A_1336 : vector<128x128xi32>
      %shift_left3A_1338 = arith.constant 17 : i32
      %shift_left3A_1339 = vector.broadcast %shift_left3A_1338 : i32 to vector<128x128xi32>
      %shift_left3A_1340 = arith.shli %add3A_1336, %shift_left3A_1339 : vector<128x128xi32>
      %shift_right_logical3A_1341 = arith.constant 15 : i32
      %shift_right_logical3A_1342 = vector.broadcast %shift_right_logical3A_1341 : i32 to vector<128x128xi32>
      %shift_right_logical3A_1343 = arith.shrui %add3A_1336, %shift_right_logical3A_1342 : vector<128x128xi32>
      %or3A_1344 = arith.ori %shift_left3A_1340, %shift_right_logical3A_1343 : vector<128x128xi32>
      %xor3A_1345 = arith.xori %or3A_1344, %add3A_1337 : vector<128x128xi32>
      %add3A_1346 = arith.addi %add3A_1337, %xor3A_1345 : vector<128x128xi32>
      %shift_left3A_1347 = arith.constant 29 : i32
      %shift_left3A_1348 = vector.broadcast %shift_left3A_1347 : i32 to vector<128x128xi32>
      %shift_left3A_1349 = arith.shli %xor3A_1345, %shift_left3A_1348 : vector<128x128xi32>
      %shift_right_logical3A_1350 = arith.constant 3 : i32
      %shift_right_logical3A_1351 = vector.broadcast %shift_right_logical3A_1350 : i32 to vector<128x128xi32>
      %shift_right_logical3A_1352 = arith.shrui %xor3A_1345, %shift_right_logical3A_1351 : vector<128x128xi32>
      %or3A_1353 = arith.ori %shift_left3A_1349, %shift_right_logical3A_1352 : vector<128x128xi32>
      %xor3A_1354 = arith.xori %or3A_1353, %add3A_1346 : vector<128x128xi32>
      %add3A_1355 = arith.addi %add3A_1346, %xor3A_1354 : vector<128x128xi32>
      %shift_left3A_1356 = arith.constant 16 : i32
      %shift_left3A_1357 = vector.broadcast %shift_left3A_1356 : i32 to vector<128x128xi32>
      %shift_left3A_1358 = arith.shli %xor3A_1354, %shift_left3A_1357 : vector<128x128xi32>
      %shift_right_logical3A_1359 = arith.constant 16 : i32
      %shift_right_logical3A_1360 = vector.broadcast %shift_right_logical3A_1359 : i32 to vector<128x128xi32>
      %shift_right_logical3A_1361 = arith.shrui %xor3A_1354, %shift_right_logical3A_1360 : vector<128x128xi32>
      %or3A_1362 = arith.ori %shift_left3A_1358, %shift_right_logical3A_1361 : vector<128x128xi32>
      %xor3A_1363 = arith.xori %or3A_1362, %add3A_1355 : vector<128x128xi32>
      %add3A_1364 = arith.addi %add3A_1355, %xor3A_1363 : vector<128x128xi32>
      %shift_left3A_1365 = arith.constant 24 : i32
      %shift_left3A_1366 = vector.broadcast %shift_left3A_1365 : i32 to vector<128x128xi32>
      %shift_left3A_1367 = arith.shli %xor3A_1363, %shift_left3A_1366 : vector<128x128xi32>
      %shift_right_logical3A_1368 = arith.constant 8 : i32
      %shift_right_logical3A_1369 = vector.broadcast %shift_right_logical3A_1368 : i32 to vector<128x128xi32>
      %shift_right_logical3A_1370 = arith.shrui %xor3A_1363, %shift_right_logical3A_1369 : vector<128x128xi32>
      %or3A_1371 = arith.ori %shift_left3A_1367, %shift_right_logical3A_1370 : vector<128x128xi32>
      %xor3A_1372 = arith.xori %or3A_1371, %add3A_1364 : vector<128x128xi32>
      %add3A_1373 = arith.constant 42 : i32
      %add3A_1374 = vector.broadcast %add3A_1373 : i32 to vector<128x128xi32>
      %add3A_1375 = arith.addi %add3A_1364, %add3A_1374 : vector<128x128xi32>
      %add3A_1376 = vector.broadcast %xor3A_1201 : i32 to vector<128x128xi32>
      %add3A_1377 = arith.addi %xor3A_1372, %add3A_1376 : vector<128x128xi32>
      %add3A_1378 = arith.constant 4 : i32
      %add3A_1379 = vector.broadcast %add3A_1378 : i32 to vector<128x128xi32>
      %add3A_1380 = arith.addi %add3A_1377, %add3A_1379 : vector<128x128xi32>
      %add3A_1381 = arith.addi %add3A_1375, %add3A_1380 : vector<128x128xi32>
      %shift_left3A_1382 = arith.constant 13 : i32
      %shift_left3A_1383 = vector.broadcast %shift_left3A_1382 : i32 to vector<128x128xi32>
      %shift_left3A_1384 = arith.shli %add3A_1380, %shift_left3A_1383 : vector<128x128xi32>
      %shift_right_logical3A_1385 = arith.constant 19 : i32
      %shift_right_logical3A_1386 = vector.broadcast %shift_right_logical3A_1385 : i32 to vector<128x128xi32>
      %shift_right_logical3A_1387 = arith.shrui %add3A_1380, %shift_right_logical3A_1386 : vector<128x128xi32>
      %or3A_1388 = arith.ori %shift_left3A_1384, %shift_right_logical3A_1387 : vector<128x128xi32>
      %xor3A_1389 = arith.xori %or3A_1388, %add3A_1381 : vector<128x128xi32>
      %add3A_1390 = arith.addi %add3A_1381, %xor3A_1389 : vector<128x128xi32>
      %shift_left3A_1391 = arith.constant 15 : i32
      %shift_left3A_1392 = vector.broadcast %shift_left3A_1391 : i32 to vector<128x128xi32>
      %shift_left3A_1393 = arith.shli %xor3A_1389, %shift_left3A_1392 : vector<128x128xi32>
      %shift_right_logical3A_1394 = arith.constant 17 : i32
      %shift_right_logical3A_1395 = vector.broadcast %shift_right_logical3A_1394 : i32 to vector<128x128xi32>
      %shift_right_logical3A_1396 = arith.shrui %xor3A_1389, %shift_right_logical3A_1395 : vector<128x128xi32>
      %or3A_1397 = arith.ori %shift_left3A_1393, %shift_right_logical3A_1396 : vector<128x128xi32>
      %xor3A_1398 = arith.xori %or3A_1397, %add3A_1390 : vector<128x128xi32>
      %add3A_1399 = arith.addi %add3A_1390, %xor3A_1398 : vector<128x128xi32>
      %shift_left3A_1400 = arith.constant 26 : i32
      %shift_left3A_1401 = vector.broadcast %shift_left3A_1400 : i32 to vector<128x128xi32>
      %shift_left3A_1402 = arith.shli %xor3A_1398, %shift_left3A_1401 : vector<128x128xi32>
      %shift_right_logical3A_1403 = arith.constant 6 : i32
      %shift_right_logical3A_1404 = vector.broadcast %shift_right_logical3A_1403 : i32 to vector<128x128xi32>
      %shift_right_logical3A_1405 = arith.shrui %xor3A_1398, %shift_right_logical3A_1404 : vector<128x128xi32>
      %or3A_1406 = arith.ori %shift_left3A_1402, %shift_right_logical3A_1405 : vector<128x128xi32>
      %xor3A_1407 = arith.xori %or3A_1406, %add3A_1399 : vector<128x128xi32>
      %add3A_1408 = arith.addi %add3A_1399, %xor3A_1407 : vector<128x128xi32>
      %shift_left3A_1409 = arith.constant 6 : i32
      %shift_left3A_1410 = vector.broadcast %shift_left3A_1409 : i32 to vector<128x128xi32>
      %shift_left3A_1411 = arith.shli %xor3A_1407, %shift_left3A_1410 : vector<128x128xi32>
      %shift_right_logical3A_1412 = arith.constant 26 : i32
      %shift_right_logical3A_1413 = vector.broadcast %shift_right_logical3A_1412 : i32 to vector<128x128xi32>
      %shift_right_logical3A_1414 = arith.shrui %xor3A_1407, %shift_right_logical3A_1413 : vector<128x128xi32>
      %or3A_1415 = arith.ori %shift_left3A_1411, %shift_right_logical3A_1414 : vector<128x128xi32>
      %xor3A_1416 = arith.xori %or3A_1415, %add3A_1408 : vector<128x128xi32>
      %add3A_1417 = vector.broadcast %xor3A_1201 : i32 to vector<128x128xi32>
      %add3A_1418 = arith.addi %add3A_1408, %add3A_1417 : vector<128x128xi32>
      %add3A_1419 = arith.constant 0 : i32
      %add3A_1420 = vector.broadcast %add3A_1419 : i32 to vector<128x128xi32>
      %add3A_1421 = arith.addi %xor3A_1416, %add3A_1420 : vector<128x128xi32>
      %add3A_1422 = arith.constant 5 : i32
      %add3A_1423 = vector.broadcast %add3A_1422 : i32 to vector<128x128xi32>
      %add3A_1424 = arith.addi %add3A_1421, %add3A_1423 : vector<128x128xi32>
      %xor3A_1425 = arith.xori %add3A_1418, %add3A_1424 : vector<128x128xi32>
      %shift_right_logical3A_1426 = arith.constant 9 : i32
      %shift_right_logical3A_1427 = vector.broadcast %shift_right_logical3A_1426 : i32 to vector<128x128xi32>
      %shift_right_logical3A_1428 = arith.shrui %xor3A_1425, %shift_right_logical3A_1427 : vector<128x128xi32>
      %or3A_1429 = arith.constant 1065353216 : i32
      %or3A_1430 = vector.broadcast %or3A_1429 : i32 to vector<128x128xi32>
      %or3A_1431 = arith.ori %shift_right_logical3A_1428, %or3A_1430 : vector<128x128xi32>
      %bitcast_convert_type3A_1432 = tpu.bitcast %or3A_1431 : vector<128x128xi32> -> vector<128x128xf32>
      %sub3A_1433 = arith.constant 1.000000e+00 : f32
      %sub3A_1434 = vector.broadcast %sub3A_1433 : f32 to vector<128x128xf32>
      %sub3A_1435 = arith.subf %bitcast_convert_type3A_1432, %sub3A_1434 : vector<128x128xf32>
      %mul3A_1436 = arith.constant 1.000000e+00 : f32
      %mul3A_1437 = vector.broadcast %mul3A_1436 : f32 to vector<128x128xf32>
      %mul3A_1438 = arith.mulf %sub3A_1435, %mul3A_1437 : vector<128x128xf32>
      %add3A_1439 = arith.constant 1.17549435E-38 : f32
      %add3A_1440 = vector.broadcast %add3A_1439 : f32 to vector<128x128xf32>
      %add3A_1441 = arith.addf %mul3A_1438, %add3A_1440 : vector<128x128xf32>
      %max3A_1442 = arith.constant 1.17549435E-38 : f32
      %max3A_1443 = vector.broadcast %max3A_1442 : f32 to vector<128x128xf32>
      %max3A_1444 = arith.maximumf %max3A_1443, %add3A_1441 : vector<128x128xf32>
      %log3A_1445 = math.log %max3A_1444 : vector<128x128xf32>
      %neg3A_1446 = arith.constant 0.000000e+00 : f32
      %neg3A_1447 = vector.broadcast %neg3A_1446 : f32 to vector<128x128xf32>
      %neg3A_1448 = arith.subf %neg3A_1447, %log3A_1445 : vector<128x128xf32>
      %log3A_1449 = math.log %neg3A_1448 : vector<128x128xf32>
      %neg3A_1450 = arith.constant 0.000000e+00 : f32
      %neg3A_1451 = vector.broadcast %neg3A_1450 : f32 to vector<128x128xf32>
      %neg3A_1452 = arith.subf %neg3A_1451, %log3A_1449 : vector<128x128xf32>
      %add3A_1453 = arith.addf %neg3A_1452, %log3A : vector<128x128xf32>
      %reduce_max3A_1454 = arith.constant dense<0xFF800000> : vector<128xf32>
      %reduce_max3A_1455 = vector.multi_reduction <maximumf>, %add3A_1453, %reduce_max3A_1454 [0] : vector<128x128xf32> to vector<128xf32>
      %broadcast_in_dim3A_1456 = vector.shape_cast %reduce_max3A_1455 : vector<128xf32> to vector<1x128xf32>
      %eq3A_1457 = vector.broadcast %broadcast_in_dim3A_1456 : vector<1x128xf32> to vector<128x128xf32>
      %eq3A_1458 = arith.cmpf oeq, %add3A_1453, %eq3A_1457 : vector<128x128xf32>
      %jit3A_1459 = arith.constant 128 : i32
      %broadcast_in_dim3A_1460 = vector.broadcast %jit3A_1459 : i32 to vector<128x128xi32>
      %select_n3A_1461 = arith.select %eq3A_1458, %iota3A_11, %broadcast_in_dim3A_1460 : vector<128x128xi1>, vector<128x128xi32>
      %reduce_min3A_1462 = arith.constant dense<2147483647> : vector<128xi32>
      %reduce_min3A_1463 = vector.multi_reduction <minsi>, %select_n3A_1461, %reduce_min3A_1462 [0] : vector<128x128xi32> to vector<128xi32>
      %broadcast_in_dim3A_1464 = vector.shape_cast %reduce_min3A_1463 : vector<128xi32> to vector<1x128xi32>
      %mul3A_1465 = arith.constant 128 : i32
      %mul3A_1466 = vector.broadcast %mul3A_1465 : i32 to vector<1x128xi32>
      %mul3A_1467 = arith.muli %broadcast_in_dim3A_1464, %mul3A_1466 : vector<1x128xi32>
      %add3A_1468 = arith.addi %iota3A_12, %mul3A_1467 : vector<1x128xi32>
      %swap3A_1469 = arith.index_cast %add3A_1190 : i32 to index
      %swap3A_1470 = arith.constant 0 : index
      %swap3A_1471 = vector.load %arg1[%swap3A_1469, %swap3A_1470] : memref<48x128xi32, #tpu.memory_space<vmem>>, vector<1x128xi32>
      tpu.vector_store %arg1[%swap3A_1469, %swap3A_1470], %add3A_1468 {strides = array<i32>} : memref<48x128xi32, #tpu.memory_space<vmem>>, vector<1x128xi32>,
      %eq3A_1472 = vector.broadcast %broadcast_in_dim3A_1464 : vector<1x128xi32> to vector<128x128xi32>
      %eq3A_1473 = arith.cmpi eq, %eq3A_1472, %iota3A_11 : vector<128x128xi32>
      %jit3A_1474 = arith.constant 0.000000e+00 : f32
      %broadcast_in_dim3A_1475 = vector.broadcast %jit3A_1474 : f32 to vector<128x128xf32>
      %select_n3A_1476 = arith.select %eq3A_1473, %sub3A, %broadcast_in_dim3A_1475 : vector<128x128xi1>, vector<128x128xf32>
      %reduce_sum3A_1477 = arith.constant dense<0.000000e+00> : vector<128xf32>
      %reduce_sum3A_1478 = vector.multi_reduction <add>, %select_n3A_1476, %reduce_sum3A_1477 [0] : vector<128x128xf32> to vector<128xf32>
      %broadcast_in_dim3A_1479 = vector.shape_cast %reduce_sum3A_1478 : vector<128xf32> to vector<1x128xf32>
      %swap3A_1480 = arith.index_cast %add3A_1190 : i32 to index
      %swap3A_1481 = arith.constant 0 : index
      %swap3A_1482 = vector.load %arg2[%swap3A_1480, %swap3A_1481] : memref<48x128xf32, #tpu.memory_space<vmem>>, vector<1x128xf32>
      tpu.vector_store %arg2[%swap3A_1480, %swap3A_1481], %broadcast_in_dim3A_1479 {strides = array<i32>} : memref<48x128xf32, #tpu.memory_space<vmem>>, vector<1x128xf32>,
      %mul3A_1483 = arith.constant 8 : i32
      %mul3A_1484 = arith.muli %mul3A_1483, %scan3A_17 : i32
      %add3A_1485 = arith.constant 5 : i32
      %add3A_1486 = arith.addi %mul3A_1484, %add3A_1485 : i32
      %add3A_1487 = arith.constant 80 : i32
      %add3A_1488 = arith.addi %add3A_1486, %add3A_1487 : i32
      %mul3A_1489 = arith.constant 16384 : i32
      %mul3A_1490 = arith.muli %add3A_1488, %mul3A_1489 : i32
      %add3A_1491 = vector.broadcast %mul3A_1490 : i32 to vector<128x128xi32>
      %add3A_1492 = arith.addi %add3A_10, %add3A_1491 : vector<128x128xi32>
      %xor3A_1493 = arith.constant 0 : i32
      %xor3A_1494 = arith.constant 42 : i32
      %xor3A_1495 = arith.xori %xor3A_1493, %xor3A_1494 : i32
      %xor3A_1496 = arith.constant 466688986 : i32
      %xor3A_1497 = arith.xori %xor3A_1495, %xor3A_1496 : i32
      %add3A_1498 = arith.constant 42 : i32
      %add3A_1499 = vector.broadcast %add3A_1498 : i32 to vector<128x128xi32>
      %add3A_1500 = arith.addi %add3A_1492, %add3A_1499 : vector<128x128xi32>
      %shift_left3A_1501 = arith.constant 13 : i32
      %shift_left3A_1502 = vector.broadcast %shift_left3A_1501 : i32 to vector<128x128xi32>
      %shift_left3A_1503 = arith.shli %add3A_1500, %shift_left3A_1502 : vector<128x128xi32>
      %shift_right_logical3A_1504 = arith.constant 19 : i32
      %shift_right_logical3A_1505 = vector.broadcast %shift_right_logical3A_1504 : i32 to vector<128x128xi32>
      %shift_right_logical3A_1506 = arith.shrui %add3A_1500, %shift_right_logical3A_1505 : vector<128x128xi32>
      %or3A_1507 = arith.ori %shift_left3A_1503, %shift_right_logical3A_1506 : vector<128x128xi32>
      %xor3A_1508 = arith.xori %or3A_1507, %add3A_1500 : vector<128x128xi32>
      %add3A_1509 = arith.addi %add3A_1500, %xor3A_1508 : vector<128x128xi32>
      %shift_left3A_1510 = arith.constant 15 : i32
      %shift_left3A_1511 = vector.broadcast %shift_left3A_1510 : i32 to vector<128x128xi32>
      %shift_left3A_1512 = arith.shli %xor3A_1508, %shift_left3A_1511 : vector<128x128xi32>
      %shift_right_logical3A_1513 = arith.constant 17 : i32
      %shift_right_logical3A_1514 = vector.broadcast %shift_right_logical3A_1513 : i32 to vector<128x128xi32>
      %shift_right_logical3A_1515 = arith.shrui %xor3A_1508, %shift_right_logical3A_1514 : vector<128x128xi32>
      %or3A_1516 = arith.ori %shift_left3A_1512, %shift_right_logical3A_1515 : vector<128x128xi32>
      %xor3A_1517 = arith.xori %or3A_1516, %add3A_1509 : vector<128x128xi32>
      %add3A_1518 = arith.addi %add3A_1509, %xor3A_1517 : vector<128x128xi32>
      %shift_left3A_1519 = arith.constant 26 : i32
      %shift_left3A_1520 = vector.broadcast %shift_left3A_1519 : i32 to vector<128x128xi32>
      %shift_left3A_1521 = arith.shli %xor3A_1517, %shift_left3A_1520 : vector<128x128xi32>
      %shift_right_logical3A_1522 = arith.constant 6 : i32
      %shift_right_logical3A_1523 = vector.broadcast %shift_right_logical3A_1522 : i32 to vector<128x128xi32>
      %shift_right_logical3A_1524 = arith.shrui %xor3A_1517, %shift_right_logical3A_1523 : vector<128x128xi32>
      %or3A_1525 = arith.ori %shift_left3A_1521, %shift_right_logical3A_1524 : vector<128x128xi32>
      %xor3A_1526 = arith.xori %or3A_1525, %add3A_1518 : vector<128x128xi32>
      %add3A_1527 = arith.addi %add3A_1518, %xor3A_1526 : vector<128x128xi32>
      %shift_left3A_1528 = arith.constant 6 : i32
      %shift_left3A_1529 = vector.broadcast %shift_left3A_1528 : i32 to vector<128x128xi32>
      %shift_left3A_1530 = arith.shli %xor3A_1526, %shift_left3A_1529 : vector<128x128xi32>
      %shift_right_logical3A_1531 = arith.constant 26 : i32
      %shift_right_logical3A_1532 = vector.broadcast %shift_right_logical3A_1531 : i32 to vector<128x128xi32>
      %shift_right_logical3A_1533 = arith.shrui %xor3A_1526, %shift_right_logical3A_1532 : vector<128x128xi32>
      %or3A_1534 = arith.ori %shift_left3A_1530, %shift_right_logical3A_1533 : vector<128x128xi32>
      %xor3A_1535 = arith.xori %or3A_1534, %add3A_1527 : vector<128x128xi32>
      %add3A_1536 = arith.constant 42 : i32
      %add3A_1537 = vector.broadcast %add3A_1536 : i32 to vector<128x128xi32>
      %add3A_1538 = arith.addi %add3A_1527, %add3A_1537 : vector<128x128xi32>
      %add3A_1539 = vector.broadcast %xor3A_1497 : i32 to vector<128x128xi32>
      %add3A_1540 = arith.addi %xor3A_1535, %add3A_1539 : vector<128x128xi32>
      %add3A_1541 = arith.constant 1 : i32
      %add3A_1542 = vector.broadcast %add3A_1541 : i32 to vector<128x128xi32>
      %add3A_1543 = arith.addi %add3A_1540, %add3A_1542 : vector<128x128xi32>
      %add3A_1544 = arith.addi %add3A_1538, %add3A_1543 : vector<128x128xi32>
      %shift_left3A_1545 = arith.constant 17 : i32
      %shift_left3A_1546 = vector.broadcast %shift_left3A_1545 : i32 to vector<128x128xi32>
      %shift_left3A_1547 = arith.shli %add3A_1543, %shift_left3A_1546 : vector<128x128xi32>
      %shift_right_logical3A_1548 = arith.constant 15 : i32
      %shift_right_logical3A_1549 = vector.broadcast %shift_right_logical3A_1548 : i32 to vector<128x128xi32>
      %shift_right_logical3A_1550 = arith.shrui %add3A_1543, %shift_right_logical3A_1549 : vector<128x128xi32>
      %or3A_1551 = arith.ori %shift_left3A_1547, %shift_right_logical3A_1550 : vector<128x128xi32>
      %xor3A_1552 = arith.xori %or3A_1551, %add3A_1544 : vector<128x128xi32>
      %add3A_1553 = arith.addi %add3A_1544, %xor3A_1552 : vector<128x128xi32>
      %shift_left3A_1554 = arith.constant 29 : i32
      %shift_left3A_1555 = vector.broadcast %shift_left3A_1554 : i32 to vector<128x128xi32>
      %shift_left3A_1556 = arith.shli %xor3A_1552, %shift_left3A_1555 : vector<128x128xi32>
      %shift_right_logical3A_1557 = arith.constant 3 : i32
      %shift_right_logical3A_1558 = vector.broadcast %shift_right_logical3A_1557 : i32 to vector<128x128xi32>
      %shift_right_logical3A_1559 = arith.shrui %xor3A_1552, %shift_right_logical3A_1558 : vector<128x128xi32>
      %or3A_1560 = arith.ori %shift_left3A_1556, %shift_right_logical3A_1559 : vector<128x128xi32>
      %xor3A_1561 = arith.xori %or3A_1560, %add3A_1553 : vector<128x128xi32>
      %add3A_1562 = arith.addi %add3A_1553, %xor3A_1561 : vector<128x128xi32>
      %shift_left3A_1563 = arith.constant 16 : i32
      %shift_left3A_1564 = vector.broadcast %shift_left3A_1563 : i32 to vector<128x128xi32>
      %shift_left3A_1565 = arith.shli %xor3A_1561, %shift_left3A_1564 : vector<128x128xi32>
      %shift_right_logical3A_1566 = arith.constant 16 : i32
      %shift_right_logical3A_1567 = vector.broadcast %shift_right_logical3A_1566 : i32 to vector<128x128xi32>
      %shift_right_logical3A_1568 = arith.shrui %xor3A_1561, %shift_right_logical3A_1567 : vector<128x128xi32>
      %or3A_1569 = arith.ori %shift_left3A_1565, %shift_right_logical3A_1568 : vector<128x128xi32>
      %xor3A_1570 = arith.xori %or3A_1569, %add3A_1562 : vector<128x128xi32>
      %add3A_1571 = arith.addi %add3A_1562, %xor3A_1570 : vector<128x128xi32>
      %shift_left3A_1572 = arith.constant 24 : i32
      %shift_left3A_1573 = vector.broadcast %shift_left3A_1572 : i32 to vector<128x128xi32>
      %shift_left3A_1574 = arith.shli %xor3A_1570, %shift_left3A_1573 : vector<128x128xi32>
      %shift_right_logical3A_1575 = arith.constant 8 : i32
      %shift_right_logical3A_1576 = vector.broadcast %shift_right_logical3A_1575 : i32 to vector<128x128xi32>
      %shift_right_logical3A_1577 = arith.shrui %xor3A_1570, %shift_right_logical3A_1576 : vector<128x128xi32>
      %or3A_1578 = arith.ori %shift_left3A_1574, %shift_right_logical3A_1577 : vector<128x128xi32>
      %xor3A_1579 = arith.xori %or3A_1578, %add3A_1571 : vector<128x128xi32>
      %add3A_1580 = vector.broadcast %xor3A_1497 : i32 to vector<128x128xi32>
      %add3A_1581 = arith.addi %add3A_1571, %add3A_1580 : vector<128x128xi32>
      %add3A_1582 = arith.constant 0 : i32
      %add3A_1583 = vector.broadcast %add3A_1582 : i32 to vector<128x128xi32>
      %add3A_1584 = arith.addi %xor3A_1579, %add3A_1583 : vector<128x128xi32>
      %add3A_1585 = arith.constant 2 : i32
      %add3A_1586 = vector.broadcast %add3A_1585 : i32 to vector<128x128xi32>
      %add3A_1587 = arith.addi %add3A_1584, %add3A_1586 : vector<128x128xi32>
      %add3A_1588 = arith.addi %add3A_1581, %add3A_1587 : vector<128x128xi32>
      %shift_left3A_1589 = arith.constant 13 : i32
      %shift_left3A_1590 = vector.broadcast %shift_left3A_1589 : i32 to vector<128x128xi32>
      %shift_left3A_1591 = arith.shli %add3A_1587, %shift_left3A_1590 : vector<128x128xi32>
      %shift_right_logical3A_1592 = arith.constant 19 : i32
      %shift_right_logical3A_1593 = vector.broadcast %shift_right_logical3A_1592 : i32 to vector<128x128xi32>
      %shift_right_logical3A_1594 = arith.shrui %add3A_1587, %shift_right_logical3A_1593 : vector<128x128xi32>
      %or3A_1595 = arith.ori %shift_left3A_1591, %shift_right_logical3A_1594 : vector<128x128xi32>
      %xor3A_1596 = arith.xori %or3A_1595, %add3A_1588 : vector<128x128xi32>
      %add3A_1597 = arith.addi %add3A_1588, %xor3A_1596 : vector<128x128xi32>
      %shift_left3A_1598 = arith.constant 15 : i32
      %shift_left3A_1599 = vector.broadcast %shift_left3A_1598 : i32 to vector<128x128xi32>
      %shift_left3A_1600 = arith.shli %xor3A_1596, %shift_left3A_1599 : vector<128x128xi32>
      %shift_right_logical3A_1601 = arith.constant 17 : i32
      %shift_right_logical3A_1602 = vector.broadcast %shift_right_logical3A_1601 : i32 to vector<128x128xi32>
      %shift_right_logical3A_1603 = arith.shrui %xor3A_1596, %shift_right_logical3A_1602 : vector<128x128xi32>
      %or3A_1604 = arith.ori %shift_left3A_1600, %shift_right_logical3A_1603 : vector<128x128xi32>
      %xor3A_1605 = arith.xori %or3A_1604, %add3A_1597 : vector<128x128xi32>
      %add3A_1606 = arith.addi %add3A_1597, %xor3A_1605 : vector<128x128xi32>
      %shift_left3A_1607 = arith.constant 26 : i32
      %shift_left3A_1608 = vector.broadcast %shift_left3A_1607 : i32 to vector<128x128xi32>
      %shift_left3A_1609 = arith.shli %xor3A_1605, %shift_left3A_1608 : vector<128x128xi32>
      %shift_right_logical3A_1610 = arith.constant 6 : i32
      %shift_right_logical3A_1611 = vector.broadcast %shift_right_logical3A_1610 : i32 to vector<128x128xi32>
      %shift_right_logical3A_1612 = arith.shrui %xor3A_1605, %shift_right_logical3A_1611 : vector<128x128xi32>
      %or3A_1613 = arith.ori %shift_left3A_1609, %shift_right_logical3A_1612 : vector<128x128xi32>
      %xor3A_1614 = arith.xori %or3A_1613, %add3A_1606 : vector<128x128xi32>
      %add3A_1615 = arith.addi %add3A_1606, %xor3A_1614 : vector<128x128xi32>
      %shift_left3A_1616 = arith.constant 6 : i32
      %shift_left3A_1617 = vector.broadcast %shift_left3A_1616 : i32 to vector<128x128xi32>
      %shift_left3A_1618 = arith.shli %xor3A_1614, %shift_left3A_1617 : vector<128x128xi32>
      %shift_right_logical3A_1619 = arith.constant 26 : i32
      %shift_right_logical3A_1620 = vector.broadcast %shift_right_logical3A_1619 : i32 to vector<128x128xi32>
      %shift_right_logical3A_1621 = arith.shrui %xor3A_1614, %shift_right_logical3A_1620 : vector<128x128xi32>
      %or3A_1622 = arith.ori %shift_left3A_1618, %shift_right_logical3A_1621 : vector<128x128xi32>
      %xor3A_1623 = arith.xori %or3A_1622, %add3A_1615 : vector<128x128xi32>
      %add3A_1624 = arith.constant 0 : i32
      %add3A_1625 = vector.broadcast %add3A_1624 : i32 to vector<128x128xi32>
      %add3A_1626 = arith.addi %add3A_1615, %add3A_1625 : vector<128x128xi32>
      %add3A_1627 = arith.constant 42 : i32
      %add3A_1628 = vector.broadcast %add3A_1627 : i32 to vector<128x128xi32>
      %add3A_1629 = arith.addi %xor3A_1623, %add3A_1628 : vector<128x128xi32>
      %add3A_1630 = arith.constant 3 : i32
      %add3A_1631 = vector.broadcast %add3A_1630 : i32 to vector<128x128xi32>
      %add3A_1632 = arith.addi %add3A_1629, %add3A_1631 : vector<128x128xi32>
      %add3A_1633 = arith.addi %add3A_1626, %add3A_1632 : vector<128x128xi32>
      %shift_left3A_1634 = arith.constant 17 : i32
      %shift_left3A_1635 = vector.broadcast %shift_left3A_1634 : i32 to vector<128x128xi32>
      %shift_left3A_1636 = arith.shli %add3A_1632, %shift_left3A_1635 : vector<128x128xi32>
      %shift_right_logical3A_1637 = arith.constant 15 : i32
      %shift_right_logical3A_1638 = vector.broadcast %shift_right_logical3A_1637 : i32 to vector<128x128xi32>
      %shift_right_logical3A_1639 = arith.shrui %add3A_1632, %shift_right_logical3A_1638 : vector<128x128xi32>
      %or3A_1640 = arith.ori %shift_left3A_1636, %shift_right_logical3A_1639 : vector<128x128xi32>
      %xor3A_1641 = arith.xori %or3A_1640, %add3A_1633 : vector<128x128xi32>
      %add3A_1642 = arith.addi %add3A_1633, %xor3A_1641 : vector<128x128xi32>
      %shift_left3A_1643 = arith.constant 29 : i32
      %shift_left3A_1644 = vector.broadcast %shift_left3A_1643 : i32 to vector<128x128xi32>
      %shift_left3A_1645 = arith.shli %xor3A_1641, %shift_left3A_1644 : vector<128x128xi32>
      %shift_right_logical3A_1646 = arith.constant 3 : i32
      %shift_right_logical3A_1647 = vector.broadcast %shift_right_logical3A_1646 : i32 to vector<128x128xi32>
      %shift_right_logical3A_1648 = arith.shrui %xor3A_1641, %shift_right_logical3A_1647 : vector<128x128xi32>
      %or3A_1649 = arith.ori %shift_left3A_1645, %shift_right_logical3A_1648 : vector<128x128xi32>
      %xor3A_1650 = arith.xori %or3A_1649, %add3A_1642 : vector<128x128xi32>
      %add3A_1651 = arith.addi %add3A_1642, %xor3A_1650 : vector<128x128xi32>
      %shift_left3A_1652 = arith.constant 16 : i32
      %shift_left3A_1653 = vector.broadcast %shift_left3A_1652 : i32 to vector<128x128xi32>
      %shift_left3A_1654 = arith.shli %xor3A_1650, %shift_left3A_1653 : vector<128x128xi32>
      %shift_right_logical3A_1655 = arith.constant 16 : i32
      %shift_right_logical3A_1656 = vector.broadcast %shift_right_logical3A_1655 : i32 to vector<128x128xi32>
      %shift_right_logical3A_1657 = arith.shrui %xor3A_1650, %shift_right_logical3A_1656 : vector<128x128xi32>
      %or3A_1658 = arith.ori %shift_left3A_1654, %shift_right_logical3A_1657 : vector<128x128xi32>
      %xor3A_1659 = arith.xori %or3A_1658, %add3A_1651 : vector<128x128xi32>
      %add3A_1660 = arith.addi %add3A_1651, %xor3A_1659 : vector<128x128xi32>
      %shift_left3A_1661 = arith.constant 24 : i32
      %shift_left3A_1662 = vector.broadcast %shift_left3A_1661 : i32 to vector<128x128xi32>
      %shift_left3A_1663 = arith.shli %xor3A_1659, %shift_left3A_1662 : vector<128x128xi32>
      %shift_right_logical3A_1664 = arith.constant 8 : i32
      %shift_right_logical3A_1665 = vector.broadcast %shift_right_logical3A_1664 : i32 to vector<128x128xi32>
      %shift_right_logical3A_1666 = arith.shrui %xor3A_1659, %shift_right_logical3A_1665 : vector<128x128xi32>
      %or3A_1667 = arith.ori %shift_left3A_1663, %shift_right_logical3A_1666 : vector<128x128xi32>
      %xor3A_1668 = arith.xori %or3A_1667, %add3A_1660 : vector<128x128xi32>
      %add3A_1669 = arith.constant 42 : i32
      %add3A_1670 = vector.broadcast %add3A_1669 : i32 to vector<128x128xi32>
      %add3A_1671 = arith.addi %add3A_1660, %add3A_1670 : vector<128x128xi32>
      %add3A_1672 = vector.broadcast %xor3A_1497 : i32 to vector<128x128xi32>
      %add3A_1673 = arith.addi %xor3A_1668, %add3A_1672 : vector<128x128xi32>
      %add3A_1674 = arith.constant 4 : i32
      %add3A_1675 = vector.broadcast %add3A_1674 : i32 to vector<128x128xi32>
      %add3A_1676 = arith.addi %add3A_1673, %add3A_1675 : vector<128x128xi32>
      %add3A_1677 = arith.addi %add3A_1671, %add3A_1676 : vector<128x128xi32>
      %shift_left3A_1678 = arith.constant 13 : i32
      %shift_left3A_1679 = vector.broadcast %shift_left3A_1678 : i32 to vector<128x128xi32>
      %shift_left3A_1680 = arith.shli %add3A_1676, %shift_left3A_1679 : vector<128x128xi32>
      %shift_right_logical3A_1681 = arith.constant 19 : i32
      %shift_right_logical3A_1682 = vector.broadcast %shift_right_logical3A_1681 : i32 to vector<128x128xi32>
      %shift_right_logical3A_1683 = arith.shrui %add3A_1676, %shift_right_logical3A_1682 : vector<128x128xi32>
      %or3A_1684 = arith.ori %shift_left3A_1680, %shift_right_logical3A_1683 : vector<128x128xi32>
      %xor3A_1685 = arith.xori %or3A_1684, %add3A_1677 : vector<128x128xi32>
      %add3A_1686 = arith.addi %add3A_1677, %xor3A_1685 : vector<128x128xi32>
      %shift_left3A_1687 = arith.constant 15 : i32
      %shift_left3A_1688 = vector.broadcast %shift_left3A_1687 : i32 to vector<128x128xi32>
      %shift_left3A_1689 = arith.shli %xor3A_1685, %shift_left3A_1688 : vector<128x128xi32>
      %shift_right_logical3A_1690 = arith.constant 17 : i32
      %shift_right_logical3A_1691 = vector.broadcast %shift_right_logical3A_1690 : i32 to vector<128x128xi32>
      %shift_right_logical3A_1692 = arith.shrui %xor3A_1685, %shift_right_logical3A_1691 : vector<128x128xi32>
      %or3A_1693 = arith.ori %shift_left3A_1689, %shift_right_logical3A_1692 : vector<128x128xi32>
      %xor3A_1694 = arith.xori %or3A_1693, %add3A_1686 : vector<128x128xi32>
      %add3A_1695 = arith.addi %add3A_1686, %xor3A_1694 : vector<128x128xi32>
      %shift_left3A_1696 = arith.constant 26 : i32
      %shift_left3A_1697 = vector.broadcast %shift_left3A_1696 : i32 to vector<128x128xi32>
      %shift_left3A_1698 = arith.shli %xor3A_1694, %shift_left3A_1697 : vector<128x128xi32>
      %shift_right_logical3A_1699 = arith.constant 6 : i32
      %shift_right_logical3A_1700 = vector.broadcast %shift_right_logical3A_1699 : i32 to vector<128x128xi32>
      %shift_right_logical3A_1701 = arith.shrui %xor3A_1694, %shift_right_logical3A_1700 : vector<128x128xi32>
      %or3A_1702 = arith.ori %shift_left3A_1698, %shift_right_logical3A_1701 : vector<128x128xi32>
      %xor3A_1703 = arith.xori %or3A_1702, %add3A_1695 : vector<128x128xi32>
      %add3A_1704 = arith.addi %add3A_1695, %xor3A_1703 : vector<128x128xi32>
      %shift_left3A_1705 = arith.constant 6 : i32
      %shift_left3A_1706 = vector.broadcast %shift_left3A_1705 : i32 to vector<128x128xi32>
      %shift_left3A_1707 = arith.shli %xor3A_1703, %shift_left3A_1706 : vector<128x128xi32>
      %shift_right_logical3A_1708 = arith.constant 26 : i32
      %shift_right_logical3A_1709 = vector.broadcast %shift_right_logical3A_1708 : i32 to vector<128x128xi32>
      %shift_right_logical3A_1710 = arith.shrui %xor3A_1703, %shift_right_logical3A_1709 : vector<128x128xi32>
      %or3A_1711 = arith.ori %shift_left3A_1707, %shift_right_logical3A_1710 : vector<128x128xi32>
      %xor3A_1712 = arith.xori %or3A_1711, %add3A_1704 : vector<128x128xi32>
      %add3A_1713 = vector.broadcast %xor3A_1497 : i32 to vector<128x128xi32>
      %add3A_1714 = arith.addi %add3A_1704, %add3A_1713 : vector<128x128xi32>
      %add3A_1715 = arith.constant 0 : i32
      %add3A_1716 = vector.broadcast %add3A_1715 : i32 to vector<128x128xi32>
      %add3A_1717 = arith.addi %xor3A_1712, %add3A_1716 : vector<128x128xi32>
      %add3A_1718 = arith.constant 5 : i32
      %add3A_1719 = vector.broadcast %add3A_1718 : i32 to vector<128x128xi32>
      %add3A_1720 = arith.addi %add3A_1717, %add3A_1719 : vector<128x128xi32>
      %xor3A_1721 = arith.xori %add3A_1714, %add3A_1720 : vector<128x128xi32>
      %shift_right_logical3A_1722 = arith.constant 9 : i32
      %shift_right_logical3A_1723 = vector.broadcast %shift_right_logical3A_1722 : i32 to vector<128x128xi32>
      %shift_right_logical3A_1724 = arith.shrui %xor3A_1721, %shift_right_logical3A_1723 : vector<128x128xi32>
      %or3A_1725 = arith.constant 1065353216 : i32
      %or3A_1726 = vector.broadcast %or3A_1725 : i32 to vector<128x128xi32>
      %or3A_1727 = arith.ori %shift_right_logical3A_1724, %or3A_1726 : vector<128x128xi32>
      %bitcast_convert_type3A_1728 = tpu.bitcast %or3A_1727 : vector<128x128xi32> -> vector<128x128xf32>
      %sub3A_1729 = arith.constant 1.000000e+00 : f32
      %sub3A_1730 = vector.broadcast %sub3A_1729 : f32 to vector<128x128xf32>
      %sub3A_1731 = arith.subf %bitcast_convert_type3A_1728, %sub3A_1730 : vector<128x128xf32>
      %mul3A_1732 = arith.constant 1.000000e+00 : f32
      %mul3A_1733 = vector.broadcast %mul3A_1732 : f32 to vector<128x128xf32>
      %mul3A_1734 = arith.mulf %sub3A_1731, %mul3A_1733 : vector<128x128xf32>
      %add3A_1735 = arith.constant 1.17549435E-38 : f32
      %add3A_1736 = vector.broadcast %add3A_1735 : f32 to vector<128x128xf32>
      %add3A_1737 = arith.addf %mul3A_1734, %add3A_1736 : vector<128x128xf32>
      %max3A_1738 = arith.constant 1.17549435E-38 : f32
      %max3A_1739 = vector.broadcast %max3A_1738 : f32 to vector<128x128xf32>
      %max3A_1740 = arith.maximumf %max3A_1739, %add3A_1737 : vector<128x128xf32>
      %log3A_1741 = math.log %max3A_1740 : vector<128x128xf32>
      %neg3A_1742 = arith.constant 0.000000e+00 : f32
      %neg3A_1743 = vector.broadcast %neg3A_1742 : f32 to vector<128x128xf32>
      %neg3A_1744 = arith.subf %neg3A_1743, %log3A_1741 : vector<128x128xf32>
      %log3A_1745 = math.log %neg3A_1744 : vector<128x128xf32>
      %neg3A_1746 = arith.constant 0.000000e+00 : f32
      %neg3A_1747 = vector.broadcast %neg3A_1746 : f32 to vector<128x128xf32>
      %neg3A_1748 = arith.subf %neg3A_1747, %log3A_1745 : vector<128x128xf32>
      %add3A_1749 = arith.addf %neg3A_1748, %log3A : vector<128x128xf32>
      %reduce_max3A_1750 = arith.constant dense<0xFF800000> : vector<128xf32>
      %reduce_max3A_1751 = vector.multi_reduction <maximumf>, %add3A_1749, %reduce_max3A_1750 [0] : vector<128x128xf32> to vector<128xf32>
      %broadcast_in_dim3A_1752 = vector.shape_cast %reduce_max3A_1751 : vector<128xf32> to vector<1x128xf32>
      %eq3A_1753 = vector.broadcast %broadcast_in_dim3A_1752 : vector<1x128xf32> to vector<128x128xf32>
      %eq3A_1754 = arith.cmpf oeq, %add3A_1749, %eq3A_1753 : vector<128x128xf32>
      %jit3A_1755 = arith.constant 128 : i32
      %broadcast_in_dim3A_1756 = vector.broadcast %jit3A_1755 : i32 to vector<128x128xi32>
      %select_n3A_1757 = arith.select %eq3A_1754, %iota3A_11, %broadcast_in_dim3A_1756 : vector<128x128xi1>, vector<128x128xi32>
      %reduce_min3A_1758 = arith.constant dense<2147483647> : vector<128xi32>
      %reduce_min3A_1759 = vector.multi_reduction <minsi>, %select_n3A_1757, %reduce_min3A_1758 [0] : vector<128x128xi32> to vector<128xi32>
      %broadcast_in_dim3A_1760 = vector.shape_cast %reduce_min3A_1759 : vector<128xi32> to vector<1x128xi32>
      %mul3A_1761 = arith.constant 128 : i32
      %mul3A_1762 = vector.broadcast %mul3A_1761 : i32 to vector<1x128xi32>
      %mul3A_1763 = arith.muli %broadcast_in_dim3A_1760, %mul3A_1762 : vector<1x128xi32>
      %add3A_1764 = arith.addi %iota3A_12, %mul3A_1763 : vector<1x128xi32>
      %swap3A_1765 = arith.index_cast %add3A_1486 : i32 to index
      %swap3A_1766 = arith.constant 0 : index
      %swap3A_1767 = vector.load %arg1[%swap3A_1765, %swap3A_1766] : memref<48x128xi32, #tpu.memory_space<vmem>>, vector<1x128xi32>
      tpu.vector_store %arg1[%swap3A_1765, %swap3A_1766], %add3A_1764 {strides = array<i32>} : memref<48x128xi32, #tpu.memory_space<vmem>>, vector<1x128xi32>,
      %eq3A_1768 = vector.broadcast %broadcast_in_dim3A_1760 : vector<1x128xi32> to vector<128x128xi32>
      %eq3A_1769 = arith.cmpi eq, %eq3A_1768, %iota3A_11 : vector<128x128xi32>
      %jit3A_1770 = arith.constant 0.000000e+00 : f32
      %broadcast_in_dim3A_1771 = vector.broadcast %jit3A_1770 : f32 to vector<128x128xf32>
      %select_n3A_1772 = arith.select %eq3A_1769, %sub3A, %broadcast_in_dim3A_1771 : vector<128x128xi1>, vector<128x128xf32>
      %reduce_sum3A_1773 = arith.constant dense<0.000000e+00> : vector<128xf32>
      %reduce_sum3A_1774 = vector.multi_reduction <add>, %select_n3A_1772, %reduce_sum3A_1773 [0] : vector<128x128xf32> to vector<128xf32>
      %broadcast_in_dim3A_1775 = vector.shape_cast %reduce_sum3A_1774 : vector<128xf32> to vector<1x128xf32>
      %swap3A_1776 = arith.index_cast %add3A_1486 : i32 to index
      %swap3A_1777 = arith.constant 0 : index
      %swap3A_1778 = vector.load %arg2[%swap3A_1776, %swap3A_1777] : memref<48x128xf32, #tpu.memory_space<vmem>>, vector<1x128xf32>
      tpu.vector_store %arg2[%swap3A_1776, %swap3A_1777], %broadcast_in_dim3A_1775 {strides = array<i32>} : memref<48x128xf32, #tpu.memory_space<vmem>>, vector<1x128xf32>,
      %mul3A_1779 = arith.constant 8 : i32
      %mul3A_1780 = arith.muli %mul3A_1779, %scan3A_17 : i32
      %add3A_1781 = arith.constant 6 : i32
      %add3A_1782 = arith.addi %mul3A_1780, %add3A_1781 : i32
      %add3A_1783 = arith.constant 80 : i32
      %add3A_1784 = arith.addi %add3A_1782, %add3A_1783 : i32
      %mul3A_1785 = arith.constant 16384 : i32
      %mul3A_1786 = arith.muli %add3A_1784, %mul3A_1785 : i32
      %add3A_1787 = vector.broadcast %mul3A_1786 : i32 to vector<128x128xi32>
      %add3A_1788 = arith.addi %add3A_10, %add3A_1787 : vector<128x128xi32>
      %xor3A_1789 = arith.constant 0 : i32
      %xor3A_1790 = arith.constant 42 : i32
      %xor3A_1791 = arith.xori %xor3A_1789, %xor3A_1790 : i32
      %xor3A_1792 = arith.constant 466688986 : i32
      %xor3A_1793 = arith.xori %xor3A_1791, %xor3A_1792 : i32
      %add3A_1794 = arith.constant 42 : i32
      %add3A_1795 = vector.broadcast %add3A_1794 : i32 to vector<128x128xi32>
      %add3A_1796 = arith.addi %add3A_1788, %add3A_1795 : vector<128x128xi32>
      %shift_left3A_1797 = arith.constant 13 : i32
      %shift_left3A_1798 = vector.broadcast %shift_left3A_1797 : i32 to vector<128x128xi32>
      %shift_left3A_1799 = arith.shli %add3A_1796, %shift_left3A_1798 : vector<128x128xi32>
      %shift_right_logical3A_1800 = arith.constant 19 : i32
      %shift_right_logical3A_1801 = vector.broadcast %shift_right_logical3A_1800 : i32 to vector<128x128xi32>
      %shift_right_logical3A_1802 = arith.shrui %add3A_1796, %shift_right_logical3A_1801 : vector<128x128xi32>
      %or3A_1803 = arith.ori %shift_left3A_1799, %shift_right_logical3A_1802 : vector<128x128xi32>
      %xor3A_1804 = arith.xori %or3A_1803, %add3A_1796 : vector<128x128xi32>
      %add3A_1805 = arith.addi %add3A_1796, %xor3A_1804 : vector<128x128xi32>
      %shift_left3A_1806 = arith.constant 15 : i32
      %shift_left3A_1807 = vector.broadcast %shift_left3A_1806 : i32 to vector<128x128xi32>
      %shift_left3A_1808 = arith.shli %xor3A_1804, %shift_left3A_1807 : vector<128x128xi32>
      %shift_right_logical3A_1809 = arith.constant 17 : i32
      %shift_right_logical3A_1810 = vector.broadcast %shift_right_logical3A_1809 : i32 to vector<128x128xi32>
      %shift_right_logical3A_1811 = arith.shrui %xor3A_1804, %shift_right_logical3A_1810 : vector<128x128xi32>
      %or3A_1812 = arith.ori %shift_left3A_1808, %shift_right_logical3A_1811 : vector<128x128xi32>
      %xor3A_1813 = arith.xori %or3A_1812, %add3A_1805 : vector<128x128xi32>
      %add3A_1814 = arith.addi %add3A_1805, %xor3A_1813 : vector<128x128xi32>
      %shift_left3A_1815 = arith.constant 26 : i32
      %shift_left3A_1816 = vector.broadcast %shift_left3A_1815 : i32 to vector<128x128xi32>
      %shift_left3A_1817 = arith.shli %xor3A_1813, %shift_left3A_1816 : vector<128x128xi32>
      %shift_right_logical3A_1818 = arith.constant 6 : i32
      %shift_right_logical3A_1819 = vector.broadcast %shift_right_logical3A_1818 : i32 to vector<128x128xi32>
      %shift_right_logical3A_1820 = arith.shrui %xor3A_1813, %shift_right_logical3A_1819 : vector<128x128xi32>
      %or3A_1821 = arith.ori %shift_left3A_1817, %shift_right_logical3A_1820 : vector<128x128xi32>
      %xor3A_1822 = arith.xori %or3A_1821, %add3A_1814 : vector<128x128xi32>
      %add3A_1823 = arith.addi %add3A_1814, %xor3A_1822 : vector<128x128xi32>
      %shift_left3A_1824 = arith.constant 6 : i32
      %shift_left3A_1825 = vector.broadcast %shift_left3A_1824 : i32 to vector<128x128xi32>
      %shift_left3A_1826 = arith.shli %xor3A_1822, %shift_left3A_1825 : vector<128x128xi32>
      %shift_right_logical3A_1827 = arith.constant 26 : i32
      %shift_right_logical3A_1828 = vector.broadcast %shift_right_logical3A_1827 : i32 to vector<128x128xi32>
      %shift_right_logical3A_1829 = arith.shrui %xor3A_1822, %shift_right_logical3A_1828 : vector<128x128xi32>
      %or3A_1830 = arith.ori %shift_left3A_1826, %shift_right_logical3A_1829 : vector<128x128xi32>
      %xor3A_1831 = arith.xori %or3A_1830, %add3A_1823 : vector<128x128xi32>
      %add3A_1832 = arith.constant 42 : i32
      %add3A_1833 = vector.broadcast %add3A_1832 : i32 to vector<128x128xi32>
      %add3A_1834 = arith.addi %add3A_1823, %add3A_1833 : vector<128x128xi32>
      %add3A_1835 = vector.broadcast %xor3A_1793 : i32 to vector<128x128xi32>
      %add3A_1836 = arith.addi %xor3A_1831, %add3A_1835 : vector<128x128xi32>
      %add3A_1837 = arith.constant 1 : i32
      %add3A_1838 = vector.broadcast %add3A_1837 : i32 to vector<128x128xi32>
      %add3A_1839 = arith.addi %add3A_1836, %add3A_1838 : vector<128x128xi32>
      %add3A_1840 = arith.addi %add3A_1834, %add3A_1839 : vector<128x128xi32>
      %shift_left3A_1841 = arith.constant 17 : i32
      %shift_left3A_1842 = vector.broadcast %shift_left3A_1841 : i32 to vector<128x128xi32>
      %shift_left3A_1843 = arith.shli %add3A_1839, %shift_left3A_1842 : vector<128x128xi32>
      %shift_right_logical3A_1844 = arith.constant 15 : i32
      %shift_right_logical3A_1845 = vector.broadcast %shift_right_logical3A_1844 : i32 to vector<128x128xi32>
      %shift_right_logical3A_1846 = arith.shrui %add3A_1839, %shift_right_logical3A_1845 : vector<128x128xi32>
      %or3A_1847 = arith.ori %shift_left3A_1843, %shift_right_logical3A_1846 : vector<128x128xi32>
      %xor3A_1848 = arith.xori %or3A_1847, %add3A_1840 : vector<128x128xi32>
      %add3A_1849 = arith.addi %add3A_1840, %xor3A_1848 : vector<128x128xi32>
      %shift_left3A_1850 = arith.constant 29 : i32
      %shift_left3A_1851 = vector.broadcast %shift_left3A_1850 : i32 to vector<128x128xi32>
      %shift_left3A_1852 = arith.shli %xor3A_1848, %shift_left3A_1851 : vector<128x128xi32>
      %shift_right_logical3A_1853 = arith.constant 3 : i32
      %shift_right_logical3A_1854 = vector.broadcast %shift_right_logical3A_1853 : i32 to vector<128x128xi32>
      %shift_right_logical3A_1855 = arith.shrui %xor3A_1848, %shift_right_logical3A_1854 : vector<128x128xi32>
      %or3A_1856 = arith.ori %shift_left3A_1852, %shift_right_logical3A_1855 : vector<128x128xi32>
      %xor3A_1857 = arith.xori %or3A_1856, %add3A_1849 : vector<128x128xi32>
      %add3A_1858 = arith.addi %add3A_1849, %xor3A_1857 : vector<128x128xi32>
      %shift_left3A_1859 = arith.constant 16 : i32
      %shift_left3A_1860 = vector.broadcast %shift_left3A_1859 : i32 to vector<128x128xi32>
      %shift_left3A_1861 = arith.shli %xor3A_1857, %shift_left3A_1860 : vector<128x128xi32>
      %shift_right_logical3A_1862 = arith.constant 16 : i32
      %shift_right_logical3A_1863 = vector.broadcast %shift_right_logical3A_1862 : i32 to vector<128x128xi32>
      %shift_right_logical3A_1864 = arith.shrui %xor3A_1857, %shift_right_logical3A_1863 : vector<128x128xi32>
      %or3A_1865 = arith.ori %shift_left3A_1861, %shift_right_logical3A_1864 : vector<128x128xi32>
      %xor3A_1866 = arith.xori %or3A_1865, %add3A_1858 : vector<128x128xi32>
      %add3A_1867 = arith.addi %add3A_1858, %xor3A_1866 : vector<128x128xi32>
      %shift_left3A_1868 = arith.constant 24 : i32
      %shift_left3A_1869 = vector.broadcast %shift_left3A_1868 : i32 to vector<128x128xi32>
      %shift_left3A_1870 = arith.shli %xor3A_1866, %shift_left3A_1869 : vector<128x128xi32>
      %shift_right_logical3A_1871 = arith.constant 8 : i32
      %shift_right_logical3A_1872 = vector.broadcast %shift_right_logical3A_1871 : i32 to vector<128x128xi32>
      %shift_right_logical3A_1873 = arith.shrui %xor3A_1866, %shift_right_logical3A_1872 : vector<128x128xi32>
      %or3A_1874 = arith.ori %shift_left3A_1870, %shift_right_logical3A_1873 : vector<128x128xi32>
      %xor3A_1875 = arith.xori %or3A_1874, %add3A_1867 : vector<128x128xi32>
      %add3A_1876 = vector.broadcast %xor3A_1793 : i32 to vector<128x128xi32>
      %add3A_1877 = arith.addi %add3A_1867, %add3A_1876 : vector<128x128xi32>
      %add3A_1878 = arith.constant 0 : i32
      %add3A_1879 = vector.broadcast %add3A_1878 : i32 to vector<128x128xi32>
      %add3A_1880 = arith.addi %xor3A_1875, %add3A_1879 : vector<128x128xi32>
      %add3A_1881 = arith.constant 2 : i32
      %add3A_1882 = vector.broadcast %add3A_1881 : i32 to vector<128x128xi32>
      %add3A_1883 = arith.addi %add3A_1880, %add3A_1882 : vector<128x128xi32>
      %add3A_1884 = arith.addi %add3A_1877, %add3A_1883 : vector<128x128xi32>
      %shift_left3A_1885 = arith.constant 13 : i32
      %shift_left3A_1886 = vector.broadcast %shift_left3A_1885 : i32 to vector<128x128xi32>
      %shift_left3A_1887 = arith.shli %add3A_1883, %shift_left3A_1886 : vector<128x128xi32>
      %shift_right_logical3A_1888 = arith.constant 19 : i32
      %shift_right_logical3A_1889 = vector.broadcast %shift_right_logical3A_1888 : i32 to vector<128x128xi32>
      %shift_right_logical3A_1890 = arith.shrui %add3A_1883, %shift_right_logical3A_1889 : vector<128x128xi32>
      %or3A_1891 = arith.ori %shift_left3A_1887, %shift_right_logical3A_1890 : vector<128x128xi32>
      %xor3A_1892 = arith.xori %or3A_1891, %add3A_1884 : vector<128x128xi32>
      %add3A_1893 = arith.addi %add3A_1884, %xor3A_1892 : vector<128x128xi32>
      %shift_left3A_1894 = arith.constant 15 : i32
      %shift_left3A_1895 = vector.broadcast %shift_left3A_1894 : i32 to vector<128x128xi32>
      %shift_left3A_1896 = arith.shli %xor3A_1892, %shift_left3A_1895 : vector<128x128xi32>
      %shift_right_logical3A_1897 = arith.constant 17 : i32
      %shift_right_logical3A_1898 = vector.broadcast %shift_right_logical3A_1897 : i32 to vector<128x128xi32>
      %shift_right_logical3A_1899 = arith.shrui %xor3A_1892, %shift_right_logical3A_1898 : vector<128x128xi32>
      %or3A_1900 = arith.ori %shift_left3A_1896, %shift_right_logical3A_1899 : vector<128x128xi32>
      %xor3A_1901 = arith.xori %or3A_1900, %add3A_1893 : vector<128x128xi32>
      %add3A_1902 = arith.addi %add3A_1893, %xor3A_1901 : vector<128x128xi32>
      %shift_left3A_1903 = arith.constant 26 : i32
      %shift_left3A_1904 = vector.broadcast %shift_left3A_1903 : i32 to vector<128x128xi32>
      %shift_left3A_1905 = arith.shli %xor3A_1901, %shift_left3A_1904 : vector<128x128xi32>
      %shift_right_logical3A_1906 = arith.constant 6 : i32
      %shift_right_logical3A_1907 = vector.broadcast %shift_right_logical3A_1906 : i32 to vector<128x128xi32>
      %shift_right_logical3A_1908 = arith.shrui %xor3A_1901, %shift_right_logical3A_1907 : vector<128x128xi32>
      %or3A_1909 = arith.ori %shift_left3A_1905, %shift_right_logical3A_1908 : vector<128x128xi32>
      %xor3A_1910 = arith.xori %or3A_1909, %add3A_1902 : vector<128x128xi32>
      %add3A_1911 = arith.addi %add3A_1902, %xor3A_1910 : vector<128x128xi32>
      %shift_left3A_1912 = arith.constant 6 : i32
      %shift_left3A_1913 = vector.broadcast %shift_left3A_1912 : i32 to vector<128x128xi32>
      %shift_left3A_1914 = arith.shli %xor3A_1910, %shift_left3A_1913 : vector<128x128xi32>
      %shift_right_logical3A_1915 = arith.constant 26 : i32
      %shift_right_logical3A_1916 = vector.broadcast %shift_right_logical3A_1915 : i32 to vector<128x128xi32>
      %shift_right_logical3A_1917 = arith.shrui %xor3A_1910, %shift_right_logical3A_1916 : vector<128x128xi32>
      %or3A_1918 = arith.ori %shift_left3A_1914, %shift_right_logical3A_1917 : vector<128x128xi32>
      %xor3A_1919 = arith.xori %or3A_1918, %add3A_1911 : vector<128x128xi32>
      %add3A_1920 = arith.constant 0 : i32
      %add3A_1921 = vector.broadcast %add3A_1920 : i32 to vector<128x128xi32>
      %add3A_1922 = arith.addi %add3A_1911, %add3A_1921 : vector<128x128xi32>
      %add3A_1923 = arith.constant 42 : i32
      %add3A_1924 = vector.broadcast %add3A_1923 : i32 to vector<128x128xi32>
      %add3A_1925 = arith.addi %xor3A_1919, %add3A_1924 : vector<128x128xi32>
      %add3A_1926 = arith.constant 3 : i32
      %add3A_1927 = vector.broadcast %add3A_1926 : i32 to vector<128x128xi32>
      %add3A_1928 = arith.addi %add3A_1925, %add3A_1927 : vector<128x128xi32>
      %add3A_1929 = arith.addi %add3A_1922, %add3A_1928 : vector<128x128xi32>
      %shift_left3A_1930 = arith.constant 17 : i32
      %shift_left3A_1931 = vector.broadcast %shift_left3A_1930 : i32 to vector<128x128xi32>
      %shift_left3A_1932 = arith.shli %add3A_1928, %shift_left3A_1931 : vector<128x128xi32>
      %shift_right_logical3A_1933 = arith.constant 15 : i32
      %shift_right_logical3A_1934 = vector.broadcast %shift_right_logical3A_1933 : i32 to vector<128x128xi32>
      %shift_right_logical3A_1935 = arith.shrui %add3A_1928, %shift_right_logical3A_1934 : vector<128x128xi32>
      %or3A_1936 = arith.ori %shift_left3A_1932, %shift_right_logical3A_1935 : vector<128x128xi32>
      %xor3A_1937 = arith.xori %or3A_1936, %add3A_1929 : vector<128x128xi32>
      %add3A_1938 = arith.addi %add3A_1929, %xor3A_1937 : vector<128x128xi32>
      %shift_left3A_1939 = arith.constant 29 : i32
      %shift_left3A_1940 = vector.broadcast %shift_left3A_1939 : i32 to vector<128x128xi32>
      %shift_left3A_1941 = arith.shli %xor3A_1937, %shift_left3A_1940 : vector<128x128xi32>
      %shift_right_logical3A_1942 = arith.constant 3 : i32
      %shift_right_logical3A_1943 = vector.broadcast %shift_right_logical3A_1942 : i32 to vector<128x128xi32>
      %shift_right_logical3A_1944 = arith.shrui %xor3A_1937, %shift_right_logical3A_1943 : vector<128x128xi32>
      %or3A_1945 = arith.ori %shift_left3A_1941, %shift_right_logical3A_1944 : vector<128x128xi32>
      %xor3A_1946 = arith.xori %or3A_1945, %add3A_1938 : vector<128x128xi32>
      %add3A_1947 = arith.addi %add3A_1938, %xor3A_1946 : vector<128x128xi32>
      %shift_left3A_1948 = arith.constant 16 : i32
      %shift_left3A_1949 = vector.broadcast %shift_left3A_1948 : i32 to vector<128x128xi32>
      %shift_left3A_1950 = arith.shli %xor3A_1946, %shift_left3A_1949 : vector<128x128xi32>
      %shift_right_logical3A_1951 = arith.constant 16 : i32
      %shift_right_logical3A_1952 = vector.broadcast %shift_right_logical3A_1951 : i32 to vector<128x128xi32>
      %shift_right_logical3A_1953 = arith.shrui %xor3A_1946, %shift_right_logical3A_1952 : vector<128x128xi32>
      %or3A_1954 = arith.ori %shift_left3A_1950, %shift_right_logical3A_1953 : vector<128x128xi32>
      %xor3A_1955 = arith.xori %or3A_1954, %add3A_1947 : vector<128x128xi32>
      %add3A_1956 = arith.addi %add3A_1947, %xor3A_1955 : vector<128x128xi32>
      %shift_left3A_1957 = arith.constant 24 : i32
      %shift_left3A_1958 = vector.broadcast %shift_left3A_1957 : i32 to vector<128x128xi32>
      %shift_left3A_1959 = arith.shli %xor3A_1955, %shift_left3A_1958 : vector<128x128xi32>
      %shift_right_logical3A_1960 = arith.constant 8 : i32
      %shift_right_logical3A_1961 = vector.broadcast %shift_right_logical3A_1960 : i32 to vector<128x128xi32>
      %shift_right_logical3A_1962 = arith.shrui %xor3A_1955, %shift_right_logical3A_1961 : vector<128x128xi32>
      %or3A_1963 = arith.ori %shift_left3A_1959, %shift_right_logical3A_1962 : vector<128x128xi32>
      %xor3A_1964 = arith.xori %or3A_1963, %add3A_1956 : vector<128x128xi32>
      %add3A_1965 = arith.constant 42 : i32
      %add3A_1966 = vector.broadcast %add3A_1965 : i32 to vector<128x128xi32>
      %add3A_1967 = arith.addi %add3A_1956, %add3A_1966 : vector<128x128xi32>
      %add3A_1968 = vector.broadcast %xor3A_1793 : i32 to vector<128x128xi32>
      %add3A_1969 = arith.addi %xor3A_1964, %add3A_1968 : vector<128x128xi32>
      %add3A_1970 = arith.constant 4 : i32
      %add3A_1971 = vector.broadcast %add3A_1970 : i32 to vector<128x128xi32>
      %add3A_1972 = arith.addi %add3A_1969, %add3A_1971 : vector<128x128xi32>
      %add3A_1973 = arith.addi %add3A_1967, %add3A_1972 : vector<128x128xi32>
      %shift_left3A_1974 = arith.constant 13 : i32
      %shift_left3A_1975 = vector.broadcast %shift_left3A_1974 : i32 to vector<128x128xi32>
      %shift_left3A_1976 = arith.shli %add3A_1972, %shift_left3A_1975 : vector<128x128xi32>
      %shift_right_logical3A_1977 = arith.constant 19 : i32
      %shift_right_logical3A_1978 = vector.broadcast %shift_right_logical3A_1977 : i32 to vector<128x128xi32>
      %shift_right_logical3A_1979 = arith.shrui %add3A_1972, %shift_right_logical3A_1978 : vector<128x128xi32>
      %or3A_1980 = arith.ori %shift_left3A_1976, %shift_right_logical3A_1979 : vector<128x128xi32>
      %xor3A_1981 = arith.xori %or3A_1980, %add3A_1973 : vector<128x128xi32>
      %add3A_1982 = arith.addi %add3A_1973, %xor3A_1981 : vector<128x128xi32>
      %shift_left3A_1983 = arith.constant 15 : i32
      %shift_left3A_1984 = vector.broadcast %shift_left3A_1983 : i32 to vector<128x128xi32>
      %shift_left3A_1985 = arith.shli %xor3A_1981, %shift_left3A_1984 : vector<128x128xi32>
      %shift_right_logical3A_1986 = arith.constant 17 : i32
      %shift_right_logical3A_1987 = vector.broadcast %shift_right_logical3A_1986 : i32 to vector<128x128xi32>
      %shift_right_logical3A_1988 = arith.shrui %xor3A_1981, %shift_right_logical3A_1987 : vector<128x128xi32>
      %or3A_1989 = arith.ori %shift_left3A_1985, %shift_right_logical3A_1988 : vector<128x128xi32>
      %xor3A_1990 = arith.xori %or3A_1989, %add3A_1982 : vector<128x128xi32>
      %add3A_1991 = arith.addi %add3A_1982, %xor3A_1990 : vector<128x128xi32>
      %shift_left3A_1992 = arith.constant 26 : i32
      %shift_left3A_1993 = vector.broadcast %shift_left3A_1992 : i32 to vector<128x128xi32>
      %shift_left3A_1994 = arith.shli %xor3A_1990, %shift_left3A_1993 : vector<128x128xi32>
      %shift_right_logical3A_1995 = arith.constant 6 : i32
      %shift_right_logical3A_1996 = vector.broadcast %shift_right_logical3A_1995 : i32 to vector<128x128xi32>
      %shift_right_logical3A_1997 = arith.shrui %xor3A_1990, %shift_right_logical3A_1996 : vector<128x128xi32>
      %or3A_1998 = arith.ori %shift_left3A_1994, %shift_right_logical3A_1997 : vector<128x128xi32>
      %xor3A_1999 = arith.xori %or3A_1998, %add3A_1991 : vector<128x128xi32>
      %add3A_2000 = arith.addi %add3A_1991, %xor3A_1999 : vector<128x128xi32>
      %shift_left3A_2001 = arith.constant 6 : i32
      %shift_left3A_2002 = vector.broadcast %shift_left3A_2001 : i32 to vector<128x128xi32>
      %shift_left3A_2003 = arith.shli %xor3A_1999, %shift_left3A_2002 : vector<128x128xi32>
      %shift_right_logical3A_2004 = arith.constant 26 : i32
      %shift_right_logical3A_2005 = vector.broadcast %shift_right_logical3A_2004 : i32 to vector<128x128xi32>
      %shift_right_logical3A_2006 = arith.shrui %xor3A_1999, %shift_right_logical3A_2005 : vector<128x128xi32>
      %or3A_2007 = arith.ori %shift_left3A_2003, %shift_right_logical3A_2006 : vector<128x128xi32>
      %xor3A_2008 = arith.xori %or3A_2007, %add3A_2000 : vector<128x128xi32>
      %add3A_2009 = vector.broadcast %xor3A_1793 : i32 to vector<128x128xi32>
      %add3A_2010 = arith.addi %add3A_2000, %add3A_2009 : vector<128x128xi32>
      %add3A_2011 = arith.constant 0 : i32
      %add3A_2012 = vector.broadcast %add3A_2011 : i32 to vector<128x128xi32>
      %add3A_2013 = arith.addi %xor3A_2008, %add3A_2012 : vector<128x128xi32>
      %add3A_2014 = arith.constant 5 : i32
      %add3A_2015 = vector.broadcast %add3A_2014 : i32 to vector<128x128xi32>
      %add3A_2016 = arith.addi %add3A_2013, %add3A_2015 : vector<128x128xi32>
      %xor3A_2017 = arith.xori %add3A_2010, %add3A_2016 : vector<128x128xi32>
      %shift_right_logical3A_2018 = arith.constant 9 : i32
      %shift_right_logical3A_2019 = vector.broadcast %shift_right_logical3A_2018 : i32 to vector<128x128xi32>
      %shift_right_logical3A_2020 = arith.shrui %xor3A_2017, %shift_right_logical3A_2019 : vector<128x128xi32>
      %or3A_2021 = arith.constant 1065353216 : i32
      %or3A_2022 = vector.broadcast %or3A_2021 : i32 to vector<128x128xi32>
      %or3A_2023 = arith.ori %shift_right_logical3A_2020, %or3A_2022 : vector<128x128xi32>
      %bitcast_convert_type3A_2024 = tpu.bitcast %or3A_2023 : vector<128x128xi32> -> vector<128x128xf32>
      %sub3A_2025 = arith.constant 1.000000e+00 : f32
      %sub3A_2026 = vector.broadcast %sub3A_2025 : f32 to vector<128x128xf32>
      %sub3A_2027 = arith.subf %bitcast_convert_type3A_2024, %sub3A_2026 : vector<128x128xf32>
      %mul3A_2028 = arith.constant 1.000000e+00 : f32
      %mul3A_2029 = vector.broadcast %mul3A_2028 : f32 to vector<128x128xf32>
      %mul3A_2030 = arith.mulf %sub3A_2027, %mul3A_2029 : vector<128x128xf32>
      %add3A_2031 = arith.constant 1.17549435E-38 : f32
      %add3A_2032 = vector.broadcast %add3A_2031 : f32 to vector<128x128xf32>
      %add3A_2033 = arith.addf %mul3A_2030, %add3A_2032 : vector<128x128xf32>
      %max3A_2034 = arith.constant 1.17549435E-38 : f32
      %max3A_2035 = vector.broadcast %max3A_2034 : f32 to vector<128x128xf32>
      %max3A_2036 = arith.maximumf %max3A_2035, %add3A_2033 : vector<128x128xf32>
      %log3A_2037 = math.log %max3A_2036 : vector<128x128xf32>
      %neg3A_2038 = arith.constant 0.000000e+00 : f32
      %neg3A_2039 = vector.broadcast %neg3A_2038 : f32 to vector<128x128xf32>
      %neg3A_2040 = arith.subf %neg3A_2039, %log3A_2037 : vector<128x128xf32>
      %log3A_2041 = math.log %neg3A_2040 : vector<128x128xf32>
      %neg3A_2042 = arith.constant 0.000000e+00 : f32
      %neg3A_2043 = vector.broadcast %neg3A_2042 : f32 to vector<128x128xf32>
      %neg3A_2044 = arith.subf %neg3A_2043, %log3A_2041 : vector<128x128xf32>
      %add3A_2045 = arith.addf %neg3A_2044, %log3A : vector<128x128xf32>
      %reduce_max3A_2046 = arith.constant dense<0xFF800000> : vector<128xf32>
      %reduce_max3A_2047 = vector.multi_reduction <maximumf>, %add3A_2045, %reduce_max3A_2046 [0] : vector<128x128xf32> to vector<128xf32>
      %broadcast_in_dim3A_2048 = vector.shape_cast %reduce_max3A_2047 : vector<128xf32> to vector<1x128xf32>
      %eq3A_2049 = vector.broadcast %broadcast_in_dim3A_2048 : vector<1x128xf32> to vector<128x128xf32>
      %eq3A_2050 = arith.cmpf oeq, %add3A_2045, %eq3A_2049 : vector<128x128xf32>
      %jit3A_2051 = arith.constant 128 : i32
      %broadcast_in_dim3A_2052 = vector.broadcast %jit3A_2051 : i32 to vector<128x128xi32>
      %select_n3A_2053 = arith.select %eq3A_2050, %iota3A_11, %broadcast_in_dim3A_2052 : vector<128x128xi1>, vector<128x128xi32>
      %reduce_min3A_2054 = arith.constant dense<2147483647> : vector<128xi32>
      %reduce_min3A_2055 = vector.multi_reduction <minsi>, %select_n3A_2053, %reduce_min3A_2054 [0] : vector<128x128xi32> to vector<128xi32>
      %broadcast_in_dim3A_2056 = vector.shape_cast %reduce_min3A_2055 : vector<128xi32> to vector<1x128xi32>
      %mul3A_2057 = arith.constant 128 : i32
      %mul3A_2058 = vector.broadcast %mul3A_2057 : i32 to vector<1x128xi32>
      %mul3A_2059 = arith.muli %broadcast_in_dim3A_2056, %mul3A_2058 : vector<1x128xi32>
      %add3A_2060 = arith.addi %iota3A_12, %mul3A_2059 : vector<1x128xi32>
      %swap3A_2061 = arith.index_cast %add3A_1782 : i32 to index
      %swap3A_2062 = arith.constant 0 : index
      %swap3A_2063 = vector.load %arg1[%swap3A_2061, %swap3A_2062] : memref<48x128xi32, #tpu.memory_space<vmem>>, vector<1x128xi32>
      tpu.vector_store %arg1[%swap3A_2061, %swap3A_2062], %add3A_2060 {strides = array<i32>} : memref<48x128xi32, #tpu.memory_space<vmem>>, vector<1x128xi32>,
      %eq3A_2064 = vector.broadcast %broadcast_in_dim3A_2056 : vector<1x128xi32> to vector<128x128xi32>
      %eq3A_2065 = arith.cmpi eq, %eq3A_2064, %iota3A_11 : vector<128x128xi32>
      %jit3A_2066 = arith.constant 0.000000e+00 : f32
      %broadcast_in_dim3A_2067 = vector.broadcast %jit3A_2066 : f32 to vector<128x128xf32>
      %select_n3A_2068 = arith.select %eq3A_2065, %sub3A, %broadcast_in_dim3A_2067 : vector<128x128xi1>, vector<128x128xf32>
      %reduce_sum3A_2069 = arith.constant dense<0.000000e+00> : vector<128xf32>
      %reduce_sum3A_2070 = vector.multi_reduction <add>, %select_n3A_2068, %reduce_sum3A_2069 [0] : vector<128x128xf32> to vector<128xf32>
      %broadcast_in_dim3A_2071 = vector.shape_cast %reduce_sum3A_2070 : vector<128xf32> to vector<1x128xf32>
      %swap3A_2072 = arith.index_cast %add3A_1782 : i32 to index
      %swap3A_2073 = arith.constant 0 : index
      %swap3A_2074 = vector.load %arg2[%swap3A_2072, %swap3A_2073] : memref<48x128xf32, #tpu.memory_space<vmem>>, vector<1x128xf32>
      tpu.vector_store %arg2[%swap3A_2072, %swap3A_2073], %broadcast_in_dim3A_2071 {strides = array<i32>} : memref<48x128xf32, #tpu.memory_space<vmem>>, vector<1x128xf32>,
      %mul3A_2075 = arith.constant 8 : i32
      %mul3A_2076 = arith.muli %mul3A_2075, %scan3A_17 : i32
      %add3A_2077 = arith.constant 7 : i32
      %add3A_2078 = arith.addi %mul3A_2076, %add3A_2077 : i32
      %add3A_2079 = arith.constant 80 : i32
      %add3A_2080 = arith.addi %add3A_2078, %add3A_2079 : i32
      %mul3A_2081 = arith.constant 16384 : i32
      %mul3A_2082 = arith.muli %add3A_2080, %mul3A_2081 : i32
      %add3A_2083 = vector.broadcast %mul3A_2082 : i32 to vector<128x128xi32>
      %add3A_2084 = arith.addi %add3A_10, %add3A_2083 : vector<128x128xi32>
      %xor3A_2085 = arith.constant 0 : i32
      %xor3A_2086 = arith.constant 42 : i32
      %xor3A_2087 = arith.xori %xor3A_2085, %xor3A_2086 : i32
      %xor3A_2088 = arith.constant 466688986 : i32
      %xor3A_2089 = arith.xori %xor3A_2087, %xor3A_2088 : i32
      %add3A_2090 = arith.constant 42 : i32
      %add3A_2091 = vector.broadcast %add3A_2090 : i32 to vector<128x128xi32>
      %add3A_2092 = arith.addi %add3A_2084, %add3A_2091 : vector<128x128xi32>
      %shift_left3A_2093 = arith.constant 13 : i32
      %shift_left3A_2094 = vector.broadcast %shift_left3A_2093 : i32 to vector<128x128xi32>
      %shift_left3A_2095 = arith.shli %add3A_2092, %shift_left3A_2094 : vector<128x128xi32>
      %shift_right_logical3A_2096 = arith.constant 19 : i32
      %shift_right_logical3A_2097 = vector.broadcast %shift_right_logical3A_2096 : i32 to vector<128x128xi32>
      %shift_right_logical3A_2098 = arith.shrui %add3A_2092, %shift_right_logical3A_2097 : vector<128x128xi32>
      %or3A_2099 = arith.ori %shift_left3A_2095, %shift_right_logical3A_2098 : vector<128x128xi32>
      %xor3A_2100 = arith.xori %or3A_2099, %add3A_2092 : vector<128x128xi32>
      %add3A_2101 = arith.addi %add3A_2092, %xor3A_2100 : vector<128x128xi32>
      %shift_left3A_2102 = arith.constant 15 : i32
      %shift_left3A_2103 = vector.broadcast %shift_left3A_2102 : i32 to vector<128x128xi32>
      %shift_left3A_2104 = arith.shli %xor3A_2100, %shift_left3A_2103 : vector<128x128xi32>
      %shift_right_logical3A_2105 = arith.constant 17 : i32
      %shift_right_logical3A_2106 = vector.broadcast %shift_right_logical3A_2105 : i32 to vector<128x128xi32>
      %shift_right_logical3A_2107 = arith.shrui %xor3A_2100, %shift_right_logical3A_2106 : vector<128x128xi32>
      %or3A_2108 = arith.ori %shift_left3A_2104, %shift_right_logical3A_2107 : vector<128x128xi32>
      %xor3A_2109 = arith.xori %or3A_2108, %add3A_2101 : vector<128x128xi32>
      %add3A_2110 = arith.addi %add3A_2101, %xor3A_2109 : vector<128x128xi32>
      %shift_left3A_2111 = arith.constant 26 : i32
      %shift_left3A_2112 = vector.broadcast %shift_left3A_2111 : i32 to vector<128x128xi32>
      %shift_left3A_2113 = arith.shli %xor3A_2109, %shift_left3A_2112 : vector<128x128xi32>
      %shift_right_logical3A_2114 = arith.constant 6 : i32
      %shift_right_logical3A_2115 = vector.broadcast %shift_right_logical3A_2114 : i32 to vector<128x128xi32>
      %shift_right_logical3A_2116 = arith.shrui %xor3A_2109, %shift_right_logical3A_2115 : vector<128x128xi32>
      %or3A_2117 = arith.ori %shift_left3A_2113, %shift_right_logical3A_2116 : vector<128x128xi32>
      %xor3A_2118 = arith.xori %or3A_2117, %add3A_2110 : vector<128x128xi32>
      %add3A_2119 = arith.addi %add3A_2110, %xor3A_2118 : vector<128x128xi32>
      %shift_left3A_2120 = arith.constant 6 : i32
      %shift_left3A_2121 = vector.broadcast %shift_left3A_2120 : i32 to vector<128x128xi32>
      %shift_left3A_2122 = arith.shli %xor3A_2118, %shift_left3A_2121 : vector<128x128xi32>
      %shift_right_logical3A_2123 = arith.constant 26 : i32
      %shift_right_logical3A_2124 = vector.broadcast %shift_right_logical3A_2123 : i32 to vector<128x128xi32>
      %shift_right_logical3A_2125 = arith.shrui %xor3A_2118, %shift_right_logical3A_2124 : vector<128x128xi32>
      %or3A_2126 = arith.ori %shift_left3A_2122, %shift_right_logical3A_2125 : vector<128x128xi32>
      %xor3A_2127 = arith.xori %or3A_2126, %add3A_2119 : vector<128x128xi32>
      %add3A_2128 = arith.constant 42 : i32
      %add3A_2129 = vector.broadcast %add3A_2128 : i32 to vector<128x128xi32>
      %add3A_2130 = arith.addi %add3A_2119, %add3A_2129 : vector<128x128xi32>
      %add3A_2131 = vector.broadcast %xor3A_2089 : i32 to vector<128x128xi32>
      %add3A_2132 = arith.addi %xor3A_2127, %add3A_2131 : vector<128x128xi32>
      %add3A_2133 = arith.constant 1 : i32
      %add3A_2134 = vector.broadcast %add3A_2133 : i32 to vector<128x128xi32>
      %add3A_2135 = arith.addi %add3A_2132, %add3A_2134 : vector<128x128xi32>
      %add3A_2136 = arith.addi %add3A_2130, %add3A_2135 : vector<128x128xi32>
      %shift_left3A_2137 = arith.constant 17 : i32
      %shift_left3A_2138 = vector.broadcast %shift_left3A_2137 : i32 to vector<128x128xi32>
      %shift_left3A_2139 = arith.shli %add3A_2135, %shift_left3A_2138 : vector<128x128xi32>
      %shift_right_logical3A_2140 = arith.constant 15 : i32
      %shift_right_logical3A_2141 = vector.broadcast %shift_right_logical3A_2140 : i32 to vector<128x128xi32>
      %shift_right_logical3A_2142 = arith.shrui %add3A_2135, %shift_right_logical3A_2141 : vector<128x128xi32>
      %or3A_2143 = arith.ori %shift_left3A_2139, %shift_right_logical3A_2142 : vector<128x128xi32>
      %xor3A_2144 = arith.xori %or3A_2143, %add3A_2136 : vector<128x128xi32>
      %add3A_2145 = arith.addi %add3A_2136, %xor3A_2144 : vector<128x128xi32>
      %shift_left3A_2146 = arith.constant 29 : i32
      %shift_left3A_2147 = vector.broadcast %shift_left3A_2146 : i32 to vector<128x128xi32>
      %shift_left3A_2148 = arith.shli %xor3A_2144, %shift_left3A_2147 : vector<128x128xi32>
      %shift_right_logical3A_2149 = arith.constant 3 : i32
      %shift_right_logical3A_2150 = vector.broadcast %shift_right_logical3A_2149 : i32 to vector<128x128xi32>
      %shift_right_logical3A_2151 = arith.shrui %xor3A_2144, %shift_right_logical3A_2150 : vector<128x128xi32>
      %or3A_2152 = arith.ori %shift_left3A_2148, %shift_right_logical3A_2151 : vector<128x128xi32>
      %xor3A_2153 = arith.xori %or3A_2152, %add3A_2145 : vector<128x128xi32>
      %add3A_2154 = arith.addi %add3A_2145, %xor3A_2153 : vector<128x128xi32>
      %shift_left3A_2155 = arith.constant 16 : i32
      %shift_left3A_2156 = vector.broadcast %shift_left3A_2155 : i32 to vector<128x128xi32>
      %shift_left3A_2157 = arith.shli %xor3A_2153, %shift_left3A_2156 : vector<128x128xi32>
      %shift_right_logical3A_2158 = arith.constant 16 : i32
      %shift_right_logical3A_2159 = vector.broadcast %shift_right_logical3A_2158 : i32 to vector<128x128xi32>
      %shift_right_logical3A_2160 = arith.shrui %xor3A_2153, %shift_right_logical3A_2159 : vector<128x128xi32>
      %or3A_2161 = arith.ori %shift_left3A_2157, %shift_right_logical3A_2160 : vector<128x128xi32>
      %xor3A_2162 = arith.xori %or3A_2161, %add3A_2154 : vector<128x128xi32>
      %add3A_2163 = arith.addi %add3A_2154, %xor3A_2162 : vector<128x128xi32>
      %shift_left3A_2164 = arith.constant 24 : i32
      %shift_left3A_2165 = vector.broadcast %shift_left3A_2164 : i32 to vector<128x128xi32>
      %shift_left3A_2166 = arith.shli %xor3A_2162, %shift_left3A_2165 : vector<128x128xi32>
      %shift_right_logical3A_2167 = arith.constant 8 : i32
      %shift_right_logical3A_2168 = vector.broadcast %shift_right_logical3A_2167 : i32 to vector<128x128xi32>
      %shift_right_logical3A_2169 = arith.shrui %xor3A_2162, %shift_right_logical3A_2168 : vector<128x128xi32>
      %or3A_2170 = arith.ori %shift_left3A_2166, %shift_right_logical3A_2169 : vector<128x128xi32>
      %xor3A_2171 = arith.xori %or3A_2170, %add3A_2163 : vector<128x128xi32>
      %add3A_2172 = vector.broadcast %xor3A_2089 : i32 to vector<128x128xi32>
      %add3A_2173 = arith.addi %add3A_2163, %add3A_2172 : vector<128x128xi32>
      %add3A_2174 = arith.constant 0 : i32
      %add3A_2175 = vector.broadcast %add3A_2174 : i32 to vector<128x128xi32>
      %add3A_2176 = arith.addi %xor3A_2171, %add3A_2175 : vector<128x128xi32>
      %add3A_2177 = arith.constant 2 : i32
      %add3A_2178 = vector.broadcast %add3A_2177 : i32 to vector<128x128xi32>
      %add3A_2179 = arith.addi %add3A_2176, %add3A_2178 : vector<128x128xi32>
      %add3A_2180 = arith.addi %add3A_2173, %add3A_2179 : vector<128x128xi32>
      %shift_left3A_2181 = arith.constant 13 : i32
      %shift_left3A_2182 = vector.broadcast %shift_left3A_2181 : i32 to vector<128x128xi32>
      %shift_left3A_2183 = arith.shli %add3A_2179, %shift_left3A_2182 : vector<128x128xi32>
      %shift_right_logical3A_2184 = arith.constant 19 : i32
      %shift_right_logical3A_2185 = vector.broadcast %shift_right_logical3A_2184 : i32 to vector<128x128xi32>
      %shift_right_logical3A_2186 = arith.shrui %add3A_2179, %shift_right_logical3A_2185 : vector<128x128xi32>
      %or3A_2187 = arith.ori %shift_left3A_2183, %shift_right_logical3A_2186 : vector<128x128xi32>
      %xor3A_2188 = arith.xori %or3A_2187, %add3A_2180 : vector<128x128xi32>
      %add3A_2189 = arith.addi %add3A_2180, %xor3A_2188 : vector<128x128xi32>
      %shift_left3A_2190 = arith.constant 15 : i32
      %shift_left3A_2191 = vector.broadcast %shift_left3A_2190 : i32 to vector<128x128xi32>
      %shift_left3A_2192 = arith.shli %xor3A_2188, %shift_left3A_2191 : vector<128x128xi32>
      %shift_right_logical3A_2193 = arith.constant 17 : i32
      %shift_right_logical3A_2194 = vector.broadcast %shift_right_logical3A_2193 : i32 to vector<128x128xi32>
      %shift_right_logical3A_2195 = arith.shrui %xor3A_2188, %shift_right_logical3A_2194 : vector<128x128xi32>
      %or3A_2196 = arith.ori %shift_left3A_2192, %shift_right_logical3A_2195 : vector<128x128xi32>
      %xor3A_2197 = arith.xori %or3A_2196, %add3A_2189 : vector<128x128xi32>
      %add3A_2198 = arith.addi %add3A_2189, %xor3A_2197 : vector<128x128xi32>
      %shift_left3A_2199 = arith.constant 26 : i32
      %shift_left3A_2200 = vector.broadcast %shift_left3A_2199 : i32 to vector<128x128xi32>
      %shift_left3A_2201 = arith.shli %xor3A_2197, %shift_left3A_2200 : vector<128x128xi32>
      %shift_right_logical3A_2202 = arith.constant 6 : i32
      %shift_right_logical3A_2203 = vector.broadcast %shift_right_logical3A_2202 : i32 to vector<128x128xi32>
      %shift_right_logical3A_2204 = arith.shrui %xor3A_2197, %shift_right_logical3A_2203 : vector<128x128xi32>
      %or3A_2205 = arith.ori %shift_left3A_2201, %shift_right_logical3A_2204 : vector<128x128xi32>
      %xor3A_2206 = arith.xori %or3A_2205, %add3A_2198 : vector<128x128xi32>
      %add3A_2207 = arith.addi %add3A_2198, %xor3A_2206 : vector<128x128xi32>
      %shift_left3A_2208 = arith.constant 6 : i32
      %shift_left3A_2209 = vector.broadcast %shift_left3A_2208 : i32 to vector<128x128xi32>
      %shift_left3A_2210 = arith.shli %xor3A_2206, %shift_left3A_2209 : vector<128x128xi32>
      %shift_right_logical3A_2211 = arith.constant 26 : i32
      %shift_right_logical3A_2212 = vector.broadcast %shift_right_logical3A_2211 : i32 to vector<128x128xi32>
      %shift_right_logical3A_2213 = arith.shrui %xor3A_2206, %shift_right_logical3A_2212 : vector<128x128xi32>
      %or3A_2214 = arith.ori %shift_left3A_2210, %shift_right_logical3A_2213 : vector<128x128xi32>
      %xor3A_2215 = arith.xori %or3A_2214, %add3A_2207 : vector<128x128xi32>
      %add3A_2216 = arith.constant 0 : i32
      %add3A_2217 = vector.broadcast %add3A_2216 : i32 to vector<128x128xi32>
      %add3A_2218 = arith.addi %add3A_2207, %add3A_2217 : vector<128x128xi32>
      %add3A_2219 = arith.constant 42 : i32
      %add3A_2220 = vector.broadcast %add3A_2219 : i32 to vector<128x128xi32>
      %add3A_2221 = arith.addi %xor3A_2215, %add3A_2220 : vector<128x128xi32>
      %add3A_2222 = arith.constant 3 : i32
      %add3A_2223 = vector.broadcast %add3A_2222 : i32 to vector<128x128xi32>
      %add3A_2224 = arith.addi %add3A_2221, %add3A_2223 : vector<128x128xi32>
      %add3A_2225 = arith.addi %add3A_2218, %add3A_2224 : vector<128x128xi32>
      %shift_left3A_2226 = arith.constant 17 : i32
      %shift_left3A_2227 = vector.broadcast %shift_left3A_2226 : i32 to vector<128x128xi32>
      %shift_left3A_2228 = arith.shli %add3A_2224, %shift_left3A_2227 : vector<128x128xi32>
      %shift_right_logical3A_2229 = arith.constant 15 : i32
      %shift_right_logical3A_2230 = vector.broadcast %shift_right_logical3A_2229 : i32 to vector<128x128xi32>
      %shift_right_logical3A_2231 = arith.shrui %add3A_2224, %shift_right_logical3A_2230 : vector<128x128xi32>
      %or3A_2232 = arith.ori %shift_left3A_2228, %shift_right_logical3A_2231 : vector<128x128xi32>
      %xor3A_2233 = arith.xori %or3A_2232, %add3A_2225 : vector<128x128xi32>
      %add3A_2234 = arith.addi %add3A_2225, %xor3A_2233 : vector<128x128xi32>
      %shift_left3A_2235 = arith.constant 29 : i32
      %shift_left3A_2236 = vector.broadcast %shift_left3A_2235 : i32 to vector<128x128xi32>
      %shift_left3A_2237 = arith.shli %xor3A_2233, %shift_left3A_2236 : vector<128x128xi32>
      %shift_right_logical3A_2238 = arith.constant 3 : i32
      %shift_right_logical3A_2239 = vector.broadcast %shift_right_logical3A_2238 : i32 to vector<128x128xi32>
      %shift_right_logical3A_2240 = arith.shrui %xor3A_2233, %shift_right_logical3A_2239 : vector<128x128xi32>
      %or3A_2241 = arith.ori %shift_left3A_2237, %shift_right_logical3A_2240 : vector<128x128xi32>
      %xor3A_2242 = arith.xori %or3A_2241, %add3A_2234 : vector<128x128xi32>
      %add3A_2243 = arith.addi %add3A_2234, %xor3A_2242 : vector<128x128xi32>
      %shift_left3A_2244 = arith.constant 16 : i32
      %shift_left3A_2245 = vector.broadcast %shift_left3A_2244 : i32 to vector<128x128xi32>
      %shift_left3A_2246 = arith.shli %xor3A_2242, %shift_left3A_2245 : vector<128x128xi32>
      %shift_right_logical3A_2247 = arith.constant 16 : i32
      %shift_right_logical3A_2248 = vector.broadcast %shift_right_logical3A_2247 : i32 to vector<128x128xi32>
      %shift_right_logical3A_2249 = arith.shrui %xor3A_2242, %shift_right_logical3A_2248 : vector<128x128xi32>
      %or3A_2250 = arith.ori %shift_left3A_2246, %shift_right_logical3A_2249 : vector<128x128xi32>
      %xor3A_2251 = arith.xori %or3A_2250, %add3A_2243 : vector<128x128xi32>
      %add3A_2252 = arith.addi %add3A_2243, %xor3A_2251 : vector<128x128xi32>
      %shift_left3A_2253 = arith.constant 24 : i32
      %shift_left3A_2254 = vector.broadcast %shift_left3A_2253 : i32 to vector<128x128xi32>
      %shift_left3A_2255 = arith.shli %xor3A_2251, %shift_left3A_2254 : vector<128x128xi32>
      %shift_right_logical3A_2256 = arith.constant 8 : i32
      %shift_right_logical3A_2257 = vector.broadcast %shift_right_logical3A_2256 : i32 to vector<128x128xi32>
      %shift_right_logical3A_2258 = arith.shrui %xor3A_2251, %shift_right_logical3A_2257 : vector<128x128xi32>
      %or3A_2259 = arith.ori %shift_left3A_2255, %shift_right_logical3A_2258 : vector<128x128xi32>
      %xor3A_2260 = arith.xori %or3A_2259, %add3A_2252 : vector<128x128xi32>
      %add3A_2261 = arith.constant 42 : i32
      %add3A_2262 = vector.broadcast %add3A_2261 : i32 to vector<128x128xi32>
      %add3A_2263 = arith.addi %add3A_2252, %add3A_2262 : vector<128x128xi32>
      %add3A_2264 = vector.broadcast %xor3A_2089 : i32 to vector<128x128xi32>
      %add3A_2265 = arith.addi %xor3A_2260, %add3A_2264 : vector<128x128xi32>
      %add3A_2266 = arith.constant 4 : i32
      %add3A_2267 = vector.broadcast %add3A_2266 : i32 to vector<128x128xi32>
      %add3A_2268 = arith.addi %add3A_2265, %add3A_2267 : vector<128x128xi32>
      %add3A_2269 = arith.addi %add3A_2263, %add3A_2268 : vector<128x128xi32>
      %shift_left3A_2270 = arith.constant 13 : i32
      %shift_left3A_2271 = vector.broadcast %shift_left3A_2270 : i32 to vector<128x128xi32>
      %shift_left3A_2272 = arith.shli %add3A_2268, %shift_left3A_2271 : vector<128x128xi32>
      %shift_right_logical3A_2273 = arith.constant 19 : i32
      %shift_right_logical3A_2274 = vector.broadcast %shift_right_logical3A_2273 : i32 to vector<128x128xi32>
      %shift_right_logical3A_2275 = arith.shrui %add3A_2268, %shift_right_logical3A_2274 : vector<128x128xi32>
      %or3A_2276 = arith.ori %shift_left3A_2272, %shift_right_logical3A_2275 : vector<128x128xi32>
      %xor3A_2277 = arith.xori %or3A_2276, %add3A_2269 : vector<128x128xi32>
      %add3A_2278 = arith.addi %add3A_2269, %xor3A_2277 : vector<128x128xi32>
      %shift_left3A_2279 = arith.constant 15 : i32
      %shift_left3A_2280 = vector.broadcast %shift_left3A_2279 : i32 to vector<128x128xi32>
      %shift_left3A_2281 = arith.shli %xor3A_2277, %shift_left3A_2280 : vector<128x128xi32>
      %shift_right_logical3A_2282 = arith.constant 17 : i32
      %shift_right_logical3A_2283 = vector.broadcast %shift_right_logical3A_2282 : i32 to vector<128x128xi32>
      %shift_right_logical3A_2284 = arith.shrui %xor3A_2277, %shift_right_logical3A_2283 : vector<128x128xi32>
      %or3A_2285 = arith.ori %shift_left3A_2281, %shift_right_logical3A_2284 : vector<128x128xi32>
      %xor3A_2286 = arith.xori %or3A_2285, %add3A_2278 : vector<128x128xi32>
      %add3A_2287 = arith.addi %add3A_2278, %xor3A_2286 : vector<128x128xi32>
      %shift_left3A_2288 = arith.constant 26 : i32
      %shift_left3A_2289 = vector.broadcast %shift_left3A_2288 : i32 to vector<128x128xi32>
      %shift_left3A_2290 = arith.shli %xor3A_2286, %shift_left3A_2289 : vector<128x128xi32>
      %shift_right_logical3A_2291 = arith.constant 6 : i32
      %shift_right_logical3A_2292 = vector.broadcast %shift_right_logical3A_2291 : i32 to vector<128x128xi32>
      %shift_right_logical3A_2293 = arith.shrui %xor3A_2286, %shift_right_logical3A_2292 : vector<128x128xi32>
      %or3A_2294 = arith.ori %shift_left3A_2290, %shift_right_logical3A_2293 : vector<128x128xi32>
      %xor3A_2295 = arith.xori %or3A_2294, %add3A_2287 : vector<128x128xi32>
      %add3A_2296 = arith.addi %add3A_2287, %xor3A_2295 : vector<128x128xi32>
      %shift_left3A_2297 = arith.constant 6 : i32
      %shift_left3A_2298 = vector.broadcast %shift_left3A_2297 : i32 to vector<128x128xi32>
      %shift_left3A_2299 = arith.shli %xor3A_2295, %shift_left3A_2298 : vector<128x128xi32>
      %shift_right_logical3A_2300 = arith.constant 26 : i32
      %shift_right_logical3A_2301 = vector.broadcast %shift_right_logical3A_2300 : i32 to vector<128x128xi32>
      %shift_right_logical3A_2302 = arith.shrui %xor3A_2295, %shift_right_logical3A_2301 : vector<128x128xi32>
      %or3A_2303 = arith.ori %shift_left3A_2299, %shift_right_logical3A_2302 : vector<128x128xi32>
      %xor3A_2304 = arith.xori %or3A_2303, %add3A_2296 : vector<128x128xi32>
      %add3A_2305 = vector.broadcast %xor3A_2089 : i32 to vector<128x128xi32>
      %add3A_2306 = arith.addi %add3A_2296, %add3A_2305 : vector<128x128xi32>
      %add3A_2307 = arith.constant 0 : i32
      %add3A_2308 = vector.broadcast %add3A_2307 : i32 to vector<128x128xi32>
      %add3A_2309 = arith.addi %xor3A_2304, %add3A_2308 : vector<128x128xi32>
      %add3A_2310 = arith.constant 5 : i32
      %add3A_2311 = vector.broadcast %add3A_2310 : i32 to vector<128x128xi32>
      %add3A_2312 = arith.addi %add3A_2309, %add3A_2311 : vector<128x128xi32>
      %xor3A_2313 = arith.xori %add3A_2306, %add3A_2312 : vector<128x128xi32>
      %shift_right_logical3A_2314 = arith.constant 9 : i32
      %shift_right_logical3A_2315 = vector.broadcast %shift_right_logical3A_2314 : i32 to vector<128x128xi32>
      %shift_right_logical3A_2316 = arith.shrui %xor3A_2313, %shift_right_logical3A_2315 : vector<128x128xi32>
      %or3A_2317 = arith.constant 1065353216 : i32
      %or3A_2318 = vector.broadcast %or3A_2317 : i32 to vector<128x128xi32>
      %or3A_2319 = arith.ori %shift_right_logical3A_2316, %or3A_2318 : vector<128x128xi32>
      %bitcast_convert_type3A_2320 = tpu.bitcast %or3A_2319 : vector<128x128xi32> -> vector<128x128xf32>
      %sub3A_2321 = arith.constant 1.000000e+00 : f32
      %sub3A_2322 = vector.broadcast %sub3A_2321 : f32 to vector<128x128xf32>
      %sub3A_2323 = arith.subf %bitcast_convert_type3A_2320, %sub3A_2322 : vector<128x128xf32>
      %mul3A_2324 = arith.constant 1.000000e+00 : f32
      %mul3A_2325 = vector.broadcast %mul3A_2324 : f32 to vector<128x128xf32>
      %mul3A_2326 = arith.mulf %sub3A_2323, %mul3A_2325 : vector<128x128xf32>
      %add3A_2327 = arith.constant 1.17549435E-38 : f32
      %add3A_2328 = vector.broadcast %add3A_2327 : f32 to vector<128x128xf32>
      %add3A_2329 = arith.addf %mul3A_2326, %add3A_2328 : vector<128x128xf32>
      %max3A_2330 = arith.constant 1.17549435E-38 : f32
      %max3A_2331 = vector.broadcast %max3A_2330 : f32 to vector<128x128xf32>
      %max3A_2332 = arith.maximumf %max3A_2331, %add3A_2329 : vector<128x128xf32>
      %log3A_2333 = math.log %max3A_2332 : vector<128x128xf32>
      %neg3A_2334 = arith.constant 0.000000e+00 : f32
      %neg3A_2335 = vector.broadcast %neg3A_2334 : f32 to vector<128x128xf32>
      %neg3A_2336 = arith.subf %neg3A_2335, %log3A_2333 : vector<128x128xf32>
      %log3A_2337 = math.log %neg3A_2336 : vector<128x128xf32>
      %neg3A_2338 = arith.constant 0.000000e+00 : f32
      %neg3A_2339 = vector.broadcast %neg3A_2338 : f32 to vector<128x128xf32>
      %neg3A_2340 = arith.subf %neg3A_2339, %log3A_2337 : vector<128x128xf32>
      %add3A_2341 = arith.addf %neg3A_2340, %log3A : vector<128x128xf32>
      %reduce_max3A_2342 = arith.constant dense<0xFF800000> : vector<128xf32>
      %reduce_max3A_2343 = vector.multi_reduction <maximumf>, %add3A_2341, %reduce_max3A_2342 [0] : vector<128x128xf32> to vector<128xf32>
      %broadcast_in_dim3A_2344 = vector.shape_cast %reduce_max3A_2343 : vector<128xf32> to vector<1x128xf32>
      %eq3A_2345 = vector.broadcast %broadcast_in_dim3A_2344 : vector<1x128xf32> to vector<128x128xf32>
      %eq3A_2346 = arith.cmpf oeq, %add3A_2341, %eq3A_2345 : vector<128x128xf32>
      %jit3A_2347 = arith.constant 128 : i32
      %broadcast_in_dim3A_2348 = vector.broadcast %jit3A_2347 : i32 to vector<128x128xi32>
      %select_n3A_2349 = arith.select %eq3A_2346, %iota3A_11, %broadcast_in_dim3A_2348 : vector<128x128xi1>, vector<128x128xi32>
      %reduce_min3A_2350 = arith.constant dense<2147483647> : vector<128xi32>
      %reduce_min3A_2351 = vector.multi_reduction <minsi>, %select_n3A_2349, %reduce_min3A_2350 [0] : vector<128x128xi32> to vector<128xi32>
      %broadcast_in_dim3A_2352 = vector.shape_cast %reduce_min3A_2351 : vector<128xi32> to vector<1x128xi32>
      %mul3A_2353 = arith.constant 128 : i32
      %mul3A_2354 = vector.broadcast %mul3A_2353 : i32 to vector<1x128xi32>
      %mul3A_2355 = arith.muli %broadcast_in_dim3A_2352, %mul3A_2354 : vector<1x128xi32>
      %add3A_2356 = arith.addi %iota3A_12, %mul3A_2355 : vector<1x128xi32>
      %swap3A_2357 = arith.index_cast %add3A_2078 : i32 to index
      %swap3A_2358 = arith.constant 0 : index
      %swap3A_2359 = vector.load %arg1[%swap3A_2357, %swap3A_2358] : memref<48x128xi32, #tpu.memory_space<vmem>>, vector<1x128xi32>
      tpu.vector_store %arg1[%swap3A_2357, %swap3A_2358], %add3A_2356 {strides = array<i32>} : memref<48x128xi32, #tpu.memory_space<vmem>>, vector<1x128xi32>,
      %eq3A_2360 = vector.broadcast %broadcast_in_dim3A_2352 : vector<1x128xi32> to vector<128x128xi32>
      %eq3A_2361 = arith.cmpi eq, %eq3A_2360, %iota3A_11 : vector<128x128xi32>
      %jit3A_2362 = arith.constant 0.000000e+00 : f32
      %broadcast_in_dim3A_2363 = vector.broadcast %jit3A_2362 : f32 to vector<128x128xf32>
      %select_n3A_2364 = arith.select %eq3A_2361, %sub3A, %broadcast_in_dim3A_2363 : vector<128x128xi1>, vector<128x128xf32>
      %reduce_sum3A_2365 = arith.constant dense<0.000000e+00> : vector<128xf32>
      %reduce_sum3A_2366 = vector.multi_reduction <add>, %select_n3A_2364, %reduce_sum3A_2365 [0] : vector<128x128xf32> to vector<128xf32>
      %broadcast_in_dim3A_2367 = vector.shape_cast %reduce_sum3A_2366 : vector<128xf32> to vector<1x128xf32>
      %swap3A_2368 = arith.index_cast %add3A_2078 : i32 to index
      %swap3A_2369 = arith.constant 0 : index
      %swap3A_2370 = vector.load %arg2[%swap3A_2368, %swap3A_2369] : memref<48x128xf32, #tpu.memory_space<vmem>>, vector<1x128xf32>
      tpu.vector_store %arg2[%swap3A_2368, %swap3A_2369], %broadcast_in_dim3A_2367 {strides = array<i32>} : memref<48x128xf32, #tpu.memory_space<vmem>>, vector<1x128xf32>,
    }
    %scan3A_16 = arith.constant 6 : i32
    return
  }
}

</mosaic_0001>

<sc_bundles>
// kernel: kernel.10.cloned.1.call-start
scs
__scs_entry_jumppad:
0x0: {  	(pc) =	sbr.rel $0x88, $3  }
0x1: {  	(tag) =	ssettag $0x0;
	lr =	simm.s32 $0x1  }
0x2: {  	[smem:$0x3F9F] =	sst lr;
	_ =	strace $0xD0000000  }
0x3: {  	_ = 	snop  }
0x4: {  	_ = 	snop  }
0x5: {  	_ = 	snop  }
0x6: {  	_ = 	snop  }
0x7: {  	_ = 	snop  }
__scs_overlays_trampoline_lowered:
0x8: {  	[smem:$0x3FAE] =	sst s0  }
0x9: {  	[smem:$0x3FAF] =	sst s1  }
0xa: {  	[smem:$0x3FB0] =	sst s2  }
0xb: {  	[smem:$0x3FB1] =	sst s3  }
0xc: {  	[smem:$0x3FB2] =	sst s4  }
0xd: {  	[smem:$0x3FB3] =	sst s5  }
0xe: {  	[smem:$0x3FB4] =	sst s6  }
0xf: {  	[smem:$0x3FB5] =	sst s7  }
0x10: {  	[smem:$0x3FB6] =	sst s8  }
0x11: {  	[smem:$0x3FB7] =	sst s9;
	s0 =	simm.s32 @!p0 $0x0  }
0x12: {  	s1 =	sld [smem:$0x3F9D];
	s0 =	simm.s32 @p0 $0x1  }
0x13: {  	[smem:$0x3FB8] =	sst s0;
	s0 =	simm.s32 @!p1 $0x0  }
0x14: {  	s2 =	sld [smem:$0x3F9C];
	s0 =	simm.s32 @p1 $0x1  }
0x15: {  	[smem:$0x3FB9] =	sst s0;
	s0 =	simm.s32 @!p2 $0x0  }
0x16: {  	s3 =	sld [smem:$0x3FDB];
	s0 =	simm.s32 @p2 $0x1  }
0x17: {  	s4 =	simm.s32 $0x1BF5;
	[smem:$0x3FBB] =	sst s0  }
0x18: {  	s0 =	sld [smem:$0x3F9E];
	_ =	swait.ge [sflag:s4], $0x0  }
0x19: {  	s7 =	sld [smem:$0x3F9F]  }
0x1a: {  	s8 =	sadd.s32 $0xFFFFE003, lr  }
0x1b: {  	s9 =	sadd.s32 $0xFFFFFEF7, lr;
	s5 =	simm.s32 $0xFFFFFFFF;
	p2 =	slt.u32 s8, $0xFFFFF086  }
0x1c: {  	p1 =	slt.u32 s9, $0xF7A;
	s5 =	simm.s32 @!p2 $0x0  }
0x1d: {  	s5 =	simm.s32 @p1 $0x1;
	p0 =	seq.s32 s7, s2  }
0x1e: {  	s7 =	smul.u32 @!p0 $0xF7A, s2;
	p2 =	seq.s32 @!p0 s5, $0x0  }
0x1f: {  	s9 =	smul.u32 $0xF7A, s1;
	s8 =	simm.s32 @!p0 $0x1BF5;
	p2 =	por !p2, p0  }
0x20: {  	[sflag:s8] =	ssyncset.s32 @!p0 $0xFFFFF086;
	s6 =	sadd.s32 @!p0 s3, s7;
	s7 =	simm.s32 @!p0 $0x108  }
0x21: {  	s3 =	sadd.s32 s3, s9;
	s6 =	sadd.s32 @!p0 $0x88, s6;
	s7 =	simm.s32 @p2 $0x1082  }
0x22: {  	[simem:s7], [sflag:s8] =	dma.local @!p0 [hbm:s6], $0xF7A  }
0x23: {  	s9 =	sor.u32 $0xD0000000, s2;
	s6 =	simm.s32 $0x108;
	_ =	swait.ge @!p0 [sflag:s8], $0x0  }
0x24: {  	s3 =	sadd.s32 $0x88, s3;
	s6 =	simm.s32 @!p1 $0x1082;
	[sflag:s4] =	ssyncset.s32 $0xFFFFF086  }
0x25: {  	[simem:s6], [sflag:s4] =	dma.local [hbm:s3], $0xF7A  }
0x26: {  	[smem:$0x3F9F] =	sst s1;
	(tag) =	ssettag s2;
	_ =	strace s9  }
0x27: {  	s1 =	sld [smem:$0x3FAF]  }
0x28: {  	s2 =	sld [smem:$0x3FB0]  }
0x29: {  	s4 =	sld [smem:$0x3FB2]  }
0x2a: {  	p0 =	seq.s32 s5, $0x0;
	s5 =	sld [smem:$0x3FB3]  }
0x2b: {  	s6 =	sld [smem:$0x3FB4]  }
0x2c: {  	s7 =	sld [smem:$0x3FB5]  }
0x2d: {  	s3 =	simm.s32 $0x108;
	s8 =	sld [smem:$0x3FB6]  }
0x2e: {  	s3 =	simm.s32 @!p0 $0x1082;
	s9 =	sld [smem:$0x3FB7]  }
0x2f: {  	lr =	sadd.s32 s0, s3;
	s0 =	sld [smem:$0x3FAE]  }
0x30: {  	s3 =	sld [smem:$0x3FB1]  }
0x31: {  	[smem:$0x3FBA] =	sst s10  }
0x32: {  	s10 =	sld [smem:$0x3FB8];
	_ =	sdelay $0x3  }
0x33: {  	p0 =	seq.s32 s10, $0x1;
	s10 =	sld [smem:$0x3FBA];
	_ =	sdelay $0x3  }
0x34: {  	[smem:$0x3FBA] =	sst s10  }
0x35: {  	s10 =	sld [smem:$0x3FB9];
	_ =	sdelay $0x3  }
0x36: {  	p1 =	seq.s32 s10, $0x1;
	s10 =	sld [smem:$0x3FBA];
	_ =	sdelay $0x3  }
0x37: {  	[smem:$0x3FBA] =	sst s10  }
0x38: {  	s10 =	sld [smem:$0x3FBB]  }
0x39: {  	_ = 	snop;
	(pc) =	sbr.ind lr, $3  }
0x3a: {  	_ = 	snop  }
0x3b: {  	_ = 	snop  }
0x3c: {  	p2 =	seq.s32 s10, $0x1;
	s10 =	sld [smem:$0x3FBA]  }
0x3d: {  	_ =	shalt  }
0x3e: {  	_ =	shalt  }
0x3f: {  	_ =	shalt  }
0x40: {  	_ =	shalt  }
0x41: {  	_ =	shalt  }
0x42: {  	_ =	shalt  }
0x43: {  	_ =	shalt  }
0x44: {  	_ =	shalt  }
0x45: {  	_ =	shalt  }
0x46: {  	_ =	shalt  }
0x47: {  	_ =	shalt  }
0x48: {  	_ =	shalt  }
0x49: {  	_ =	shalt  }
0x4a: {  	_ =	shalt  }
0x4b: {  	_ =	shalt  }
0x4c: {  	_ =	shalt  }
0x4d: {  	_ =	shalt  }
0x4e: {  	_ =	shalt  }
0x4f: {  	_ =	shalt  }
0x50: {  	_ =	shalt  }
0x51: {  	_ =	shalt  }
0x52: {  	_ =	shalt  }
0x53: {  	_ =	shalt  }
0x54: {  	_ =	shalt  }
0x55: {  	_ =	shalt  }
0x56: {  	_ =	shalt  }
0x57: {  	_ =	shalt  }
0x58: {  	_ =	shalt  }
0x59: {  	_ =	shalt  }
0x5a: {  	_ =	shalt  }
0x5b: {  	_ =	shalt  }
0x5c: {  	_ =	shalt  }
0x5d: {  	_ =	shalt  }
0x5e: {  	_ =	shalt  }
0x5f: {  	_ =	shalt  }
0x60: {  	_ =	shalt  }
0x61: {  	_ =	shalt  }
0x62: {  	_ =	shalt  }
0x63: {  	_ =	shalt  }
0x64: {  	_ =	shalt  }
0x65: {  	_ =	shalt  }
0x66: {  	_ =	shalt  }
0x67: {  	_ =	shalt  }
0x68: {  	_ =	shalt  }
0x69: {  	_ =	shalt  }
0x6a: {  	_ =	shalt  }
0x6b: {  	_ =	shalt  }
0x6c: {  	_ =	shalt  }
0x6d: {  	_ =	shalt  }
0x6e: {  	_ =	shalt  }
0x6f: {  	_ =	shalt  }
0x70: {  	_ =	shalt  }
0x71: {  	_ =	shalt  }
0x72: {  	_ =	shalt  }
0x73: {  	_ =	shalt  }
0x74: {  	_ =	shalt  }
0x75: {  	_ =	shalt  }
0x76: {  	_ =	shalt  }
0x77: {  	_ =	shalt  }
0x78: {  	_ =	shalt  }
0x79: {  	_ =	shalt  }
0x7a: {  	_ =	shalt  }
0x7b: {  	_ =	shalt  }
0x7c: {  	_ =	shalt  }
0x7d: {  	_ =	shalt  }
0x7e: {  	_ =	shalt  }
0x7f: {  	_ =	shalt  }
0x80: {  	_ =	shalt  }
0x81: {  	_ =	shalt  }
0x82: {  	_ =	shalt  }
0x83: {  	_ =	shalt  }
0x84: {  	_ =	shalt  }
0x85: {  	_ =	shalt  }
0x86: {  	_ =	shalt  }
0x87: {  	_ =	shalt  }
.Lfunc_end0:
.L_simem_size_0:
called_computation.1_lowered:
.L_overlay_start_0:
0x88: {  	s2 =	sld [smem:$0x3FD9]  }
0x89: {  	s3 =	sld [smem:$0x3FFE];
	_ =	sdelay $0x1  }
0x8a: {  	s1 =	srdreg.scid  }
0x8b: {  	s0 =	sand.u32 $0x1, s1  }
0x8c: {  	s14 =	sshll.u32 s0, $0xA;
	s2 =	sadd.s32 s3, s2  }
0x8d: {  	s2 =	sadd.s32 s2, s14  }
0x8e: {  	[smem:$0x3FC6] =	sst s2  }
0x8f: {  	_ = 	snop  }
0x90: {  	s2 =	sld [smem:$0x3FD0];
	_ =	sdelay $0x2  }
0x91: {  	s4 =	simm.s32 $0xA;
	s5 =	simm.s32 $0x10;
	s15 =	sld [smem:$0x3FC9]  }
0x92: {  	[smem:s5], [sflag:s4] =	dma.local [hbm:s2], $0x1  }
0x93: {  	_ =	swait.eq [sflag:s4], $0x1  }
0x94: {  	[sflag:s4] =	ssyncset.done $0x0  }
0x95: {  	[sflag:s4] =	ssyncadd.s32 $0xFFFFFFFF  }
0x96: {  	s16 =	sld [smem:$0x10];
	(tm) =	ssettm $0x1  }
0x97: {  	s17 =	sld [smem:$0x3FFB];
	_ =	sdelay $0x3  }
0x98: {  	_ =	strace s17  }
0x99: {  	s4 =	sld [smem:$0x3FFC];
	_ =	sdelay $0x3  }
0x9a: {  	_ =	strace s4  }
0x9b: {  	s4 =	sld [smem:$0x3FFD];
	_ =	sdelay $0x3  }
0x9c: {  	_ =	strace s4  }
0x9d: {  	_ =	strace $0x8FFFFFFF  }
0x9e: {  	s18 =	sld [smem:$0x3FDB];
	_ =	sdelay $0x1  }
0x9f: {  	s19 =	simm.s32 $_scs_section_size  }
0xa0: {  	s6 =	simm.s32 $_size__tile_overlayer_lowered;
	s7 =	simm.s32 $_tile_overlayer_lowered  }
0xa1: {  	s22 =	simm.s32 $0x1BFF;
	s21 =	sshll.u32 s7, $0x1;
	s4 =	sadd.s32 s19, s18  }
0xa2: {  	s8 =	simm.s32 $0x0;
	s20 =	sshll.u32 s6, $0x1;
	s6 =	sadd.s32 s21, s4  }
0xa3: {  	[timem:s8], [sflag:s22] =	dma.local [hbm:s6], s20  }
0xa4: {  	_ =	swait.ge [sflag:s22], s20  }
0xa5: {  	s5 =	ssub.s32 $0x0, s20;
	[sflag:s22] =	ssyncset.done $0x0  }
0xa6: {  	[sflag:s22] =	ssyncadd.s32 s5;
	_ =	sdelay $0x1  }
0xa7: {  	s23 =	simm.s32 $0x1B8B  }
0xa8: {  	_ =	swait.ge [sflag:s23], $0x1  }
0xa9: {  	[sflag:s23] =	ssyncset.done $0x0  }
0xaa: {  	s25 =	simm.s32 $0x1B8E;
	s24 =	sld [smem:$0x3FFE];
	[sflag:s23] =	ssyncadd.s32 $0xFFFFFFFF  }
0xab: {  	s26 =	simm.s32 $execute0_lowered;
	[smem:$0x3FD2] =	sst s25  }
0xac: {  	s6 =	sshll.u32 s26, $0x1;
	_ =	strace $0x80000049;
	[dreg:$0x1] =	wrdreg $0xFFFFFFFF  }
0xad: {  	s28 =	simm.s32 $_size_execute0_lowered;
	s4 =	sadd.s32 s4, s6;
	[dreg:$0x0] =	wrdreg $0x0  }
0xae: {  	s6 =	sshll.u32 s28, $0x1;
	[dreg:$0x2] =	wrdreg s4  }
0xaf: {  	[dreg:$0x3] =	wrdreg s6  }
0xb0: {  	[dreg:$0x4] =	wrdreg $0xC0  }
0xb1: {  	_ =	task [dreg:s8], $0x5FFFF  }
0xb2: {  	[dreg:$0x1] =	wrdreg $0xFFFFFFFF  }
0xb3: {  	[dreg:$0x0] =	wrdreg $0x60  }
0xb4: {  	[dreg:$0x2] =	wrdreg s24  }
0xb5: {  	[dreg:$0x3] =	wrdreg s15  }
0xb6: {  	[dreg:$0x4] =	wrdreg s16  }
0xb7: {  	[dreg:$0x5] =	wrdreg $0x9  }
0xb8: {  	_ =	task.clear_ibuf [dreg:s8], $0x6FFFF;
	_ =	strace $0x90000049  }
0xb9: {  	s29 =	simm.s32 $0x9;
	_ =	strace $0x8000004B  }
0xba: {  	_ =	swait.ge [sflag:s29], $0x1  }
0xbb: {  	[sflag:s29] =	ssyncadd.s32 $0xFFFFFFFF  }
0xbc: {  	_ =	strace $0x9000004B  }
0xbd: {  	_ =	sfence  }
0xbe: {  	s30 =	sld [smem:$0x0];
	_ =	sdelay $0x2  }
0xbf: {  	s31 =	sshll.u32 s1, $0xD;
	s1 =	sshrl.u32 s1, $0x2  }
0xc0: {  	s3 =	sand.u32 $0x4000, s31;
	s1 =	sadd.s32 s1, s30  }
0xc1: {  	s0 =	sor.u32 s3, s0;
	s1 =	sshll.u32 s1, $0x11  }
0xc2: {  	s0 =	sor.u32 s1, s0  }
0xc3: {  	s0 =	sadd.s32 $0x8F2B, s0  }
0xc4: {  	[sflag:s0] =	ssyncadd.remote.s32 $0x1  }
0xc5: {  	_ =	sfence.sel $0xFFFF  }
0xc6: {  	[dreg:$0x0] =	wrdreg $0xFFFFFFFF;
	(pc) =	sbr.abs _section_cstart, $3  }
0xc7: {  	[dreg:$0x1] =	wrdreg $0xFFFFFFFF  }
0xc8: {  	_ =	task.clear_ibuf [dreg:s8], $0x2FFFF;
	_ =	strace $0x9FFFFFFF  }
0xc9: {  	(tm) =	ssettm $0x7FFFFFFF  }
tec
execute0_lowered:
.L_overlay_start_1:
0x0: {  	(tag) =	ssettag $0x1  }
0x1: {  	s1 =	srdreg.scid;
	s4 =	rddreg [dreg:$0x0]  }
0x2: {  	s0 =	stileid.u32;
	s7 =	rddreg [dreg:$0x2];
	s3 =	simm.s32 $0x0  }
0x3: {  	s20 =	simm.s32 $0x80;
	s21 =	simm.s32 $0x100;
	s23 =	simm.s32 $0xA00  }
0x4: {  	s24 =	simm.s32 $0x1200;
	s25 =	simm.s32 $0x1A00;
	s26 =	simm.s32 $0x2200  }
0x5: {  	s8 =	simm.s32 $0x3200;
	s9 =	simm.s32 $0x3A00;
	s10 =	simm.s32 $0x4200  }
0x6: {  	s1 =	sand.u32 $0x1, s1;
	s2 =	sshll.u32 s0, $0x1;
	[smem:$0x7FF] =	sst s3  }
0x7: {  	s11 =	simm.s32 $0x4A00;
	s5 =	sor.u32 s1, s2;
	s2 =	rddreg [dreg:$0x1]  }
0x8: {  	s12 =	simm.s32 $0x5200;
	_ =	strace $0x8000004A;
	[dreg:$0xa] =	wrdreg s20  }
0x9: {  	s13 =	simm.s32 $0x5A00;
	s14 =	simm.s32 $0x6200;
	[dreg:$0xb] =	wrdreg s21  }
0xa: {  	s15 =	simm.s32 $0x6A00;
	s28 =	simm.s32 $0x2;
	[dreg:$0xc] =	wrdreg s23  }
0xb: {  	s29 =	simm.s32 $0x3;
	s30 =	simm.s32 $0x4;
	[dreg:$0xd] =	wrdreg s24  }
0xc: {  	s31 =	simm.s32 $0x5;
	[dreg:$0xe] =	wrdreg s25;
	s6 =	smul.u32 $0xC0, s5  }
0xd: {  	s1 =	ssub.s32 $0x2, s1;
	[dreg:$0xf] =	wrdreg s26;
	s20 =	simm.s32 $0x8A00  }
0xe: {  	s21 =	simm.s32 $0x9200;
	s23 =	simm.s32 $0xA200;
	s6 =	sshrl.u32 s6, $0x3  }
0xf: {  	s24 =	simm.s32 $0xAA00;
	s5 =	smul.u32 $0xC000, s5;
	s4 =	sadd.s32 s6, s4  }
0x10: {  	s25 =	simm.s32 $0xB200;
	s26 =	simm.s32 $0xBA00;
	s6 =	sadd.s32 $0x1400, s4  }
0x11: {  	s5 =	sshrl.u32 s5, $0x3;
	s16 =	sadd.s32 $0x1408, s4;
	[dreg:$0x4] =	wrdreg s6  }
0x12: {  	s5 =	sadd.s32 s7, s5;
	s4 =	sadd.s32 $0x1410, s4;
	[dreg:$0x5] =	wrdreg s16  }
0x13: {  	s22 =	sshrl.u32 s1, $0x1;
	s17 =	sadd.s32 $0x50000, s5;
	[dreg:$0x6] =	wrdreg s4  }
0x14: {  	s1 =	ssub.s32 s1, s22;
	s18 =	sadd.s32 $0x50800, s5;
	[dreg:$0x7] =	wrdreg s17  }
0x15: {  	s22 =	simm.s32 $0x9A00;
	s19 =	sadd.s32 $0x51000, s5;
	[dreg:$0x8] =	wrdreg s18  }
0x16: {  	v2 =	vlaneseq.u32;
	s5 =	simm.s32 $0x7;
	[dreg:$0x9] =	wrdreg s19;
	s4 =	smax.u32 s1, $0x1  }
0x17: {  	vm0 =	vmmov $0xffff;
	v1 =	vshrl.u32 v2, $0x3;
	s6 =	simm.s32 $0x200;
	s16 =	simm.s32 $0x7200;
	s17 =	simm.s32 $0x7A00  }
0x18: {  	v0 =	vand.u32 $0x7, v2;
	v2 =	vor.u32 $0x8, v2;
	v1 =	vmul.u32 $0x8, v1;
	s18 =	simm.s32 $0x1;
	s19 =	simm.s32 $0x8200;
	s1 =	simm.s32 $0x6  }
.LBB2_1:
0x19: {  	s0 =	rddreg [dreg:$0x4]  }
0x1a: {  	[tilespmem:s3], [sflag:$0x7] =	stream.linear.gather [hbm4b:s0+s3], $0x40, $0x38;
	[tilespmem:$0xC200] =	vst v63  }
0x1b: {  	_ =	swait.ge [sflag:s5], $0x40  }
0x1c: {  	s0 =	rddreg [dreg:$0x5];
	[sflag:s5] =	ssyncset.done $0x0  }
0x1d: {  	s7 =	rddreg [dreg:$0xa];
	[sflag:s5] =	ssyncadd.s32 $0xFFFFFFC0  }
0x1e: {  	[tilespmem:s7], [sflag:$0x7] =	stream.linear.gather [hbm4b:s0+s3], $0x40, $0x38;
	[tilespmem:$0xC200] =	vst v63  }
0x1f: {  	_ =	swait.ge [sflag:s5], $0x40  }
0x20: {  	s0 =	rddreg [dreg:$0x6];
	[sflag:s5] =	ssyncset.done $0x0  }
0x21: {  	s7 =	rddreg [dreg:$0xb];
	[sflag:s5] =	ssyncadd.s32 $0xFFFFFFC0  }
0x22: {  	[tilespmem:s7], [sflag:$0x7] =	stream.linear.gather [hbm4b:s0+s3], $0x40, $0x38;
	[tilespmem:$0xC200] =	vst v63  }
0x23: {  	_ =	swait.ge [sflag:s5], $0x40  }
0x24: {  	[sflag:s5] =	ssyncset.done $0x0  }
0x25: {  	[sflag:s5] =	ssyncadd.s32 $0xFFFFFFC0  }
0x26: {  	v3 =	vld [tilespmem:$0x0];
	_ =	sdelay $0x4  }
0x27: {  	v4 =	vshll.u32 v3, $0x1  }
0x28: {  	v3 =	vand.u32 $0x7, v3;
	v4 =	vand.u32 $0xFFFFFFF0, v4  }
0x29: {  	v3 =	vor.u32 v3, v4  }
0x2a: {  	v4 =	vperm.xlane v3, v0;
	_ =	sdelay $0x1  }
0x2b: {  	v3 =	vperm.xlane v3, v2;
	v4 =	vadd.s32 v1, v4;
	_ =	sdelay $0x1  }
0x2c: {  	v3 =	vadd.s32 v1, v3;
	_ =	sdelay $0x2  }
0x2d: {  	[tilespmem:s6], [sflag:$0x1] =	stream.indirect_vreg.gather [hbm4b:s2+s3], $0x80, v4, vm0, $0xb8;
	[tilespmem:$0xC200] =	vst v63  }
0x2e: {  	s7 =	rddreg [dreg:$0xc]  }
0x2f: {  	[tilespmem:s7], [sflag:$0x1] =	stream.indirect_vreg.gather [hbm4b:s2+s3], $0x80, v3, vm0, $0xb8;
	[tilespmem:$0xC200] =	vst v63  }
0x30: {  	v3 =	vld [tilespmem:$0x10];
	_ =	sdelay $0x4  }
0x31: {  	v53 =	vshll.u32 v3, $0x1  }
0x32: {  	v3 =	vand.u32 $0x7, v3;
	v4 =	vand.u32 $0xFFFFFFF0, v53  }
0x33: {  	v3 =	vor.u32 v3, v4  }
0x34: {  	v4 =	vperm.xlane v3, v0;
	_ =	sdelay $0x1  }
0x35: {  	v3 =	vperm.xlane v3, v2;
	v4 =	vadd.s32 v1, v4;
	_ =	sdelay $0x1  }
0x36: {  	v3 =	vadd.s32 v1, v3;
	_ =	sdelay $0x1  }
0x37: {  	s0 =	rddreg [dreg:$0xd]  }
0x38: {  	[tilespmem:s0], [sflag:$0x1] =	stream.indirect_vreg.gather [hbm4b:s2+s3], $0x80, v4, vm0, $0xb8;
	[tilespmem:$0xC200] =	vst v63  }
0x39: {  	s7 =	rddreg [dreg:$0xe]  }
0x3a: {  	[tilespmem:s7], [sflag:$0x1] =	stream.indirect_vreg.gather [hbm4b:s2+s3], $0x80, v3, vm0, $0xb8;
	[tilespmem:$0xC200] =	vst v63  }
0x3b: {  	v3 =	vld [tilespmem:$0x20];
	_ =	sdelay $0x4  }
0x3c: {  	v54 =	vshll.u32 v3, $0x1  }
0x3d: {  	v3 =	vand.u32 $0x7, v3;
	v4 =	vand.u32 $0xFFFFFFF0, v54  }
0x3e: {  	v3 =	vor.u32 v3, v4  }
0x3f: {  	v4 =	vperm.xlane v3, v0;
	_ =	sdelay $0x1  }
0x40: {  	v3 =	vperm.xlane v3, v2;
	v4 =	vadd.s32 v1, v4;
	_ =	sdelay $0x1  }
0x41: {  	v3 =	vadd.s32 v1, v3;
	_ =	sdelay $0x1  }
0x42: {  	s7 =	rddreg [dreg:$0xf]  }
0x43: {  	[tilespmem:s7], [sflag:$0x1] =	stream.indirect_vreg.gather [hbm4b:s2+s3], $0x80, v4, vm0, $0xb8;
	[tilespmem:$0xC200] =	vst v63  }
0x44: {  	s7 =	simm.s32 $0x2A00  }
0x45: {  	[tilespmem:s7], [sflag:$0x1] =	stream.indirect_vreg.gather [hbm4b:s2+s3], $0x80, v3, vm0, $0xb8;
	[tilespmem:$0xC200] =	vst v63  }
0x46: {  	v3 =	vld [tilespmem:$0x30];
	_ =	sdelay $0x4  }
0x47: {  	v55 =	vshll.u32 v3, $0x1  }
0x48: {  	v3 =	vand.u32 $0x7, v3;
	v4 =	vand.u32 $0xFFFFFFF0, v55  }
0x49: {  	v3 =	vor.u32 v3, v4  }
0x4a: {  	v4 =	vperm.xlane v3, v0;
	_ =	sdelay $0x1  }
0x4b: {  	v3 =	vperm.xlane v3, v2;
	v4 =	vadd.s32 v1, v4;
	_ =	sdelay $0x1  }
0x4c: {  	v3 =	vadd.s32 v1, v3;
	_ =	sdelay $0x2  }
0x4d: {  	[tilespmem:s8], [sflag:$0x1] =	stream.indirect_vreg.gather [hbm4b:s2+s3], $0x80, v4, vm0, $0xb8;
	[tilespmem:$0xC200] =	vst v63  }
0x4e: {  	_ = 	snop  }
0x4f: {  	[tilespmem:s9], [sflag:$0x1] =	stream.indirect_vreg.gather [hbm4b:s2+s3], $0x80, v3, vm0, $0xb8;
	[tilespmem:$0xC200] =	vst v63  }
0x50: {  	v3 =	vld [tilespmem:$0x80];
	_ =	sdelay $0x4  }
0x51: {  	v56 =	vshll.u32 v3, $0x1  }
0x52: {  	v3 =	vand.u32 $0x7, v3;
	v4 =	vand.u32 $0xFFFFFFF0, v56  }
0x53: {  	v3 =	vor.u32 v3, v4  }
0x54: {  	v4 =	vperm.xlane v3, v0;
	_ =	sdelay $0x1  }
0x55: {  	v3 =	vperm.xlane v3, v2;
	v4 =	vadd.s32 v1, v4;
	_ =	sdelay $0x1  }
0x56: {  	v3 =	vadd.s32 v1, v3;
	_ =	sdelay $0x2  }
0x57: {  	[tilespmem:s10], [sflag:$0x2] =	stream.indirect_vreg.gather [hbm4b:s2+s3], $0x80, v4, vm0, $0xb8;
	[tilespmem:$0xC200] =	vst v63  }
0x58: {  	_ = 	snop  }
0x59: {  	[tilespmem:s11], [sflag:$0x2] =	stream.indirect_vreg.gather [hbm4b:s2+s3], $0x80, v3, vm0, $0xb8;
	[tilespmem:$0xC200] =	vst v63  }
0x5a: {  	v3 =	vld [tilespmem:$0x90];
	_ =	sdelay $0x4  }
0x5b: {  	v57 =	vshll.u32 v3, $0x1  }
0x5c: {  	v3 =	vand.u32 $0x7, v3;
	v4 =	vand.u32 $0xFFFFFFF0, v57  }
0x5d: {  	v3 =	vor.u32 v3, v4  }
0x5e: {  	v4 =	vperm.xlane v3, v0;
	_ =	sdelay $0x1  }
0x5f: {  	v3 =	vperm.xlane v3, v2;
	v4 =	vadd.s32 v1, v4;
	_ =	sdelay $0x1  }
0x60: {  	v3 =	vadd.s32 v1, v3;
	_ =	sdelay $0x2  }
0x61: {  	[tilespmem:s12], [sflag:$0x2] =	stream.indirect_vreg.gather [hbm4b:s2+s3], $0x80, v4, vm0, $0xb8;
	[tilespmem:$0xC200] =	vst v63  }
0x62: {  	_ = 	snop  }
0x63: {  	[tilespmem:s13], [sflag:$0x2] =	stream.indirect_vreg.gather [hbm4b:s2+s3], $0x80, v3, vm0, $0xb8;
	[tilespmem:$0xC200] =	vst v63  }
0x64: {  	v3 =	vld [tilespmem:$0xA0];
	_ =	sdelay $0x4  }
0x65: {  	v58 =	vshll.u32 v3, $0x1  }
0x66: {  	v3 =	vand.u32 $0x7, v3;
	v4 =	vand.u32 $0xFFFFFFF0, v58  }
0x67: {  	v3 =	vor.u32 v3, v4  }
0x68: {  	v4 =	vperm.xlane v3, v0;
	_ =	sdelay $0x1  }
0x69: {  	v3 =	vperm.xlane v3, v2;
	v4 =	vadd.s32 v1, v4;
	_ =	sdelay $0x1  }
0x6a: {  	v3 =	vadd.s32 v1, v3;
	_ =	sdelay $0x2  }
0x6b: {  	[tilespmem:s14], [sflag:$0x2] =	stream.indirect_vreg.gather [hbm4b:s2+s3], $0x80, v4, vm0, $0xb8;
	[tilespmem:$0xC200] =	vst v63  }
0x6c: {  	_ = 	snop  }
0x6d: {  	[tilespmem:s15], [sflag:$0x2] =	stream.indirect_vreg.gather [hbm4b:s2+s3], $0x80, v3, vm0, $0xb8;
	[tilespmem:$0xC200] =	vst v63  }
0x6e: {  	v3 =	vld [tilespmem:$0xB0];
	_ =	sdelay $0x4  }
0x6f: {  	v59 =	vshll.u32 v3, $0x1  }
0x70: {  	v3 =	vand.u32 $0x7, v3;
	v4 =	vand.u32 $0xFFFFFFF0, v59  }
0x71: {  	v3 =	vor.u32 v3, v4  }
0x72: {  	v4 =	vperm.xlane v3, v0;
	_ =	sdelay $0x1  }
0x73: {  	v3 =	vperm.xlane v3, v2;
	v4 =	vadd.s32 v1, v4;
	_ =	sdelay $0x1  }
0x74: {  	v3 =	vadd.s32 v1, v3;
	_ =	sdelay $0x2  }
0x75: {  	[tilespmem:s16], [sflag:$0x2] =	stream.indirect_vreg.gather [hbm4b:s2+s3], $0x80, v4, vm0, $0xb8;
	[tilespmem:$0xC200] =	vst v63  }
0x76: {  	_ = 	snop  }
0x77: {  	[tilespmem:s17], [sflag:$0x2] =	stream.indirect_vreg.gather [hbm4b:s2+s3], $0x80, v3, vm0, $0xb8;
	[tilespmem:$0xC200] =	vst v63  }
0x78: {  	_ =	swait.ge [sflag:s18], $0x4000  }
0x79: {  	[sflag:s18] =	ssyncset.done $0x0  }
0x7a: {  	s7 =	rddreg [dreg:$0x7];
	[sflag:s18] =	ssyncadd.s32 $0xFFFFC000  }
0x7b: {  	[hbm4b:s7+s3] =	stream.linear.scatter [tilespmem:s6], [sflag:$0x4], $0x4000, $0x38;
	[tilespmem:$0xC200] =	vst v63  }
0x7c: {  	v3 =	vld [tilespmem:$0x100];
	_ =	sdelay $0x4  }
0x7d: {  	v60 =	vshll.u32 v3, $0x1  }
0x7e: {  	v3 =	vand.u32 $0x7, v3;
	v4 =	vand.u32 $0xFFFFFFF0, v60  }
0x7f: {  	v3 =	vor.u32 v3, v4  }
0x80: {  	v4 =	vperm.xlane v3, v0;
	_ =	sdelay $0x1  }
0x81: {  	v3 =	vperm.xlane v3, v2;
	v4 =	vadd.s32 v1, v4;
	_ =	sdelay $0x1  }
0x82: {  	v3 =	vadd.s32 v1, v3;
	_ =	sdelay $0x2  }
0x83: {  	[tilespmem:s19], [sflag:$0x3] =	stream.indirect_vreg.gather [hbm4b:s2+s3], $0x80, v4, vm0, $0xb8;
	[tilespmem:$0xC200] =	vst v63  }
0x84: {  	_ = 	snop  }
0x85: {  	[tilespmem:s20], [sflag:$0x3] =	stream.indirect_vreg.gather [hbm4b:s2+s3], $0x80, v3, vm0, $0xb8;
	[tilespmem:$0xC200] =	vst v63  }
0x86: {  	v3 =	vld [tilespmem:$0x110];
	_ =	sdelay $0x4  }
0x87: {  	v61 =	vshll.u32 v3, $0x1  }
0x88: {  	v3 =	vand.u32 $0x7, v3;
	v4 =	vand.u32 $0xFFFFFFF0, v61  }
0x89: {  	v3 =	vor.u32 v3, v4  }
0x8a: {  	v4 =	vperm.xlane v3, v0;
	_ =	sdelay $0x1  }
0x8b: {  	v3 =	vperm.xlane v3, v2;
	v4 =	vadd.s32 v1, v4;
	_ =	sdelay $0x1  }
0x8c: {  	v3 =	vadd.s32 v1, v3;
	_ =	sdelay $0x2  }
0x8d: {  	[tilespmem:s21], [sflag:$0x3] =	stream.indirect_vreg.gather [hbm4b:s2+s3], $0x80, v4, vm0, $0xb8;
	[tilespmem:$0xC200] =	vst v63  }
0x8e: {  	_ = 	snop  }
0x8f: {  	[tilespmem:s22], [sflag:$0x3] =	stream.indirect_vreg.gather [hbm4b:s2+s3], $0x80, v3, vm0, $0xb8;
	[tilespmem:$0xC200] =	vst v63  }
0x90: {  	v3 =	vld [tilespmem:$0x120];
	_ =	sdelay $0x4  }
0x91: {  	v62 =	vshll.u32 v3, $0x1  }
0x92: {  	v3 =	vand.u32 $0x7, v3;
	v4 =	vand.u32 $0xFFFFFFF0, v62  }
0x93: {  	v3 =	vor.u32 v3, v4  }
0x94: {  	v4 =	vperm.xlane v3, v0;
	_ =	sdelay $0x1  }
0x95: {  	v3 =	vperm.xlane v3, v2;
	v4 =	vadd.s32 v1, v4;
	_ =	sdelay $0x1  }
0x96: {  	v3 =	vadd.s32 v1, v3;
	_ =	sdelay $0x2  }
0x97: {  	[tilespmem:s23], [sflag:$0x3] =	stream.indirect_vreg.gather [hbm4b:s2+s3], $0x80, v4, vm0, $0xb8;
	[tilespmem:$0xC200] =	vst v63  }
0x98: {  	_ = 	snop  }
0x99: {  	[tilespmem:s24], [sflag:$0x3] =	stream.indirect_vreg.gather [hbm4b:s2+s3], $0x80, v3, vm0, $0xb8;
	[tilespmem:$0xC200] =	vst v63  }
0x9a: {  	v3 =	vld [tilespmem:$0x130];
	_ =	sdelay $0x4  }
0x9b: {  	v63 =	vshll.u32 v3, $0x1  }
0x9c: {  	v3 =	vand.u32 $0x7, v3;
	v4 =	vand.u32 $0xFFFFFFF0, v63  }
0x9d: {  	v3 =	vor.u32 v3, v4  }
0x9e: {  	v4 =	vperm.xlane v3, v0;
	_ =	sdelay $0x1  }
0x9f: {  	v3 =	vperm.xlane v3, v2;
	v4 =	vadd.s32 v1, v4;
	_ =	sdelay $0x1  }
0xa0: {  	v3 =	vadd.s32 v1, v3;
	_ =	sdelay $0x2  }
0xa1: {  	[tilespmem:s25], [sflag:$0x3] =	stream.indirect_vreg.gather [hbm4b:s2+s3], $0x80, v4, vm0, $0xb8;
	[tilespmem:$0xC200] =	vst v63  }
0xa2: {  	_ = 	snop  }
0xa3: {  	[tilespmem:s26], [sflag:$0x3] =	stream.indirect_vreg.gather [hbm4b:s2+s3], $0x80, v3, vm0, $0xb8;
	[tilespmem:$0xC200] =	vst v63  }
0xa4: {  	_ =	swait.ge [sflag:s28], $0x4000  }
0xa5: {  	[sflag:s28] =	ssyncset.done $0x0  }
0xa6: {  	s7 =	rddreg [dreg:$0x8];
	[sflag:s28] =	ssyncadd.s32 $0xFFFFC000  }
0xa7: {  	[hbm4b:s7+s3] =	stream.linear.scatter [tilespmem:s10], [sflag:$0x5], $0x4000, $0x38;
	[tilespmem:$0xC200] =	vst v63  }
0xa8: {  	_ =	swait.ge [sflag:s29], $0x4000  }
0xa9: {  	[sflag:s29] =	ssyncset.done $0x0  }
0xaa: {  	[sflag:s29] =	ssyncadd.s32 $0xFFFFC000  }
0xab: {  	_ =	swait.ge [sflag:s30], $0x4000  }
0xac: {  	[sflag:s30] =	ssyncset.done $0x0  }
0xad: {  	s7 =	rddreg [dreg:$0x9];
	[sflag:s30] =	ssyncadd.s32 $0xFFFFC000  }
0xae: {  	[hbm4b:s7+s3] =	stream.linear.scatter [tilespmem:s19], [sflag:$0x6], $0x4000, $0x38;
	[tilespmem:$0xC200] =	vst v63  }
0xaf: {  	p0 =	sne.s32 s4, $0x1;
	_ =	swait.ge [sflag:s31], $0x4000  }
.Ltmp0:
0xb0: {  	[sflag:s31] =	ssyncset.done $0x0;
	(pc) =	sbr.rel @p0 .LBB2_1-.Ltmp0, $4  }
0xb1: {  	[sflag:s31] =	ssyncadd.s32 $0xFFFFC000  }
0xb2: {  	_ =	swait.ge [sflag:s1], $0x4000  }
0xb3: {  	[sflag:s1] =	ssyncset.done $0x0  }
0xb4: {  	s4 =	sadd.s32 $0xFFFFFFFF, s4;
	[sflag:s1] =	ssyncadd.s32 $0xFFFFC000  }
0xb5: {  	_ =	sfence.sel $0x180000  }
0xb6: {  	[bflag:$0x0] =	sbarrier.arrive $0xFFFF  }
0xb7: {  	_ =	strace $0x9000004A  }
0xb8: {  	s0 =	stileid.u32;
	[bflag:$0x2] =	sbarrier.arrive $0xFFFF  }
0xb9: {  	p0 =	sne.s32 s0, $0x0;
	s0 =	rddreg [dreg:$0x3]  }
0xba: {  	s0 =	sadd.s32 @!p0 $0x100000, s0  }
0xbb: {  	[sflag:s0] =	ssyncadd.tile.s32 @!p0 $0x1;
	_ =	shalt  }
.Lfunc_end2:
_tile_overlayer_lowered:
.L_overlay_start_2:
0xbc: {  	(tag) =	ssettag $0x2  }
0xbd: {  	s0 =	rddreg [dreg:$0x0];
	s2 =	stileid.u32  }
0xbe: {  	s1 =	rddreg [dreg:$0x1];
	p0 =	sne.s32 s2, $0x0  }
0xbf: {  	s3 =	rddreg [dreg:$0x2];
	[bflag:$0x3] =	sbarrier.arrive $0xFFFF;
	s2 =	simm.s32 @!p0 $0x1C07  }
0xc0: {  	[timem:s3], [sflag:s2] =	dma.local @!p0 [hbm:s0], s1  }
0xc1: {  	s0 =	simm.s32 @!p0 $0x7  }
0xc2: {  	_ =	swait.ge @!p0 [sflag:s0], s1  }
0xc3: {  	s1 =	ssub.s32 @!p0 $0x0, s1;
	[sflag:s0] =	ssyncset.done @!p0 $0x0  }
0xc4: {  	[sflag:s0] =	ssyncadd.s32 @!p0 s1  }
0xc5: {  	[bflag:$0x3] =	sbarrier.arrive $0xFFFF  }
0xc6: {  	_ =	shalt  }

// kernel: kernel.7.cloned.1.call-start
scs
__scs_entry_jumppad:
0x0: {  	(pc) =	sbr.rel $0x88, $3  }
0x1: {  	(tag) =	ssettag $0x0;
	lr =	simm.s32 $0x1  }
0x2: {  	[smem:$0x3F9F] =	sst lr;
	_ =	strace $0xD0000000  }
0x3: {  	_ = 	snop  }
0x4: {  	_ = 	snop  }
0x5: {  	_ = 	snop  }
0x6: {  	_ = 	snop  }
0x7: {  	_ = 	snop  }
__scs_overlays_trampoline_lowered:
0x8: {  	[smem:$0x3FAE] =	sst s0  }
0x9: {  	[smem:$0x3FAF] =	sst s1  }
0xa: {  	[smem:$0x3FB0] =	sst s2  }
0xb: {  	[smem:$0x3FB1] =	sst s3  }
0xc: {  	[smem:$0x3FB2] =	sst s4  }
0xd: {  	[smem:$0x3FB3] =	sst s5  }
0xe: {  	[smem:$0x3FB4] =	sst s6  }
0xf: {  	[smem:$0x3FB5] =	sst s7  }
0x10: {  	[smem:$0x3FB6] =	sst s8  }
0x11: {  	[smem:$0x3FB7] =	sst s9;
	s0 =	simm.s32 @!p0 $0x0  }
0x12: {  	s1 =	sld [smem:$0x3F9D];
	s0 =	simm.s32 @p0 $0x1  }
0x13: {  	[smem:$0x3FB8] =	sst s0;
	s0 =	simm.s32 @!p1 $0x0  }
0x14: {  	s2 =	sld [smem:$0x3F9C];
	s0 =	simm.s32 @p1 $0x1  }
0x15: {  	[smem:$0x3FB9] =	sst s0;
	s0 =	simm.s32 @!p2 $0x0  }
0x16: {  	s3 =	sld [smem:$0x3FDB];
	s0 =	simm.s32 @p2 $0x1  }
0x17: {  	s4 =	simm.s32 $0x1BF5;
	[smem:$0x3FBB] =	sst s0  }
0x18: {  	s0 =	sld [smem:$0x3F9E];
	_ =	swait.ge [sflag:s4], $0x0  }
0x19: {  	s7 =	sld [smem:$0x3F9F]  }
0x1a: {  	s8 =	sadd.s32 $0xFFFFE003, lr  }
0x1b: {  	s9 =	sadd.s32 $0xFFFFFEF7, lr;
	s5 =	simm.s32 $0xFFFFFFFF;
	p2 =	slt.u32 s8, $0xFFFFF086  }
0x1c: {  	p1 =	slt.u32 s9, $0xF7A;
	s5 =	simm.s32 @!p2 $0x0  }
0x1d: {  	s5 =	simm.s32 @p1 $0x1;
	p0 =	seq.s32 s7, s2  }
0x1e: {  	s7 =	smul.u32 @!p0 $0xF7A, s2;
	p2 =	seq.s32 @!p0 s5, $0x0  }
0x1f: {  	s9 =	smul.u32 $0xF7A, s1;
	s8 =	simm.s32 @!p0 $0x1BF5;
	p2 =	por !p2, p0  }
0x20: {  	[sflag:s8] =	ssyncset.s32 @!p0 $0xFFFFF086;
	s6 =	sadd.s32 @!p0 s3, s7;
	s7 =	simm.s32 @!p0 $0x108  }
0x21: {  	s3 =	sadd.s32 s3, s9;
	s6 =	sadd.s32 @!p0 $0x88, s6;
	s7 =	simm.s32 @p2 $0x1082  }
0x22: {  	[simem:s7], [sflag:s8] =	dma.local @!p0 [hbm:s6], $0xF7A  }
0x23: {  	s9 =	sor.u32 $0xD0000000, s2;
	s6 =	simm.s32 $0x108;
	_ =	swait.ge @!p0 [sflag:s8], $0x0  }
0x24: {  	s3 =	sadd.s32 $0x88, s3;
	s6 =	simm.s32 @!p1 $0x1082;
	[sflag:s4] =	ssyncset.s32 $0xFFFFF086  }
0x25: {  	[simem:s6], [sflag:s4] =	dma.local [hbm:s3], $0xF7A  }
0x26: {  	[smem:$0x3F9F] =	sst s1;
	(tag) =	ssettag s2;
	_ =	strace s9  }
0x27: {  	s1 =	sld [smem:$0x3FAF]  }
0x28: {  	s2 =	sld [smem:$0x3FB0]  }
0x29: {  	s4 =	sld [smem:$0x3FB2]  }
0x2a: {  	p0 =	seq.s32 s5, $0x0;
	s5 =	sld [smem:$0x3FB3]  }
0x2b: {  	s6 =	sld [smem:$0x3FB4]  }
0x2c: {  	s7 =	sld [smem:$0x3FB5]  }
0x2d: {  	s3 =	simm.s32 $0x108;
	s8 =	sld [smem:$0x3FB6]  }
0x2e: {  	s3 =	simm.s32 @!p0 $0x1082;
	s9 =	sld [smem:$0x3FB7]  }
0x2f: {  	lr =	sadd.s32 s0, s3;
	s0 =	sld [smem:$0x3FAE]  }
0x30: {  	s3 =	sld [smem:$0x3FB1]  }
0x31: {  	[smem:$0x3FBA] =	sst s10  }
0x32: {  	s10 =	sld [smem:$0x3FB8];
	_ =	sdelay $0x3  }
0x33: {  	p0 =	seq.s32 s10, $0x1;
	s10 =	sld [smem:$0x3FBA];
	_ =	sdelay $0x3  }
0x34: {  	[smem:$0x3FBA] =	sst s10  }
0x35: {  	s10 =	sld [smem:$0x3FB9];
	_ =	sdelay $0x3  }
0x36: {  	p1 =	seq.s32 s10, $0x1;
	s10 =	sld [smem:$0x3FBA];
	_ =	sdelay $0x3  }
0x37: {  	[smem:$0x3FBA] =	sst s10  }
0x38: {  	s10 =	sld [smem:$0x3FBB]  }
0x39: {  	_ = 	snop;
	(pc) =	sbr.ind lr, $3  }
0x3a: {  	_ = 	snop  }
0x3b: {  	_ = 	snop  }
0x3c: {  	p2 =	seq.s32 s10, $0x1;
	s10 =	sld [smem:$0x3FBA]  }
0x3d: {  	_ =	shalt  }
0x3e: {  	_ =	shalt  }
0x3f: {  	_ =	shalt  }
0x40: {  	_ =	shalt  }
0x41: {  	_ =	shalt  }
0x42: {  	_ =	shalt  }
0x43: {  	_ =	shalt  }
0x44: {  	_ =	shalt  }
0x45: {  	_ =	shalt  }
0x46: {  	_ =	shalt  }
0x47: {  	_ =	shalt  }
0x48: {  	_ =	shalt  }
0x49: {  	_ =	shalt  }
0x4a: {  	_ =	shalt  }
0x4b: {  	_ =	shalt  }
0x4c: {  	_ =	shalt  }
0x4d: {  	_ =	shalt  }
0x4e: {  	_ =	shalt  }
0x4f: {  	_ =	shalt  }
0x50: {  	_ =	shalt  }
0x51: {  	_ =	shalt  }
0x52: {  	_ =	shalt  }
0x53: {  	_ =	shalt  }
0x54: {  	_ =	shalt  }
0x55: {  	_ =	shalt  }
0x56: {  	_ =	shalt  }
0x57: {  	_ =	shalt  }
0x58: {  	_ =	shalt  }
0x59: {  	_ =	shalt  }
0x5a: {  	_ =	shalt  }
0x5b: {  	_ =	shalt  }
0x5c: {  	_ =	shalt  }
0x5d: {  	_ =	shalt  }
0x5e: {  	_ =	shalt  }
0x5f: {  	_ =	shalt  }
0x60: {  	_ =	shalt  }
0x61: {  	_ =	shalt  }
0x62: {  	_ =	shalt  }
0x63: {  	_ =	shalt  }
0x64: {  	_ =	shalt  }
0x65: {  	_ =	shalt  }
0x66: {  	_ =	shalt  }
0x67: {  	_ =	shalt  }
0x68: {  	_ =	shalt  }
0x69: {  	_ =	shalt  }
0x6a: {  	_ =	shalt  }
0x6b: {  	_ =	shalt  }
0x6c: {  	_ =	shalt  }
0x6d: {  	_ =	shalt  }
0x6e: {  	_ =	shalt  }
0x6f: {  	_ =	shalt  }
0x70: {  	_ =	shalt  }
0x71: {  	_ =	shalt  }
0x72: {  	_ =	shalt  }
0x73: {  	_ =	shalt  }
0x74: {  	_ =	shalt  }
0x75: {  	_ =	shalt  }
0x76: {  	_ =	shalt  }
0x77: {  	_ =	shalt  }
0x78: {  	_ =	shalt  }
0x79: {  	_ =	shalt  }
0x7a: {  	_ =	shalt  }
0x7b: {  	_ =	shalt  }
0x7c: {  	_ =	shalt  }
0x7d: {  	_ =	shalt  }
0x7e: {  	_ =	shalt  }
0x7f: {  	_ =	shalt  }
0x80: {  	_ =	shalt  }
0x81: {  	_ =	shalt  }
0x82: {  	_ =	shalt  }
0x83: {  	_ =	shalt  }
0x84: {  	_ =	shalt  }
0x85: {  	_ =	shalt  }
0x86: {  	_ =	shalt  }
0x87: {  	_ =	shalt  }
.Lfunc_end0:
.L_simem_size_0:
called_computation_lowered:
.L_overlay_start_0:
0x88: {  	s2 =	sld [smem:$0x3FD9]  }
0x89: {  	s3 =	sld [smem:$0x3FFE];
	_ =	sdelay $0x1  }
0x8a: {  	s1 =	srdreg.scid  }
0x8b: {  	s0 =	sand.u32 $0x1, s1  }
0x8c: {  	s15 =	sshll.u32 s0, $0xA;
	s2 =	sadd.s32 s3, s2  }
0x8d: {  	s2 =	sadd.s32 s2, s15  }
0x8e: {  	[smem:$0x3FC6] =	sst s2  }
0x8f: {  	_ = 	snop  }
0x90: {  	s2 =	sld [smem:$0x3FD0];
	_ =	sdelay $0x2  }
0x91: {  	s4 =	simm.s32 $0xA;
	s5 =	simm.s32 $0x10;
	s16 =	sld [smem:$0x3FC9]  }
0x92: {  	[smem:s5], [sflag:s4] =	dma.local [hbm:s2], $0x1  }
0x93: {  	_ =	swait.eq [sflag:s4], $0x1  }
0x94: {  	[sflag:s4] =	ssyncset.done $0x0  }
0x95: {  	s17 =	sld [smem:$0x10];
	[sflag:s4] =	ssyncadd.s32 $0xFFFFFFFF  }
0x96: {  	s18 =	sld [smem:$0x11];
	(tm) =	ssettm $0x1  }
0x97: {  	s19 =	sld [smem:$0x3FFB];
	_ =	sdelay $0x3  }
0x98: {  	_ =	strace s19  }
0x99: {  	s5 =	sld [smem:$0x3FFC];
	_ =	sdelay $0x3  }
0x9a: {  	_ =	strace s5  }
0x9b: {  	s5 =	sld [smem:$0x3FFD];
	_ =	sdelay $0x3  }
0x9c: {  	_ =	strace s5  }
0x9d: {  	_ =	strace $0x8FFFFFFF  }
0x9e: {  	s20 =	sld [smem:$0x3FDB];
	_ =	sdelay $0x1  }
0x9f: {  	s6 =	simm.s32 $_scs_section_size  }
0xa0: {  	s7 =	simm.s32 $_size__tile_overlayer_lowered;
	s8 =	simm.s32 $_tile_overlayer_lowered  }
0xa1: {  	s23 =	simm.s32 $0x1BFF;
	s22 =	sshll.u32 s8, $0x1;
	s5 =	sadd.s32 s6, s20  }
0xa2: {  	s9 =	simm.s32 $0x0;
	s21 =	sshll.u32 s7, $0x1;
	s7 =	sadd.s32 s22, s5  }
0xa3: {  	[timem:s9], [sflag:s23] =	dma.local [hbm:s7], s21  }
0xa4: {  	_ =	swait.ge [sflag:s23], s21  }
0xa5: {  	s6 =	ssub.s32 $0x0, s21;
	[sflag:s23] =	ssyncset.done $0x0  }
0xa6: {  	[sflag:s23] =	ssyncadd.s32 s6;
	_ =	sdelay $0x1  }
0xa7: {  	s24 =	simm.s32 $0x1B8B  }
0xa8: {  	_ =	swait.ge [sflag:s24], $0x1  }
0xa9: {  	[sflag:s24] =	ssyncset.done $0x0  }
0xaa: {  	s25 =	simm.s32 $0x1B8E;
	[sflag:s24] =	ssyncadd.s32 $0xFFFFFFFF  }
0xab: {  	s26 =	simm.s32 $execute0_lowered;
	[smem:$0x3FD2] =	sst s25  }
0xac: {  	s6 =	sshll.u32 s26, $0x1;
	_ =	strace $0x80000046;
	[dreg:$0x1] =	wrdreg $0xFFFFFFFF  }
0xad: {  	s28 =	simm.s32 $_size_execute0_lowered;
	s5 =	sadd.s32 s5, s6;
	[dreg:$0x0] =	wrdreg $0x0  }
0xae: {  	s6 =	sshll.u32 s28, $0x1;
	[dreg:$0x2] =	wrdreg s5  }
0xaf: {  	[dreg:$0x3] =	wrdreg s6  }
0xb0: {  	[dreg:$0x4] =	wrdreg $0xC0  }
0xb1: {  	_ =	task [dreg:s9], $0x5FFFF  }
0xb2: {  	[dreg:$0x1] =	wrdreg $0xFFFFFFFF  }
0xb3: {  	[dreg:$0x0] =	wrdreg $0x60  }
0xb4: {  	[dreg:$0x2] =	wrdreg s18  }
0xb5: {  	[dreg:$0x3] =	wrdreg s16  }
0xb6: {  	[dreg:$0x4] =	wrdreg s17  }
0xb7: {  	[dreg:$0x5] =	wrdreg $0x9  }
0xb8: {  	_ =	task.clear_ibuf [dreg:s9], $0x6FFFF;
	_ =	strace $0x90000046  }
0xb9: {  	s29 =	simm.s32 $0x9;
	_ =	strace $0x80000048  }
0xba: {  	_ =	swait.ge [sflag:s29], $0x1  }
0xbb: {  	[sflag:s29] =	ssyncadd.s32 $0xFFFFFFFF  }
0xbc: {  	_ =	strace $0x90000048  }
0xbd: {  	_ =	sfence  }
0xbe: {  	s30 =	sld [smem:$0x0];
	_ =	sdelay $0x2  }
0xbf: {  	s31 =	sshll.u32 s1, $0xD;
	s1 =	sshrl.u32 s1, $0x2  }
0xc0: {  	s3 =	sand.u32 $0x4000, s31;
	s1 =	sadd.s32 s1, s30  }
0xc1: {  	s0 =	sor.u32 s3, s0;
	s1 =	sshll.u32 s1, $0x11  }
0xc2: {  	s0 =	sor.u32 s1, s0  }
0xc3: {  	s0 =	sadd.s32 $0x8F2B, s0  }
0xc4: {  	[sflag:s0] =	ssyncadd.remote.s32 $0x1  }
0xc5: {  	_ =	sfence.sel $0xFFFF  }
0xc6: {  	[dreg:$0x0] =	wrdreg $0xFFFFFFFF;
	(pc) =	sbr.abs _section_cstart, $3  }
0xc7: {  	[dreg:$0x1] =	wrdreg $0xFFFFFFFF  }
0xc8: {  	_ =	task.clear_ibuf [dreg:s9], $0x2FFFF;
	_ =	strace $0x9FFFFFFF  }
0xc9: {  	(tm) =	ssettm $0x7FFFFFFF  }
tec
execute0_lowered:
.L_overlay_start_1:
0x0: {  	(tag) =	ssettag $0x1  }
0x1: {  	s4 =	rddreg [dreg:$0x0]  }
0x2: {  	s1 =	srdreg.scid;
	s0 =	stileid.u32  }
0x3: {  	s2 =	rddreg [dreg:$0x1];
	s1 =	sand.u32 $0x1, s1;
	s3 =	sshll.u32 s0, $0x1  }
0x4: {  	s5 =	rddreg [dreg:$0x2];
	s6 =	sor.u32 s1, s3;
	s3 =	simm.s32 $0x0  }
0x5: {  	s21 =	simm.s32 $0x80;
	s22 =	simm.s32 $0x100;
	[smem:$0x7FF] =	sst s3  }
0x6: {  	s7 =	smul.u32 $0x140, s6;
	_ =	strace $0x80000047;
	[dreg:$0xe] =	wrdreg s21  }
0x7: {  	[dreg:$0xf] =	wrdreg s22;
	s21 =	simm.s32 $0xAC00;
	s22 =	simm.s32 $0xB400  }
0x8: {  	s8 =	sshrl.u32 s7, $0x3;
	s9 =	sadd.s32 $0x40, s7;
	s11 =	sadd.s32 $0x80, s7  }
0x9: {  	s26 =	sadd.s32 $0xC0, s7;
	s7 =	sadd.s32 $0x100, s7;
	[smem:$0x7F8] =	sst s21  }
0xa: {  	[smem:$0x7F9] =	sst s22;
	s8 =	sadd.s32 s4, s8;
	s10 =	sshrl.u32 s9, $0x3  }
0xb: {  	s24 =	sshrl.u32 s11, $0x3;
	s0 =	sshrl.u32 s26, $0x3;
	s12 =	sshrl.u32 s7, $0x3  }
0xc: {  	s17 =	sshll.u32 s26, $0x5;
	s26 =	simm.s32 $0x1400;
	[dreg:$0x4] =	wrdreg s8  }
0xd: {  	s19 =	sshll.u32 s7, $0x5;
	s7 =	simm.s32 $0x3400;
	[dreg:$0x13] =	wrdreg s26  }
0xe: {  	s13 =	sshll.u32 s9, $0x5;
	s9 =	simm.s32 $0x4C00;
	[dreg:$0x17] =	wrdreg s7  }
0xf: {  	s15 =	sshll.u32 s11, $0x5;
	s11 =	simm.s32 $0x5C00;
	[dreg:$0x19] =	wrdreg s9  }
0x10: {  	s23 =	sadd.s32 s4, s10;
	[dreg:$0x1b] =	wrdreg s11  }
0x11: {  	s25 =	sadd.s32 s4, s24;
	[dreg:$0x5] =	wrdreg s23  }
0x12: {  	s6 =	smul.u32 $0x2800, s6;
	s8 =	sadd.s32 s4, s0;
	[dreg:$0x6] =	wrdreg s25  }
0x13: {  	s4 =	sadd.s32 s4, s12;
	[dreg:$0x7] =	wrdreg s8  }
0x14: {  	s12 =	sadd.s32 s5, s6;
	[dreg:$0x8] =	wrdreg s4  }
0x15: {  	s14 =	sadd.s32 s5, s13;
	[dreg:$0x9] =	wrdreg s12  }
0x16: {  	s16 =	sadd.s32 s5, s15;
	[dreg:$0xa] =	wrdreg s14  }
0x17: {  	s28 =	simm.s32 $0x7;
	s18 =	sadd.s32 s5, s17;
	[dreg:$0xb] =	wrdreg s16  }
0x18: {  	s29 =	simm.s32 $0x5;
	s20 =	sadd.s32 s5, s19;
	[dreg:$0xc] =	wrdreg s18  }
0x19: {  	s30 =	simm.s32 $0x8;
	s24 =	simm.s32 $0x200;
	[dreg:$0xd] =	wrdreg s20  }
0x1a: {  	s31 =	simm.s32 $0x9;
	s0 =	simm.s32 $0x1C00;
	[dreg:$0x11] =	wrdreg s24  }
0x1b: {  	s1 =	ssub.s32 $0x2, s1;
	s5 =	simm.s32 $0x2400;
	[dreg:$0x14] =	wrdreg s0  }
0x1c: {  	s21 =	simm.s32 $0x11C00;
	s6 =	simm.s32 $0x2C00;
	[dreg:$0x15] =	wrdreg s5  }
0x1d: {  	s22 =	simm.s32 $0x12400;
	s10 =	simm.s32 $0x5400;
	[dreg:$0x16] =	wrdreg s6  }
0x1e: {  	s13 =	simm.s32 $0x6C00;
	s15 =	simm.s32 $0x7C00;
	[dreg:$0x1a] =	wrdreg s10  }
0x1f: {  	s17 =	simm.s32 $0x8C00;
	s19 =	simm.s32 $0x9C00;
	[dreg:$0x1d] =	wrdreg s13  }
0x20: {  	s7 =	simm.s32 $0x4400;
	s9 =	simm.s32 $0x8400;
	[dreg:$0x1f] =	wrdreg s15  }
0x21: {  	s11 =	simm.s32 $0xC400;
	s26 =	simm.s32 $0xDC00;
	[smem:$0x7F4] =	sst s17  }
0x22: {  	s23 =	simm.s32 $0x180;
	s25 =	simm.s32 $0xC00;
	[smem:$0x7F6] =	sst s19  }
0x23: {  	s8 =	simm.s32 $0x3C00;
	s12 =	simm.s32 $0x6400;
	[smem:$0x7FD] =	sst s26  }
0x24: {  	s14 =	simm.s32 $0x7400;
	s16 =	sshrl.u32 s1, $0x1;
	[dreg:$0x10] =	wrdreg s23  }
0x25: {  	s18 =	simm.s32 $0x9400;
	s5 =	simm.s32 $0xB;
	[dreg:$0x12] =	wrdreg s25  }
0x26: {  	s20 =	simm.s32 $0xA400;
	s6 =	simm.s32 $0x400;
	[dreg:$0x18] =	wrdreg s8  }
0x27: {  	s24 =	simm.s32 $0xCC00;
	s10 =	simm.s32 $0x2;
	[dreg:$0x1c] =	wrdreg s12  }
0x28: {  	s13 =	simm.s32 $0xEC00;
	s15 =	simm.s32 $0xFC00;
	[dreg:$0x1e] =	wrdreg s14  }
0x29: {  	s17 =	simm.s32 $0x6;
	s19 =	simm.s32 $0x10C00;
	[smem:$0x7F5] =	sst s18  }
0x2a: {  	s26 =	simm.s32 $0x4;
	s1 =	ssub.s32 s1, s16;
	[smem:$0x7F7] =	sst s20  }
0x2b: {  	s8 =	simm.s32 $0x1;
	s23 =	simm.s32 $0xBC00;
	[smem:$0x7FB] =	sst s24  }
0x2c: {  	s25 =	simm.s32 $0xD400;
	s14 =	simm.s32 $0xF400;
	s16 =	simm.s32 $0x3  }
0x2d: {  	v2 =	vlaneseq.u32;
	s18 =	simm.s32 $0x10400;
	s20 =	simm.s32 $0x11400;
	[smem:$0x7FA] =	sst s23  }
0x2e: {  	vm0 =	vmmov $0xffff;
	v1 =	vshrl.u32 v2, $0x3;
	s24 =	simm.s32 $0x13400;
	s4 =	smax.u32 s1, $0x1;
	[smem:$0x7FC] =	sst s25  }
0x2f: {  	v0 =	vand.u32 $0x7, v2;
	v2 =	vor.u32 $0x8, v2;
	v1 =	vmul.u32 $0x8, v1;
	s23 =	simm.s32 $0x12C00;
	s25 =	simm.s32 $0x13C00;
	s1 =	simm.s32 $0xA  }
.LBB2_1:
0x30: {  	s0 =	rddreg [dreg:$0x4]  }
0x31: {  	[tilespmem:s3], [sflag:$0xB] =	stream.linear.gather [hbm4b:s0+s3], $0x40, $0x38;
	[tilespmem:$0x14400] =	vst v63  }
0x32: {  	_ =	swait.ge [sflag:s5], $0x40  }
0x33: {  	s0 =	rddreg [dreg:$0x5];
	[sflag:s5] =	ssyncset.done $0x0  }
0x34: {  	s12 =	rddreg [dreg:$0xe];
	[sflag:s5] =	ssyncadd.s32 $0xFFFFFFC0  }
0x35: {  	[tilespmem:s12], [sflag:$0xB] =	stream.linear.gather [hbm4b:s0+s3], $0x40, $0x38;
	[tilespmem:$0x14400] =	vst v63  }
0x36: {  	_ =	swait.ge [sflag:s5], $0x40  }
0x37: {  	s0 =	rddreg [dreg:$0x6];
	[sflag:s5] =	ssyncset.done $0x0  }
0x38: {  	s12 =	rddreg [dreg:$0xf];
	[sflag:s5] =	ssyncadd.s32 $0xFFFFFFC0  }
0x39: {  	[tilespmem:s12], [sflag:$0xB] =	stream.linear.gather [hbm4b:s0+s3], $0x40, $0x38;
	[tilespmem:$0x14400] =	vst v63  }
0x3a: {  	_ =	swait.ge [sflag:s5], $0x40  }
0x3b: {  	s0 =	rddreg [dreg:$0x7];
	[sflag:s5] =	ssyncset.done $0x0  }
0x3c: {  	s12 =	rddreg [dreg:$0x10];
	[sflag:s5] =	ssyncadd.s32 $0xFFFFFFC0  }
0x3d: {  	[tilespmem:s12], [sflag:$0xB] =	stream.linear.gather [hbm4b:s0+s3], $0x40, $0x38;
	[tilespmem:$0x14400] =	vst v63  }
0x3e: {  	_ =	swait.ge [sflag:s5], $0x40  }
0x3f: {  	s0 =	rddreg [dreg:$0x8];
	[sflag:s5] =	ssyncset.done $0x0  }
0x40: {  	s12 =	rddreg [dreg:$0x11];
	[sflag:s5] =	ssyncadd.s32 $0xFFFFFFC0  }
0x41: {  	[tilespmem:s12], [sflag:$0xB] =	stream.linear.gather [hbm4b:s0+s3], $0x40, $0x38;
	[tilespmem:$0x14400] =	vst v63  }
0x42: {  	_ =	swait.ge [sflag:s5], $0x40  }
0x43: {  	[sflag:s5] =	ssyncset.done $0x0  }
0x44: {  	[sflag:s5] =	ssyncadd.s32 $0xFFFFFFC0  }
0x45: {  	v3 =	vld [tilespmem:$0x0];
	_ =	sdelay $0x4  }
0x46: {  	v4 =	vshll.u32 v3, $0x1  }
0x47: {  	v3 =	vand.u32 $0x7, v3;
	v4 =	vand.u32 $0xFFFFFFF0, v4  }
0x48: {  	v3 =	vor.u32 v3, v4  }
0x49: {  	v4 =	vperm.xlane v3, v0;
	_ =	sdelay $0x1  }
0x4a: {  	v3 =	vperm.xlane v3, v2;
	v4 =	vadd.s32 v1, v4;
	_ =	sdelay $0x1  }
0x4b: {  	v3 =	vadd.s32 v1, v3;
	_ =	sdelay $0x2  }
0x4c: {  	[tilespmem:s6], [sflag:$0x1] =	stream.indirect_vreg.gather [hbm4b:s2+s3], $0x80, v4, vm0, $0xb8;
	[tilespmem:$0x14400] =	vst v63  }
0x4d: {  	s12 =	rddreg [dreg:$0x12]  }
0x4e: {  	[tilespmem:s12], [sflag:$0x1] =	stream.indirect_vreg.gather [hbm4b:s2+s3], $0x80, v3, vm0, $0xb8;
	[tilespmem:$0x14400] =	vst v63  }
0x4f: {  	v3 =	vld [tilespmem:$0x10];
	_ =	sdelay $0x4  }
0x50: {  	v45 =	vshll.u32 v3, $0x1  }
0x51: {  	v3 =	vand.u32 $0x7, v3;
	v4 =	vand.u32 $0xFFFFFFF0, v45  }
0x52: {  	v3 =	vor.u32 v3, v4  }
0x53: {  	v4 =	vperm.xlane v3, v0;
	_ =	sdelay $0x1  }
0x54: {  	v3 =	vperm.xlane v3, v2;
	v4 =	vadd.s32 v1, v4;
	_ =	sdelay $0x1  }
0x55: {  	v3 =	vadd.s32 v1, v3;
	_ =	sdelay $0x1  }
0x56: {  	s0 =	rddreg [dreg:$0x13]  }
0x57: {  	[tilespmem:s0], [sflag:$0x1] =	stream.indirect_vreg.gather [hbm4b:s2+s3], $0x80, v4, vm0, $0xb8;
	[tilespmem:$0x14400] =	vst v63  }
0x58: {  	s12 =	rddreg [dreg:$0x14]  }
0x59: {  	[tilespmem:s12], [sflag:$0x1] =	stream.indirect_vreg.gather [hbm4b:s2+s3], $0x80, v3, vm0, $0xb8;
	[tilespmem:$0x14400] =	vst v63  }
0x5a: {  	v3 =	vld [tilespmem:$0x20];
	_ =	sdelay $0x4  }
0x5b: {  	v46 =	vshll.u32 v3, $0x1  }
0x5c: {  	v3 =	vand.u32 $0x7, v3;
	v4 =	vand.u32 $0xFFFFFFF0, v46  }
0x5d: {  	v3 =	vor.u32 v3, v4  }
0x5e: {  	v4 =	vperm.xlane v3, v0;
	_ =	sdelay $0x1  }
0x5f: {  	v3 =	vperm.xlane v3, v2;
	v4 =	vadd.s32 v1, v4;
	_ =	sdelay $0x1  }
0x60: {  	v3 =	vadd.s32 v1, v3;
	_ =	sdelay $0x1  }
0x61: {  	s0 =	rddreg [dreg:$0x15]  }
0x62: {  	[tilespmem:s0], [sflag:$0x1] =	stream.indirect_vreg.gather [hbm4b:s2+s3], $0x80, v4, vm0, $0xb8;
	[tilespmem:$0x14400] =	vst v63  }
0x63: {  	s12 =	rddreg [dreg:$0x16]  }
0x64: {  	[tilespmem:s12], [sflag:$0x1] =	stream.indirect_vreg.gather [hbm4b:s2+s3], $0x80, v3, vm0, $0xb8;
	[tilespmem:$0x14400] =	vst v63  }
0x65: {  	v3 =	vld [tilespmem:$0x30];
	_ =	sdelay $0x4  }
0x66: {  	v47 =	vshll.u32 v3, $0x1  }
0x67: {  	v3 =	vand.u32 $0x7, v3;
	v4 =	vand.u32 $0xFFFFFFF0, v47  }
0x68: {  	v3 =	vor.u32 v3, v4  }
0x69: {  	v4 =	vperm.xlane v3, v0;
	_ =	sdelay $0x1  }
0x6a: {  	v3 =	vperm.xlane v3, v2;
	v4 =	vadd.s32 v1, v4;
	_ =	sdelay $0x1  }
0x6b: {  	v3 =	vadd.s32 v1, v3;
	_ =	sdelay $0x1  }
0x6c: {  	s0 =	rddreg [dreg:$0x17]  }
0x6d: {  	[tilespmem:s0], [sflag:$0x1] =	stream.indirect_vreg.gather [hbm4b:s2+s3], $0x80, v4, vm0, $0xb8;
	[tilespmem:$0x14400] =	vst v63  }
0x6e: {  	s12 =	rddreg [dreg:$0x18]  }
0x6f: {  	[tilespmem:s12], [sflag:$0x1] =	stream.indirect_vreg.gather [hbm4b:s2+s3], $0x80, v3, vm0, $0xb8;
	[tilespmem:$0x14400] =	vst v63  }
0x70: {  	v3 =	vld [tilespmem:$0x80];
	_ =	sdelay $0x4  }
0x71: {  	v48 =	vshll.u32 v3, $0x1  }
0x72: {  	v3 =	vand.u32 $0x7, v3;
	v4 =	vand.u32 $0xFFFFFFF0, v48  }
0x73: {  	v3 =	vor.u32 v3, v4  }
0x74: {  	v4 =	vperm.xlane v3, v0;
	_ =	sdelay $0x1  }
0x75: {  	v3 =	vperm.xlane v3, v2;
	v4 =	vadd.s32 v1, v4;
	_ =	sdelay $0x1  }
0x76: {  	v3 =	vadd.s32 v1, v3;
	_ =	sdelay $0x2  }
0x77: {  	[tilespmem:s7], [sflag:$0x2] =	stream.indirect_vreg.gather [hbm4b:s2+s3], $0x80, v4, vm0, $0xb8;
	[tilespmem:$0x14400] =	vst v63  }
0x78: {  	s12 =	rddreg [dreg:$0x19]  }
0x79: {  	[tilespmem:s12], [sflag:$0x2] =	stream.indirect_vreg.gather [hbm4b:s2+s3], $0x80, v3, vm0, $0xb8;
	[tilespmem:$0x14400] =	vst v63  }
0x7a: {  	v3 =	vld [tilespmem:$0x90];
	_ =	sdelay $0x4  }
0x7b: {  	v49 =	vshll.u32 v3, $0x1  }
0x7c: {  	v3 =	vand.u32 $0x7, v3;
	v4 =	vand.u32 $0xFFFFFFF0, v49  }
0x7d: {  	v3 =	vor.u32 v3, v4  }
0x7e: {  	v4 =	vperm.xlane v3, v0;
	_ =	sdelay $0x1  }
0x7f: {  	v3 =	vperm.xlane v3, v2;
	v4 =	vadd.s32 v1, v4;
	_ =	sdelay $0x1  }
0x80: {  	v3 =	vadd.s32 v1, v3;
	_ =	sdelay $0x1  }
0x81: {  	s0 =	rddreg [dreg:$0x1a]  }
0x82: {  	[tilespmem:s0], [sflag:$0x2] =	stream.indirect_vreg.gather [hbm4b:s2+s3], $0x80, v4, vm0, $0xb8;
	[tilespmem:$0x14400] =	vst v63  }
0x83: {  	s12 =	rddreg [dreg:$0x1b]  }
0x84: {  	[tilespmem:s12], [sflag:$0x2] =	stream.indirect_vreg.gather [hbm4b:s2+s3], $0x80, v3, vm0, $0xb8;
	[tilespmem:$0x14400] =	vst v63  }
0x85: {  	v3 =	vld [tilespmem:$0xA0];
	_ =	sdelay $0x4  }
0x86: {  	v50 =	vshll.u32 v3, $0x1  }
0x87: {  	v3 =	vand.u32 $0x7, v3;
	v4 =	vand.u32 $0xFFFFFFF0, v50  }
0x88: {  	v3 =	vor.u32 v3, v4  }
0x89: {  	v4 =	vperm.xlane v3, v0;
	_ =	sdelay $0x1  }
0x8a: {  	v3 =	vperm.xlane v3, v2;
	v4 =	vadd.s32 v1, v4;
	_ =	sdelay $0x1  }
0x8b: {  	v3 =	vadd.s32 v1, v3;
	_ =	sdelay $0x1  }
0x8c: {  	s0 =	rddreg [dreg:$0x1c]  }
0x8d: {  	[tilespmem:s0], [sflag:$0x2] =	stream.indirect_vreg.gather [hbm4b:s2+s3], $0x80, v4, vm0, $0xb8;
	[tilespmem:$0x14400] =	vst v63  }
0x8e: {  	s12 =	rddreg [dreg:$0x1d]  }
0x8f: {  	[tilespmem:s12], [sflag:$0x2] =	stream.indirect_vreg.gather [hbm4b:s2+s3], $0x80, v3, vm0, $0xb8;
	[tilespmem:$0x14400] =	vst v63  }
0x90: {  	v3 =	vld [tilespmem:$0xB0];
	_ =	sdelay $0x4  }
0x91: {  	v51 =	vshll.u32 v3, $0x1  }
0x92: {  	v3 =	vand.u32 $0x7, v3;
	v4 =	vand.u32 $0xFFFFFFF0, v51  }
0x93: {  	v3 =	vor.u32 v3, v4  }
0x94: {  	v4 =	vperm.xlane v3, v0;
	_ =	sdelay $0x1  }
0x95: {  	v3 =	vperm.xlane v3, v2;
	v4 =	vadd.s32 v1, v4;
	_ =	sdelay $0x1  }
0x96: {  	v3 =	vadd.s32 v1, v3;
	_ =	sdelay $0x1  }
0x97: {  	s0 =	rddreg [dreg:$0x1e]  }
0x98: {  	[tilespmem:s0], [sflag:$0x2] =	stream.indirect_vreg.gather [hbm4b:s2+s3], $0x80, v4, vm0, $0xb8;
	[tilespmem:$0x14400] =	vst v63  }
0x99: {  	s12 =	rddreg [dreg:$0x1f]  }
0x9a: {  	[tilespmem:s12], [sflag:$0x2] =	stream.indirect_vreg.gather [hbm4b:s2+s3], $0x80, v3, vm0, $0xb8;
	[tilespmem:$0x14400] =	vst v63  }
0x9b: {  	_ =	swait.ge [sflag:s8], $0x4000  }
0x9c: {  	[sflag:s8] =	ssyncset.done $0x0  }
0x9d: {  	s12 =	rddreg [dreg:$0x9];
	[sflag:s8] =	ssyncadd.s32 $0xFFFFC000  }
0x9e: {  	[hbm4b:s12+s3] =	stream.linear.scatter [tilespmem:s6], [sflag:$0x6], $0x4000, $0x38;
	[tilespmem:$0x14400] =	vst v63  }
0x9f: {  	v3 =	vld [tilespmem:$0x100];
	_ =	sdelay $0x4  }
0xa0: {  	v52 =	vshll.u32 v3, $0x1  }
0xa1: {  	v3 =	vand.u32 $0x7, v3;
	v4 =	vand.u32 $0xFFFFFFF0, v52  }
0xa2: {  	v3 =	vor.u32 v3, v4  }
0xa3: {  	v4 =	vperm.xlane v3, v0;
	_ =	sdelay $0x1  }
0xa4: {  	v3 =	vperm.xlane v3, v2;
	v4 =	vadd.s32 v1, v4;
	_ =	sdelay $0x1  }
0xa5: {  	v3 =	vadd.s32 v1, v3;
	_ =	sdelay $0x1  }
0xa6: {  	s12 =	sld [smem:$0x7F4]  }
0xa7: {  	[tilespmem:s9], [sflag:$0x3] =	stream.indirect_vreg.gather [hbm4b:s2+s3], $0x80, v4, vm0, $0xb8;
	[tilespmem:$0x14400] =	vst v63  }
0xa8: {  	_ = 	snop  }
0xa9: {  	[tilespmem:s12], [sflag:$0x3] =	stream.indirect_vreg.gather [hbm4b:s2+s3], $0x80, v3, vm0, $0xb8;
	[tilespmem:$0x14400] =	vst v63  }
0xaa: {  	v3 =	vld [tilespmem:$0x110];
	_ =	sdelay $0x4  }
0xab: {  	v53 =	vshll.u32 v3, $0x1  }
0xac: {  	v3 =	vand.u32 $0x7, v3;
	v4 =	vand.u32 $0xFFFFFFF0, v53  }
0xad: {  	v3 =	vor.u32 v3, v4  }
0xae: {  	v4 =	vperm.xlane v3, v0;
	_ =	sdelay $0x1  }
0xaf: {  	v3 =	vperm.xlane v3, v2;
	v4 =	vadd.s32 v1, v4;
	_ =	sdelay $0x1  }
0xb0: {  	s0 =	sld [smem:$0x7F5];
	v3 =	vadd.s32 v1, v3;
	_ =	sdelay $0x1  }
0xb1: {  	s12 =	sld [smem:$0x7F6]  }
0xb2: {  	[tilespmem:s0], [sflag:$0x3] =	stream.indirect_vreg.gather [hbm4b:s2+s3], $0x80, v4, vm0, $0xb8;
	[tilespmem:$0x14400] =	vst v63  }
0xb3: {  	_ = 	snop  }
0xb4: {  	[tilespmem:s12], [sflag:$0x3] =	stream.indirect_vreg.gather [hbm4b:s2+s3], $0x80, v3, vm0, $0xb8;
	[tilespmem:$0x14400] =	vst v63  }
0xb5: {  	v3 =	vld [tilespmem:$0x120];
	_ =	sdelay $0x4  }
0xb6: {  	v54 =	vshll.u32 v3, $0x1  }
0xb7: {  	v3 =	vand.u32 $0x7, v3;
	v4 =	vand.u32 $0xFFFFFFF0, v54  }
0xb8: {  	v3 =	vor.u32 v3, v4  }
0xb9: {  	v4 =	vperm.xlane v3, v0;
	_ =	sdelay $0x1  }
0xba: {  	v3 =	vperm.xlane v3, v2;
	v4 =	vadd.s32 v1, v4;
	_ =	sdelay $0x1  }
0xbb: {  	s0 =	sld [smem:$0x7F7];
	v3 =	vadd.s32 v1, v3;
	_ =	sdelay $0x1  }
0xbc: {  	s12 =	sld [smem:$0x7F8]  }
0xbd: {  	[tilespmem:s0], [sflag:$0x3] =	stream.indirect_vreg.gather [hbm4b:s2+s3], $0x80, v4, vm0, $0xb8;
	[tilespmem:$0x14400] =	vst v63  }
0xbe: {  	_ = 	snop  }
0xbf: {  	[tilespmem:s12], [sflag:$0x3] =	stream.indirect_vreg.gather [hbm4b:s2+s3], $0x80, v3, vm0, $0xb8;
	[tilespmem:$0x14400] =	vst v63  }
0xc0: {  	v3 =	vld [tilespmem:$0x130];
	_ =	sdelay $0x4  }
0xc1: {  	v55 =	vshll.u32 v3, $0x1  }
0xc2: {  	v3 =	vand.u32 $0x7, v3;
	v4 =	vand.u32 $0xFFFFFFF0, v55  }
0xc3: {  	v3 =	vor.u32 v3, v4  }
0xc4: {  	v4 =	vperm.xlane v3, v0;
	_ =	sdelay $0x1  }
0xc5: {  	v3 =	vperm.xlane v3, v2;
	v4 =	vadd.s32 v1, v4;
	_ =	sdelay $0x1  }
0xc6: {  	s0 =	sld [smem:$0x7F9];
	v3 =	vadd.s32 v1, v3;
	_ =	sdelay $0x1  }
0xc7: {  	s12 =	sld [smem:$0x7FA]  }
0xc8: {  	[tilespmem:s0], [sflag:$0x3] =	stream.indirect_vreg.gather [hbm4b:s2+s3], $0x80, v4, vm0, $0xb8;
	[tilespmem:$0x14400] =	vst v63  }
0xc9: {  	_ = 	snop  }
0xca: {  	[tilespmem:s12], [sflag:$0x3] =	stream.indirect_vreg.gather [hbm4b:s2+s3], $0x80, v3, vm0, $0xb8;
	[tilespmem:$0x14400] =	vst v63  }
0xcb: {  	_ =	swait.ge [sflag:s10], $0x4000  }
0xcc: {  	[sflag:s10] =	ssyncset.done $0x0  }
0xcd: {  	s12 =	rddreg [dreg:$0xa];
	[sflag:s10] =	ssyncadd.s32 $0xFFFFC000  }
0xce: {  	[hbm4b:s12+s3] =	stream.linear.scatter [tilespmem:s7], [sflag:$0x7], $0x4000, $0x38;
	[tilespmem:$0x14400] =	vst v63  }
0xcf: {  	v3 =	vld [tilespmem:$0x180];
	_ =	sdelay $0x4  }
0xd0: {  	v56 =	vshll.u32 v3, $0x1  }
0xd1: {  	v3 =	vand.u32 $0x7, v3;
	v4 =	vand.u32 $0xFFFFFFF0, v56  }
0xd2: {  	v3 =	vor.u32 v3, v4  }
0xd3: {  	v4 =	vperm.xlane v3, v0;
	_ =	sdelay $0x1  }
0xd4: {  	v3 =	vperm.xlane v3, v2;
	v4 =	vadd.s32 v1, v4;
	_ =	sdelay $0x1  }
0xd5: {  	v3 =	vadd.s32 v1, v3;
	_ =	sdelay $0x1  }
0xd6: {  	s12 =	sld [smem:$0x7FB]  }
0xd7: {  	[tilespmem:s11], [sflag:$0x4] =	stream.indirect_vreg.gather [hbm4b:s2+s3], $0x80, v4, vm0, $0xb8;
	[tilespmem:$0x14400] =	vst v63  }
0xd8: {  	_ = 	snop  }
0xd9: {  	[tilespmem:s12], [sflag:$0x4] =	stream.indirect_vreg.gather [hbm4b:s2+s3], $0x80, v3, vm0, $0xb8;
	[tilespmem:$0x14400] =	vst v63  }
0xda: {  	v3 =	vld [tilespmem:$0x190];
	_ =	sdelay $0x4  }
0xdb: {  	v57 =	vshll.u32 v3, $0x1  }
0xdc: {  	v3 =	vand.u32 $0x7, v3;
	v4 =	vand.u32 $0xFFFFFFF0, v57  }
0xdd: {  	v3 =	vor.u32 v3, v4  }
0xde: {  	v4 =	vperm.xlane v3, v0;
	_ =	sdelay $0x1  }
0xdf: {  	v3 =	vperm.xlane v3, v2;
	v4 =	vadd.s32 v1, v4;
	_ =	sdelay $0x1  }
0xe0: {  	s0 =	sld [smem:$0x7FC];
	v3 =	vadd.s32 v1, v3;
	_ =	sdelay $0x1  }
0xe1: {  	s12 =	sld [smem:$0x7FD]  }
0xe2: {  	[tilespmem:s0], [sflag:$0x4] =	stream.indirect_vreg.gather [hbm4b:s2+s3], $0x80, v4, vm0, $0xb8;
	[tilespmem:$0x14400] =	vst v63  }
0xe3: {  	_ = 	snop  }
0xe4: {  	[tilespmem:s12], [sflag:$0x4] =	stream.indirect_vreg.gather [hbm4b:s2+s3], $0x80, v3, vm0, $0xb8;
	[tilespmem:$0x14400] =	vst v63  }
0xe5: {  	v3 =	vld [tilespmem:$0x1A0];
	_ =	sdelay $0x4  }
0xe6: {  	v58 =	vshll.u32 v3, $0x1  }
0xe7: {  	v3 =	vand.u32 $0x7, v3;
	v4 =	vand.u32 $0xFFFFFFF0, v58  }
0xe8: {  	v3 =	vor.u32 v3, v4  }
0xe9: {  	v4 =	vperm.xlane v3, v0;
	_ =	sdelay $0x1  }
0xea: {  	v3 =	vperm.xlane v3, v2;
	v4 =	vadd.s32 v1, v4;
	_ =	sdelay $0x1  }
0xeb: {  	v3 =	vadd.s32 v1, v3;
	_ =	sdelay $0x1  }
0xec: {  	s12 =	simm.s32 $0xE400  }
0xed: {  	[tilespmem:s12], [sflag:$0x4] =	stream.indirect_vreg.gather [hbm4b:s2+s3], $0x80, v4, vm0, $0xb8;
	[tilespmem:$0x14400] =	vst v63  }
0xee: {  	_ = 	snop  }
0xef: {  	[tilespmem:s13], [sflag:$0x4] =	stream.indirect_vreg.gather [hbm4b:s2+s3], $0x80, v3, vm0, $0xb8;
	[tilespmem:$0x14400] =	vst v63  }
0xf0: {  	v3 =	vld [tilespmem:$0x1B0];
	_ =	sdelay $0x4  }
0xf1: {  	v59 =	vshll.u32 v3, $0x1  }
0xf2: {  	v3 =	vand.u32 $0x7, v3;
	v4 =	vand.u32 $0xFFFFFFF0, v59  }
0xf3: {  	v3 =	vor.u32 v3, v4  }
0xf4: {  	v4 =	vperm.xlane v3, v0;
	_ =	sdelay $0x1  }
0xf5: {  	v3 =	vperm.xlane v3, v2;
	v4 =	vadd.s32 v1, v4;
	_ =	sdelay $0x1  }
0xf6: {  	v3 =	vadd.s32 v1, v3;
	_ =	sdelay $0x2  }
0xf7: {  	[tilespmem:s14], [sflag:$0x4] =	stream.indirect_vreg.gather [hbm4b:s2+s3], $0x80, v4, vm0, $0xb8;
	[tilespmem:$0x14400] =	vst v63  }
0xf8: {  	_ = 	snop  }
0xf9: {  	[tilespmem:s15], [sflag:$0x4] =	stream.indirect_vreg.gather [hbm4b:s2+s3], $0x80, v3, vm0, $0xb8;
	[tilespmem:$0x14400] =	vst v63  }
0xfa: {  	_ =	swait.ge [sflag:s16], $0x4000  }
0xfb: {  	[sflag:s16] =	ssyncset.done $0x0  }
0xfc: {  	[sflag:s16] =	ssyncadd.s32 $0xFFFFC000  }
0xfd: {  	_ =	swait.ge [sflag:s17], $0x4000  }
0xfe: {  	[sflag:s17] =	ssyncset.done $0x0  }
0xff: {  	s12 =	rddreg [dreg:$0xb];
	[sflag:s17] =	ssyncadd.s32 $0xFFFFC000  }
0x100: {  	[hbm4b:s12+s3] =	stream.linear.scatter [tilespmem:s9], [sflag:$0x8], $0x4000, $0x38;
	[tilespmem:$0x14400] =	vst v63  }
0x101: {  	v3 =	vld [tilespmem:$0x200];
	_ =	sdelay $0x4  }
0x102: {  	v60 =	vshll.u32 v3, $0x1  }
0x103: {  	v3 =	vand.u32 $0x7, v3;
	v4 =	vand.u32 $0xFFFFFFF0, v60  }
0x104: {  	v3 =	vor.u32 v3, v4  }
0x105: {  	v4 =	vperm.xlane v3, v0;
	_ =	sdelay $0x1  }
0x106: {  	v3 =	vperm.xlane v3, v2;
	v4 =	vadd.s32 v1, v4;
	_ =	sdelay $0x1  }
0x107: {  	v3 =	vadd.s32 v1, v3;
	_ =	sdelay $0x2  }
0x108: {  	[tilespmem:s18], [sflag:$0x5] =	stream.indirect_vreg.gather [hbm4b:s2+s3], $0x80, v4, vm0, $0xb8;
	[tilespmem:$0x14400] =	vst v63  }
0x109: {  	_ = 	snop  }
0x10a: {  	[tilespmem:s19], [sflag:$0x5] =	stream.indirect_vreg.gather [hbm4b:s2+s3], $0x80, v3, vm0, $0xb8;
	[tilespmem:$0x14400] =	vst v63  }
0x10b: {  	v3 =	vld [tilespmem:$0x210];
	_ =	sdelay $0x4  }
0x10c: {  	v61 =	vshll.u32 v3, $0x1  }
0x10d: {  	v3 =	vand.u32 $0x7, v3;
	v4 =	vand.u32 $0xFFFFFFF0, v61  }
0x10e: {  	v3 =	vor.u32 v3, v4  }
0x10f: {  	v4 =	vperm.xlane v3, v0;
	_ =	sdelay $0x1  }
0x110: {  	v3 =	vperm.xlane v3, v2;
	v4 =	vadd.s32 v1, v4;
	_ =	sdelay $0x1  }
0x111: {  	v3 =	vadd.s32 v1, v3;
	_ =	sdelay $0x2  }
0x112: {  	[tilespmem:s20], [sflag:$0x5] =	stream.indirect_vreg.gather [hbm4b:s2+s3], $0x80, v4, vm0, $0xb8;
	[tilespmem:$0x14400] =	vst v63  }
0x113: {  	_ = 	snop  }
0x114: {  	[tilespmem:s21], [sflag:$0x5] =	stream.indirect_vreg.gather [hbm4b:s2+s3], $0x80, v3, vm0, $0xb8;
	[tilespmem:$0x14400] =	vst v63  }
0x115: {  	v3 =	vld [tilespmem:$0x220];
	_ =	sdelay $0x4  }
0x116: {  	v62 =	vshll.u32 v3, $0x1  }
0x117: {  	v3 =	vand.u32 $0x7, v3;
	v4 =	vand.u32 $0xFFFFFFF0, v62  }
0x118: {  	v3 =	vor.u32 v3, v4  }
0x119: {  	v4 =	vperm.xlane v3, v0;
	_ =	sdelay $0x1  }
0x11a: {  	v3 =	vperm.xlane v3, v2;
	v4 =	vadd.s32 v1, v4;
	_ =	sdelay $0x1  }
0x11b: {  	v3 =	vadd.s32 v1, v3;
	_ =	sdelay $0x2  }
0x11c: {  	[tilespmem:s22], [sflag:$0x5] =	stream.indirect_vreg.gather [hbm4b:s2+s3], $0x80, v4, vm0, $0xb8;
	[tilespmem:$0x14400] =	vst v63  }
0x11d: {  	_ = 	snop  }
0x11e: {  	[tilespmem:s23], [sflag:$0x5] =	stream.indirect_vreg.gather [hbm4b:s2+s3], $0x80, v3, vm0, $0xb8;
	[tilespmem:$0x14400] =	vst v63  }
0x11f: {  	v3 =	vld [tilespmem:$0x230];
	_ =	sdelay $0x4  }
0x120: {  	v63 =	vshll.u32 v3, $0x1  }
0x121: {  	v3 =	vand.u32 $0x7, v3;
	v4 =	vand.u32 $0xFFFFFFF0, v63  }
0x122: {  	v3 =	vor.u32 v3, v4  }
0x123: {  	v4 =	vperm.xlane v3, v0;
	_ =	sdelay $0x1  }
0x124: {  	v3 =	vperm.xlane v3, v2;
	v4 =	vadd.s32 v1, v4;
	_ =	sdelay $0x1  }
0x125: {  	v3 =	vadd.s32 v1, v3;
	_ =	sdelay $0x2  }
0x126: {  	[tilespmem:s24], [sflag:$0x5] =	stream.indirect_vreg.gather [hbm4b:s2+s3], $0x80, v4, vm0, $0xb8;
	[tilespmem:$0x14400] =	vst v63  }
0x127: {  	_ = 	snop  }
0x128: {  	[tilespmem:s25], [sflag:$0x5] =	stream.indirect_vreg.gather [hbm4b:s2+s3], $0x80, v3, vm0, $0xb8;
	[tilespmem:$0x14400] =	vst v63  }
0x129: {  	_ =	swait.ge [sflag:s26], $0x4000  }
0x12a: {  	[sflag:s26] =	ssyncset.done $0x0  }
0x12b: {  	[sflag:s26] =	ssyncadd.s32 $0xFFFFC000  }
0x12c: {  	_ =	swait.ge [sflag:s28], $0x4000  }
0x12d: {  	[sflag:s28] =	ssyncset.done $0x0  }
0x12e: {  	s12 =	rddreg [dreg:$0xc];
	[sflag:s28] =	ssyncadd.s32 $0xFFFFC000  }
0x12f: {  	[hbm4b:s12+s3] =	stream.linear.scatter [tilespmem:s11], [sflag:$0x9], $0x4000, $0x38;
	[tilespmem:$0x14400] =	vst v63  }
0x130: {  	_ =	swait.ge [sflag:s29], $0x4000  }
0x131: {  	[sflag:s29] =	ssyncset.done $0x0  }
0x132: {  	[sflag:s29] =	ssyncadd.s32 $0xFFFFC000  }
0x133: {  	_ =	swait.ge [sflag:s30], $0x4000  }
0x134: {  	[sflag:s30] =	ssyncset.done $0x0  }
0x135: {  	s12 =	rddreg [dreg:$0xd];
	[sflag:s30] =	ssyncadd.s32 $0xFFFFC000  }
0x136: {  	[hbm4b:s12+s3] =	stream.linear.scatter [tilespmem:s18], [sflag:$0xA], $0x4000, $0x38;
	[tilespmem:$0x14400] =	vst v63  }
0x137: {  	p0 =	sne.s32 s4, $0x1;
	_ =	swait.ge [sflag:s31], $0x4000  }
.Ltmp0:
0x138: {  	[sflag:s31] =	ssyncset.done $0x0;
	(pc) =	sbr.rel @p0 .LBB2_1-.Ltmp0, $4  }
0x139: {  	[sflag:s31] =	ssyncadd.s32 $0xFFFFC000  }
0x13a: {  	_ =	swait.ge [sflag:s1], $0x4000  }
0x13b: {  	[sflag:s1] =	ssyncset.done $0x0  }
0x13c: {  	s4 =	sadd.s32 $0xFFFFFFFF, s4;
	[sflag:s1] =	ssyncadd.s32 $0xFFFFC000  }
0x13d: {  	_ =	sfence.sel $0x180000  }
0x13e: {  	[bflag:$0x0] =	sbarrier.arrive $0xFFFF  }
0x13f: {  	_ =	strace $0x90000047  }
0x140: {  	s0 =	stileid.u32;
	[bflag:$0x2] =	sbarrier.arrive $0xFFFF  }
0x141: {  	p0 =	sne.s32 s0, $0x0;
	s0 =	rddreg [dreg:$0x3]  }
0x142: {  	s0 =	sadd.s32 @!p0 $0x100000, s0  }
0x143: {  	[sflag:s0] =	ssyncadd.tile.s32 @!p0 $0x1;
	_ =	shalt  }
.Lfunc_end2:
_tile_overlayer_lowered:
.L_overlay_start_2:
0x144: {  	(tag) =	ssettag $0x2  }
0x145: {  	s0 =	rddreg [dreg:$0x0];
	s2 =	stileid.u32  }
0x146: {  	s1 =	rddreg [dreg:$0x1];
	p0 =	sne.s32 s2, $0x0  }
0x147: {  	s3 =	rddreg [dreg:$0x2];
	[bflag:$0x3] =	sbarrier.arrive $0xFFFF;
	s2 =	simm.s32 @!p0 $0x1C0B  }
0x148: {  	[timem:s3], [sflag:s2] =	dma.local @!p0 [hbm:s0], s1  }
0x149: {  	s0 =	simm.s32 @!p0 $0xB  }
0x14a: {  	_ =	swait.ge @!p0 [sflag:s0], s1  }
0x14b: {  	s1 =	ssub.s32 @!p0 $0x0, s1;
	[sflag:s0] =	ssyncset.done @!p0 $0x0  }
0x14c: {  	[sflag:s0] =	ssyncadd.s32 @!p0 s1  }
0x14d: {  	[bflag:$0x3] =	sbarrier.arrive $0xFFFF  }
0x14e: {  	_ =	shalt  }

</sc_bundles>
